<compile_context>
chip_gen: v7x
topology: tpu7x:2x2x1
jax: 0.10.2.dev20260603
libtpu: 0.0.44.dev20260713+nightly
codegen_flags: <defaults>
</compile_context>

<pallas_src>
import functools

import jax
import jax.numpy as jnp
from jax import lax
from jax.experimental import pallas as pl
from jax.experimental.pallas import tpu as pltpu
from jax.experimental.pallas import tpu_sc as plsc


DP = 16


def _sc_pool_classify(xf, slf, table, wrows, bp, b, l):
    n, d = table.shape
    info = plsc.get_sparse_core_info()
    nc, ns = info.num_cores, info.num_subcores
    nw = nc * ns
    rows_per_w = b // nw
    gb = 8
    chunk = gb * l
    nch = rows_per_w // gb

    mesh = plsc.VectorSubcoreMesh(core_axis_name="c", subcore_axis_name="s")

    @functools.partial(
        pl.kernel,
        mesh=mesh,
        out_type=jax.ShapeDtypeStruct((b, DP), jnp.float32),
        compiler_params=pltpu.CompilerParams(use_tc_tiling_on_sc=False),
        scratch_types=[
            pltpu.VMEM((chunk,), jnp.int32),
            pltpu.VMEM((chunk,), jnp.int32),
            pltpu.VMEM((chunk, 32), jnp.float32),
            pltpu.VMEM((chunk, 32), jnp.float32),
            pltpu.VMEM((rows_per_w,), jnp.float32),
            pltpu.VMEM((rows_per_w, DP), jnp.float32),
            pltpu.VMEM((4, DP), jnp.float32),
            pltpu.VMEM((DP,), jnp.float32),
            pltpu.SemaphoreType.DMA,
            pltpu.SemaphoreType.DMA,
        ],
    )
    def body(xf_hbm, sl_hbm, tab_hbm, w_hbm, bp_hbm, out_hbm,
             idx0, idx1, rows0, rows1, sl_v, out_v, w_v, bp_v, sem0, sem1):
        wid = lax.axis_index("s") * nc + lax.axis_index("c")
        b0 = wid * rows_per_w
        i0 = b0 * l
        pltpu.sync_copy(sl_hbm.at[pl.ds(b0, rows_per_w)], sl_v)
        pltpu.sync_copy(w_hbm, w_v)
        pltpu.sync_copy(bp_hbm, bp_v)
        w0a = w_v[0]
        w0b = w_v[1]
        w1a = w_v[2]
        w1b = w_v[3]
        bias = bp_v[...]
        lane = lax.iota(jnp.int32, 16)

        def allsum(v):
            for sh in (8, 4, 2, 1):
                v = v + v.at[jnp.bitwise_xor(lane, sh)].get(
                    mode="promise_in_bounds")
            return v

        def fire(g, idxb, rowsb, semb):
            pltpu.sync_copy(xf_hbm.at[pl.ds(i0 + g * chunk, chunk)], idxb)
            pltpu.async_copy(tab_hbm.at[idxb], rowsb, semb)

        def drain(rowsb, semb):
            pltpu.make_async_copy(tab_hbm.at[pl.ds(0, chunk)], rowsb,
                                  semb).wait()

        def accum(g, rowsb):
            sv = sl_v[pl.ds(g * gb, 16)]
            for r in range(gb):
                def lbody(j, accs, r=r):
                    base = r * l + j * 4
                    new = []
                    for k in range(4):
                        new.append(accs[k] + rowsb[base + k, pl.ds(0, 16)])
                    for k in range(4):
                        new.append(accs[4 + k] + rowsb[base + k,
                                                       pl.ds(16, 16)])
                    return tuple(new)
                z = jnp.zeros((DP,), jnp.float32)
                accs = lax.fori_loop(0, l // 4, lbody, (z,) * 8)
                acc_a = (accs[0] + accs[1]) + (accs[2] + accs[3])
                acc_b = (accs[4] + accs[5]) + (accs[6] + accs[7])
                s0 = allsum(acc_a * w0a + acc_b * w0b)
                s1 = allsum(acc_a * w1a + acc_b * w1b)
                res = jnp.where(lane == 0, s0,
                                jnp.where(lane == 1, s1, 0.0))
                out_v[g * gb + r] = res / sv[r] + bias

        fire(0, idx0, rows0, sem0)

        def pair_body(i, carry):
            g0 = i * 2
            fire(g0 + 1, idx1, rows1, sem1)
            drain(rows0, sem0)
            accum(g0, rows0)

            @pl.when(g0 + 2 < nch)
            def _():
                fire(g0 + 2, idx0, rows0, sem0)

            drain(rows1, sem1)
            accum(g0 + 1, rows1)
            return carry

        lax.fori_loop(0, nch // 2, pair_body, 0)
        pltpu.sync_copy(out_v, out_hbm.at[pl.ds(b0, rows_per_w)])

    return body(xf, slf, table, wrows, bp)


def kernel(x, sl, table, W, b):
    bsz, l = x.shape
    n_cls = W.shape[0]
    d = table.shape[1]
    wrows = W.reshape(n_cls * d // DP, DP)
    bp = jnp.zeros((DP,), jnp.float32).at[:n_cls].set(b)
    s = _sc_pool_classify(x.reshape(bsz * l), sl.astype(jnp.float32),
                          table, wrows, bp, bsz, l)
    return s[:, :n_cls]

# --- scband reference (transcript-rebuilt; emitter-appended) ---
"""Pipeline reference for scband-lr-31009663877860 (READ-ONLY COPY).

The authoritative reference and input builder live on the scoring server;
editing this copy changes nothing except your own understanding.
"""

import jax, jax.numpy as jnp
import numpy as np

B, L = 16384, 200
N_EMB, EMB_DIM, N_CLS = 1000000, 32, 2

def setup_inputs(seed: int = 0) -> dict:
    key = jax.random.key(seed)
    k1, k2, k3, k4, k5 = jax.random.split(key, 5)
    x = jax.random.randint(k1, (B, L), 0, N_EMB, dtype=jnp.int32)
    # sequence lengths in [1, L] to avoid divide-by-zero in mean pooling
    sl = jax.random.randint(k2, (B,), 1, L + 1, dtype=jnp.int32)
    table = jax.random.normal(k3, (N_EMB, EMB_DIM), dtype=jnp.float32) * 0.02
    W = jax.random.normal(k4, (N_CLS, EMB_DIM), dtype=jnp.float32) * 0.05
    b = jnp.zeros((N_CLS,), dtype=jnp.float32)
    return {"x": x, "sl": sl, "table": table, "W": W, "b": b}

def reference(x, sl, table, W, b):
    # embedding lookup (gather)
    emb = jnp.take(table, x, axis=0)            # [B, L, D]
    # mean_pool: sum over full length, divide by sl (faithful to original)
    rep = jnp.sum(emb, axis=1) / sl[:, None].astype(jnp.float32)  # [B, D]
    # linear classifier
    logits = rep @ W.T + b                       # [B, n_cls]
    return logits

if __name__ == "__main__":
    import jax
    _d = setup_inputs()
    print(jax.jit(kernel)(*tuple(_d.values())))

</pallas_src>

<mosaic_0001>
#map = affine_map<(d0, d1) -> (0)>
#map1 = affine_map<(d0, d1) -> (0, 0)>
module attributes {stable_mosaic.version = 14 : i64} {
  func.func @body(%arg0: i32, %arg1: i32, %arg2: memref<3276800xi32, #tpu.memory_space<hbm>>, %arg3: memref<16384xf32, #tpu.memory_space<hbm>>, %arg4: memref<1000000x32xf32, #tpu.memory_space<hbm>>, %arg5: memref<4x16xf32, #tpu.memory_space<hbm>>, %arg6: memref<16xf32, #tpu.memory_space<hbm>>, %arg7: memref<16384x16xf32, #tpu.memory_space<hbm>>, %arg8: memref<1600xi32, #tpu.memory_space<vmem>>, %arg9: memref<1600xi32, #tpu.memory_space<vmem>>, %arg10: memref<1600x32xf32, #tpu.memory_space<vmem>>, %arg11: memref<1600x32xf32, #tpu.memory_space<vmem>>, %arg12: memref<512xf32, #tpu.memory_space<vmem>>, %arg13: memref<512x16xf32, #tpu.memory_space<vmem>>, %arg14: memref<4x16xf32, #tpu.memory_space<vmem>>, %arg15: memref<16xf32, #tpu.memory_space<vmem>>, %arg16: memref<!tpu.dma_semaphore, #tpu.memory_space<semaphore_mem>>, %arg17: memref<!tpu.dma_semaphore, #tpu.memory_space<semaphore_mem>>) attributes {dimension_semantics = [#tpu.dimension_semantics<core_parallel>, #tpu.dimension_semantics<subcore_parallel>], iteration_bounds = array<i64: 2, 16>, scalar_prefetch = 0 : i64, scratch_operands = 10 : i64, tpu.core_type = #tpu.core_type<sc_vector_subcore>, window_params = [{transform_indices = #map}, {transform_indices = #map}, {transform_indices = #map1}, {transform_indices = #map1}, {transform_indices = #map}, {transform_indices = #map1}]} {
    %mul3A = arith.constant 2 : i32
    %mul3A_0 = arith.muli %arg1, %mul3A : i32
    %add3A = arith.addi %mul3A_0, %arg0 : i32
    %mul3A_1 = arith.constant 512 : i32
    %mul3A_2 = arith.muli %add3A, %mul3A_1 : i32
    %mul3A_3 = arith.constant 200 : i32
    %mul3A_4 = arith.muli %mul3A_2, %mul3A_3 : i32
    "tpu.region"() ({
      %run_scoped3A = tpu.sem_alloc : memref<!tpu.dma_semaphore, #tpu.memory_space<semaphore_mem>>
      %dma_start3A_36 = tpu.memref_slice %arg3[%mul3A_2] : memref<16384xf32, #tpu.memory_space<hbm>> -> memref<512xf32, #tpu.memory_space<hbm>>
      %dma_start3A_37 = tpu.memref_slice %arg3[%mul3A_2] : memref<16384xf32, #tpu.memory_space<hbm>> -> memref<512xf32, #tpu.memory_space<hbm>>
      tpu.enqueue_dma source(%dma_start3A_37 : memref<512xf32, #tpu.memory_space<hbm>>) target(%arg12 : memref<512xf32, #tpu.memory_space<vmem>>) target_semaphore(%run_scoped3A : memref<!tpu.dma_semaphore, #tpu.memory_space<semaphore_mem>>)
      %dma_wait3A = tpu.memref_slice %arg3[%mul3A_2] : memref<16384xf32, #tpu.memory_space<hbm>> -> memref<512xf32, #tpu.memory_space<hbm>>
      %dma_wait3A_38 = tpu.memref_slice %arg3[%mul3A_2] : memref<16384xf32, #tpu.memory_space<hbm>> -> memref<512xf32, #tpu.memory_space<hbm>>
      tpu.wait_dma2 semaphore(%run_scoped3A : memref<!tpu.dma_semaphore, #tpu.memory_space<semaphore_mem>>) src(%dma_wait3A_38 : memref<512xf32, #tpu.memory_space<hbm>>) dst(%arg12 : memref<512xf32, #tpu.memory_space<vmem>>)
      tpu.yield
    }) : () -> ()
    "tpu.region"() ({
      %run_scoped3A = tpu.sem_alloc : memref<!tpu.dma_semaphore, #tpu.memory_space<semaphore_mem>>
      tpu.enqueue_dma source(%arg5 : memref<4x16xf32, #tpu.memory_space<hbm>>) target(%arg14 : memref<4x16xf32, #tpu.memory_space<vmem>>) target_semaphore(%run_scoped3A : memref<!tpu.dma_semaphore, #tpu.memory_space<semaphore_mem>>)
      tpu.wait_dma2 semaphore(%run_scoped3A : memref<!tpu.dma_semaphore, #tpu.memory_space<semaphore_mem>>) src(%arg5 : memref<4x16xf32, #tpu.memory_space<hbm>>) dst(%arg14 : memref<4x16xf32, #tpu.memory_space<vmem>>)
      tpu.yield
    }) : () -> ()
    "tpu.region"() ({
      %run_scoped3A = tpu.sem_alloc : memref<!tpu.dma_semaphore, #tpu.memory_space<semaphore_mem>>
      tpu.enqueue_dma source(%arg6 : memref<16xf32, #tpu.memory_space<hbm>>) target(%arg15 : memref<16xf32, #tpu.memory_space<vmem>>) target_semaphore(%run_scoped3A : memref<!tpu.dma_semaphore, #tpu.memory_space<semaphore_mem>>)
      tpu.wait_dma2 semaphore(%run_scoped3A : memref<!tpu.dma_semaphore, #tpu.memory_space<semaphore_mem>>) src(%arg6 : memref<16xf32, #tpu.memory_space<hbm>>) dst(%arg15 : memref<16xf32, #tpu.memory_space<vmem>>)
      tpu.yield
    }) : () -> ()
    %get3A = arith.constant 0 : i32
    %get3A_5 = arith.index_cast %get3A : i32 to index
    %get3A_6 = arith.constant 0 : index
    %get3A_7 = tpu.vector_load %arg14[%get3A_5, %get3A_6] {strides = array<i32>} : memref<4x16xf32, #tpu.memory_space<vmem>>, vector<1x16xf32>,
    %get3A_8 = vector.shape_cast %get3A_7 : vector<1x16xf32> to vector<16xf32>
    %get3A_9 = arith.constant 1 : i32
    %get3A_10 = arith.index_cast %get3A_9 : i32 to index
    %get3A_11 = arith.constant 0 : index
    %get3A_12 = tpu.vector_load %arg14[%get3A_10, %get3A_11] {strides = array<i32>} : memref<4x16xf32, #tpu.memory_space<vmem>>, vector<1x16xf32>,
    %get3A_13 = vector.shape_cast %get3A_12 : vector<1x16xf32> to vector<16xf32>
    %get3A_14 = arith.constant 2 : i32
    %get3A_15 = arith.index_cast %get3A_14 : i32 to index
    %get3A_16 = arith.constant 0 : index
    %get3A_17 = tpu.vector_load %arg14[%get3A_15, %get3A_16] {strides = array<i32>} : memref<4x16xf32, #tpu.memory_space<vmem>>, vector<1x16xf32>,
    %get3A_18 = vector.shape_cast %get3A_17 : vector<1x16xf32> to vector<16xf32>
    %get3A_19 = arith.constant 3 : i32
    %get3A_20 = arith.index_cast %get3A_19 : i32 to index
    %get3A_21 = arith.constant 0 : index
    %get3A_22 = tpu.vector_load %arg14[%get3A_20, %get3A_21] {strides = array<i32>} : memref<4x16xf32, #tpu.memory_space<vmem>>, vector<1x16xf32>,
    %get3A_23 = vector.shape_cast %get3A_22 : vector<1x16xf32> to vector<16xf32>
    %get3A_24 = arith.constant 0 : index
    %get3A_25 = tpu.vector_load %arg15[%get3A_24] {strides = array<i32>} : memref<16xf32, #tpu.memory_space<vmem>>, vector<16xf32>,
    %get3A_26 = vector.shape_cast %get3A_25 : vector<16xf32> to vector<16xf32>
    %iota3A = tpu.iota {dimensions = array<i32: 0>} : vector<16xi32>
    %add3A_27 = arith.constant 0 : i32
    %add3A_28 = arith.addi %mul3A_4, %add3A_27 : i32
    "tpu.region"() ({
      %run_scoped3A = tpu.sem_alloc : memref<!tpu.dma_semaphore, #tpu.memory_space<semaphore_mem>>
      %dma_start3A_36 = tpu.memref_slice %arg2[%add3A_28] : memref<3276800xi32, #tpu.memory_space<hbm>> -> memref<1600xi32, #tpu.memory_space<hbm>>
      %dma_start3A_37 = tpu.memref_slice %arg2[%add3A_28] : memref<3276800xi32, #tpu.memory_space<hbm>> -> memref<1600xi32, #tpu.memory_space<hbm>>
      tpu.enqueue_dma source(%dma_start3A_37 : memref<1600xi32, #tpu.memory_space<hbm>>) target(%arg8 : memref<1600xi32, #tpu.memory_space<vmem>>) target_semaphore(%run_scoped3A : memref<!tpu.dma_semaphore, #tpu.memory_space<semaphore_mem>>)
      %dma_wait3A = tpu.memref_slice %arg2[%add3A_28] : memref<3276800xi32, #tpu.memory_space<hbm>> -> memref<1600xi32, #tpu.memory_space<hbm>>
      %dma_wait3A_38 = tpu.memref_slice %arg2[%add3A_28] : memref<3276800xi32, #tpu.memory_space<hbm>> -> memref<1600xi32, #tpu.memory_space<hbm>>
      tpu.wait_dma2 semaphore(%run_scoped3A : memref<!tpu.dma_semaphore, #tpu.memory_space<semaphore_mem>>) src(%dma_wait3A_38 : memref<1600xi32, #tpu.memory_space<hbm>>) dst(%arg8 : memref<1600xi32, #tpu.memory_space<vmem>>)
      tpu.yield
    }) : () -> ()
    %dma_start3A = arith.constant 0 : i32
    %dma_start3A_29 = arith.constant 0 : i32
    %dma_start3A_30 = tpu.memref_slice %arg4[%dma_start3A, %dma_start3A_29] : memref<1000000x32xf32, #tpu.memory_space<hbm>> -> memref<1000000x32xf32, #tpu.memory_space<hbm>>
    tpu.enqueue_indirect_dma source(%dma_start3A_30 : memref<1000000x32xf32, #tpu.memory_space<hbm>>) target(%arg10 : memref<1600x32xf32, #tpu.memory_space<vmem>>) offsets(%arg8 : memref<1600xi32, #tpu.memory_space<vmem>>) semaphore(%arg16 : memref<!tpu.dma_semaphore, #tpu.memory_space<semaphore_mem>>)
    %scan3A = arith.constant 0 : i32
    %scan3A_31 = arith.constant 0 : i32
    %scan3A_32 = arith.constant 32 : i32
    %scan3A_33 = arith.addi %scan3A_31, %scan3A_32 : i32
    %scan3A_34 = arith.constant 1 : i32
    scf.for %scan3A_36 = %scan3A_31 to %scan3A_33 step %scan3A_34  : i32 {
      %mul3A_37 = arith.constant 2 : i32
      %mul3A_38 = arith.muli %scan3A_36, %mul3A_37 : i32
      %add3A_39 = arith.constant 1 : i32
      %add3A_40 = arith.addi %mul3A_38, %add3A_39 : i32
      %mul3A_41 = arith.constant 1600 : i32
      %mul3A_42 = arith.muli %add3A_40, %mul3A_41 : i32
      %add3A_43 = arith.addi %mul3A_4, %mul3A_42 : i32
      "tpu.region"() ({
        %run_scoped3A = tpu.sem_alloc : memref<!tpu.dma_semaphore, #tpu.memory_space<semaphore_mem>>
        %dma_start3A_2560 = tpu.memref_slice %arg2[%add3A_43] : memref<3276800xi32, #tpu.memory_space<hbm>> -> memref<1600xi32, #tpu.memory_space<hbm>>
        %dma_start3A_2561 = tpu.memref_slice %arg2[%add3A_43] : memref<3276800xi32, #tpu.memory_space<hbm>> -> memref<1600xi32, #tpu.memory_space<hbm>>
        tpu.enqueue_dma source(%dma_start3A_2561 : memref<1600xi32, #tpu.memory_space<hbm>>) target(%arg9 : memref<1600xi32, #tpu.memory_space<vmem>>) target_semaphore(%run_scoped3A : memref<!tpu.dma_semaphore, #tpu.memory_space<semaphore_mem>>)
        %dma_wait3A_2562 = tpu.memref_slice %arg2[%add3A_43] : memref<3276800xi32, #tpu.memory_space<hbm>> -> memref<1600xi32, #tpu.memory_space<hbm>>
        %dma_wait3A_2563 = tpu.memref_slice %arg2[%add3A_43] : memref<3276800xi32, #tpu.memory_space<hbm>> -> memref<1600xi32, #tpu.memory_space<hbm>>
        tpu.wait_dma2 semaphore(%run_scoped3A : memref<!tpu.dma_semaphore, #tpu.memory_space<semaphore_mem>>) src(%dma_wait3A_2563 : memref<1600xi32, #tpu.memory_space<hbm>>) dst(%arg9 : memref<1600xi32, #tpu.memory_space<vmem>>)
        tpu.yield
      }) : () -> ()
      %dma_start3A_44 = arith.constant 0 : i32
      %dma_start3A_45 = arith.constant 0 : i32
      %dma_start3A_46 = tpu.memref_slice %arg4[%dma_start3A_44, %dma_start3A_45] : memref<1000000x32xf32, #tpu.memory_space<hbm>> -> memref<1000000x32xf32, #tpu.memory_space<hbm>>
      tpu.enqueue_indirect_dma source(%dma_start3A_46 : memref<1000000x32xf32, #tpu.memory_space<hbm>>) target(%arg11 : memref<1600x32xf32, #tpu.memory_space<vmem>>) offsets(%arg9 : memref<1600xi32, #tpu.memory_space<vmem>>) semaphore(%arg17 : memref<!tpu.dma_semaphore, #tpu.memory_space<semaphore_mem>>)
      %dma_wait3A = arith.constant 0 : i32
      %dma_wait3A_47 = arith.constant 0 : i32
      %dma_wait3A_48 = tpu.memref_slice %arg4[%dma_wait3A, %dma_wait3A_47] : memref<1000000x32xf32, #tpu.memory_space<hbm>> -> memref<1600x32xf32, #tpu.memory_space<hbm>>
      %dma_wait3A_49 = arith.constant 0 : i32
      %dma_wait3A_50 = arith.constant 0 : i32
      %dma_wait3A_51 = tpu.memref_slice %arg4[%dma_wait3A_49, %dma_wait3A_50] : memref<1000000x32xf32, #tpu.memory_space<hbm>> -> memref<1600x32xf32, #tpu.memory_space<hbm>>
      tpu.wait_dma2 semaphore(%arg16 : memref<!tpu.dma_semaphore, #tpu.memory_space<semaphore_mem>>) src(%dma_wait3A_51 : memref<1600x32xf32, #tpu.memory_space<hbm>>) dst(%arg10 : memref<1600x32xf32, #tpu.memory_space<vmem>>)
      %mul3A_52 = arith.constant 8 : i32
      %mul3A_53 = arith.muli %mul3A_38, %mul3A_52 : i32
      %get3A_54 = arith.index_cast %mul3A_53 : i32 to index
      %get3A_55 = tpu.vector_load %arg12[%get3A_54] {strides = array<i32>} : memref<512xf32, #tpu.memory_space<vmem>>, vector<16xf32>,
      %get3A_56 = vector.shape_cast %get3A_55 : vector<16xf32> to vector<16xf32>
      %broadcast_in_dim3A = arith.constant 0.000000e+00 : f32
      %broadcast_in_dim3A_57 = vector.broadcast %broadcast_in_dim3A : f32 to vector<16xf32>
      %scan3A_58 = arith.constant 0 : i32
      %scan3A_59 = arith.constant 50 : i32
      %scan3A_60 = arith.addi %scan3A_58, %scan3A_59 : i32
      %scan3A_61 = arith.constant 1 : i32
      %scan3A_62:8 = scf.for %scan3A_2560 = %scan3A_58 to %scan3A_60 step %scan3A_61 iter_args(%scan3A_2561 = %broadcast_in_dim3A_57, %scan3A_2562 = %broadcast_in_dim3A_57, %scan3A_2563 = %broadcast_in_dim3A_57, %scan3A_2564 = %broadcast_in_dim3A_57, %scan3A_2565 = %broadcast_in_dim3A_57, %scan3A_2566 = %broadcast_in_dim3A_57, %scan3A_2567 = %broadcast_in_dim3A_57, %scan3A_2568 = %broadcast_in_dim3A_57) -> (vector<16xf32>, vector<16xf32>, vector<16xf32>, vector<16xf32>, vector<16xf32>, vector<16xf32>, vector<16xf32>, vector<16xf32>)  : i32 {
        %mul3A_2569 = arith.constant 4 : i32
        %mul3A_2570 = arith.muli %scan3A_2560, %mul3A_2569 : i32
        %add3A_2571 = arith.constant 0 : i32
        %add3A_2572 = arith.addi %add3A_2571, %mul3A_2570 : i32
        %add3A_2573 = arith.constant 0 : i32
        %add3A_2574 = arith.addi %add3A_2572, %add3A_2573 : i32
        %get3A_2575 = arith.index_cast %add3A_2574 : i32 to index
        %get3A_2576 = arith.constant 0 : index
        %get3A_2577 = tpu.vector_load %arg10[%get3A_2575, %get3A_2576] {strides = array<i32>} : memref<1600x32xf32, #tpu.memory_space<vmem>>, vector<1x16xf32>,
        %get3A_2578 = vector.shape_cast %get3A_2577 : vector<1x16xf32> to vector<16xf32>
        %add3A_2579 = arith.addf %scan3A_2561, %get3A_2578 : vector<16xf32>
        %add3A_2580 = arith.constant 1 : i32
        %add3A_2581 = arith.addi %add3A_2572, %add3A_2580 : i32
        %get3A_2582 = arith.index_cast %add3A_2581 : i32 to index
        %get3A_2583 = arith.constant 0 : index
        %get3A_2584 = tpu.vector_load %arg10[%get3A_2582, %get3A_2583] {strides = array<i32>} : memref<1600x32xf32, #tpu.memory_space<vmem>>, vector<1x16xf32>,
        %get3A_2585 = vector.shape_cast %get3A_2584 : vector<1x16xf32> to vector<16xf32>
        %add3A_2586 = arith.addf %scan3A_2562, %get3A_2585 : vector<16xf32>
        %add3A_2587 = arith.constant 2 : i32
        %add3A_2588 = arith.addi %add3A_2572, %add3A_2587 : i32
        %get3A_2589 = arith.index_cast %add3A_2588 : i32 to index
        %get3A_2590 = arith.constant 0 : index
        %get3A_2591 = tpu.vector_load %arg10[%get3A_2589, %get3A_2590] {strides = array<i32>} : memref<1600x32xf32, #tpu.memory_space<vmem>>, vector<1x16xf32>,
        %get3A_2592 = vector.shape_cast %get3A_2591 : vector<1x16xf32> to vector<16xf32>
        %add3A_2593 = arith.addf %scan3A_2563, %get3A_2592 : vector<16xf32>
        %add3A_2594 = arith.constant 3 : i32
        %add3A_2595 = arith.addi %add3A_2572, %add3A_2594 : i32
        %get3A_2596 = arith.index_cast %add3A_2595 : i32 to index
        %get3A_2597 = arith.constant 0 : index
        %get3A_2598 = tpu.vector_load %arg10[%get3A_2596, %get3A_2597] {strides = array<i32>} : memref<1600x32xf32, #tpu.memory_space<vmem>>, vector<1x16xf32>,
        %get3A_2599 = vector.shape_cast %get3A_2598 : vector<1x16xf32> to vector<16xf32>
        %add3A_2600 = arith.addf %scan3A_2564, %get3A_2599 : vector<16xf32>
        %add3A_2601 = arith.constant 0 : i32
        %add3A_2602 = arith.addi %add3A_2572, %add3A_2601 : i32
        %get3A_2603 = arith.index_cast %add3A_2602 : i32 to index
        %get3A_2604 = arith.constant 16 : index
        %get3A_2605 = tpu.vector_load %arg10[%get3A_2603, %get3A_2604] {strides = array<i32>} : memref<1600x32xf32, #tpu.memory_space<vmem>>, vector<1x16xf32>,
        %get3A_2606 = vector.shape_cast %get3A_2605 : vector<1x16xf32> to vector<16xf32>
        %add3A_2607 = arith.addf %scan3A_2565, %get3A_2606 : vector<16xf32>
        %add3A_2608 = arith.constant 1 : i32
        %add3A_2609 = arith.addi %add3A_2572, %add3A_2608 : i32
        %get3A_2610 = arith.index_cast %add3A_2609 : i32 to index
        %get3A_2611 = arith.constant 16 : index
        %get3A_2612 = tpu.vector_load %arg10[%get3A_2610, %get3A_2611] {strides = array<i32>} : memref<1600x32xf32, #tpu.memory_space<vmem>>, vector<1x16xf32>,
        %get3A_2613 = vector.shape_cast %get3A_2612 : vector<1x16xf32> to vector<16xf32>
        %add3A_2614 = arith.addf %scan3A_2566, %get3A_2613 : vector<16xf32>
        %add3A_2615 = arith.constant 2 : i32
        %add3A_2616 = arith.addi %add3A_2572, %add3A_2615 : i32
        %get3A_2617 = arith.index_cast %add3A_2616 : i32 to index
        %get3A_2618 = arith.constant 16 : index
        %get3A_2619 = tpu.vector_load %arg10[%get3A_2617, %get3A_2618] {strides = array<i32>} : memref<1600x32xf32, #tpu.memory_space<vmem>>, vector<1x16xf32>,
        %get3A_2620 = vector.shape_cast %get3A_2619 : vector<1x16xf32> to vector<16xf32>
        %add3A_2621 = arith.addf %scan3A_2567, %get3A_2620 : vector<16xf32>
        %add3A_2622 = arith.constant 3 : i32
        %add3A_2623 = arith.addi %add3A_2572, %add3A_2622 : i32
        %get3A_2624 = arith.index_cast %add3A_2623 : i32 to index
        %get3A_2625 = arith.constant 16 : index
        %get3A_2626 = tpu.vector_load %arg10[%get3A_2624, %get3A_2625] {strides = array<i32>} : memref<1600x32xf32, #tpu.memory_space<vmem>>, vector<1x16xf32>,
        %get3A_2627 = vector.shape_cast %get3A_2626 : vector<1x16xf32> to vector<16xf32>
        %add3A_2628 = arith.addf %scan3A_2568, %get3A_2627 : vector<16xf32>
        scf.yield %add3A_2579, %add3A_2586, %add3A_2593, %add3A_2600, %add3A_2607, %add3A_2614, %add3A_2621, %add3A_2628 : vector<16xf32>, vector<16xf32>, vector<16xf32>, vector<16xf32>, vector<16xf32>, vector<16xf32>, vector<16xf32>, vector<16xf32>
      }
      %scan3A_63 = arith.constant 50 : i32
      %add3A_64 = arith.addf %scan3A_62#0, %scan3A_62#1 : vector<16xf32>
      %add3A_65 = arith.addf %scan3A_62#2, %scan3A_62#3 : vector<16xf32>
      %add3A_66 = arith.addf %add3A_64, %add3A_65 : vector<16xf32>
      %add3A_67 = arith.addf %scan3A_62#4, %scan3A_62#5 : vector<16xf32>
      %add3A_68 = arith.addf %scan3A_62#6, %scan3A_62#7 : vector<16xf32>
      %add3A_69 = arith.addf %add3A_67, %add3A_68 : vector<16xf32>
      %mul3A_70 = arith.mulf %add3A_66, %get3A_8 : vector<16xf32>
      %mul3A_71 = arith.mulf %add3A_69, %get3A_13 : vector<16xf32>
      %add3A_72 = arith.addf %mul3A_70, %mul3A_71 : vector<16xf32>
      %xor3A = arith.constant 8 : i32
      %xor3A_73 = vector.broadcast %xor3A : i32 to vector<16xi32>
      %xor3A_74 = arith.xori %iota3A, %xor3A_73 : vector<16xi32>
      %lt3A = arith.constant 0 : i32
      %lt3A_75 = vector.broadcast %lt3A : i32 to vector<16xi32>
      %lt3A_76 = arith.cmpi slt, %xor3A_74, %lt3A_75 : vector<16xi32>
      %add3A_77 = arith.constant 16 : i32
      %add3A_78 = vector.broadcast %add3A_77 : i32 to vector<16xi32>
      %add3A_79 = arith.addi %xor3A_74, %add3A_78 : vector<16xi32>
      %select_n3A = arith.select %lt3A_76, %add3A_79, %xor3A_74 : vector<16xi1>, vector<16xi32>
      %broadcast_in_dim3A_80 = vector.shape_cast %select_n3A : vector<16xi32> to vector<16x1xi32>
      %gather3A = vector.shape_cast %broadcast_in_dim3A_80 : vector<16x1xi32> to vector<16xi32>
      %gather3A_81 = tpu.dynamic_gather %add3A_72[%gather3A] in [0] : vector<16xf32>, vector<16xi32> -> vector<16xf32>
      %add3A_82 = arith.addf %add3A_72, %gather3A_81 : vector<16xf32>
      %xor3A_83 = arith.constant 4 : i32
      %xor3A_84 = vector.broadcast %xor3A_83 : i32 to vector<16xi32>
      %xor3A_85 = arith.xori %iota3A, %xor3A_84 : vector<16xi32>
      %lt3A_86 = arith.constant 0 : i32
      %lt3A_87 = vector.broadcast %lt3A_86 : i32 to vector<16xi32>
      %lt3A_88 = arith.cmpi slt, %xor3A_85, %lt3A_87 : vector<16xi32>
      %add3A_89 = arith.constant 16 : i32
      %add3A_90 = vector.broadcast %add3A_89 : i32 to vector<16xi32>
      %add3A_91 = arith.addi %xor3A_85, %add3A_90 : vector<16xi32>
      %select_n3A_92 = arith.select %lt3A_88, %add3A_91, %xor3A_85 : vector<16xi1>, vector<16xi32>
      %broadcast_in_dim3A_93 = vector.shape_cast %select_n3A_92 : vector<16xi32> to vector<16x1xi32>
      %gather3A_94 = vector.shape_cast %broadcast_in_dim3A_93 : vector<16x1xi32> to vector<16xi32>
      %gather3A_95 = tpu.dynamic_gather %add3A_82[%gather3A_94] in [0] : vector<16xf32>, vector<16xi32> -> vector<16xf32>
      %add3A_96 = arith.addf %add3A_82, %gather3A_95 : vector<16xf32>
      %xor3A_97 = arith.constant 2 : i32
      %xor3A_98 = vector.broadcast %xor3A_97 : i32 to vector<16xi32>
      %xor3A_99 = arith.xori %iota3A, %xor3A_98 : vector<16xi32>
      %lt3A_100 = arith.constant 0 : i32
      %lt3A_101 = vector.broadcast %lt3A_100 : i32 to vector<16xi32>
      %lt3A_102 = arith.cmpi slt, %xor3A_99, %lt3A_101 : vector<16xi32>
      %add3A_103 = arith.constant 16 : i32
      %add3A_104 = vector.broadcast %add3A_103 : i32 to vector<16xi32>
      %add3A_105 = arith.addi %xor3A_99, %add3A_104 : vector<16xi32>
      %select_n3A_106 = arith.select %lt3A_102, %add3A_105, %xor3A_99 : vector<16xi1>, vector<16xi32>
      %broadcast_in_dim3A_107 = vector.shape_cast %select_n3A_106 : vector<16xi32> to vector<16x1xi32>
      %gather3A_108 = vector.shape_cast %broadcast_in_dim3A_107 : vector<16x1xi32> to vector<16xi32>
      %gather3A_109 = tpu.dynamic_gather %add3A_96[%gather3A_108] in [0] : vector<16xf32>, vector<16xi32> -> vector<16xf32>
      %add3A_110 = arith.addf %add3A_96, %gather3A_109 : vector<16xf32>
      %xor3A_111 = arith.constant 1 : i32
      %xor3A_112 = vector.broadcast %xor3A_111 : i32 to vector<16xi32>
      %xor3A_113 = arith.xori %iota3A, %xor3A_112 : vector<16xi32>
      %lt3A_114 = arith.constant 0 : i32
      %lt3A_115 = vector.broadcast %lt3A_114 : i32 to vector<16xi32>
      %lt3A_116 = arith.cmpi slt, %xor3A_113, %lt3A_115 : vector<16xi32>
      %add3A_117 = arith.constant 16 : i32
      %add3A_118 = vector.broadcast %add3A_117 : i32 to vector<16xi32>
      %add3A_119 = arith.addi %xor3A_113, %add3A_118 : vector<16xi32>
      %select_n3A_120 = arith.select %lt3A_116, %add3A_119, %xor3A_113 : vector<16xi1>, vector<16xi32>
      %broadcast_in_dim3A_121 = vector.shape_cast %select_n3A_120 : vector<16xi32> to vector<16x1xi32>
      %gather3A_122 = vector.shape_cast %broadcast_in_dim3A_121 : vector<16x1xi32> to vector<16xi32>
      %gather3A_123 = tpu.dynamic_gather %add3A_110[%gather3A_122] in [0] : vector<16xf32>, vector<16xi32> -> vector<16xf32>
      %add3A_124 = arith.addf %add3A_110, %gather3A_123 : vector<16xf32>
      %mul3A_125 = arith.mulf %add3A_66, %get3A_18 : vector<16xf32>
      %mul3A_126 = arith.mulf %add3A_69, %get3A_23 : vector<16xf32>
      %add3A_127 = arith.addf %mul3A_125, %mul3A_126 : vector<16xf32>
      %xor3A_128 = arith.constant 8 : i32
      %xor3A_129 = vector.broadcast %xor3A_128 : i32 to vector<16xi32>
      %xor3A_130 = arith.xori %iota3A, %xor3A_129 : vector<16xi32>
      %lt3A_131 = arith.constant 0 : i32
      %lt3A_132 = vector.broadcast %lt3A_131 : i32 to vector<16xi32>
      %lt3A_133 = arith.cmpi slt, %xor3A_130, %lt3A_132 : vector<16xi32>
      %add3A_134 = arith.constant 16 : i32
      %add3A_135 = vector.broadcast %add3A_134 : i32 to vector<16xi32>
      %add3A_136 = arith.addi %xor3A_130, %add3A_135 : vector<16xi32>
      %select_n3A_137 = arith.select %lt3A_133, %add3A_136, %xor3A_130 : vector<16xi1>, vector<16xi32>
      %broadcast_in_dim3A_138 = vector.shape_cast %select_n3A_137 : vector<16xi32> to vector<16x1xi32>
      %gather3A_139 = vector.shape_cast %broadcast_in_dim3A_138 : vector<16x1xi32> to vector<16xi32>
      %gather3A_140 = tpu.dynamic_gather %add3A_127[%gather3A_139] in [0] : vector<16xf32>, vector<16xi32> -> vector<16xf32>
      %add3A_141 = arith.addf %add3A_127, %gather3A_140 : vector<16xf32>
      %xor3A_142 = arith.constant 4 : i32
      %xor3A_143 = vector.broadcast %xor3A_142 : i32 to vector<16xi32>
      %xor3A_144 = arith.xori %iota3A, %xor3A_143 : vector<16xi32>
      %lt3A_145 = arith.constant 0 : i32
      %lt3A_146 = vector.broadcast %lt3A_145 : i32 to vector<16xi32>
      %lt3A_147 = arith.cmpi slt, %xor3A_144, %lt3A_146 : vector<16xi32>
      %add3A_148 = arith.constant 16 : i32
      %add3A_149 = vector.broadcast %add3A_148 : i32 to vector<16xi32>
      %add3A_150 = arith.addi %xor3A_144, %add3A_149 : vector<16xi32>
      %select_n3A_151 = arith.select %lt3A_147, %add3A_150, %xor3A_144 : vector<16xi1>, vector<16xi32>
      %broadcast_in_dim3A_152 = vector.shape_cast %select_n3A_151 : vector<16xi32> to vector<16x1xi32>
      %gather3A_153 = vector.shape_cast %broadcast_in_dim3A_152 : vector<16x1xi32> to vector<16xi32>
      %gather3A_154 = tpu.dynamic_gather %add3A_141[%gather3A_153] in [0] : vector<16xf32>, vector<16xi32> -> vector<16xf32>
      %add3A_155 = arith.addf %add3A_141, %gather3A_154 : vector<16xf32>
      %xor3A_156 = arith.constant 2 : i32
      %xor3A_157 = vector.broadcast %xor3A_156 : i32 to vector<16xi32>
      %xor3A_158 = arith.xori %iota3A, %xor3A_157 : vector<16xi32>
      %lt3A_159 = arith.constant 0 : i32
      %lt3A_160 = vector.broadcast %lt3A_159 : i32 to vector<16xi32>
      %lt3A_161 = arith.cmpi slt, %xor3A_158, %lt3A_160 : vector<16xi32>
      %add3A_162 = arith.constant 16 : i32
      %add3A_163 = vector.broadcast %add3A_162 : i32 to vector<16xi32>
      %add3A_164 = arith.addi %xor3A_158, %add3A_163 : vector<16xi32>
      %select_n3A_165 = arith.select %lt3A_161, %add3A_164, %xor3A_158 : vector<16xi1>, vector<16xi32>
      %broadcast_in_dim3A_166 = vector.shape_cast %select_n3A_165 : vector<16xi32> to vector<16x1xi32>
      %gather3A_167 = vector.shape_cast %broadcast_in_dim3A_166 : vector<16x1xi32> to vector<16xi32>
      %gather3A_168 = tpu.dynamic_gather %add3A_155[%gather3A_167] in [0] : vector<16xf32>, vector<16xi32> -> vector<16xf32>
      %add3A_169 = arith.addf %add3A_155, %gather3A_168 : vector<16xf32>
      %xor3A_170 = arith.constant 1 : i32
      %xor3A_171 = vector.broadcast %xor3A_170 : i32 to vector<16xi32>
      %xor3A_172 = arith.xori %iota3A, %xor3A_171 : vector<16xi32>
      %lt3A_173 = arith.constant 0 : i32
      %lt3A_174 = vector.broadcast %lt3A_173 : i32 to vector<16xi32>
      %lt3A_175 = arith.cmpi slt, %xor3A_172, %lt3A_174 : vector<16xi32>
      %add3A_176 = arith.constant 16 : i32
      %add3A_177 = vector.broadcast %add3A_176 : i32 to vector<16xi32>
      %add3A_178 = arith.addi %xor3A_172, %add3A_177 : vector<16xi32>
      %select_n3A_179 = arith.select %lt3A_175, %add3A_178, %xor3A_172 : vector<16xi1>, vector<16xi32>
      %broadcast_in_dim3A_180 = vector.shape_cast %select_n3A_179 : vector<16xi32> to vector<16x1xi32>
      %gather3A_181 = vector.shape_cast %broadcast_in_dim3A_180 : vector<16x1xi32> to vector<16xi32>
      %gather3A_182 = tpu.dynamic_gather %add3A_169[%gather3A_181] in [0] : vector<16xf32>, vector<16xi32> -> vector<16xf32>
      %add3A_183 = arith.addf %add3A_169, %gather3A_182 : vector<16xf32>
      %eq3A = arith.constant 0 : i32
      %eq3A_184 = vector.broadcast %eq3A : i32 to vector<16xi32>
      %eq3A_185 = arith.cmpi eq, %iota3A, %eq3A_184 : vector<16xi32>
      %eq3A_186 = arith.constant 1 : i32
      %eq3A_187 = vector.broadcast %eq3A_186 : i32 to vector<16xi32>
      %eq3A_188 = arith.cmpi eq, %iota3A, %eq3A_187 : vector<16xi32>
      %jit3A = arith.constant 0.000000e+00 : f32
      %broadcast_in_dim3A_189 = vector.broadcast %jit3A : f32 to vector<16xf32>
      %select_n3A_190 = arith.select %eq3A_188, %add3A_183, %broadcast_in_dim3A_189 : vector<16xi1>, vector<16xf32>
      %select_n3A_191 = arith.select %eq3A_185, %add3A_124, %select_n3A_190 : vector<16xi1>, vector<16xf32>
      %slice3A = vector.extract_strided_slice %get3A_56 {offsets = [0], sizes = [1], strides = [1]} : vector<16xf32> to vector<1xf32>
      %squeeze3A = vector.extract %slice3A[0] : f32 from vector<1xf32>
      %div3A = vector.broadcast %squeeze3A : f32 to vector<16xf32>
      %div3A_192 = arith.divf %select_n3A_191, %div3A : vector<16xf32>
      %add3A_193 = arith.addf %div3A_192, %get3A_26 : vector<16xf32>
      %mul3A_194 = arith.constant 8 : i32
      %mul3A_195 = arith.muli %mul3A_38, %mul3A_194 : i32
      %add3A_196 = arith.constant 0 : i32
      %add3A_197 = arith.addi %mul3A_195, %add3A_196 : i32
      %swap3A = arith.index_cast %add3A_197 : i32 to index
      %swap3A_198 = arith.constant 0 : index
      %swap3A_199 = tpu.vector_load %arg13[%swap3A, %swap3A_198] {strides = array<i32>} : memref<512x16xf32, #tpu.memory_space<vmem>>, vector<1x16xf32>,
      %swap3A_200 = vector.shape_cast %swap3A_199 : vector<1x16xf32> to vector<16xf32>
      %swap3A_201 = vector.shape_cast %add3A_193 : vector<16xf32> to vector<1x16xf32>
      tpu.vector_store %arg13[%swap3A, %swap3A_198], %swap3A_201 {strides = array<i32>} : memref<512x16xf32, #tpu.memory_space<vmem>>, vector<1x16xf32>,
      %broadcast_in_dim3A_202 = arith.constant 0.000000e+00 : f32
      %broadcast_in_dim3A_203 = vector.broadcast %broadcast_in_dim3A_202 : f32 to vector<16xf32>
      %scan3A_204 = arith.constant 0 : i32
      %scan3A_205 = arith.constant 50 : i32
      %scan3A_206 = arith.addi %scan3A_204, %scan3A_205 : i32
      %scan3A_207 = arith.constant 1 : i32
      %scan3A_208:8 = scf.for %scan3A_2560 = %scan3A_204 to %scan3A_206 step %scan3A_207 iter_args(%scan3A_2561 = %broadcast_in_dim3A_203, %scan3A_2562 = %broadcast_in_dim3A_203, %scan3A_2563 = %broadcast_in_dim3A_203, %scan3A_2564 = %broadcast_in_dim3A_203, %scan3A_2565 = %broadcast_in_dim3A_203, %scan3A_2566 = %broadcast_in_dim3A_203, %scan3A_2567 = %broadcast_in_dim3A_203, %scan3A_2568 = %broadcast_in_dim3A_203) -> (vector<16xf32>, vector<16xf32>, vector<16xf32>, vector<16xf32>, vector<16xf32>, vector<16xf32>, vector<16xf32>, vector<16xf32>)  : i32 {
        %mul3A_2569 = arith.constant 4 : i32
        %mul3A_2570 = arith.muli %scan3A_2560, %mul3A_2569 : i32
        %add3A_2571 = arith.constant 200 : i32
        %add3A_2572 = arith.addi %add3A_2571, %mul3A_2570 : i32
        %add3A_2573 = arith.constant 0 : i32
        %add3A_2574 = arith.addi %add3A_2572, %add3A_2573 : i32
        %get3A_2575 = arith.index_cast %add3A_2574 : i32 to index
        %get3A_2576 = arith.constant 0 : index
        %get3A_2577 = tpu.vector_load %arg10[%get3A_2575, %get3A_2576] {strides = array<i32>} : memref<1600x32xf32, #tpu.memory_space<vmem>>, vector<1x16xf32>,
        %get3A_2578 = vector.shape_cast %get3A_2577 : vector<1x16xf32> to vector<16xf32>
        %add3A_2579 = arith.addf %scan3A_2561, %get3A_2578 : vector<16xf32>
        %add3A_2580 = arith.constant 1 : i32
        %add3A_2581 = arith.addi %add3A_2572, %add3A_2580 : i32
        %get3A_2582 = arith.index_cast %add3A_2581 : i32 to index
        %get3A_2583 = arith.constant 0 : index
        %get3A_2584 = tpu.vector_load %arg10[%get3A_2582, %get3A_2583] {strides = array<i32>} : memref<1600x32xf32, #tpu.memory_space<vmem>>, vector<1x16xf32>,
        %get3A_2585 = vector.shape_cast %get3A_2584 : vector<1x16xf32> to vector<16xf32>
        %add3A_2586 = arith.addf %scan3A_2562, %get3A_2585 : vector<16xf32>
        %add3A_2587 = arith.constant 2 : i32
        %add3A_2588 = arith.addi %add3A_2572, %add3A_2587 : i32
        %get3A_2589 = arith.index_cast %add3A_2588 : i32 to index
        %get3A_2590 = arith.constant 0 : index
        %get3A_2591 = tpu.vector_load %arg10[%get3A_2589, %get3A_2590] {strides = array<i32>} : memref<1600x32xf32, #tpu.memory_space<vmem>>, vector<1x16xf32>,
        %get3A_2592 = vector.shape_cast %get3A_2591 : vector<1x16xf32> to vector<16xf32>
        %add3A_2593 = arith.addf %scan3A_2563, %get3A_2592 : vector<16xf32>
        %add3A_2594 = arith.constant 3 : i32
        %add3A_2595 = arith.addi %add3A_2572, %add3A_2594 : i32
        %get3A_2596 = arith.index_cast %add3A_2595 : i32 to index
        %get3A_2597 = arith.constant 0 : index
        %get3A_2598 = tpu.vector_load %arg10[%get3A_2596, %get3A_2597] {strides = array<i32>} : memref<1600x32xf32, #tpu.memory_space<vmem>>, vector<1x16xf32>,
        %get3A_2599 = vector.shape_cast %get3A_2598 : vector<1x16xf32> to vector<16xf32>
        %add3A_2600 = arith.addf %scan3A_2564, %get3A_2599 : vector<16xf32>
        %add3A_2601 = arith.constant 0 : i32
        %add3A_2602 = arith.addi %add3A_2572, %add3A_2601 : i32
        %get3A_2603 = arith.index_cast %add3A_2602 : i32 to index
        %get3A_2604 = arith.constant 16 : index
        %get3A_2605 = tpu.vector_load %arg10[%get3A_2603, %get3A_2604] {strides = array<i32>} : memref<1600x32xf32, #tpu.memory_space<vmem>>, vector<1x16xf32>,
        %get3A_2606 = vector.shape_cast %get3A_2605 : vector<1x16xf32> to vector<16xf32>
        %add3A_2607 = arith.addf %scan3A_2565, %get3A_2606 : vector<16xf32>
        %add3A_2608 = arith.constant 1 : i32
        %add3A_2609 = arith.addi %add3A_2572, %add3A_2608 : i32
        %get3A_2610 = arith.index_cast %add3A_2609 : i32 to index
        %get3A_2611 = arith.constant 16 : index
        %get3A_2612 = tpu.vector_load %arg10[%get3A_2610, %get3A_2611] {strides = array<i32>} : memref<1600x32xf32, #tpu.memory_space<vmem>>, vector<1x16xf32>,
        %get3A_2613 = vector.shape_cast %get3A_2612 : vector<1x16xf32> to vector<16xf32>
        %add3A_2614 = arith.addf %scan3A_2566, %get3A_2613 : vector<16xf32>
        %add3A_2615 = arith.constant 2 : i32
        %add3A_2616 = arith.addi %add3A_2572, %add3A_2615 : i32
        %get3A_2617 = arith.index_cast %add3A_2616 : i32 to index
        %get3A_2618 = arith.constant 16 : index
        %get3A_2619 = tpu.vector_load %arg10[%get3A_2617, %get3A_2618] {strides = array<i32>} : memref<1600x32xf32, #tpu.memory_space<vmem>>, vector<1x16xf32>,
        %get3A_2620 = vector.shape_cast %get3A_2619 : vector<1x16xf32> to vector<16xf32>
        %add3A_2621 = arith.addf %scan3A_2567, %get3A_2620 : vector<16xf32>
        %add3A_2622 = arith.constant 3 : i32
        %add3A_2623 = arith.addi %add3A_2572, %add3A_2622 : i32
        %get3A_2624 = arith.index_cast %add3A_2623 : i32 to index
        %get3A_2625 = arith.constant 16 : index
        %get3A_2626 = tpu.vector_load %arg10[%get3A_2624, %get3A_2625] {strides = array<i32>} : memref<1600x32xf32, #tpu.memory_space<vmem>>, vector<1x16xf32>,
        %get3A_2627 = vector.shape_cast %get3A_2626 : vector<1x16xf32> to vector<16xf32>
        %add3A_2628 = arith.addf %scan3A_2568, %get3A_2627 : vector<16xf32>
        scf.yield %add3A_2579, %add3A_2586, %add3A_2593, %add3A_2600, %add3A_2607, %add3A_2614, %add3A_2621, %add3A_2628 : vector<16xf32>, vector<16xf32>, vector<16xf32>, vector<16xf32>, vector<16xf32>, vector<16xf32>, vector<16xf32>, vector<16xf32>
      }
      %scan3A_209 = arith.constant 50 : i32
      %add3A_210 = arith.addf %scan3A_208#0, %scan3A_208#1 : vector<16xf32>
      %add3A_211 = arith.addf %scan3A_208#2, %scan3A_208#3 : vector<16xf32>
      %add3A_212 = arith.addf %add3A_210, %add3A_211 : vector<16xf32>
      %add3A_213 = arith.addf %scan3A_208#4, %scan3A_208#5 : vector<16xf32>
      %add3A_214 = arith.addf %scan3A_208#6, %scan3A_208#7 : vector<16xf32>
      %add3A_215 = arith.addf %add3A_213, %add3A_214 : vector<16xf32>
      %mul3A_216 = arith.mulf %add3A_212, %get3A_8 : vector<16xf32>
      %mul3A_217 = arith.mulf %add3A_215, %get3A_13 : vector<16xf32>
      %add3A_218 = arith.addf %mul3A_216, %mul3A_217 : vector<16xf32>
      %xor3A_219 = arith.constant 8 : i32
      %xor3A_220 = vector.broadcast %xor3A_219 : i32 to vector<16xi32>
      %xor3A_221 = arith.xori %iota3A, %xor3A_220 : vector<16xi32>
      %lt3A_222 = arith.constant 0 : i32
      %lt3A_223 = vector.broadcast %lt3A_222 : i32 to vector<16xi32>
      %lt3A_224 = arith.cmpi slt, %xor3A_221, %lt3A_223 : vector<16xi32>
      %add3A_225 = arith.constant 16 : i32
      %add3A_226 = vector.broadcast %add3A_225 : i32 to vector<16xi32>
      %add3A_227 = arith.addi %xor3A_221, %add3A_226 : vector<16xi32>
      %select_n3A_228 = arith.select %lt3A_224, %add3A_227, %xor3A_221 : vector<16xi1>, vector<16xi32>
      %broadcast_in_dim3A_229 = vector.shape_cast %select_n3A_228 : vector<16xi32> to vector<16x1xi32>
      %gather3A_230 = vector.shape_cast %broadcast_in_dim3A_229 : vector<16x1xi32> to vector<16xi32>
      %gather3A_231 = tpu.dynamic_gather %add3A_218[%gather3A_230] in [0] : vector<16xf32>, vector<16xi32> -> vector<16xf32>
      %add3A_232 = arith.addf %add3A_218, %gather3A_231 : vector<16xf32>
      %xor3A_233 = arith.constant 4 : i32
      %xor3A_234 = vector.broadcast %xor3A_233 : i32 to vector<16xi32>
      %xor3A_235 = arith.xori %iota3A, %xor3A_234 : vector<16xi32>
      %lt3A_236 = arith.constant 0 : i32
      %lt3A_237 = vector.broadcast %lt3A_236 : i32 to vector<16xi32>
      %lt3A_238 = arith.cmpi slt, %xor3A_235, %lt3A_237 : vector<16xi32>
      %add3A_239 = arith.constant 16 : i32
      %add3A_240 = vector.broadcast %add3A_239 : i32 to vector<16xi32>
      %add3A_241 = arith.addi %xor3A_235, %add3A_240 : vector<16xi32>
      %select_n3A_242 = arith.select %lt3A_238, %add3A_241, %xor3A_235 : vector<16xi1>, vector<16xi32>
      %broadcast_in_dim3A_243 = vector.shape_cast %select_n3A_242 : vector<16xi32> to vector<16x1xi32>
      %gather3A_244 = vector.shape_cast %broadcast_in_dim3A_243 : vector<16x1xi32> to vector<16xi32>
      %gather3A_245 = tpu.dynamic_gather %add3A_232[%gather3A_244] in [0] : vector<16xf32>, vector<16xi32> -> vector<16xf32>
      %add3A_246 = arith.addf %add3A_232, %gather3A_245 : vector<16xf32>
      %xor3A_247 = arith.constant 2 : i32
      %xor3A_248 = vector.broadcast %xor3A_247 : i32 to vector<16xi32>
      %xor3A_249 = arith.xori %iota3A, %xor3A_248 : vector<16xi32>
      %lt3A_250 = arith.constant 0 : i32
      %lt3A_251 = vector.broadcast %lt3A_250 : i32 to vector<16xi32>
      %lt3A_252 = arith.cmpi slt, %xor3A_249, %lt3A_251 : vector<16xi32>
      %add3A_253 = arith.constant 16 : i32
      %add3A_254 = vector.broadcast %add3A_253 : i32 to vector<16xi32>
      %add3A_255 = arith.addi %xor3A_249, %add3A_254 : vector<16xi32>
      %select_n3A_256 = arith.select %lt3A_252, %add3A_255, %xor3A_249 : vector<16xi1>, vector<16xi32>
      %broadcast_in_dim3A_257 = vector.shape_cast %select_n3A_256 : vector<16xi32> to vector<16x1xi32>
      %gather3A_258 = vector.shape_cast %broadcast_in_dim3A_257 : vector<16x1xi32> to vector<16xi32>
      %gather3A_259 = tpu.dynamic_gather %add3A_246[%gather3A_258] in [0] : vector<16xf32>, vector<16xi32> -> vector<16xf32>
      %add3A_260 = arith.addf %add3A_246, %gather3A_259 : vector<16xf32>
      %xor3A_261 = arith.constant 1 : i32
      %xor3A_262 = vector.broadcast %xor3A_261 : i32 to vector<16xi32>
      %xor3A_263 = arith.xori %iota3A, %xor3A_262 : vector<16xi32>
      %lt3A_264 = arith.constant 0 : i32
      %lt3A_265 = vector.broadcast %lt3A_264 : i32 to vector<16xi32>
      %lt3A_266 = arith.cmpi slt, %xor3A_263, %lt3A_265 : vector<16xi32>
      %add3A_267 = arith.constant 16 : i32
      %add3A_268 = vector.broadcast %add3A_267 : i32 to vector<16xi32>
      %add3A_269 = arith.addi %xor3A_263, %add3A_268 : vector<16xi32>
      %select_n3A_270 = arith.select %lt3A_266, %add3A_269, %xor3A_263 : vector<16xi1>, vector<16xi32>
      %broadcast_in_dim3A_271 = vector.shape_cast %select_n3A_270 : vector<16xi32> to vector<16x1xi32>
      %gather3A_272 = vector.shape_cast %broadcast_in_dim3A_271 : vector<16x1xi32> to vector<16xi32>
      %gather3A_273 = tpu.dynamic_gather %add3A_260[%gather3A_272] in [0] : vector<16xf32>, vector<16xi32> -> vector<16xf32>
      %add3A_274 = arith.addf %add3A_260, %gather3A_273 : vector<16xf32>
      %mul3A_275 = arith.mulf %add3A_212, %get3A_18 : vector<16xf32>
      %mul3A_276 = arith.mulf %add3A_215, %get3A_23 : vector<16xf32>
      %add3A_277 = arith.addf %mul3A_275, %mul3A_276 : vector<16xf32>
      %xor3A_278 = arith.constant 8 : i32
      %xor3A_279 = vector.broadcast %xor3A_278 : i32 to vector<16xi32>
      %xor3A_280 = arith.xori %iota3A, %xor3A_279 : vector<16xi32>
      %lt3A_281 = arith.constant 0 : i32
      %lt3A_282 = vector.broadcast %lt3A_281 : i32 to vector<16xi32>
      %lt3A_283 = arith.cmpi slt, %xor3A_280, %lt3A_282 : vector<16xi32>
      %add3A_284 = arith.constant 16 : i32
      %add3A_285 = vector.broadcast %add3A_284 : i32 to vector<16xi32>
      %add3A_286 = arith.addi %xor3A_280, %add3A_285 : vector<16xi32>
      %select_n3A_287 = arith.select %lt3A_283, %add3A_286, %xor3A_280 : vector<16xi1>, vector<16xi32>
      %broadcast_in_dim3A_288 = vector.shape_cast %select_n3A_287 : vector<16xi32> to vector<16x1xi32>
      %gather3A_289 = vector.shape_cast %broadcast_in_dim3A_288 : vector<16x1xi32> to vector<16xi32>
      %gather3A_290 = tpu.dynamic_gather %add3A_277[%gather3A_289] in [0] : vector<16xf32>, vector<16xi32> -> vector<16xf32>
      %add3A_291 = arith.addf %add3A_277, %gather3A_290 : vector<16xf32>
      %xor3A_292 = arith.constant 4 : i32
      %xor3A_293 = vector.broadcast %xor3A_292 : i32 to vector<16xi32>
      %xor3A_294 = arith.xori %iota3A, %xor3A_293 : vector<16xi32>
      %lt3A_295 = arith.constant 0 : i32
      %lt3A_296 = vector.broadcast %lt3A_295 : i32 to vector<16xi32>
      %lt3A_297 = arith.cmpi slt, %xor3A_294, %lt3A_296 : vector<16xi32>
      %add3A_298 = arith.constant 16 : i32
      %add3A_299 = vector.broadcast %add3A_298 : i32 to vector<16xi32>
      %add3A_300 = arith.addi %xor3A_294, %add3A_299 : vector<16xi32>
      %select_n3A_301 = arith.select %lt3A_297, %add3A_300, %xor3A_294 : vector<16xi1>, vector<16xi32>
      %broadcast_in_dim3A_302 = vector.shape_cast %select_n3A_301 : vector<16xi32> to vector<16x1xi32>
      %gather3A_303 = vector.shape_cast %broadcast_in_dim3A_302 : vector<16x1xi32> to vector<16xi32>
      %gather3A_304 = tpu.dynamic_gather %add3A_291[%gather3A_303] in [0] : vector<16xf32>, vector<16xi32> -> vector<16xf32>
      %add3A_305 = arith.addf %add3A_291, %gather3A_304 : vector<16xf32>
      %xor3A_306 = arith.constant 2 : i32
      %xor3A_307 = vector.broadcast %xor3A_306 : i32 to vector<16xi32>
      %xor3A_308 = arith.xori %iota3A, %xor3A_307 : vector<16xi32>
      %lt3A_309 = arith.constant 0 : i32
      %lt3A_310 = vector.broadcast %lt3A_309 : i32 to vector<16xi32>
      %lt3A_311 = arith.cmpi slt, %xor3A_308, %lt3A_310 : vector<16xi32>
      %add3A_312 = arith.constant 16 : i32
      %add3A_313 = vector.broadcast %add3A_312 : i32 to vector<16xi32>
      %add3A_314 = arith.addi %xor3A_308, %add3A_313 : vector<16xi32>
      %select_n3A_315 = arith.select %lt3A_311, %add3A_314, %xor3A_308 : vector<16xi1>, vector<16xi32>
      %broadcast_in_dim3A_316 = vector.shape_cast %select_n3A_315 : vector<16xi32> to vector<16x1xi32>
      %gather3A_317 = vector.shape_cast %broadcast_in_dim3A_316 : vector<16x1xi32> to vector<16xi32>
      %gather3A_318 = tpu.dynamic_gather %add3A_305[%gather3A_317] in [0] : vector<16xf32>, vector<16xi32> -> vector<16xf32>
      %add3A_319 = arith.addf %add3A_305, %gather3A_318 : vector<16xf32>
      %xor3A_320 = arith.constant 1 : i32
      %xor3A_321 = vector.broadcast %xor3A_320 : i32 to vector<16xi32>
      %xor3A_322 = arith.xori %iota3A, %xor3A_321 : vector<16xi32>
      %lt3A_323 = arith.constant 0 : i32
      %lt3A_324 = vector.broadcast %lt3A_323 : i32 to vector<16xi32>
      %lt3A_325 = arith.cmpi slt, %xor3A_322, %lt3A_324 : vector<16xi32>
      %add3A_326 = arith.constant 16 : i32
      %add3A_327 = vector.broadcast %add3A_326 : i32 to vector<16xi32>
      %add3A_328 = arith.addi %xor3A_322, %add3A_327 : vector<16xi32>
      %select_n3A_329 = arith.select %lt3A_325, %add3A_328, %xor3A_322 : vector<16xi1>, vector<16xi32>
      %broadcast_in_dim3A_330 = vector.shape_cast %select_n3A_329 : vector<16xi32> to vector<16x1xi32>
      %gather3A_331 = vector.shape_cast %broadcast_in_dim3A_330 : vector<16x1xi32> to vector<16xi32>
      %gather3A_332 = tpu.dynamic_gather %add3A_319[%gather3A_331] in [0] : vector<16xf32>, vector<16xi32> -> vector<16xf32>
      %add3A_333 = arith.addf %add3A_319, %gather3A_332 : vector<16xf32>
      %eq3A_334 = arith.constant 0 : i32
      %eq3A_335 = vector.broadcast %eq3A_334 : i32 to vector<16xi32>
      %eq3A_336 = arith.cmpi eq, %iota3A, %eq3A_335 : vector<16xi32>
      %eq3A_337 = arith.constant 1 : i32
      %eq3A_338 = vector.broadcast %eq3A_337 : i32 to vector<16xi32>
      %eq3A_339 = arith.cmpi eq, %iota3A, %eq3A_338 : vector<16xi32>
      %jit3A_340 = arith.constant 0.000000e+00 : f32
      %broadcast_in_dim3A_341 = vector.broadcast %jit3A_340 : f32 to vector<16xf32>
      %select_n3A_342 = arith.select %eq3A_339, %add3A_333, %broadcast_in_dim3A_341 : vector<16xi1>, vector<16xf32>
      %select_n3A_343 = arith.select %eq3A_336, %add3A_274, %select_n3A_342 : vector<16xi1>, vector<16xf32>
      %slice3A_344 = vector.extract_strided_slice %get3A_56 {offsets = [1], sizes = [1], strides = [1]} : vector<16xf32> to vector<1xf32>
      %squeeze3A_345 = vector.extract %slice3A_344[0] : f32 from vector<1xf32>
      %div3A_346 = vector.broadcast %squeeze3A_345 : f32 to vector<16xf32>
      %div3A_347 = arith.divf %select_n3A_343, %div3A_346 : vector<16xf32>
      %add3A_348 = arith.addf %div3A_347, %get3A_26 : vector<16xf32>
      %mul3A_349 = arith.constant 8 : i32
      %mul3A_350 = arith.muli %mul3A_38, %mul3A_349 : i32
      %add3A_351 = arith.constant 1 : i32
      %add3A_352 = arith.addi %mul3A_350, %add3A_351 : i32
      %swap3A_353 = arith.index_cast %add3A_352 : i32 to index
      %swap3A_354 = arith.constant 0 : index
      %swap3A_355 = tpu.vector_load %arg13[%swap3A_353, %swap3A_354] {strides = array<i32>} : memref<512x16xf32, #tpu.memory_space<vmem>>, vector<1x16xf32>,
      %swap3A_356 = vector.shape_cast %swap3A_355 : vector<1x16xf32> to vector<16xf32>
      %swap3A_357 = vector.shape_cast %add3A_348 : vector<16xf32> to vector<1x16xf32>
      tpu.vector_store %arg13[%swap3A_353, %swap3A_354], %swap3A_357 {strides = array<i32>} : memref<512x16xf32, #tpu.memory_space<vmem>>, vector<1x16xf32>,
      %broadcast_in_dim3A_358 = arith.constant 0.000000e+00 : f32
      %broadcast_in_dim3A_359 = vector.broadcast %broadcast_in_dim3A_358 : f32 to vector<16xf32>
      %scan3A_360 = arith.constant 0 : i32
      %scan3A_361 = arith.constant 50 : i32
      %scan3A_362 = arith.addi %scan3A_360, %scan3A_361 : i32
      %scan3A_363 = arith.constant 1 : i32
      %scan3A_364:8 = scf.for %scan3A_2560 = %scan3A_360 to %scan3A_362 step %scan3A_363 iter_args(%scan3A_2561 = %broadcast_in_dim3A_359, %scan3A_2562 = %broadcast_in_dim3A_359, %scan3A_2563 = %broadcast_in_dim3A_359, %scan3A_2564 = %broadcast_in_dim3A_359, %scan3A_2565 = %broadcast_in_dim3A_359, %scan3A_2566 = %broadcast_in_dim3A_359, %scan3A_2567 = %broadcast_in_dim3A_359, %scan3A_2568 = %broadcast_in_dim3A_359) -> (vector<16xf32>, vector<16xf32>, vector<16xf32>, vector<16xf32>, vector<16xf32>, vector<16xf32>, vector<16xf32>, vector<16xf32>)  : i32 {
        %mul3A_2569 = arith.constant 4 : i32
        %mul3A_2570 = arith.muli %scan3A_2560, %mul3A_2569 : i32
        %add3A_2571 = arith.constant 400 : i32
        %add3A_2572 = arith.addi %add3A_2571, %mul3A_2570 : i32
        %add3A_2573 = arith.constant 0 : i32
        %add3A_2574 = arith.addi %add3A_2572, %add3A_2573 : i32
        %get3A_2575 = arith.index_cast %add3A_2574 : i32 to index
        %get3A_2576 = arith.constant 0 : index
        %get3A_2577 = tpu.vector_load %arg10[%get3A_2575, %get3A_2576] {strides = array<i32>} : memref<1600x32xf32, #tpu.memory_space<vmem>>, vector<1x16xf32>,
        %get3A_2578 = vector.shape_cast %get3A_2577 : vector<1x16xf32> to vector<16xf32>
        %add3A_2579 = arith.addf %scan3A_2561, %get3A_2578 : vector<16xf32>
        %add3A_2580 = arith.constant 1 : i32
        %add3A_2581 = arith.addi %add3A_2572, %add3A_2580 : i32
        %get3A_2582 = arith.index_cast %add3A_2581 : i32 to index
        %get3A_2583 = arith.constant 0 : index
        %get3A_2584 = tpu.vector_load %arg10[%get3A_2582, %get3A_2583] {strides = array<i32>} : memref<1600x32xf32, #tpu.memory_space<vmem>>, vector<1x16xf32>,
        %get3A_2585 = vector.shape_cast %get3A_2584 : vector<1x16xf32> to vector<16xf32>
        %add3A_2586 = arith.addf %scan3A_2562, %get3A_2585 : vector<16xf32>
        %add3A_2587 = arith.constant 2 : i32
        %add3A_2588 = arith.addi %add3A_2572, %add3A_2587 : i32
        %get3A_2589 = arith.index_cast %add3A_2588 : i32 to index
        %get3A_2590 = arith.constant 0 : index
        %get3A_2591 = tpu.vector_load %arg10[%get3A_2589, %get3A_2590] {strides = array<i32>} : memref<1600x32xf32, #tpu.memory_space<vmem>>, vector<1x16xf32>,
        %get3A_2592 = vector.shape_cast %get3A_2591 : vector<1x16xf32> to vector<16xf32>
        %add3A_2593 = arith.addf %scan3A_2563, %get3A_2592 : vector<16xf32>
        %add3A_2594 = arith.constant 3 : i32
        %add3A_2595 = arith.addi %add3A_2572, %add3A_2594 : i32
        %get3A_2596 = arith.index_cast %add3A_2595 : i32 to index
        %get3A_2597 = arith.constant 0 : index
        %get3A_2598 = tpu.vector_load %arg10[%get3A_2596, %get3A_2597] {strides = array<i32>} : memref<1600x32xf32, #tpu.memory_space<vmem>>, vector<1x16xf32>,
        %get3A_2599 = vector.shape_cast %get3A_2598 : vector<1x16xf32> to vector<16xf32>
        %add3A_2600 = arith.addf %scan3A_2564, %get3A_2599 : vector<16xf32>
        %add3A_2601 = arith.constant 0 : i32
        %add3A_2602 = arith.addi %add3A_2572, %add3A_2601 : i32
        %get3A_2603 = arith.index_cast %add3A_2602 : i32 to index
        %get3A_2604 = arith.constant 16 : index
        %get3A_2605 = tpu.vector_load %arg10[%get3A_2603, %get3A_2604] {strides = array<i32>} : memref<1600x32xf32, #tpu.memory_space<vmem>>, vector<1x16xf32>,
        %get3A_2606 = vector.shape_cast %get3A_2605 : vector<1x16xf32> to vector<16xf32>
        %add3A_2607 = arith.addf %scan3A_2565, %get3A_2606 : vector<16xf32>
        %add3A_2608 = arith.constant 1 : i32
        %add3A_2609 = arith.addi %add3A_2572, %add3A_2608 : i32
        %get3A_2610 = arith.index_cast %add3A_2609 : i32 to index
        %get3A_2611 = arith.constant 16 : index
        %get3A_2612 = tpu.vector_load %arg10[%get3A_2610, %get3A_2611] {strides = array<i32>} : memref<1600x32xf32, #tpu.memory_space<vmem>>, vector<1x16xf32>,
        %get3A_2613 = vector.shape_cast %get3A_2612 : vector<1x16xf32> to vector<16xf32>
        %add3A_2614 = arith.addf %scan3A_2566, %get3A_2613 : vector<16xf32>
        %add3A_2615 = arith.constant 2 : i32
        %add3A_2616 = arith.addi %add3A_2572, %add3A_2615 : i32
        %get3A_2617 = arith.index_cast %add3A_2616 : i32 to index
        %get3A_2618 = arith.constant 16 : index
        %get3A_2619 = tpu.vector_load %arg10[%get3A_2617, %get3A_2618] {strides = array<i32>} : memref<1600x32xf32, #tpu.memory_space<vmem>>, vector<1x16xf32>,
        %get3A_2620 = vector.shape_cast %get3A_2619 : vector<1x16xf32> to vector<16xf32>
        %add3A_2621 = arith.addf %scan3A_2567, %get3A_2620 : vector<16xf32>
        %add3A_2622 = arith.constant 3 : i32
        %add3A_2623 = arith.addi %add3A_2572, %add3A_2622 : i32
        %get3A_2624 = arith.index_cast %add3A_2623 : i32 to index
        %get3A_2625 = arith.constant 16 : index
        %get3A_2626 = tpu.vector_load %arg10[%get3A_2624, %get3A_2625] {strides = array<i32>} : memref<1600x32xf32, #tpu.memory_space<vmem>>, vector<1x16xf32>,
        %get3A_2627 = vector.shape_cast %get3A_2626 : vector<1x16xf32> to vector<16xf32>
        %add3A_2628 = arith.addf %scan3A_2568, %get3A_2627 : vector<16xf32>
        scf.yield %add3A_2579, %add3A_2586, %add3A_2593, %add3A_2600, %add3A_2607, %add3A_2614, %add3A_2621, %add3A_2628 : vector<16xf32>, vector<16xf32>, vector<16xf32>, vector<16xf32>, vector<16xf32>, vector<16xf32>, vector<16xf32>, vector<16xf32>
      }
      %scan3A_365 = arith.constant 50 : i32
      %add3A_366 = arith.addf %scan3A_364#0, %scan3A_364#1 : vector<16xf32>
      %add3A_367 = arith.addf %scan3A_364#2, %scan3A_364#3 : vector<16xf32>
      %add3A_368 = arith.addf %add3A_366, %add3A_367 : vector<16xf32>
      %add3A_369 = arith.addf %scan3A_364#4, %scan3A_364#5 : vector<16xf32>
      %add3A_370 = arith.addf %scan3A_364#6, %scan3A_364#7 : vector<16xf32>
      %add3A_371 = arith.addf %add3A_369, %add3A_370 : vector<16xf32>
      %mul3A_372 = arith.mulf %add3A_368, %get3A_8 : vector<16xf32>
      %mul3A_373 = arith.mulf %add3A_371, %get3A_13 : vector<16xf32>
      %add3A_374 = arith.addf %mul3A_372, %mul3A_373 : vector<16xf32>
      %xor3A_375 = arith.constant 8 : i32
      %xor3A_376 = vector.broadcast %xor3A_375 : i32 to vector<16xi32>
      %xor3A_377 = arith.xori %iota3A, %xor3A_376 : vector<16xi32>
      %lt3A_378 = arith.constant 0 : i32
      %lt3A_379 = vector.broadcast %lt3A_378 : i32 to vector<16xi32>
      %lt3A_380 = arith.cmpi slt, %xor3A_377, %lt3A_379 : vector<16xi32>
      %add3A_381 = arith.constant 16 : i32
      %add3A_382 = vector.broadcast %add3A_381 : i32 to vector<16xi32>
      %add3A_383 = arith.addi %xor3A_377, %add3A_382 : vector<16xi32>
      %select_n3A_384 = arith.select %lt3A_380, %add3A_383, %xor3A_377 : vector<16xi1>, vector<16xi32>
      %broadcast_in_dim3A_385 = vector.shape_cast %select_n3A_384 : vector<16xi32> to vector<16x1xi32>
      %gather3A_386 = vector.shape_cast %broadcast_in_dim3A_385 : vector<16x1xi32> to vector<16xi32>
      %gather3A_387 = tpu.dynamic_gather %add3A_374[%gather3A_386] in [0] : vector<16xf32>, vector<16xi32> -> vector<16xf32>
      %add3A_388 = arith.addf %add3A_374, %gather3A_387 : vector<16xf32>
      %xor3A_389 = arith.constant 4 : i32
      %xor3A_390 = vector.broadcast %xor3A_389 : i32 to vector<16xi32>
      %xor3A_391 = arith.xori %iota3A, %xor3A_390 : vector<16xi32>
      %lt3A_392 = arith.constant 0 : i32
      %lt3A_393 = vector.broadcast %lt3A_392 : i32 to vector<16xi32>
      %lt3A_394 = arith.cmpi slt, %xor3A_391, %lt3A_393 : vector<16xi32>
      %add3A_395 = arith.constant 16 : i32
      %add3A_396 = vector.broadcast %add3A_395 : i32 to vector<16xi32>
      %add3A_397 = arith.addi %xor3A_391, %add3A_396 : vector<16xi32>
      %select_n3A_398 = arith.select %lt3A_394, %add3A_397, %xor3A_391 : vector<16xi1>, vector<16xi32>
      %broadcast_in_dim3A_399 = vector.shape_cast %select_n3A_398 : vector<16xi32> to vector<16x1xi32>
      %gather3A_400 = vector.shape_cast %broadcast_in_dim3A_399 : vector<16x1xi32> to vector<16xi32>
      %gather3A_401 = tpu.dynamic_gather %add3A_388[%gather3A_400] in [0] : vector<16xf32>, vector<16xi32> -> vector<16xf32>
      %add3A_402 = arith.addf %add3A_388, %gather3A_401 : vector<16xf32>
      %xor3A_403 = arith.constant 2 : i32
      %xor3A_404 = vector.broadcast %xor3A_403 : i32 to vector<16xi32>
      %xor3A_405 = arith.xori %iota3A, %xor3A_404 : vector<16xi32>
      %lt3A_406 = arith.constant 0 : i32
      %lt3A_407 = vector.broadcast %lt3A_406 : i32 to vector<16xi32>
      %lt3A_408 = arith.cmpi slt, %xor3A_405, %lt3A_407 : vector<16xi32>
      %add3A_409 = arith.constant 16 : i32
      %add3A_410 = vector.broadcast %add3A_409 : i32 to vector<16xi32>
      %add3A_411 = arith.addi %xor3A_405, %add3A_410 : vector<16xi32>
      %select_n3A_412 = arith.select %lt3A_408, %add3A_411, %xor3A_405 : vector<16xi1>, vector<16xi32>
      %broadcast_in_dim3A_413 = vector.shape_cast %select_n3A_412 : vector<16xi32> to vector<16x1xi32>
      %gather3A_414 = vector.shape_cast %broadcast_in_dim3A_413 : vector<16x1xi32> to vector<16xi32>
      %gather3A_415 = tpu.dynamic_gather %add3A_402[%gather3A_414] in [0] : vector<16xf32>, vector<16xi32> -> vector<16xf32>
      %add3A_416 = arith.addf %add3A_402, %gather3A_415 : vector<16xf32>
      %xor3A_417 = arith.constant 1 : i32
      %xor3A_418 = vector.broadcast %xor3A_417 : i32 to vector<16xi32>
      %xor3A_419 = arith.xori %iota3A, %xor3A_418 : vector<16xi32>
      %lt3A_420 = arith.constant 0 : i32
      %lt3A_421 = vector.broadcast %lt3A_420 : i32 to vector<16xi32>
      %lt3A_422 = arith.cmpi slt, %xor3A_419, %lt3A_421 : vector<16xi32>
      %add3A_423 = arith.constant 16 : i32
      %add3A_424 = vector.broadcast %add3A_423 : i32 to vector<16xi32>
      %add3A_425 = arith.addi %xor3A_419, %add3A_424 : vector<16xi32>
      %select_n3A_426 = arith.select %lt3A_422, %add3A_425, %xor3A_419 : vector<16xi1>, vector<16xi32>
      %broadcast_in_dim3A_427 = vector.shape_cast %select_n3A_426 : vector<16xi32> to vector<16x1xi32>
      %gather3A_428 = vector.shape_cast %broadcast_in_dim3A_427 : vector<16x1xi32> to vector<16xi32>
      %gather3A_429 = tpu.dynamic_gather %add3A_416[%gather3A_428] in [0] : vector<16xf32>, vector<16xi32> -> vector<16xf32>
      %add3A_430 = arith.addf %add3A_416, %gather3A_429 : vector<16xf32>
      %mul3A_431 = arith.mulf %add3A_368, %get3A_18 : vector<16xf32>
      %mul3A_432 = arith.mulf %add3A_371, %get3A_23 : vector<16xf32>
      %add3A_433 = arith.addf %mul3A_431, %mul3A_432 : vector<16xf32>
      %xor3A_434 = arith.constant 8 : i32
      %xor3A_435 = vector.broadcast %xor3A_434 : i32 to vector<16xi32>
      %xor3A_436 = arith.xori %iota3A, %xor3A_435 : vector<16xi32>
      %lt3A_437 = arith.constant 0 : i32
      %lt3A_438 = vector.broadcast %lt3A_437 : i32 to vector<16xi32>
      %lt3A_439 = arith.cmpi slt, %xor3A_436, %lt3A_438 : vector<16xi32>
      %add3A_440 = arith.constant 16 : i32
      %add3A_441 = vector.broadcast %add3A_440 : i32 to vector<16xi32>
      %add3A_442 = arith.addi %xor3A_436, %add3A_441 : vector<16xi32>
      %select_n3A_443 = arith.select %lt3A_439, %add3A_442, %xor3A_436 : vector<16xi1>, vector<16xi32>
      %broadcast_in_dim3A_444 = vector.shape_cast %select_n3A_443 : vector<16xi32> to vector<16x1xi32>
      %gather3A_445 = vector.shape_cast %broadcast_in_dim3A_444 : vector<16x1xi32> to vector<16xi32>
      %gather3A_446 = tpu.dynamic_gather %add3A_433[%gather3A_445] in [0] : vector<16xf32>, vector<16xi32> -> vector<16xf32>
      %add3A_447 = arith.addf %add3A_433, %gather3A_446 : vector<16xf32>
      %xor3A_448 = arith.constant 4 : i32
      %xor3A_449 = vector.broadcast %xor3A_448 : i32 to vector<16xi32>
      %xor3A_450 = arith.xori %iota3A, %xor3A_449 : vector<16xi32>
      %lt3A_451 = arith.constant 0 : i32
      %lt3A_452 = vector.broadcast %lt3A_451 : i32 to vector<16xi32>
      %lt3A_453 = arith.cmpi slt, %xor3A_450, %lt3A_452 : vector<16xi32>
      %add3A_454 = arith.constant 16 : i32
      %add3A_455 = vector.broadcast %add3A_454 : i32 to vector<16xi32>
      %add3A_456 = arith.addi %xor3A_450, %add3A_455 : vector<16xi32>
      %select_n3A_457 = arith.select %lt3A_453, %add3A_456, %xor3A_450 : vector<16xi1>, vector<16xi32>
      %broadcast_in_dim3A_458 = vector.shape_cast %select_n3A_457 : vector<16xi32> to vector<16x1xi32>
      %gather3A_459 = vector.shape_cast %broadcast_in_dim3A_458 : vector<16x1xi32> to vector<16xi32>
      %gather3A_460 = tpu.dynamic_gather %add3A_447[%gather3A_459] in [0] : vector<16xf32>, vector<16xi32> -> vector<16xf32>
      %add3A_461 = arith.addf %add3A_447, %gather3A_460 : vector<16xf32>
      %xor3A_462 = arith.constant 2 : i32
      %xor3A_463 = vector.broadcast %xor3A_462 : i32 to vector<16xi32>
      %xor3A_464 = arith.xori %iota3A, %xor3A_463 : vector<16xi32>
      %lt3A_465 = arith.constant 0 : i32
      %lt3A_466 = vector.broadcast %lt3A_465 : i32 to vector<16xi32>
      %lt3A_467 = arith.cmpi slt, %xor3A_464, %lt3A_466 : vector<16xi32>
      %add3A_468 = arith.constant 16 : i32
      %add3A_469 = vector.broadcast %add3A_468 : i32 to vector<16xi32>
      %add3A_470 = arith.addi %xor3A_464, %add3A_469 : vector<16xi32>
      %select_n3A_471 = arith.select %lt3A_467, %add3A_470, %xor3A_464 : vector<16xi1>, vector<16xi32>
      %broadcast_in_dim3A_472 = vector.shape_cast %select_n3A_471 : vector<16xi32> to vector<16x1xi32>
      %gather3A_473 = vector.shape_cast %broadcast_in_dim3A_472 : vector<16x1xi32> to vector<16xi32>
      %gather3A_474 = tpu.dynamic_gather %add3A_461[%gather3A_473] in [0] : vector<16xf32>, vector<16xi32> -> vector<16xf32>
      %add3A_475 = arith.addf %add3A_461, %gather3A_474 : vector<16xf32>
      %xor3A_476 = arith.constant 1 : i32
      %xor3A_477 = vector.broadcast %xor3A_476 : i32 to vector<16xi32>
      %xor3A_478 = arith.xori %iota3A, %xor3A_477 : vector<16xi32>
      %lt3A_479 = arith.constant 0 : i32
      %lt3A_480 = vector.broadcast %lt3A_479 : i32 to vector<16xi32>
      %lt3A_481 = arith.cmpi slt, %xor3A_478, %lt3A_480 : vector<16xi32>
      %add3A_482 = arith.constant 16 : i32
      %add3A_483 = vector.broadcast %add3A_482 : i32 to vector<16xi32>
      %add3A_484 = arith.addi %xor3A_478, %add3A_483 : vector<16xi32>
      %select_n3A_485 = arith.select %lt3A_481, %add3A_484, %xor3A_478 : vector<16xi1>, vector<16xi32>
      %broadcast_in_dim3A_486 = vector.shape_cast %select_n3A_485 : vector<16xi32> to vector<16x1xi32>
      %gather3A_487 = vector.shape_cast %broadcast_in_dim3A_486 : vector<16x1xi32> to vector<16xi32>
      %gather3A_488 = tpu.dynamic_gather %add3A_475[%gather3A_487] in [0] : vector<16xf32>, vector<16xi32> -> vector<16xf32>
      %add3A_489 = arith.addf %add3A_475, %gather3A_488 : vector<16xf32>
      %eq3A_490 = arith.constant 0 : i32
      %eq3A_491 = vector.broadcast %eq3A_490 : i32 to vector<16xi32>
      %eq3A_492 = arith.cmpi eq, %iota3A, %eq3A_491 : vector<16xi32>
      %eq3A_493 = arith.constant 1 : i32
      %eq3A_494 = vector.broadcast %eq3A_493 : i32 to vector<16xi32>
      %eq3A_495 = arith.cmpi eq, %iota3A, %eq3A_494 : vector<16xi32>
      %jit3A_496 = arith.constant 0.000000e+00 : f32
      %broadcast_in_dim3A_497 = vector.broadcast %jit3A_496 : f32 to vector<16xf32>
      %select_n3A_498 = arith.select %eq3A_495, %add3A_489, %broadcast_in_dim3A_497 : vector<16xi1>, vector<16xf32>
      %select_n3A_499 = arith.select %eq3A_492, %add3A_430, %select_n3A_498 : vector<16xi1>, vector<16xf32>
      %slice3A_500 = vector.extract_strided_slice %get3A_56 {offsets = [2], sizes = [1], strides = [1]} : vector<16xf32> to vector<1xf32>
      %squeeze3A_501 = vector.extract %slice3A_500[0] : f32 from vector<1xf32>
      %div3A_502 = vector.broadcast %squeeze3A_501 : f32 to vector<16xf32>
      %div3A_503 = arith.divf %select_n3A_499, %div3A_502 : vector<16xf32>
      %add3A_504 = arith.addf %div3A_503, %get3A_26 : vector<16xf32>
      %mul3A_505 = arith.constant 8 : i32
      %mul3A_506 = arith.muli %mul3A_38, %mul3A_505 : i32
      %add3A_507 = arith.constant 2 : i32
      %add3A_508 = arith.addi %mul3A_506, %add3A_507 : i32
      %swap3A_509 = arith.index_cast %add3A_508 : i32 to index
      %swap3A_510 = arith.constant 0 : index
      %swap3A_511 = tpu.vector_load %arg13[%swap3A_509, %swap3A_510] {strides = array<i32>} : memref<512x16xf32, #tpu.memory_space<vmem>>, vector<1x16xf32>,
      %swap3A_512 = vector.shape_cast %swap3A_511 : vector<1x16xf32> to vector<16xf32>
      %swap3A_513 = vector.shape_cast %add3A_504 : vector<16xf32> to vector<1x16xf32>
      tpu.vector_store %arg13[%swap3A_509, %swap3A_510], %swap3A_513 {strides = array<i32>} : memref<512x16xf32, #tpu.memory_space<vmem>>, vector<1x16xf32>,
      %broadcast_in_dim3A_514 = arith.constant 0.000000e+00 : f32
      %broadcast_in_dim3A_515 = vector.broadcast %broadcast_in_dim3A_514 : f32 to vector<16xf32>
      %scan3A_516 = arith.constant 0 : i32
      %scan3A_517 = arith.constant 50 : i32
      %scan3A_518 = arith.addi %scan3A_516, %scan3A_517 : i32
      %scan3A_519 = arith.constant 1 : i32
      %scan3A_520:8 = scf.for %scan3A_2560 = %scan3A_516 to %scan3A_518 step %scan3A_519 iter_args(%scan3A_2561 = %broadcast_in_dim3A_515, %scan3A_2562 = %broadcast_in_dim3A_515, %scan3A_2563 = %broadcast_in_dim3A_515, %scan3A_2564 = %broadcast_in_dim3A_515, %scan3A_2565 = %broadcast_in_dim3A_515, %scan3A_2566 = %broadcast_in_dim3A_515, %scan3A_2567 = %broadcast_in_dim3A_515, %scan3A_2568 = %broadcast_in_dim3A_515) -> (vector<16xf32>, vector<16xf32>, vector<16xf32>, vector<16xf32>, vector<16xf32>, vector<16xf32>, vector<16xf32>, vector<16xf32>)  : i32 {
        %mul3A_2569 = arith.constant 4 : i32
        %mul3A_2570 = arith.muli %scan3A_2560, %mul3A_2569 : i32
        %add3A_2571 = arith.constant 600 : i32
        %add3A_2572 = arith.addi %add3A_2571, %mul3A_2570 : i32
        %add3A_2573 = arith.constant 0 : i32
        %add3A_2574 = arith.addi %add3A_2572, %add3A_2573 : i32
        %get3A_2575 = arith.index_cast %add3A_2574 : i32 to index
        %get3A_2576 = arith.constant 0 : index
        %get3A_2577 = tpu.vector_load %arg10[%get3A_2575, %get3A_2576] {strides = array<i32>} : memref<1600x32xf32, #tpu.memory_space<vmem>>, vector<1x16xf32>,
        %get3A_2578 = vector.shape_cast %get3A_2577 : vector<1x16xf32> to vector<16xf32>
        %add3A_2579 = arith.addf %scan3A_2561, %get3A_2578 : vector<16xf32>
        %add3A_2580 = arith.constant 1 : i32
        %add3A_2581 = arith.addi %add3A_2572, %add3A_2580 : i32
        %get3A_2582 = arith.index_cast %add3A_2581 : i32 to index
        %get3A_2583 = arith.constant 0 : index
        %get3A_2584 = tpu.vector_load %arg10[%get3A_2582, %get3A_2583] {strides = array<i32>} : memref<1600x32xf32, #tpu.memory_space<vmem>>, vector<1x16xf32>,
        %get3A_2585 = vector.shape_cast %get3A_2584 : vector<1x16xf32> to vector<16xf32>
        %add3A_2586 = arith.addf %scan3A_2562, %get3A_2585 : vector<16xf32>
        %add3A_2587 = arith.constant 2 : i32
        %add3A_2588 = arith.addi %add3A_2572, %add3A_2587 : i32
        %get3A_2589 = arith.index_cast %add3A_2588 : i32 to index
        %get3A_2590 = arith.constant 0 : index
        %get3A_2591 = tpu.vector_load %arg10[%get3A_2589, %get3A_2590] {strides = array<i32>} : memref<1600x32xf32, #tpu.memory_space<vmem>>, vector<1x16xf32>,
        %get3A_2592 = vector.shape_cast %get3A_2591 : vector<1x16xf32> to vector<16xf32>
        %add3A_2593 = arith.addf %scan3A_2563, %get3A_2592 : vector<16xf32>
        %add3A_2594 = arith.constant 3 : i32
        %add3A_2595 = arith.addi %add3A_2572, %add3A_2594 : i32
        %get3A_2596 = arith.index_cast %add3A_2595 : i32 to index
        %get3A_2597 = arith.constant 0 : index
        %get3A_2598 = tpu.vector_load %arg10[%get3A_2596, %get3A_2597] {strides = array<i32>} : memref<1600x32xf32, #tpu.memory_space<vmem>>, vector<1x16xf32>,
        %get3A_2599 = vector.shape_cast %get3A_2598 : vector<1x16xf32> to vector<16xf32>
        %add3A_2600 = arith.addf %scan3A_2564, %get3A_2599 : vector<16xf32>
        %add3A_2601 = arith.constant 0 : i32
        %add3A_2602 = arith.addi %add3A_2572, %add3A_2601 : i32
        %get3A_2603 = arith.index_cast %add3A_2602 : i32 to index
        %get3A_2604 = arith.constant 16 : index
        %get3A_2605 = tpu.vector_load %arg10[%get3A_2603, %get3A_2604] {strides = array<i32>} : memref<1600x32xf32, #tpu.memory_space<vmem>>, vector<1x16xf32>,
        %get3A_2606 = vector.shape_cast %get3A_2605 : vector<1x16xf32> to vector<16xf32>
        %add3A_2607 = arith.addf %scan3A_2565, %get3A_2606 : vector<16xf32>
        %add3A_2608 = arith.constant 1 : i32
        %add3A_2609 = arith.addi %add3A_2572, %add3A_2608 : i32
        %get3A_2610 = arith.index_cast %add3A_2609 : i32 to index
        %get3A_2611 = arith.constant 16 : index
        %get3A_2612 = tpu.vector_load %arg10[%get3A_2610, %get3A_2611] {strides = array<i32>} : memref<1600x32xf32, #tpu.memory_space<vmem>>, vector<1x16xf32>,
        %get3A_2613 = vector.shape_cast %get3A_2612 : vector<1x16xf32> to vector<16xf32>
        %add3A_2614 = arith.addf %scan3A_2566, %get3A_2613 : vector<16xf32>
        %add3A_2615 = arith.constant 2 : i32
        %add3A_2616 = arith.addi %add3A_2572, %add3A_2615 : i32
        %get3A_2617 = arith.index_cast %add3A_2616 : i32 to index
        %get3A_2618 = arith.constant 16 : index
        %get3A_2619 = tpu.vector_load %arg10[%get3A_2617, %get3A_2618] {strides = array<i32>} : memref<1600x32xf32, #tpu.memory_space<vmem>>, vector<1x16xf32>,
        %get3A_2620 = vector.shape_cast %get3A_2619 : vector<1x16xf32> to vector<16xf32>
        %add3A_2621 = arith.addf %scan3A_2567, %get3A_2620 : vector<16xf32>
        %add3A_2622 = arith.constant 3 : i32
        %add3A_2623 = arith.addi %add3A_2572, %add3A_2622 : i32
        %get3A_2624 = arith.index_cast %add3A_2623 : i32 to index
        %get3A_2625 = arith.constant 16 : index
        %get3A_2626 = tpu.vector_load %arg10[%get3A_2624, %get3A_2625] {strides = array<i32>} : memref<1600x32xf32, #tpu.memory_space<vmem>>, vector<1x16xf32>,
        %get3A_2627 = vector.shape_cast %get3A_2626 : vector<1x16xf32> to vector<16xf32>
        %add3A_2628 = arith.addf %scan3A_2568, %get3A_2627 : vector<16xf32>
        scf.yield %add3A_2579, %add3A_2586, %add3A_2593, %add3A_2600, %add3A_2607, %add3A_2614, %add3A_2621, %add3A_2628 : vector<16xf32>, vector<16xf32>, vector<16xf32>, vector<16xf32>, vector<16xf32>, vector<16xf32>, vector<16xf32>, vector<16xf32>
      }
      %scan3A_521 = arith.constant 50 : i32
      %add3A_522 = arith.addf %scan3A_520#0, %scan3A_520#1 : vector<16xf32>
      %add3A_523 = arith.addf %scan3A_520#2, %scan3A_520#3 : vector<16xf32>
      %add3A_524 = arith.addf %add3A_522, %add3A_523 : vector<16xf32>
      %add3A_525 = arith.addf %scan3A_520#4, %scan3A_520#5 : vector<16xf32>
      %add3A_526 = arith.addf %scan3A_520#6, %scan3A_520#7 : vector<16xf32>
      %add3A_527 = arith.addf %add3A_525, %add3A_526 : vector<16xf32>
      %mul3A_528 = arith.mulf %add3A_524, %get3A_8 : vector<16xf32>
      %mul3A_529 = arith.mulf %add3A_527, %get3A_13 : vector<16xf32>
      %add3A_530 = arith.addf %mul3A_528, %mul3A_529 : vector<16xf32>
      %xor3A_531 = arith.constant 8 : i32
      %xor3A_532 = vector.broadcast %xor3A_531 : i32 to vector<16xi32>
      %xor3A_533 = arith.xori %iota3A, %xor3A_532 : vector<16xi32>
      %lt3A_534 = arith.constant 0 : i32
      %lt3A_535 = vector.broadcast %lt3A_534 : i32 to vector<16xi32>
      %lt3A_536 = arith.cmpi slt, %xor3A_533, %lt3A_535 : vector<16xi32>
      %add3A_537 = arith.constant 16 : i32
      %add3A_538 = vector.broadcast %add3A_537 : i32 to vector<16xi32>
      %add3A_539 = arith.addi %xor3A_533, %add3A_538 : vector<16xi32>
      %select_n3A_540 = arith.select %lt3A_536, %add3A_539, %xor3A_533 : vector<16xi1>, vector<16xi32>
      %broadcast_in_dim3A_541 = vector.shape_cast %select_n3A_540 : vector<16xi32> to vector<16x1xi32>
      %gather3A_542 = vector.shape_cast %broadcast_in_dim3A_541 : vector<16x1xi32> to vector<16xi32>
      %gather3A_543 = tpu.dynamic_gather %add3A_530[%gather3A_542] in [0] : vector<16xf32>, vector<16xi32> -> vector<16xf32>
      %add3A_544 = arith.addf %add3A_530, %gather3A_543 : vector<16xf32>
      %xor3A_545 = arith.constant 4 : i32
      %xor3A_546 = vector.broadcast %xor3A_545 : i32 to vector<16xi32>
      %xor3A_547 = arith.xori %iota3A, %xor3A_546 : vector<16xi32>
      %lt3A_548 = arith.constant 0 : i32
      %lt3A_549 = vector.broadcast %lt3A_548 : i32 to vector<16xi32>
      %lt3A_550 = arith.cmpi slt, %xor3A_547, %lt3A_549 : vector<16xi32>
      %add3A_551 = arith.constant 16 : i32
      %add3A_552 = vector.broadcast %add3A_551 : i32 to vector<16xi32>
      %add3A_553 = arith.addi %xor3A_547, %add3A_552 : vector<16xi32>
      %select_n3A_554 = arith.select %lt3A_550, %add3A_553, %xor3A_547 : vector<16xi1>, vector<16xi32>
      %broadcast_in_dim3A_555 = vector.shape_cast %select_n3A_554 : vector<16xi32> to vector<16x1xi32>
      %gather3A_556 = vector.shape_cast %broadcast_in_dim3A_555 : vector<16x1xi32> to vector<16xi32>
      %gather3A_557 = tpu.dynamic_gather %add3A_544[%gather3A_556] in [0] : vector<16xf32>, vector<16xi32> -> vector<16xf32>
      %add3A_558 = arith.addf %add3A_544, %gather3A_557 : vector<16xf32>
      %xor3A_559 = arith.constant 2 : i32
      %xor3A_560 = vector.broadcast %xor3A_559 : i32 to vector<16xi32>
      %xor3A_561 = arith.xori %iota3A, %xor3A_560 : vector<16xi32>
      %lt3A_562 = arith.constant 0 : i32
      %lt3A_563 = vector.broadcast %lt3A_562 : i32 to vector<16xi32>
      %lt3A_564 = arith.cmpi slt, %xor3A_561, %lt3A_563 : vector<16xi32>
      %add3A_565 = arith.constant 16 : i32
      %add3A_566 = vector.broadcast %add3A_565 : i32 to vector<16xi32>
      %add3A_567 = arith.addi %xor3A_561, %add3A_566 : vector<16xi32>
      %select_n3A_568 = arith.select %lt3A_564, %add3A_567, %xor3A_561 : vector<16xi1>, vector<16xi32>
      %broadcast_in_dim3A_569 = vector.shape_cast %select_n3A_568 : vector<16xi32> to vector<16x1xi32>
      %gather3A_570 = vector.shape_cast %broadcast_in_dim3A_569 : vector<16x1xi32> to vector<16xi32>
      %gather3A_571 = tpu.dynamic_gather %add3A_558[%gather3A_570] in [0] : vector<16xf32>, vector<16xi32> -> vector<16xf32>
      %add3A_572 = arith.addf %add3A_558, %gather3A_571 : vector<16xf32>
      %xor3A_573 = arith.constant 1 : i32
      %xor3A_574 = vector.broadcast %xor3A_573 : i32 to vector<16xi32>
      %xor3A_575 = arith.xori %iota3A, %xor3A_574 : vector<16xi32>
      %lt3A_576 = arith.constant 0 : i32
      %lt3A_577 = vector.broadcast %lt3A_576 : i32 to vector<16xi32>
      %lt3A_578 = arith.cmpi slt, %xor3A_575, %lt3A_577 : vector<16xi32>
      %add3A_579 = arith.constant 16 : i32
      %add3A_580 = vector.broadcast %add3A_579 : i32 to vector<16xi32>
      %add3A_581 = arith.addi %xor3A_575, %add3A_580 : vector<16xi32>
      %select_n3A_582 = arith.select %lt3A_578, %add3A_581, %xor3A_575 : vector<16xi1>, vector<16xi32>
      %broadcast_in_dim3A_583 = vector.shape_cast %select_n3A_582 : vector<16xi32> to vector<16x1xi32>
      %gather3A_584 = vector.shape_cast %broadcast_in_dim3A_583 : vector<16x1xi32> to vector<16xi32>
      %gather3A_585 = tpu.dynamic_gather %add3A_572[%gather3A_584] in [0] : vector<16xf32>, vector<16xi32> -> vector<16xf32>
      %add3A_586 = arith.addf %add3A_572, %gather3A_585 : vector<16xf32>
      %mul3A_587 = arith.mulf %add3A_524, %get3A_18 : vector<16xf32>
      %mul3A_588 = arith.mulf %add3A_527, %get3A_23 : vector<16xf32>
      %add3A_589 = arith.addf %mul3A_587, %mul3A_588 : vector<16xf32>
      %xor3A_590 = arith.constant 8 : i32
      %xor3A_591 = vector.broadcast %xor3A_590 : i32 to vector<16xi32>
      %xor3A_592 = arith.xori %iota3A, %xor3A_591 : vector<16xi32>
      %lt3A_593 = arith.constant 0 : i32
      %lt3A_594 = vector.broadcast %lt3A_593 : i32 to vector<16xi32>
      %lt3A_595 = arith.cmpi slt, %xor3A_592, %lt3A_594 : vector<16xi32>
      %add3A_596 = arith.constant 16 : i32
      %add3A_597 = vector.broadcast %add3A_596 : i32 to vector<16xi32>
      %add3A_598 = arith.addi %xor3A_592, %add3A_597 : vector<16xi32>
      %select_n3A_599 = arith.select %lt3A_595, %add3A_598, %xor3A_592 : vector<16xi1>, vector<16xi32>
      %broadcast_in_dim3A_600 = vector.shape_cast %select_n3A_599 : vector<16xi32> to vector<16x1xi32>
      %gather3A_601 = vector.shape_cast %broadcast_in_dim3A_600 : vector<16x1xi32> to vector<16xi32>
      %gather3A_602 = tpu.dynamic_gather %add3A_589[%gather3A_601] in [0] : vector<16xf32>, vector<16xi32> -> vector<16xf32>
      %add3A_603 = arith.addf %add3A_589, %gather3A_602 : vector<16xf32>
      %xor3A_604 = arith.constant 4 : i32
      %xor3A_605 = vector.broadcast %xor3A_604 : i32 to vector<16xi32>
      %xor3A_606 = arith.xori %iota3A, %xor3A_605 : vector<16xi32>
      %lt3A_607 = arith.constant 0 : i32
      %lt3A_608 = vector.broadcast %lt3A_607 : i32 to vector<16xi32>
      %lt3A_609 = arith.cmpi slt, %xor3A_606, %lt3A_608 : vector<16xi32>
      %add3A_610 = arith.constant 16 : i32
      %add3A_611 = vector.broadcast %add3A_610 : i32 to vector<16xi32>
      %add3A_612 = arith.addi %xor3A_606, %add3A_611 : vector<16xi32>
      %select_n3A_613 = arith.select %lt3A_609, %add3A_612, %xor3A_606 : vector<16xi1>, vector<16xi32>
      %broadcast_in_dim3A_614 = vector.shape_cast %select_n3A_613 : vector<16xi32> to vector<16x1xi32>
      %gather3A_615 = vector.shape_cast %broadcast_in_dim3A_614 : vector<16x1xi32> to vector<16xi32>
      %gather3A_616 = tpu.dynamic_gather %add3A_603[%gather3A_615] in [0] : vector<16xf32>, vector<16xi32> -> vector<16xf32>
      %add3A_617 = arith.addf %add3A_603, %gather3A_616 : vector<16xf32>
      %xor3A_618 = arith.constant 2 : i32
      %xor3A_619 = vector.broadcast %xor3A_618 : i32 to vector<16xi32>
      %xor3A_620 = arith.xori %iota3A, %xor3A_619 : vector<16xi32>
      %lt3A_621 = arith.constant 0 : i32
      %lt3A_622 = vector.broadcast %lt3A_621 : i32 to vector<16xi32>
      %lt3A_623 = arith.cmpi slt, %xor3A_620, %lt3A_622 : vector<16xi32>
      %add3A_624 = arith.constant 16 : i32
      %add3A_625 = vector.broadcast %add3A_624 : i32 to vector<16xi32>
      %add3A_626 = arith.addi %xor3A_620, %add3A_625 : vector<16xi32>
      %select_n3A_627 = arith.select %lt3A_623, %add3A_626, %xor3A_620 : vector<16xi1>, vector<16xi32>
      %broadcast_in_dim3A_628 = vector.shape_cast %select_n3A_627 : vector<16xi32> to vector<16x1xi32>
      %gather3A_629 = vector.shape_cast %broadcast_in_dim3A_628 : vector<16x1xi32> to vector<16xi32>
      %gather3A_630 = tpu.dynamic_gather %add3A_617[%gather3A_629] in [0] : vector<16xf32>, vector<16xi32> -> vector<16xf32>
      %add3A_631 = arith.addf %add3A_617, %gather3A_630 : vector<16xf32>
      %xor3A_632 = arith.constant 1 : i32
      %xor3A_633 = vector.broadcast %xor3A_632 : i32 to vector<16xi32>
      %xor3A_634 = arith.xori %iota3A, %xor3A_633 : vector<16xi32>
      %lt3A_635 = arith.constant 0 : i32
      %lt3A_636 = vector.broadcast %lt3A_635 : i32 to vector<16xi32>
      %lt3A_637 = arith.cmpi slt, %xor3A_634, %lt3A_636 : vector<16xi32>
      %add3A_638 = arith.constant 16 : i32
      %add3A_639 = vector.broadcast %add3A_638 : i32 to vector<16xi32>
      %add3A_640 = arith.addi %xor3A_634, %add3A_639 : vector<16xi32>
      %select_n3A_641 = arith.select %lt3A_637, %add3A_640, %xor3A_634 : vector<16xi1>, vector<16xi32>
      %broadcast_in_dim3A_642 = vector.shape_cast %select_n3A_641 : vector<16xi32> to vector<16x1xi32>
      %gather3A_643 = vector.shape_cast %broadcast_in_dim3A_642 : vector<16x1xi32> to vector<16xi32>
      %gather3A_644 = tpu.dynamic_gather %add3A_631[%gather3A_643] in [0] : vector<16xf32>, vector<16xi32> -> vector<16xf32>
      %add3A_645 = arith.addf %add3A_631, %gather3A_644 : vector<16xf32>
      %eq3A_646 = arith.constant 0 : i32
      %eq3A_647 = vector.broadcast %eq3A_646 : i32 to vector<16xi32>
      %eq3A_648 = arith.cmpi eq, %iota3A, %eq3A_647 : vector<16xi32>
      %eq3A_649 = arith.constant 1 : i32
      %eq3A_650 = vector.broadcast %eq3A_649 : i32 to vector<16xi32>
      %eq3A_651 = arith.cmpi eq, %iota3A, %eq3A_650 : vector<16xi32>
      %jit3A_652 = arith.constant 0.000000e+00 : f32
      %broadcast_in_dim3A_653 = vector.broadcast %jit3A_652 : f32 to vector<16xf32>
      %select_n3A_654 = arith.select %eq3A_651, %add3A_645, %broadcast_in_dim3A_653 : vector<16xi1>, vector<16xf32>
      %select_n3A_655 = arith.select %eq3A_648, %add3A_586, %select_n3A_654 : vector<16xi1>, vector<16xf32>
      %slice3A_656 = vector.extract_strided_slice %get3A_56 {offsets = [3], sizes = [1], strides = [1]} : vector<16xf32> to vector<1xf32>
      %squeeze3A_657 = vector.extract %slice3A_656[0] : f32 from vector<1xf32>
      %div3A_658 = vector.broadcast %squeeze3A_657 : f32 to vector<16xf32>
      %div3A_659 = arith.divf %select_n3A_655, %div3A_658 : vector<16xf32>
      %add3A_660 = arith.addf %div3A_659, %get3A_26 : vector<16xf32>
      %mul3A_661 = arith.constant 8 : i32
      %mul3A_662 = arith.muli %mul3A_38, %mul3A_661 : i32
      %add3A_663 = arith.constant 3 : i32
      %add3A_664 = arith.addi %mul3A_662, %add3A_663 : i32
      %swap3A_665 = arith.index_cast %add3A_664 : i32 to index
      %swap3A_666 = arith.constant 0 : index
      %swap3A_667 = tpu.vector_load %arg13[%swap3A_665, %swap3A_666] {strides = array<i32>} : memref<512x16xf32, #tpu.memory_space<vmem>>, vector<1x16xf32>,
      %swap3A_668 = vector.shape_cast %swap3A_667 : vector<1x16xf32> to vector<16xf32>
      %swap3A_669 = vector.shape_cast %add3A_660 : vector<16xf32> to vector<1x16xf32>
      tpu.vector_store %arg13[%swap3A_665, %swap3A_666], %swap3A_669 {strides = array<i32>} : memref<512x16xf32, #tpu.memory_space<vmem>>, vector<1x16xf32>,
      %broadcast_in_dim3A_670 = arith.constant 0.000000e+00 : f32
      %broadcast_in_dim3A_671 = vector.broadcast %broadcast_in_dim3A_670 : f32 to vector<16xf32>
      %scan3A_672 = arith.constant 0 : i32
      %scan3A_673 = arith.constant 50 : i32
      %scan3A_674 = arith.addi %scan3A_672, %scan3A_673 : i32
      %scan3A_675 = arith.constant 1 : i32
      %scan3A_676:8 = scf.for %scan3A_2560 = %scan3A_672 to %scan3A_674 step %scan3A_675 iter_args(%scan3A_2561 = %broadcast_in_dim3A_671, %scan3A_2562 = %broadcast_in_dim3A_671, %scan3A_2563 = %broadcast_in_dim3A_671, %scan3A_2564 = %broadcast_in_dim3A_671, %scan3A_2565 = %broadcast_in_dim3A_671, %scan3A_2566 = %broadcast_in_dim3A_671, %scan3A_2567 = %broadcast_in_dim3A_671, %scan3A_2568 = %broadcast_in_dim3A_671) -> (vector<16xf32>, vector<16xf32>, vector<16xf32>, vector<16xf32>, vector<16xf32>, vector<16xf32>, vector<16xf32>, vector<16xf32>)  : i32 {
        %mul3A_2569 = arith.constant 4 : i32
        %mul3A_2570 = arith.muli %scan3A_2560, %mul3A_2569 : i32
        %add3A_2571 = arith.constant 800 : i32
        %add3A_2572 = arith.addi %add3A_2571, %mul3A_2570 : i32
        %add3A_2573 = arith.constant 0 : i32
        %add3A_2574 = arith.addi %add3A_2572, %add3A_2573 : i32
        %get3A_2575 = arith.index_cast %add3A_2574 : i32 to index
        %get3A_2576 = arith.constant 0 : index
        %get3A_2577 = tpu.vector_load %arg10[%get3A_2575, %get3A_2576] {strides = array<i32>} : memref<1600x32xf32, #tpu.memory_space<vmem>>, vector<1x16xf32>,
        %get3A_2578 = vector.shape_cast %get3A_2577 : vector<1x16xf32> to vector<16xf32>
        %add3A_2579 = arith.addf %scan3A_2561, %get3A_2578 : vector<16xf32>
        %add3A_2580 = arith.constant 1 : i32
        %add3A_2581 = arith.addi %add3A_2572, %add3A_2580 : i32
        %get3A_2582 = arith.index_cast %add3A_2581 : i32 to index
        %get3A_2583 = arith.constant 0 : index
        %get3A_2584 = tpu.vector_load %arg10[%get3A_2582, %get3A_2583] {strides = array<i32>} : memref<1600x32xf32, #tpu.memory_space<vmem>>, vector<1x16xf32>,
        %get3A_2585 = vector.shape_cast %get3A_2584 : vector<1x16xf32> to vector<16xf32>
        %add3A_2586 = arith.addf %scan3A_2562, %get3A_2585 : vector<16xf32>
        %add3A_2587 = arith.constant 2 : i32
        %add3A_2588 = arith.addi %add3A_2572, %add3A_2587 : i32
        %get3A_2589 = arith.index_cast %add3A_2588 : i32 to index
        %get3A_2590 = arith.constant 0 : index
        %get3A_2591 = tpu.vector_load %arg10[%get3A_2589, %get3A_2590] {strides = array<i32>} : memref<1600x32xf32, #tpu.memory_space<vmem>>, vector<1x16xf32>,
        %get3A_2592 = vector.shape_cast %get3A_2591 : vector<1x16xf32> to vector<16xf32>
        %add3A_2593 = arith.addf %scan3A_2563, %get3A_2592 : vector<16xf32>
        %add3A_2594 = arith.constant 3 : i32
        %add3A_2595 = arith.addi %add3A_2572, %add3A_2594 : i32
        %get3A_2596 = arith.index_cast %add3A_2595 : i32 to index
        %get3A_2597 = arith.constant 0 : index
        %get3A_2598 = tpu.vector_load %arg10[%get3A_2596, %get3A_2597] {strides = array<i32>} : memref<1600x32xf32, #tpu.memory_space<vmem>>, vector<1x16xf32>,
        %get3A_2599 = vector.shape_cast %get3A_2598 : vector<1x16xf32> to vector<16xf32>
        %add3A_2600 = arith.addf %scan3A_2564, %get3A_2599 : vector<16xf32>
        %add3A_2601 = arith.constant 0 : i32
        %add3A_2602 = arith.addi %add3A_2572, %add3A_2601 : i32
        %get3A_2603 = arith.index_cast %add3A_2602 : i32 to index
        %get3A_2604 = arith.constant 16 : index
        %get3A_2605 = tpu.vector_load %arg10[%get3A_2603, %get3A_2604] {strides = array<i32>} : memref<1600x32xf32, #tpu.memory_space<vmem>>, vector<1x16xf32>,
        %get3A_2606 = vector.shape_cast %get3A_2605 : vector<1x16xf32> to vector<16xf32>
        %add3A_2607 = arith.addf %scan3A_2565, %get3A_2606 : vector<16xf32>
        %add3A_2608 = arith.constant 1 : i32
        %add3A_2609 = arith.addi %add3A_2572, %add3A_2608 : i32
        %get3A_2610 = arith.index_cast %add3A_2609 : i32 to index
        %get3A_2611 = arith.constant 16 : index
        %get3A_2612 = tpu.vector_load %arg10[%get3A_2610, %get3A_2611] {strides = array<i32>} : memref<1600x32xf32, #tpu.memory_space<vmem>>, vector<1x16xf32>,
        %get3A_2613 = vector.shape_cast %get3A_2612 : vector<1x16xf32> to vector<16xf32>
        %add3A_2614 = arith.addf %scan3A_2566, %get3A_2613 : vector<16xf32>
        %add3A_2615 = arith.constant 2 : i32
        %add3A_2616 = arith.addi %add3A_2572, %add3A_2615 : i32
        %get3A_2617 = arith.index_cast %add3A_2616 : i32 to index
        %get3A_2618 = arith.constant 16 : index
        %get3A_2619 = tpu.vector_load %arg10[%get3A_2617, %get3A_2618] {strides = array<i32>} : memref<1600x32xf32, #tpu.memory_space<vmem>>, vector<1x16xf32>,
        %get3A_2620 = vector.shape_cast %get3A_2619 : vector<1x16xf32> to vector<16xf32>
        %add3A_2621 = arith.addf %scan3A_2567, %get3A_2620 : vector<16xf32>
        %add3A_2622 = arith.constant 3 : i32
        %add3A_2623 = arith.addi %add3A_2572, %add3A_2622 : i32
        %get3A_2624 = arith.index_cast %add3A_2623 : i32 to index
        %get3A_2625 = arith.constant 16 : index
        %get3A_2626 = tpu.vector_load %arg10[%get3A_2624, %get3A_2625] {strides = array<i32>} : memref<1600x32xf32, #tpu.memory_space<vmem>>, vector<1x16xf32>,
        %get3A_2627 = vector.shape_cast %get3A_2626 : vector<1x16xf32> to vector<16xf32>
        %add3A_2628 = arith.addf %scan3A_2568, %get3A_2627 : vector<16xf32>
        scf.yield %add3A_2579, %add3A_2586, %add3A_2593, %add3A_2600, %add3A_2607, %add3A_2614, %add3A_2621, %add3A_2628 : vector<16xf32>, vector<16xf32>, vector<16xf32>, vector<16xf32>, vector<16xf32>, vector<16xf32>, vector<16xf32>, vector<16xf32>
      }
      %scan3A_677 = arith.constant 50 : i32
      %add3A_678 = arith.addf %scan3A_676#0, %scan3A_676#1 : vector<16xf32>
      %add3A_679 = arith.addf %scan3A_676#2, %scan3A_676#3 : vector<16xf32>
      %add3A_680 = arith.addf %add3A_678, %add3A_679 : vector<16xf32>
      %add3A_681 = arith.addf %scan3A_676#4, %scan3A_676#5 : vector<16xf32>
      %add3A_682 = arith.addf %scan3A_676#6, %scan3A_676#7 : vector<16xf32>
      %add3A_683 = arith.addf %add3A_681, %add3A_682 : vector<16xf32>
      %mul3A_684 = arith.mulf %add3A_680, %get3A_8 : vector<16xf32>
      %mul3A_685 = arith.mulf %add3A_683, %get3A_13 : vector<16xf32>
      %add3A_686 = arith.addf %mul3A_684, %mul3A_685 : vector<16xf32>
      %xor3A_687 = arith.constant 8 : i32
      %xor3A_688 = vector.broadcast %xor3A_687 : i32 to vector<16xi32>
      %xor3A_689 = arith.xori %iota3A, %xor3A_688 : vector<16xi32>
      %lt3A_690 = arith.constant 0 : i32
      %lt3A_691 = vector.broadcast %lt3A_690 : i32 to vector<16xi32>
      %lt3A_692 = arith.cmpi slt, %xor3A_689, %lt3A_691 : vector<16xi32>
      %add3A_693 = arith.constant 16 : i32
      %add3A_694 = vector.broadcast %add3A_693 : i32 to vector<16xi32>
      %add3A_695 = arith.addi %xor3A_689, %add3A_694 : vector<16xi32>
      %select_n3A_696 = arith.select %lt3A_692, %add3A_695, %xor3A_689 : vector<16xi1>, vector<16xi32>
      %broadcast_in_dim3A_697 = vector.shape_cast %select_n3A_696 : vector<16xi32> to vector<16x1xi32>
      %gather3A_698 = vector.shape_cast %broadcast_in_dim3A_697 : vector<16x1xi32> to vector<16xi32>
      %gather3A_699 = tpu.dynamic_gather %add3A_686[%gather3A_698] in [0] : vector<16xf32>, vector<16xi32> -> vector<16xf32>
      %add3A_700 = arith.addf %add3A_686, %gather3A_699 : vector<16xf32>
      %xor3A_701 = arith.constant 4 : i32
      %xor3A_702 = vector.broadcast %xor3A_701 : i32 to vector<16xi32>
      %xor3A_703 = arith.xori %iota3A, %xor3A_702 : vector<16xi32>
      %lt3A_704 = arith.constant 0 : i32
      %lt3A_705 = vector.broadcast %lt3A_704 : i32 to vector<16xi32>
      %lt3A_706 = arith.cmpi slt, %xor3A_703, %lt3A_705 : vector<16xi32>
      %add3A_707 = arith.constant 16 : i32
      %add3A_708 = vector.broadcast %add3A_707 : i32 to vector<16xi32>
      %add3A_709 = arith.addi %xor3A_703, %add3A_708 : vector<16xi32>
      %select_n3A_710 = arith.select %lt3A_706, %add3A_709, %xor3A_703 : vector<16xi1>, vector<16xi32>
      %broadcast_in_dim3A_711 = vector.shape_cast %select_n3A_710 : vector<16xi32> to vector<16x1xi32>
      %gather3A_712 = vector.shape_cast %broadcast_in_dim3A_711 : vector<16x1xi32> to vector<16xi32>
      %gather3A_713 = tpu.dynamic_gather %add3A_700[%gather3A_712] in [0] : vector<16xf32>, vector<16xi32> -> vector<16xf32>
      %add3A_714 = arith.addf %add3A_700, %gather3A_713 : vector<16xf32>
      %xor3A_715 = arith.constant 2 : i32
      %xor3A_716 = vector.broadcast %xor3A_715 : i32 to vector<16xi32>
      %xor3A_717 = arith.xori %iota3A, %xor3A_716 : vector<16xi32>
      %lt3A_718 = arith.constant 0 : i32
      %lt3A_719 = vector.broadcast %lt3A_718 : i32 to vector<16xi32>
      %lt3A_720 = arith.cmpi slt, %xor3A_717, %lt3A_719 : vector<16xi32>
      %add3A_721 = arith.constant 16 : i32
      %add3A_722 = vector.broadcast %add3A_721 : i32 to vector<16xi32>
      %add3A_723 = arith.addi %xor3A_717, %add3A_722 : vector<16xi32>
      %select_n3A_724 = arith.select %lt3A_720, %add3A_723, %xor3A_717 : vector<16xi1>, vector<16xi32>
      %broadcast_in_dim3A_725 = vector.shape_cast %select_n3A_724 : vector<16xi32> to vector<16x1xi32>
      %gather3A_726 = vector.shape_cast %broadcast_in_dim3A_725 : vector<16x1xi32> to vector<16xi32>
      %gather3A_727 = tpu.dynamic_gather %add3A_714[%gather3A_726] in [0] : vector<16xf32>, vector<16xi32> -> vector<16xf32>
      %add3A_728 = arith.addf %add3A_714, %gather3A_727 : vector<16xf32>
      %xor3A_729 = arith.constant 1 : i32
      %xor3A_730 = vector.broadcast %xor3A_729 : i32 to vector<16xi32>
      %xor3A_731 = arith.xori %iota3A, %xor3A_730 : vector<16xi32>
      %lt3A_732 = arith.constant 0 : i32
      %lt3A_733 = vector.broadcast %lt3A_732 : i32 to vector<16xi32>
      %lt3A_734 = arith.cmpi slt, %xor3A_731, %lt3A_733 : vector<16xi32>
      %add3A_735 = arith.constant 16 : i32
      %add3A_736 = vector.broadcast %add3A_735 : i32 to vector<16xi32>
      %add3A_737 = arith.addi %xor3A_731, %add3A_736 : vector<16xi32>
      %select_n3A_738 = arith.select %lt3A_734, %add3A_737, %xor3A_731 : vector<16xi1>, vector<16xi32>
      %broadcast_in_dim3A_739 = vector.shape_cast %select_n3A_738 : vector<16xi32> to vector<16x1xi32>
      %gather3A_740 = vector.shape_cast %broadcast_in_dim3A_739 : vector<16x1xi32> to vector<16xi32>
      %gather3A_741 = tpu.dynamic_gather %add3A_728[%gather3A_740] in [0] : vector<16xf32>, vector<16xi32> -> vector<16xf32>
      %add3A_742 = arith.addf %add3A_728, %gather3A_741 : vector<16xf32>
      %mul3A_743 = arith.mulf %add3A_680, %get3A_18 : vector<16xf32>
      %mul3A_744 = arith.mulf %add3A_683, %get3A_23 : vector<16xf32>
      %add3A_745 = arith.addf %mul3A_743, %mul3A_744 : vector<16xf32>
      %xor3A_746 = arith.constant 8 : i32
      %xor3A_747 = vector.broadcast %xor3A_746 : i32 to vector<16xi32>
      %xor3A_748 = arith.xori %iota3A, %xor3A_747 : vector<16xi32>
      %lt3A_749 = arith.constant 0 : i32
      %lt3A_750 = vector.broadcast %lt3A_749 : i32 to vector<16xi32>
      %lt3A_751 = arith.cmpi slt, %xor3A_748, %lt3A_750 : vector<16xi32>
      %add3A_752 = arith.constant 16 : i32
      %add3A_753 = vector.broadcast %add3A_752 : i32 to vector<16xi32>
      %add3A_754 = arith.addi %xor3A_748, %add3A_753 : vector<16xi32>
      %select_n3A_755 = arith.select %lt3A_751, %add3A_754, %xor3A_748 : vector<16xi1>, vector<16xi32>
      %broadcast_in_dim3A_756 = vector.shape_cast %select_n3A_755 : vector<16xi32> to vector<16x1xi32>
      %gather3A_757 = vector.shape_cast %broadcast_in_dim3A_756 : vector<16x1xi32> to vector<16xi32>
      %gather3A_758 = tpu.dynamic_gather %add3A_745[%gather3A_757] in [0] : vector<16xf32>, vector<16xi32> -> vector<16xf32>
      %add3A_759 = arith.addf %add3A_745, %gather3A_758 : vector<16xf32>
      %xor3A_760 = arith.constant 4 : i32
      %xor3A_761 = vector.broadcast %xor3A_760 : i32 to vector<16xi32>
      %xor3A_762 = arith.xori %iota3A, %xor3A_761 : vector<16xi32>
      %lt3A_763 = arith.constant 0 : i32
      %lt3A_764 = vector.broadcast %lt3A_763 : i32 to vector<16xi32>
      %lt3A_765 = arith.cmpi slt, %xor3A_762, %lt3A_764 : vector<16xi32>
      %add3A_766 = arith.constant 16 : i32
      %add3A_767 = vector.broadcast %add3A_766 : i32 to vector<16xi32>
      %add3A_768 = arith.addi %xor3A_762, %add3A_767 : vector<16xi32>
      %select_n3A_769 = arith.select %lt3A_765, %add3A_768, %xor3A_762 : vector<16xi1>, vector<16xi32>
      %broadcast_in_dim3A_770 = vector.shape_cast %select_n3A_769 : vector<16xi32> to vector<16x1xi32>
      %gather3A_771 = vector.shape_cast %broadcast_in_dim3A_770 : vector<16x1xi32> to vector<16xi32>
      %gather3A_772 = tpu.dynamic_gather %add3A_759[%gather3A_771] in [0] : vector<16xf32>, vector<16xi32> -> vector<16xf32>
      %add3A_773 = arith.addf %add3A_759, %gather3A_772 : vector<16xf32>
      %xor3A_774 = arith.constant 2 : i32
      %xor3A_775 = vector.broadcast %xor3A_774 : i32 to vector<16xi32>
      %xor3A_776 = arith.xori %iota3A, %xor3A_775 : vector<16xi32>
      %lt3A_777 = arith.constant 0 : i32
      %lt3A_778 = vector.broadcast %lt3A_777 : i32 to vector<16xi32>
      %lt3A_779 = arith.cmpi slt, %xor3A_776, %lt3A_778 : vector<16xi32>
      %add3A_780 = arith.constant 16 : i32
      %add3A_781 = vector.broadcast %add3A_780 : i32 to vector<16xi32>
      %add3A_782 = arith.addi %xor3A_776, %add3A_781 : vector<16xi32>
      %select_n3A_783 = arith.select %lt3A_779, %add3A_782, %xor3A_776 : vector<16xi1>, vector<16xi32>
      %broadcast_in_dim3A_784 = vector.shape_cast %select_n3A_783 : vector<16xi32> to vector<16x1xi32>
      %gather3A_785 = vector.shape_cast %broadcast_in_dim3A_784 : vector<16x1xi32> to vector<16xi32>
      %gather3A_786 = tpu.dynamic_gather %add3A_773[%gather3A_785] in [0] : vector<16xf32>, vector<16xi32> -> vector<16xf32>
      %add3A_787 = arith.addf %add3A_773, %gather3A_786 : vector<16xf32>
      %xor3A_788 = arith.constant 1 : i32
      %xor3A_789 = vector.broadcast %xor3A_788 : i32 to vector<16xi32>
      %xor3A_790 = arith.xori %iota3A, %xor3A_789 : vector<16xi32>
      %lt3A_791 = arith.constant 0 : i32
      %lt3A_792 = vector.broadcast %lt3A_791 : i32 to vector<16xi32>
      %lt3A_793 = arith.cmpi slt, %xor3A_790, %lt3A_792 : vector<16xi32>
      %add3A_794 = arith.constant 16 : i32
      %add3A_795 = vector.broadcast %add3A_794 : i32 to vector<16xi32>
      %add3A_796 = arith.addi %xor3A_790, %add3A_795 : vector<16xi32>
      %select_n3A_797 = arith.select %lt3A_793, %add3A_796, %xor3A_790 : vector<16xi1>, vector<16xi32>
      %broadcast_in_dim3A_798 = vector.shape_cast %select_n3A_797 : vector<16xi32> to vector<16x1xi32>
      %gather3A_799 = vector.shape_cast %broadcast_in_dim3A_798 : vector<16x1xi32> to vector<16xi32>
      %gather3A_800 = tpu.dynamic_gather %add3A_787[%gather3A_799] in [0] : vector<16xf32>, vector<16xi32> -> vector<16xf32>
      %add3A_801 = arith.addf %add3A_787, %gather3A_800 : vector<16xf32>
      %eq3A_802 = arith.constant 0 : i32
      %eq3A_803 = vector.broadcast %eq3A_802 : i32 to vector<16xi32>
      %eq3A_804 = arith.cmpi eq, %iota3A, %eq3A_803 : vector<16xi32>
      %eq3A_805 = arith.constant 1 : i32
      %eq3A_806 = vector.broadcast %eq3A_805 : i32 to vector<16xi32>
      %eq3A_807 = arith.cmpi eq, %iota3A, %eq3A_806 : vector<16xi32>
      %jit3A_808 = arith.constant 0.000000e+00 : f32
      %broadcast_in_dim3A_809 = vector.broadcast %jit3A_808 : f32 to vector<16xf32>
      %select_n3A_810 = arith.select %eq3A_807, %add3A_801, %broadcast_in_dim3A_809 : vector<16xi1>, vector<16xf32>
      %select_n3A_811 = arith.select %eq3A_804, %add3A_742, %select_n3A_810 : vector<16xi1>, vector<16xf32>
      %slice3A_812 = vector.extract_strided_slice %get3A_56 {offsets = [4], sizes = [1], strides = [1]} : vector<16xf32> to vector<1xf32>
      %squeeze3A_813 = vector.extract %slice3A_812[0] : f32 from vector<1xf32>
      %div3A_814 = vector.broadcast %squeeze3A_813 : f32 to vector<16xf32>
      %div3A_815 = arith.divf %select_n3A_811, %div3A_814 : vector<16xf32>
      %add3A_816 = arith.addf %div3A_815, %get3A_26 : vector<16xf32>
      %mul3A_817 = arith.constant 8 : i32
      %mul3A_818 = arith.muli %mul3A_38, %mul3A_817 : i32
      %add3A_819 = arith.constant 4 : i32
      %add3A_820 = arith.addi %mul3A_818, %add3A_819 : i32
      %swap3A_821 = arith.index_cast %add3A_820 : i32 to index
      %swap3A_822 = arith.constant 0 : index
      %swap3A_823 = tpu.vector_load %arg13[%swap3A_821, %swap3A_822] {strides = array<i32>} : memref<512x16xf32, #tpu.memory_space<vmem>>, vector<1x16xf32>,
      %swap3A_824 = vector.shape_cast %swap3A_823 : vector<1x16xf32> to vector<16xf32>
      %swap3A_825 = vector.shape_cast %add3A_816 : vector<16xf32> to vector<1x16xf32>
      tpu.vector_store %arg13[%swap3A_821, %swap3A_822], %swap3A_825 {strides = array<i32>} : memref<512x16xf32, #tpu.memory_space<vmem>>, vector<1x16xf32>,
      %broadcast_in_dim3A_826 = arith.constant 0.000000e+00 : f32
      %broadcast_in_dim3A_827 = vector.broadcast %broadcast_in_dim3A_826 : f32 to vector<16xf32>
      %scan3A_828 = arith.constant 0 : i32
      %scan3A_829 = arith.constant 50 : i32
      %scan3A_830 = arith.addi %scan3A_828, %scan3A_829 : i32
      %scan3A_831 = arith.constant 1 : i32
      %scan3A_832:8 = scf.for %scan3A_2560 = %scan3A_828 to %scan3A_830 step %scan3A_831 iter_args(%scan3A_2561 = %broadcast_in_dim3A_827, %scan3A_2562 = %broadcast_in_dim3A_827, %scan3A_2563 = %broadcast_in_dim3A_827, %scan3A_2564 = %broadcast_in_dim3A_827, %scan3A_2565 = %broadcast_in_dim3A_827, %scan3A_2566 = %broadcast_in_dim3A_827, %scan3A_2567 = %broadcast_in_dim3A_827, %scan3A_2568 = %broadcast_in_dim3A_827) -> (vector<16xf32>, vector<16xf32>, vector<16xf32>, vector<16xf32>, vector<16xf32>, vector<16xf32>, vector<16xf32>, vector<16xf32>)  : i32 {
        %mul3A_2569 = arith.constant 4 : i32
        %mul3A_2570 = arith.muli %scan3A_2560, %mul3A_2569 : i32
        %add3A_2571 = arith.constant 1000 : i32
        %add3A_2572 = arith.addi %add3A_2571, %mul3A_2570 : i32
        %add3A_2573 = arith.constant 0 : i32
        %add3A_2574 = arith.addi %add3A_2572, %add3A_2573 : i32
        %get3A_2575 = arith.index_cast %add3A_2574 : i32 to index
        %get3A_2576 = arith.constant 0 : index
        %get3A_2577 = tpu.vector_load %arg10[%get3A_2575, %get3A_2576] {strides = array<i32>} : memref<1600x32xf32, #tpu.memory_space<vmem>>, vector<1x16xf32>,
        %get3A_2578 = vector.shape_cast %get3A_2577 : vector<1x16xf32> to vector<16xf32>
        %add3A_2579 = arith.addf %scan3A_2561, %get3A_2578 : vector<16xf32>
        %add3A_2580 = arith.constant 1 : i32
        %add3A_2581 = arith.addi %add3A_2572, %add3A_2580 : i32
        %get3A_2582 = arith.index_cast %add3A_2581 : i32 to index
        %get3A_2583 = arith.constant 0 : index
        %get3A_2584 = tpu.vector_load %arg10[%get3A_2582, %get3A_2583] {strides = array<i32>} : memref<1600x32xf32, #tpu.memory_space<vmem>>, vector<1x16xf32>,
        %get3A_2585 = vector.shape_cast %get3A_2584 : vector<1x16xf32> to vector<16xf32>
        %add3A_2586 = arith.addf %scan3A_2562, %get3A_2585 : vector<16xf32>
        %add3A_2587 = arith.constant 2 : i32
        %add3A_2588 = arith.addi %add3A_2572, %add3A_2587 : i32
        %get3A_2589 = arith.index_cast %add3A_2588 : i32 to index
        %get3A_2590 = arith.constant 0 : index
        %get3A_2591 = tpu.vector_load %arg10[%get3A_2589, %get3A_2590] {strides = array<i32>} : memref<1600x32xf32, #tpu.memory_space<vmem>>, vector<1x16xf32>,
        %get3A_2592 = vector.shape_cast %get3A_2591 : vector<1x16xf32> to vector<16xf32>
        %add3A_2593 = arith.addf %scan3A_2563, %get3A_2592 : vector<16xf32>
        %add3A_2594 = arith.constant 3 : i32
        %add3A_2595 = arith.addi %add3A_2572, %add3A_2594 : i32
        %get3A_2596 = arith.index_cast %add3A_2595 : i32 to index
        %get3A_2597 = arith.constant 0 : index
        %get3A_2598 = tpu.vector_load %arg10[%get3A_2596, %get3A_2597] {strides = array<i32>} : memref<1600x32xf32, #tpu.memory_space<vmem>>, vector<1x16xf32>,
        %get3A_2599 = vector.shape_cast %get3A_2598 : vector<1x16xf32> to vector<16xf32>
        %add3A_2600 = arith.addf %scan3A_2564, %get3A_2599 : vector<16xf32>
        %add3A_2601 = arith.constant 0 : i32
        %add3A_2602 = arith.addi %add3A_2572, %add3A_2601 : i32
        %get3A_2603 = arith.index_cast %add3A_2602 : i32 to index
        %get3A_2604 = arith.constant 16 : index
        %get3A_2605 = tpu.vector_load %arg10[%get3A_2603, %get3A_2604] {strides = array<i32>} : memref<1600x32xf32, #tpu.memory_space<vmem>>, vector<1x16xf32>,
        %get3A_2606 = vector.shape_cast %get3A_2605 : vector<1x16xf32> to vector<16xf32>
        %add3A_2607 = arith.addf %scan3A_2565, %get3A_2606 : vector<16xf32>
        %add3A_2608 = arith.constant 1 : i32
        %add3A_2609 = arith.addi %add3A_2572, %add3A_2608 : i32
        %get3A_2610 = arith.index_cast %add3A_2609 : i32 to index
        %get3A_2611 = arith.constant 16 : index
        %get3A_2612 = tpu.vector_load %arg10[%get3A_2610, %get3A_2611] {strides = array<i32>} : memref<1600x32xf32, #tpu.memory_space<vmem>>, vector<1x16xf32>,
        %get3A_2613 = vector.shape_cast %get3A_2612 : vector<1x16xf32> to vector<16xf32>
        %add3A_2614 = arith.addf %scan3A_2566, %get3A_2613 : vector<16xf32>
        %add3A_2615 = arith.constant 2 : i32
        %add3A_2616 = arith.addi %add3A_2572, %add3A_2615 : i32
        %get3A_2617 = arith.index_cast %add3A_2616 : i32 to index
        %get3A_2618 = arith.constant 16 : index
        %get3A_2619 = tpu.vector_load %arg10[%get3A_2617, %get3A_2618] {strides = array<i32>} : memref<1600x32xf32, #tpu.memory_space<vmem>>, vector<1x16xf32>,
        %get3A_2620 = vector.shape_cast %get3A_2619 : vector<1x16xf32> to vector<16xf32>
        %add3A_2621 = arith.addf %scan3A_2567, %get3A_2620 : vector<16xf32>
        %add3A_2622 = arith.constant 3 : i32
        %add3A_2623 = arith.addi %add3A_2572, %add3A_2622 : i32
        %get3A_2624 = arith.index_cast %add3A_2623 : i32 to index
        %get3A_2625 = arith.constant 16 : index
        %get3A_2626 = tpu.vector_load %arg10[%get3A_2624, %get3A_2625] {strides = array<i32>} : memref<1600x32xf32, #tpu.memory_space<vmem>>, vector<1x16xf32>,
        %get3A_2627 = vector.shape_cast %get3A_2626 : vector<1x16xf32> to vector<16xf32>
        %add3A_2628 = arith.addf %scan3A_2568, %get3A_2627 : vector<16xf32>
        scf.yield %add3A_2579, %add3A_2586, %add3A_2593, %add3A_2600, %add3A_2607, %add3A_2614, %add3A_2621, %add3A_2628 : vector<16xf32>, vector<16xf32>, vector<16xf32>, vector<16xf32>, vector<16xf32>, vector<16xf32>, vector<16xf32>, vector<16xf32>
      }
      %scan3A_833 = arith.constant 50 : i32
      %add3A_834 = arith.addf %scan3A_832#0, %scan3A_832#1 : vector<16xf32>
      %add3A_835 = arith.addf %scan3A_832#2, %scan3A_832#3 : vector<16xf32>
      %add3A_836 = arith.addf %add3A_834, %add3A_835 : vector<16xf32>
      %add3A_837 = arith.addf %scan3A_832#4, %scan3A_832#5 : vector<16xf32>
      %add3A_838 = arith.addf %scan3A_832#6, %scan3A_832#7 : vector<16xf32>
      %add3A_839 = arith.addf %add3A_837, %add3A_838 : vector<16xf32>
      %mul3A_840 = arith.mulf %add3A_836, %get3A_8 : vector<16xf32>
      %mul3A_841 = arith.mulf %add3A_839, %get3A_13 : vector<16xf32>
      %add3A_842 = arith.addf %mul3A_840, %mul3A_841 : vector<16xf32>
      %xor3A_843 = arith.constant 8 : i32
      %xor3A_844 = vector.broadcast %xor3A_843 : i32 to vector<16xi32>
      %xor3A_845 = arith.xori %iota3A, %xor3A_844 : vector<16xi32>
      %lt3A_846 = arith.constant 0 : i32
      %lt3A_847 = vector.broadcast %lt3A_846 : i32 to vector<16xi32>
      %lt3A_848 = arith.cmpi slt, %xor3A_845, %lt3A_847 : vector<16xi32>
      %add3A_849 = arith.constant 16 : i32
      %add3A_850 = vector.broadcast %add3A_849 : i32 to vector<16xi32>
      %add3A_851 = arith.addi %xor3A_845, %add3A_850 : vector<16xi32>
      %select_n3A_852 = arith.select %lt3A_848, %add3A_851, %xor3A_845 : vector<16xi1>, vector<16xi32>
      %broadcast_in_dim3A_853 = vector.shape_cast %select_n3A_852 : vector<16xi32> to vector<16x1xi32>
      %gather3A_854 = vector.shape_cast %broadcast_in_dim3A_853 : vector<16x1xi32> to vector<16xi32>
      %gather3A_855 = tpu.dynamic_gather %add3A_842[%gather3A_854] in [0] : vector<16xf32>, vector<16xi32> -> vector<16xf32>
      %add3A_856 = arith.addf %add3A_842, %gather3A_855 : vector<16xf32>
      %xor3A_857 = arith.constant 4 : i32
      %xor3A_858 = vector.broadcast %xor3A_857 : i32 to vector<16xi32>
      %xor3A_859 = arith.xori %iota3A, %xor3A_858 : vector<16xi32>
      %lt3A_860 = arith.constant 0 : i32
      %lt3A_861 = vector.broadcast %lt3A_860 : i32 to vector<16xi32>
      %lt3A_862 = arith.cmpi slt, %xor3A_859, %lt3A_861 : vector<16xi32>
      %add3A_863 = arith.constant 16 : i32
      %add3A_864 = vector.broadcast %add3A_863 : i32 to vector<16xi32>
      %add3A_865 = arith.addi %xor3A_859, %add3A_864 : vector<16xi32>
      %select_n3A_866 = arith.select %lt3A_862, %add3A_865, %xor3A_859 : vector<16xi1>, vector<16xi32>
      %broadcast_in_dim3A_867 = vector.shape_cast %select_n3A_866 : vector<16xi32> to vector<16x1xi32>
      %gather3A_868 = vector.shape_cast %broadcast_in_dim3A_867 : vector<16x1xi32> to vector<16xi32>
      %gather3A_869 = tpu.dynamic_gather %add3A_856[%gather3A_868] in [0] : vector<16xf32>, vector<16xi32> -> vector<16xf32>
      %add3A_870 = arith.addf %add3A_856, %gather3A_869 : vector<16xf32>
      %xor3A_871 = arith.constant 2 : i32
      %xor3A_872 = vector.broadcast %xor3A_871 : i32 to vector<16xi32>
      %xor3A_873 = arith.xori %iota3A, %xor3A_872 : vector<16xi32>
      %lt3A_874 = arith.constant 0 : i32
      %lt3A_875 = vector.broadcast %lt3A_874 : i32 to vector<16xi32>
      %lt3A_876 = arith.cmpi slt, %xor3A_873, %lt3A_875 : vector<16xi32>
      %add3A_877 = arith.constant 16 : i32
      %add3A_878 = vector.broadcast %add3A_877 : i32 to vector<16xi32>
      %add3A_879 = arith.addi %xor3A_873, %add3A_878 : vector<16xi32>
      %select_n3A_880 = arith.select %lt3A_876, %add3A_879, %xor3A_873 : vector<16xi1>, vector<16xi32>
      %broadcast_in_dim3A_881 = vector.shape_cast %select_n3A_880 : vector<16xi32> to vector<16x1xi32>
      %gather3A_882 = vector.shape_cast %broadcast_in_dim3A_881 : vector<16x1xi32> to vector<16xi32>
      %gather3A_883 = tpu.dynamic_gather %add3A_870[%gather3A_882] in [0] : vector<16xf32>, vector<16xi32> -> vector<16xf32>
      %add3A_884 = arith.addf %add3A_870, %gather3A_883 : vector<16xf32>
      %xor3A_885 = arith.constant 1 : i32
      %xor3A_886 = vector.broadcast %xor3A_885 : i32 to vector<16xi32>
      %xor3A_887 = arith.xori %iota3A, %xor3A_886 : vector<16xi32>
      %lt3A_888 = arith.constant 0 : i32
      %lt3A_889 = vector.broadcast %lt3A_888 : i32 to vector<16xi32>
      %lt3A_890 = arith.cmpi slt, %xor3A_887, %lt3A_889 : vector<16xi32>
      %add3A_891 = arith.constant 16 : i32
      %add3A_892 = vector.broadcast %add3A_891 : i32 to vector<16xi32>
      %add3A_893 = arith.addi %xor3A_887, %add3A_892 : vector<16xi32>
      %select_n3A_894 = arith.select %lt3A_890, %add3A_893, %xor3A_887 : vector<16xi1>, vector<16xi32>
      %broadcast_in_dim3A_895 = vector.shape_cast %select_n3A_894 : vector<16xi32> to vector<16x1xi32>
      %gather3A_896 = vector.shape_cast %broadcast_in_dim3A_895 : vector<16x1xi32> to vector<16xi32>
      %gather3A_897 = tpu.dynamic_gather %add3A_884[%gather3A_896] in [0] : vector<16xf32>, vector<16xi32> -> vector<16xf32>
      %add3A_898 = arith.addf %add3A_884, %gather3A_897 : vector<16xf32>
      %mul3A_899 = arith.mulf %add3A_836, %get3A_18 : vector<16xf32>
      %mul3A_900 = arith.mulf %add3A_839, %get3A_23 : vector<16xf32>
      %add3A_901 = arith.addf %mul3A_899, %mul3A_900 : vector<16xf32>
      %xor3A_902 = arith.constant 8 : i32
      %xor3A_903 = vector.broadcast %xor3A_902 : i32 to vector<16xi32>
      %xor3A_904 = arith.xori %iota3A, %xor3A_903 : vector<16xi32>
      %lt3A_905 = arith.constant 0 : i32
      %lt3A_906 = vector.broadcast %lt3A_905 : i32 to vector<16xi32>
      %lt3A_907 = arith.cmpi slt, %xor3A_904, %lt3A_906 : vector<16xi32>
      %add3A_908 = arith.constant 16 : i32
      %add3A_909 = vector.broadcast %add3A_908 : i32 to vector<16xi32>
      %add3A_910 = arith.addi %xor3A_904, %add3A_909 : vector<16xi32>
      %select_n3A_911 = arith.select %lt3A_907, %add3A_910, %xor3A_904 : vector<16xi1>, vector<16xi32>
      %broadcast_in_dim3A_912 = vector.shape_cast %select_n3A_911 : vector<16xi32> to vector<16x1xi32>
      %gather3A_913 = vector.shape_cast %broadcast_in_dim3A_912 : vector<16x1xi32> to vector<16xi32>
      %gather3A_914 = tpu.dynamic_gather %add3A_901[%gather3A_913] in [0] : vector<16xf32>, vector<16xi32> -> vector<16xf32>
      %add3A_915 = arith.addf %add3A_901, %gather3A_914 : vector<16xf32>
      %xor3A_916 = arith.constant 4 : i32
      %xor3A_917 = vector.broadcast %xor3A_916 : i32 to vector<16xi32>
      %xor3A_918 = arith.xori %iota3A, %xor3A_917 : vector<16xi32>
      %lt3A_919 = arith.constant 0 : i32
      %lt3A_920 = vector.broadcast %lt3A_919 : i32 to vector<16xi32>
      %lt3A_921 = arith.cmpi slt, %xor3A_918, %lt3A_920 : vector<16xi32>
      %add3A_922 = arith.constant 16 : i32
      %add3A_923 = vector.broadcast %add3A_922 : i32 to vector<16xi32>
      %add3A_924 = arith.addi %xor3A_918, %add3A_923 : vector<16xi32>
      %select_n3A_925 = arith.select %lt3A_921, %add3A_924, %xor3A_918 : vector<16xi1>, vector<16xi32>
      %broadcast_in_dim3A_926 = vector.shape_cast %select_n3A_925 : vector<16xi32> to vector<16x1xi32>
      %gather3A_927 = vector.shape_cast %broadcast_in_dim3A_926 : vector<16x1xi32> to vector<16xi32>
      %gather3A_928 = tpu.dynamic_gather %add3A_915[%gather3A_927] in [0] : vector<16xf32>, vector<16xi32> -> vector<16xf32>
      %add3A_929 = arith.addf %add3A_915, %gather3A_928 : vector<16xf32>
      %xor3A_930 = arith.constant 2 : i32
      %xor3A_931 = vector.broadcast %xor3A_930 : i32 to vector<16xi32>
      %xor3A_932 = arith.xori %iota3A, %xor3A_931 : vector<16xi32>
      %lt3A_933 = arith.constant 0 : i32
      %lt3A_934 = vector.broadcast %lt3A_933 : i32 to vector<16xi32>
      %lt3A_935 = arith.cmpi slt, %xor3A_932, %lt3A_934 : vector<16xi32>
      %add3A_936 = arith.constant 16 : i32
      %add3A_937 = vector.broadcast %add3A_936 : i32 to vector<16xi32>
      %add3A_938 = arith.addi %xor3A_932, %add3A_937 : vector<16xi32>
      %select_n3A_939 = arith.select %lt3A_935, %add3A_938, %xor3A_932 : vector<16xi1>, vector<16xi32>
      %broadcast_in_dim3A_940 = vector.shape_cast %select_n3A_939 : vector<16xi32> to vector<16x1xi32>
      %gather3A_941 = vector.shape_cast %broadcast_in_dim3A_940 : vector<16x1xi32> to vector<16xi32>
      %gather3A_942 = tpu.dynamic_gather %add3A_929[%gather3A_941] in [0] : vector<16xf32>, vector<16xi32> -> vector<16xf32>
      %add3A_943 = arith.addf %add3A_929, %gather3A_942 : vector<16xf32>
      %xor3A_944 = arith.constant 1 : i32
      %xor3A_945 = vector.broadcast %xor3A_944 : i32 to vector<16xi32>
      %xor3A_946 = arith.xori %iota3A, %xor3A_945 : vector<16xi32>
      %lt3A_947 = arith.constant 0 : i32
      %lt3A_948 = vector.broadcast %lt3A_947 : i32 to vector<16xi32>
      %lt3A_949 = arith.cmpi slt, %xor3A_946, %lt3A_948 : vector<16xi32>
      %add3A_950 = arith.constant 16 : i32
      %add3A_951 = vector.broadcast %add3A_950 : i32 to vector<16xi32>
      %add3A_952 = arith.addi %xor3A_946, %add3A_951 : vector<16xi32>
      %select_n3A_953 = arith.select %lt3A_949, %add3A_952, %xor3A_946 : vector<16xi1>, vector<16xi32>
      %broadcast_in_dim3A_954 = vector.shape_cast %select_n3A_953 : vector<16xi32> to vector<16x1xi32>
      %gather3A_955 = vector.shape_cast %broadcast_in_dim3A_954 : vector<16x1xi32> to vector<16xi32>
      %gather3A_956 = tpu.dynamic_gather %add3A_943[%gather3A_955] in [0] : vector<16xf32>, vector<16xi32> -> vector<16xf32>
      %add3A_957 = arith.addf %add3A_943, %gather3A_956 : vector<16xf32>
      %eq3A_958 = arith.constant 0 : i32
      %eq3A_959 = vector.broadcast %eq3A_958 : i32 to vector<16xi32>
      %eq3A_960 = arith.cmpi eq, %iota3A, %eq3A_959 : vector<16xi32>
      %eq3A_961 = arith.constant 1 : i32
      %eq3A_962 = vector.broadcast %eq3A_961 : i32 to vector<16xi32>
      %eq3A_963 = arith.cmpi eq, %iota3A, %eq3A_962 : vector<16xi32>
      %jit3A_964 = arith.constant 0.000000e+00 : f32
      %broadcast_in_dim3A_965 = vector.broadcast %jit3A_964 : f32 to vector<16xf32>
      %select_n3A_966 = arith.select %eq3A_963, %add3A_957, %broadcast_in_dim3A_965 : vector<16xi1>, vector<16xf32>
      %select_n3A_967 = arith.select %eq3A_960, %add3A_898, %select_n3A_966 : vector<16xi1>, vector<16xf32>
      %slice3A_968 = vector.extract_strided_slice %get3A_56 {offsets = [5], sizes = [1], strides = [1]} : vector<16xf32> to vector<1xf32>
      %squeeze3A_969 = vector.extract %slice3A_968[0] : f32 from vector<1xf32>
      %div3A_970 = vector.broadcast %squeeze3A_969 : f32 to vector<16xf32>
      %div3A_971 = arith.divf %select_n3A_967, %div3A_970 : vector<16xf32>
      %add3A_972 = arith.addf %div3A_971, %get3A_26 : vector<16xf32>
      %mul3A_973 = arith.constant 8 : i32
      %mul3A_974 = arith.muli %mul3A_38, %mul3A_973 : i32
      %add3A_975 = arith.constant 5 : i32
      %add3A_976 = arith.addi %mul3A_974, %add3A_975 : i32
      %swap3A_977 = arith.index_cast %add3A_976 : i32 to index
      %swap3A_978 = arith.constant 0 : index
      %swap3A_979 = tpu.vector_load %arg13[%swap3A_977, %swap3A_978] {strides = array<i32>} : memref<512x16xf32, #tpu.memory_space<vmem>>, vector<1x16xf32>,
      %swap3A_980 = vector.shape_cast %swap3A_979 : vector<1x16xf32> to vector<16xf32>
      %swap3A_981 = vector.shape_cast %add3A_972 : vector<16xf32> to vector<1x16xf32>
      tpu.vector_store %arg13[%swap3A_977, %swap3A_978], %swap3A_981 {strides = array<i32>} : memref<512x16xf32, #tpu.memory_space<vmem>>, vector<1x16xf32>,
      %broadcast_in_dim3A_982 = arith.constant 0.000000e+00 : f32
      %broadcast_in_dim3A_983 = vector.broadcast %broadcast_in_dim3A_982 : f32 to vector<16xf32>
      %scan3A_984 = arith.constant 0 : i32
      %scan3A_985 = arith.constant 50 : i32
      %scan3A_986 = arith.addi %scan3A_984, %scan3A_985 : i32
      %scan3A_987 = arith.constant 1 : i32
      %scan3A_988:8 = scf.for %scan3A_2560 = %scan3A_984 to %scan3A_986 step %scan3A_987 iter_args(%scan3A_2561 = %broadcast_in_dim3A_983, %scan3A_2562 = %broadcast_in_dim3A_983, %scan3A_2563 = %broadcast_in_dim3A_983, %scan3A_2564 = %broadcast_in_dim3A_983, %scan3A_2565 = %broadcast_in_dim3A_983, %scan3A_2566 = %broadcast_in_dim3A_983, %scan3A_2567 = %broadcast_in_dim3A_983, %scan3A_2568 = %broadcast_in_dim3A_983) -> (vector<16xf32>, vector<16xf32>, vector<16xf32>, vector<16xf32>, vector<16xf32>, vector<16xf32>, vector<16xf32>, vector<16xf32>)  : i32 {
        %mul3A_2569 = arith.constant 4 : i32
        %mul3A_2570 = arith.muli %scan3A_2560, %mul3A_2569 : i32
        %add3A_2571 = arith.constant 1200 : i32
        %add3A_2572 = arith.addi %add3A_2571, %mul3A_2570 : i32
        %add3A_2573 = arith.constant 0 : i32
        %add3A_2574 = arith.addi %add3A_2572, %add3A_2573 : i32
        %get3A_2575 = arith.index_cast %add3A_2574 : i32 to index
        %get3A_2576 = arith.constant 0 : index
        %get3A_2577 = tpu.vector_load %arg10[%get3A_2575, %get3A_2576] {strides = array<i32>} : memref<1600x32xf32, #tpu.memory_space<vmem>>, vector<1x16xf32>,
        %get3A_2578 = vector.shape_cast %get3A_2577 : vector<1x16xf32> to vector<16xf32>
        %add3A_2579 = arith.addf %scan3A_2561, %get3A_2578 : vector<16xf32>
        %add3A_2580 = arith.constant 1 : i32
        %add3A_2581 = arith.addi %add3A_2572, %add3A_2580 : i32
        %get3A_2582 = arith.index_cast %add3A_2581 : i32 to index
        %get3A_2583 = arith.constant 0 : index
        %get3A_2584 = tpu.vector_load %arg10[%get3A_2582, %get3A_2583] {strides = array<i32>} : memref<1600x32xf32, #tpu.memory_space<vmem>>, vector<1x16xf32>,
        %get3A_2585 = vector.shape_cast %get3A_2584 : vector<1x16xf32> to vector<16xf32>
        %add3A_2586 = arith.addf %scan3A_2562, %get3A_2585 : vector<16xf32>
        %add3A_2587 = arith.constant 2 : i32
        %add3A_2588 = arith.addi %add3A_2572, %add3A_2587 : i32
        %get3A_2589 = arith.index_cast %add3A_2588 : i32 to index
        %get3A_2590 = arith.constant 0 : index
        %get3A_2591 = tpu.vector_load %arg10[%get3A_2589, %get3A_2590] {strides = array<i32>} : memref<1600x32xf32, #tpu.memory_space<vmem>>, vector<1x16xf32>,
        %get3A_2592 = vector.shape_cast %get3A_2591 : vector<1x16xf32> to vector<16xf32>
        %add3A_2593 = arith.addf %scan3A_2563, %get3A_2592 : vector<16xf32>
        %add3A_2594 = arith.constant 3 : i32
        %add3A_2595 = arith.addi %add3A_2572, %add3A_2594 : i32
        %get3A_2596 = arith.index_cast %add3A_2595 : i32 to index
        %get3A_2597 = arith.constant 0 : index
        %get3A_2598 = tpu.vector_load %arg10[%get3A_2596, %get3A_2597] {strides = array<i32>} : memref<1600x32xf32, #tpu.memory_space<vmem>>, vector<1x16xf32>,
        %get3A_2599 = vector.shape_cast %get3A_2598 : vector<1x16xf32> to vector<16xf32>
        %add3A_2600 = arith.addf %scan3A_2564, %get3A_2599 : vector<16xf32>
        %add3A_2601 = arith.constant 0 : i32
        %add3A_2602 = arith.addi %add3A_2572, %add3A_2601 : i32
        %get3A_2603 = arith.index_cast %add3A_2602 : i32 to index
        %get3A_2604 = arith.constant 16 : index
        %get3A_2605 = tpu.vector_load %arg10[%get3A_2603, %get3A_2604] {strides = array<i32>} : memref<1600x32xf32, #tpu.memory_space<vmem>>, vector<1x16xf32>,
        %get3A_2606 = vector.shape_cast %get3A_2605 : vector<1x16xf32> to vector<16xf32>
        %add3A_2607 = arith.addf %scan3A_2565, %get3A_2606 : vector<16xf32>
        %add3A_2608 = arith.constant 1 : i32
        %add3A_2609 = arith.addi %add3A_2572, %add3A_2608 : i32
        %get3A_2610 = arith.index_cast %add3A_2609 : i32 to index
        %get3A_2611 = arith.constant 16 : index
        %get3A_2612 = tpu.vector_load %arg10[%get3A_2610, %get3A_2611] {strides = array<i32>} : memref<1600x32xf32, #tpu.memory_space<vmem>>, vector<1x16xf32>,
        %get3A_2613 = vector.shape_cast %get3A_2612 : vector<1x16xf32> to vector<16xf32>
        %add3A_2614 = arith.addf %scan3A_2566, %get3A_2613 : vector<16xf32>
        %add3A_2615 = arith.constant 2 : i32
        %add3A_2616 = arith.addi %add3A_2572, %add3A_2615 : i32
        %get3A_2617 = arith.index_cast %add3A_2616 : i32 to index
        %get3A_2618 = arith.constant 16 : index
        %get3A_2619 = tpu.vector_load %arg10[%get3A_2617, %get3A_2618] {strides = array<i32>} : memref<1600x32xf32, #tpu.memory_space<vmem>>, vector<1x16xf32>,
        %get3A_2620 = vector.shape_cast %get3A_2619 : vector<1x16xf32> to vector<16xf32>
        %add3A_2621 = arith.addf %scan3A_2567, %get3A_2620 : vector<16xf32>
        %add3A_2622 = arith.constant 3 : i32
        %add3A_2623 = arith.addi %add3A_2572, %add3A_2622 : i32
        %get3A_2624 = arith.index_cast %add3A_2623 : i32 to index
        %get3A_2625 = arith.constant 16 : index
        %get3A_2626 = tpu.vector_load %arg10[%get3A_2624, %get3A_2625] {strides = array<i32>} : memref<1600x32xf32, #tpu.memory_space<vmem>>, vector<1x16xf32>,
        %get3A_2627 = vector.shape_cast %get3A_2626 : vector<1x16xf32> to vector<16xf32>
        %add3A_2628 = arith.addf %scan3A_2568, %get3A_2627 : vector<16xf32>
        scf.yield %add3A_2579, %add3A_2586, %add3A_2593, %add3A_2600, %add3A_2607, %add3A_2614, %add3A_2621, %add3A_2628 : vector<16xf32>, vector<16xf32>, vector<16xf32>, vector<16xf32>, vector<16xf32>, vector<16xf32>, vector<16xf32>, vector<16xf32>
      }
      %scan3A_989 = arith.constant 50 : i32
      %add3A_990 = arith.addf %scan3A_988#0, %scan3A_988#1 : vector<16xf32>
      %add3A_991 = arith.addf %scan3A_988#2, %scan3A_988#3 : vector<16xf32>
      %add3A_992 = arith.addf %add3A_990, %add3A_991 : vector<16xf32>
      %add3A_993 = arith.addf %scan3A_988#4, %scan3A_988#5 : vector<16xf32>
      %add3A_994 = arith.addf %scan3A_988#6, %scan3A_988#7 : vector<16xf32>
      %add3A_995 = arith.addf %add3A_993, %add3A_994 : vector<16xf32>
      %mul3A_996 = arith.mulf %add3A_992, %get3A_8 : vector<16xf32>
      %mul3A_997 = arith.mulf %add3A_995, %get3A_13 : vector<16xf32>
      %add3A_998 = arith.addf %mul3A_996, %mul3A_997 : vector<16xf32>
      %xor3A_999 = arith.constant 8 : i32
      %xor3A_1000 = vector.broadcast %xor3A_999 : i32 to vector<16xi32>
      %xor3A_1001 = arith.xori %iota3A, %xor3A_1000 : vector<16xi32>
      %lt3A_1002 = arith.constant 0 : i32
      %lt3A_1003 = vector.broadcast %lt3A_1002 : i32 to vector<16xi32>
      %lt3A_1004 = arith.cmpi slt, %xor3A_1001, %lt3A_1003 : vector<16xi32>
      %add3A_1005 = arith.constant 16 : i32
      %add3A_1006 = vector.broadcast %add3A_1005 : i32 to vector<16xi32>
      %add3A_1007 = arith.addi %xor3A_1001, %add3A_1006 : vector<16xi32>
      %select_n3A_1008 = arith.select %lt3A_1004, %add3A_1007, %xor3A_1001 : vector<16xi1>, vector<16xi32>
      %broadcast_in_dim3A_1009 = vector.shape_cast %select_n3A_1008 : vector<16xi32> to vector<16x1xi32>
      %gather3A_1010 = vector.shape_cast %broadcast_in_dim3A_1009 : vector<16x1xi32> to vector<16xi32>
      %gather3A_1011 = tpu.dynamic_gather %add3A_998[%gather3A_1010] in [0] : vector<16xf32>, vector<16xi32> -> vector<16xf32>
      %add3A_1012 = arith.addf %add3A_998, %gather3A_1011 : vector<16xf32>
      %xor3A_1013 = arith.constant 4 : i32
      %xor3A_1014 = vector.broadcast %xor3A_1013 : i32 to vector<16xi32>
      %xor3A_1015 = arith.xori %iota3A, %xor3A_1014 : vector<16xi32>
      %lt3A_1016 = arith.constant 0 : i32
      %lt3A_1017 = vector.broadcast %lt3A_1016 : i32 to vector<16xi32>
      %lt3A_1018 = arith.cmpi slt, %xor3A_1015, %lt3A_1017 : vector<16xi32>
      %add3A_1019 = arith.constant 16 : i32
      %add3A_1020 = vector.broadcast %add3A_1019 : i32 to vector<16xi32>
      %add3A_1021 = arith.addi %xor3A_1015, %add3A_1020 : vector<16xi32>
      %select_n3A_1022 = arith.select %lt3A_1018, %add3A_1021, %xor3A_1015 : vector<16xi1>, vector<16xi32>
      %broadcast_in_dim3A_1023 = vector.shape_cast %select_n3A_1022 : vector<16xi32> to vector<16x1xi32>
      %gather3A_1024 = vector.shape_cast %broadcast_in_dim3A_1023 : vector<16x1xi32> to vector<16xi32>
      %gather3A_1025 = tpu.dynamic_gather %add3A_1012[%gather3A_1024] in [0] : vector<16xf32>, vector<16xi32> -> vector<16xf32>
      %add3A_1026 = arith.addf %add3A_1012, %gather3A_1025 : vector<16xf32>
      %xor3A_1027 = arith.constant 2 : i32
      %xor3A_1028 = vector.broadcast %xor3A_1027 : i32 to vector<16xi32>
      %xor3A_1029 = arith.xori %iota3A, %xor3A_1028 : vector<16xi32>
      %lt3A_1030 = arith.constant 0 : i32
      %lt3A_1031 = vector.broadcast %lt3A_1030 : i32 to vector<16xi32>
      %lt3A_1032 = arith.cmpi slt, %xor3A_1029, %lt3A_1031 : vector<16xi32>
      %add3A_1033 = arith.constant 16 : i32
      %add3A_1034 = vector.broadcast %add3A_1033 : i32 to vector<16xi32>
      %add3A_1035 = arith.addi %xor3A_1029, %add3A_1034 : vector<16xi32>
      %select_n3A_1036 = arith.select %lt3A_1032, %add3A_1035, %xor3A_1029 : vector<16xi1>, vector<16xi32>
      %broadcast_in_dim3A_1037 = vector.shape_cast %select_n3A_1036 : vector<16xi32> to vector<16x1xi32>
      %gather3A_1038 = vector.shape_cast %broadcast_in_dim3A_1037 : vector<16x1xi32> to vector<16xi32>
      %gather3A_1039 = tpu.dynamic_gather %add3A_1026[%gather3A_1038] in [0] : vector<16xf32>, vector<16xi32> -> vector<16xf32>
      %add3A_1040 = arith.addf %add3A_1026, %gather3A_1039 : vector<16xf32>
      %xor3A_1041 = arith.constant 1 : i32
      %xor3A_1042 = vector.broadcast %xor3A_1041 : i32 to vector<16xi32>
      %xor3A_1043 = arith.xori %iota3A, %xor3A_1042 : vector<16xi32>
      %lt3A_1044 = arith.constant 0 : i32
      %lt3A_1045 = vector.broadcast %lt3A_1044 : i32 to vector<16xi32>
      %lt3A_1046 = arith.cmpi slt, %xor3A_1043, %lt3A_1045 : vector<16xi32>
      %add3A_1047 = arith.constant 16 : i32
      %add3A_1048 = vector.broadcast %add3A_1047 : i32 to vector<16xi32>
      %add3A_1049 = arith.addi %xor3A_1043, %add3A_1048 : vector<16xi32>
      %select_n3A_1050 = arith.select %lt3A_1046, %add3A_1049, %xor3A_1043 : vector<16xi1>, vector<16xi32>
      %broadcast_in_dim3A_1051 = vector.shape_cast %select_n3A_1050 : vector<16xi32> to vector<16x1xi32>
      %gather3A_1052 = vector.shape_cast %broadcast_in_dim3A_1051 : vector<16x1xi32> to vector<16xi32>
      %gather3A_1053 = tpu.dynamic_gather %add3A_1040[%gather3A_1052] in [0] : vector<16xf32>, vector<16xi32> -> vector<16xf32>
      %add3A_1054 = arith.addf %add3A_1040, %gather3A_1053 : vector<16xf32>
      %mul3A_1055 = arith.mulf %add3A_992, %get3A_18 : vector<16xf32>
      %mul3A_1056 = arith.mulf %add3A_995, %get3A_23 : vector<16xf32>
      %add3A_1057 = arith.addf %mul3A_1055, %mul3A_1056 : vector<16xf32>
      %xor3A_1058 = arith.constant 8 : i32
      %xor3A_1059 = vector.broadcast %xor3A_1058 : i32 to vector<16xi32>
      %xor3A_1060 = arith.xori %iota3A, %xor3A_1059 : vector<16xi32>
      %lt3A_1061 = arith.constant 0 : i32
      %lt3A_1062 = vector.broadcast %lt3A_1061 : i32 to vector<16xi32>
      %lt3A_1063 = arith.cmpi slt, %xor3A_1060, %lt3A_1062 : vector<16xi32>
      %add3A_1064 = arith.constant 16 : i32
      %add3A_1065 = vector.broadcast %add3A_1064 : i32 to vector<16xi32>
      %add3A_1066 = arith.addi %xor3A_1060, %add3A_1065 : vector<16xi32>
      %select_n3A_1067 = arith.select %lt3A_1063, %add3A_1066, %xor3A_1060 : vector<16xi1>, vector<16xi32>
      %broadcast_in_dim3A_1068 = vector.shape_cast %select_n3A_1067 : vector<16xi32> to vector<16x1xi32>
      %gather3A_1069 = vector.shape_cast %broadcast_in_dim3A_1068 : vector<16x1xi32> to vector<16xi32>
      %gather3A_1070 = tpu.dynamic_gather %add3A_1057[%gather3A_1069] in [0] : vector<16xf32>, vector<16xi32> -> vector<16xf32>
      %add3A_1071 = arith.addf %add3A_1057, %gather3A_1070 : vector<16xf32>
      %xor3A_1072 = arith.constant 4 : i32
      %xor3A_1073 = vector.broadcast %xor3A_1072 : i32 to vector<16xi32>
      %xor3A_1074 = arith.xori %iota3A, %xor3A_1073 : vector<16xi32>
      %lt3A_1075 = arith.constant 0 : i32
      %lt3A_1076 = vector.broadcast %lt3A_1075 : i32 to vector<16xi32>
      %lt3A_1077 = arith.cmpi slt, %xor3A_1074, %lt3A_1076 : vector<16xi32>
      %add3A_1078 = arith.constant 16 : i32
      %add3A_1079 = vector.broadcast %add3A_1078 : i32 to vector<16xi32>
      %add3A_1080 = arith.addi %xor3A_1074, %add3A_1079 : vector<16xi32>
      %select_n3A_1081 = arith.select %lt3A_1077, %add3A_1080, %xor3A_1074 : vector<16xi1>, vector<16xi32>
      %broadcast_in_dim3A_1082 = vector.shape_cast %select_n3A_1081 : vector<16xi32> to vector<16x1xi32>
      %gather3A_1083 = vector.shape_cast %broadcast_in_dim3A_1082 : vector<16x1xi32> to vector<16xi32>
      %gather3A_1084 = tpu.dynamic_gather %add3A_1071[%gather3A_1083] in [0] : vector<16xf32>, vector<16xi32> -> vector<16xf32>
      %add3A_1085 = arith.addf %add3A_1071, %gather3A_1084 : vector<16xf32>
      %xor3A_1086 = arith.constant 2 : i32
      %xor3A_1087 = vector.broadcast %xor3A_1086 : i32 to vector<16xi32>
      %xor3A_1088 = arith.xori %iota3A, %xor3A_1087 : vector<16xi32>
      %lt3A_1089 = arith.constant 0 : i32
      %lt3A_1090 = vector.broadcast %lt3A_1089 : i32 to vector<16xi32>
      %lt3A_1091 = arith.cmpi slt, %xor3A_1088, %lt3A_1090 : vector<16xi32>
      %add3A_1092 = arith.constant 16 : i32
      %add3A_1093 = vector.broadcast %add3A_1092 : i32 to vector<16xi32>
      %add3A_1094 = arith.addi %xor3A_1088, %add3A_1093 : vector<16xi32>
      %select_n3A_1095 = arith.select %lt3A_1091, %add3A_1094, %xor3A_1088 : vector<16xi1>, vector<16xi32>
      %broadcast_in_dim3A_1096 = vector.shape_cast %select_n3A_1095 : vector<16xi32> to vector<16x1xi32>
      %gather3A_1097 = vector.shape_cast %broadcast_in_dim3A_1096 : vector<16x1xi32> to vector<16xi32>
      %gather3A_1098 = tpu.dynamic_gather %add3A_1085[%gather3A_1097] in [0] : vector<16xf32>, vector<16xi32> -> vector<16xf32>
      %add3A_1099 = arith.addf %add3A_1085, %gather3A_1098 : vector<16xf32>
      %xor3A_1100 = arith.constant 1 : i32
      %xor3A_1101 = vector.broadcast %xor3A_1100 : i32 to vector<16xi32>
      %xor3A_1102 = arith.xori %iota3A, %xor3A_1101 : vector<16xi32>
      %lt3A_1103 = arith.constant 0 : i32
      %lt3A_1104 = vector.broadcast %lt3A_1103 : i32 to vector<16xi32>
      %lt3A_1105 = arith.cmpi slt, %xor3A_1102, %lt3A_1104 : vector<16xi32>
      %add3A_1106 = arith.constant 16 : i32
      %add3A_1107 = vector.broadcast %add3A_1106 : i32 to vector<16xi32>
      %add3A_1108 = arith.addi %xor3A_1102, %add3A_1107 : vector<16xi32>
      %select_n3A_1109 = arith.select %lt3A_1105, %add3A_1108, %xor3A_1102 : vector<16xi1>, vector<16xi32>
      %broadcast_in_dim3A_1110 = vector.shape_cast %select_n3A_1109 : vector<16xi32> to vector<16x1xi32>
      %gather3A_1111 = vector.shape_cast %broadcast_in_dim3A_1110 : vector<16x1xi32> to vector<16xi32>
      %gather3A_1112 = tpu.dynamic_gather %add3A_1099[%gather3A_1111] in [0] : vector<16xf32>, vector<16xi32> -> vector<16xf32>
      %add3A_1113 = arith.addf %add3A_1099, %gather3A_1112 : vector<16xf32>
      %eq3A_1114 = arith.constant 0 : i32
      %eq3A_1115 = vector.broadcast %eq3A_1114 : i32 to vector<16xi32>
      %eq3A_1116 = arith.cmpi eq, %iota3A, %eq3A_1115 : vector<16xi32>
      %eq3A_1117 = arith.constant 1 : i32
      %eq3A_1118 = vector.broadcast %eq3A_1117 : i32 to vector<16xi32>
      %eq3A_1119 = arith.cmpi eq, %iota3A, %eq3A_1118 : vector<16xi32>
      %jit3A_1120 = arith.constant 0.000000e+00 : f32
      %broadcast_in_dim3A_1121 = vector.broadcast %jit3A_1120 : f32 to vector<16xf32>
      %select_n3A_1122 = arith.select %eq3A_1119, %add3A_1113, %broadcast_in_dim3A_1121 : vector<16xi1>, vector<16xf32>
      %select_n3A_1123 = arith.select %eq3A_1116, %add3A_1054, %select_n3A_1122 : vector<16xi1>, vector<16xf32>
      %slice3A_1124 = vector.extract_strided_slice %get3A_56 {offsets = [6], sizes = [1], strides = [1]} : vector<16xf32> to vector<1xf32>
      %squeeze3A_1125 = vector.extract %slice3A_1124[0] : f32 from vector<1xf32>
      %div3A_1126 = vector.broadcast %squeeze3A_1125 : f32 to vector<16xf32>
      %div3A_1127 = arith.divf %select_n3A_1123, %div3A_1126 : vector<16xf32>
      %add3A_1128 = arith.addf %div3A_1127, %get3A_26 : vector<16xf32>
      %mul3A_1129 = arith.constant 8 : i32
      %mul3A_1130 = arith.muli %mul3A_38, %mul3A_1129 : i32
      %add3A_1131 = arith.constant 6 : i32
      %add3A_1132 = arith.addi %mul3A_1130, %add3A_1131 : i32
      %swap3A_1133 = arith.index_cast %add3A_1132 : i32 to index
      %swap3A_1134 = arith.constant 0 : index
      %swap3A_1135 = tpu.vector_load %arg13[%swap3A_1133, %swap3A_1134] {strides = array<i32>} : memref<512x16xf32, #tpu.memory_space<vmem>>, vector<1x16xf32>,
      %swap3A_1136 = vector.shape_cast %swap3A_1135 : vector<1x16xf32> to vector<16xf32>
      %swap3A_1137 = vector.shape_cast %add3A_1128 : vector<16xf32> to vector<1x16xf32>
      tpu.vector_store %arg13[%swap3A_1133, %swap3A_1134], %swap3A_1137 {strides = array<i32>} : memref<512x16xf32, #tpu.memory_space<vmem>>, vector<1x16xf32>,
      %broadcast_in_dim3A_1138 = arith.constant 0.000000e+00 : f32
      %broadcast_in_dim3A_1139 = vector.broadcast %broadcast_in_dim3A_1138 : f32 to vector<16xf32>
      %scan3A_1140 = arith.constant 0 : i32
      %scan3A_1141 = arith.constant 50 : i32
      %scan3A_1142 = arith.addi %scan3A_1140, %scan3A_1141 : i32
      %scan3A_1143 = arith.constant 1 : i32
      %scan3A_1144:8 = scf.for %scan3A_2560 = %scan3A_1140 to %scan3A_1142 step %scan3A_1143 iter_args(%scan3A_2561 = %broadcast_in_dim3A_1139, %scan3A_2562 = %broadcast_in_dim3A_1139, %scan3A_2563 = %broadcast_in_dim3A_1139, %scan3A_2564 = %broadcast_in_dim3A_1139, %scan3A_2565 = %broadcast_in_dim3A_1139, %scan3A_2566 = %broadcast_in_dim3A_1139, %scan3A_2567 = %broadcast_in_dim3A_1139, %scan3A_2568 = %broadcast_in_dim3A_1139) -> (vector<16xf32>, vector<16xf32>, vector<16xf32>, vector<16xf32>, vector<16xf32>, vector<16xf32>, vector<16xf32>, vector<16xf32>)  : i32 {
        %mul3A_2569 = arith.constant 4 : i32
        %mul3A_2570 = arith.muli %scan3A_2560, %mul3A_2569 : i32
        %add3A_2571 = arith.constant 1400 : i32
        %add3A_2572 = arith.addi %add3A_2571, %mul3A_2570 : i32
        %add3A_2573 = arith.constant 0 : i32
        %add3A_2574 = arith.addi %add3A_2572, %add3A_2573 : i32
        %get3A_2575 = arith.index_cast %add3A_2574 : i32 to index
        %get3A_2576 = arith.constant 0 : index
        %get3A_2577 = tpu.vector_load %arg10[%get3A_2575, %get3A_2576] {strides = array<i32>} : memref<1600x32xf32, #tpu.memory_space<vmem>>, vector<1x16xf32>,
        %get3A_2578 = vector.shape_cast %get3A_2577 : vector<1x16xf32> to vector<16xf32>
        %add3A_2579 = arith.addf %scan3A_2561, %get3A_2578 : vector<16xf32>
        %add3A_2580 = arith.constant 1 : i32
        %add3A_2581 = arith.addi %add3A_2572, %add3A_2580 : i32
        %get3A_2582 = arith.index_cast %add3A_2581 : i32 to index
        %get3A_2583 = arith.constant 0 : index
        %get3A_2584 = tpu.vector_load %arg10[%get3A_2582, %get3A_2583] {strides = array<i32>} : memref<1600x32xf32, #tpu.memory_space<vmem>>, vector<1x16xf32>,
        %get3A_2585 = vector.shape_cast %get3A_2584 : vector<1x16xf32> to vector<16xf32>
        %add3A_2586 = arith.addf %scan3A_2562, %get3A_2585 : vector<16xf32>
        %add3A_2587 = arith.constant 2 : i32
        %add3A_2588 = arith.addi %add3A_2572, %add3A_2587 : i32
        %get3A_2589 = arith.index_cast %add3A_2588 : i32 to index
        %get3A_2590 = arith.constant 0 : index
        %get3A_2591 = tpu.vector_load %arg10[%get3A_2589, %get3A_2590] {strides = array<i32>} : memref<1600x32xf32, #tpu.memory_space<vmem>>, vector<1x16xf32>,
        %get3A_2592 = vector.shape_cast %get3A_2591 : vector<1x16xf32> to vector<16xf32>
        %add3A_2593 = arith.addf %scan3A_2563, %get3A_2592 : vector<16xf32>
        %add3A_2594 = arith.constant 3 : i32
        %add3A_2595 = arith.addi %add3A_2572, %add3A_2594 : i32
        %get3A_2596 = arith.index_cast %add3A_2595 : i32 to index
        %get3A_2597 = arith.constant 0 : index
        %get3A_2598 = tpu.vector_load %arg10[%get3A_2596, %get3A_2597] {strides = array<i32>} : memref<1600x32xf32, #tpu.memory_space<vmem>>, vector<1x16xf32>,
        %get3A_2599 = vector.shape_cast %get3A_2598 : vector<1x16xf32> to vector<16xf32>
        %add3A_2600 = arith.addf %scan3A_2564, %get3A_2599 : vector<16xf32>
        %add3A_2601 = arith.constant 0 : i32
        %add3A_2602 = arith.addi %add3A_2572, %add3A_2601 : i32
        %get3A_2603 = arith.index_cast %add3A_2602 : i32 to index
        %get3A_2604 = arith.constant 16 : index
        %get3A_2605 = tpu.vector_load %arg10[%get3A_2603, %get3A_2604] {strides = array<i32>} : memref<1600x32xf32, #tpu.memory_space<vmem>>, vector<1x16xf32>,
        %get3A_2606 = vector.shape_cast %get3A_2605 : vector<1x16xf32> to vector<16xf32>
        %add3A_2607 = arith.addf %scan3A_2565, %get3A_2606 : vector<16xf32>
        %add3A_2608 = arith.constant 1 : i32
        %add3A_2609 = arith.addi %add3A_2572, %add3A_2608 : i32
        %get3A_2610 = arith.index_cast %add3A_2609 : i32 to index
        %get3A_2611 = arith.constant 16 : index
        %get3A_2612 = tpu.vector_load %arg10[%get3A_2610, %get3A_2611] {strides = array<i32>} : memref<1600x32xf32, #tpu.memory_space<vmem>>, vector<1x16xf32>,
        %get3A_2613 = vector.shape_cast %get3A_2612 : vector<1x16xf32> to vector<16xf32>
        %add3A_2614 = arith.addf %scan3A_2566, %get3A_2613 : vector<16xf32>
        %add3A_2615 = arith.constant 2 : i32
        %add3A_2616 = arith.addi %add3A_2572, %add3A_2615 : i32
        %get3A_2617 = arith.index_cast %add3A_2616 : i32 to index
        %get3A_2618 = arith.constant 16 : index
        %get3A_2619 = tpu.vector_load %arg10[%get3A_2617, %get3A_2618] {strides = array<i32>} : memref<1600x32xf32, #tpu.memory_space<vmem>>, vector<1x16xf32>,
        %get3A_2620 = vector.shape_cast %get3A_2619 : vector<1x16xf32> to vector<16xf32>
        %add3A_2621 = arith.addf %scan3A_2567, %get3A_2620 : vector<16xf32>
        %add3A_2622 = arith.constant 3 : i32
        %add3A_2623 = arith.addi %add3A_2572, %add3A_2622 : i32
        %get3A_2624 = arith.index_cast %add3A_2623 : i32 to index
        %get3A_2625 = arith.constant 16 : index
        %get3A_2626 = tpu.vector_load %arg10[%get3A_2624, %get3A_2625] {strides = array<i32>} : memref<1600x32xf32, #tpu.memory_space<vmem>>, vector<1x16xf32>,
        %get3A_2627 = vector.shape_cast %get3A_2626 : vector<1x16xf32> to vector<16xf32>
        %add3A_2628 = arith.addf %scan3A_2568, %get3A_2627 : vector<16xf32>
        scf.yield %add3A_2579, %add3A_2586, %add3A_2593, %add3A_2600, %add3A_2607, %add3A_2614, %add3A_2621, %add3A_2628 : vector<16xf32>, vector<16xf32>, vector<16xf32>, vector<16xf32>, vector<16xf32>, vector<16xf32>, vector<16xf32>, vector<16xf32>
      }
      %scan3A_1145 = arith.constant 50 : i32
      %add3A_1146 = arith.addf %scan3A_1144#0, %scan3A_1144#1 : vector<16xf32>
      %add3A_1147 = arith.addf %scan3A_1144#2, %scan3A_1144#3 : vector<16xf32>
      %add3A_1148 = arith.addf %add3A_1146, %add3A_1147 : vector<16xf32>
      %add3A_1149 = arith.addf %scan3A_1144#4, %scan3A_1144#5 : vector<16xf32>
      %add3A_1150 = arith.addf %scan3A_1144#6, %scan3A_1144#7 : vector<16xf32>
      %add3A_1151 = arith.addf %add3A_1149, %add3A_1150 : vector<16xf32>
      %mul3A_1152 = arith.mulf %add3A_1148, %get3A_8 : vector<16xf32>
      %mul3A_1153 = arith.mulf %add3A_1151, %get3A_13 : vector<16xf32>
      %add3A_1154 = arith.addf %mul3A_1152, %mul3A_1153 : vector<16xf32>
      %xor3A_1155 = arith.constant 8 : i32
      %xor3A_1156 = vector.broadcast %xor3A_1155 : i32 to vector<16xi32>
      %xor3A_1157 = arith.xori %iota3A, %xor3A_1156 : vector<16xi32>
      %lt3A_1158 = arith.constant 0 : i32
      %lt3A_1159 = vector.broadcast %lt3A_1158 : i32 to vector<16xi32>
      %lt3A_1160 = arith.cmpi slt, %xor3A_1157, %lt3A_1159 : vector<16xi32>
      %add3A_1161 = arith.constant 16 : i32
      %add3A_1162 = vector.broadcast %add3A_1161 : i32 to vector<16xi32>
      %add3A_1163 = arith.addi %xor3A_1157, %add3A_1162 : vector<16xi32>
      %select_n3A_1164 = arith.select %lt3A_1160, %add3A_1163, %xor3A_1157 : vector<16xi1>, vector<16xi32>
      %broadcast_in_dim3A_1165 = vector.shape_cast %select_n3A_1164 : vector<16xi32> to vector<16x1xi32>
      %gather3A_1166 = vector.shape_cast %broadcast_in_dim3A_1165 : vector<16x1xi32> to vector<16xi32>
      %gather3A_1167 = tpu.dynamic_gather %add3A_1154[%gather3A_1166] in [0] : vector<16xf32>, vector<16xi32> -> vector<16xf32>
      %add3A_1168 = arith.addf %add3A_1154, %gather3A_1167 : vector<16xf32>
      %xor3A_1169 = arith.constant 4 : i32
      %xor3A_1170 = vector.broadcast %xor3A_1169 : i32 to vector<16xi32>
      %xor3A_1171 = arith.xori %iota3A, %xor3A_1170 : vector<16xi32>
      %lt3A_1172 = arith.constant 0 : i32
      %lt3A_1173 = vector.broadcast %lt3A_1172 : i32 to vector<16xi32>
      %lt3A_1174 = arith.cmpi slt, %xor3A_1171, %lt3A_1173 : vector<16xi32>
      %add3A_1175 = arith.constant 16 : i32
      %add3A_1176 = vector.broadcast %add3A_1175 : i32 to vector<16xi32>
      %add3A_1177 = arith.addi %xor3A_1171, %add3A_1176 : vector<16xi32>
      %select_n3A_1178 = arith.select %lt3A_1174, %add3A_1177, %xor3A_1171 : vector<16xi1>, vector<16xi32>
      %broadcast_in_dim3A_1179 = vector.shape_cast %select_n3A_1178 : vector<16xi32> to vector<16x1xi32>
      %gather3A_1180 = vector.shape_cast %broadcast_in_dim3A_1179 : vector<16x1xi32> to vector<16xi32>
      %gather3A_1181 = tpu.dynamic_gather %add3A_1168[%gather3A_1180] in [0] : vector<16xf32>, vector<16xi32> -> vector<16xf32>
      %add3A_1182 = arith.addf %add3A_1168, %gather3A_1181 : vector<16xf32>
      %xor3A_1183 = arith.constant 2 : i32
      %xor3A_1184 = vector.broadcast %xor3A_1183 : i32 to vector<16xi32>
      %xor3A_1185 = arith.xori %iota3A, %xor3A_1184 : vector<16xi32>
      %lt3A_1186 = arith.constant 0 : i32
      %lt3A_1187 = vector.broadcast %lt3A_1186 : i32 to vector<16xi32>
      %lt3A_1188 = arith.cmpi slt, %xor3A_1185, %lt3A_1187 : vector<16xi32>
      %add3A_1189 = arith.constant 16 : i32
      %add3A_1190 = vector.broadcast %add3A_1189 : i32 to vector<16xi32>
      %add3A_1191 = arith.addi %xor3A_1185, %add3A_1190 : vector<16xi32>
      %select_n3A_1192 = arith.select %lt3A_1188, %add3A_1191, %xor3A_1185 : vector<16xi1>, vector<16xi32>
      %broadcast_in_dim3A_1193 = vector.shape_cast %select_n3A_1192 : vector<16xi32> to vector<16x1xi32>
      %gather3A_1194 = vector.shape_cast %broadcast_in_dim3A_1193 : vector<16x1xi32> to vector<16xi32>
      %gather3A_1195 = tpu.dynamic_gather %add3A_1182[%gather3A_1194] in [0] : vector<16xf32>, vector<16xi32> -> vector<16xf32>
      %add3A_1196 = arith.addf %add3A_1182, %gather3A_1195 : vector<16xf32>
      %xor3A_1197 = arith.constant 1 : i32
      %xor3A_1198 = vector.broadcast %xor3A_1197 : i32 to vector<16xi32>
      %xor3A_1199 = arith.xori %iota3A, %xor3A_1198 : vector<16xi32>
      %lt3A_1200 = arith.constant 0 : i32
      %lt3A_1201 = vector.broadcast %lt3A_1200 : i32 to vector<16xi32>
      %lt3A_1202 = arith.cmpi slt, %xor3A_1199, %lt3A_1201 : vector<16xi32>
      %add3A_1203 = arith.constant 16 : i32
      %add3A_1204 = vector.broadcast %add3A_1203 : i32 to vector<16xi32>
      %add3A_1205 = arith.addi %xor3A_1199, %add3A_1204 : vector<16xi32>
      %select_n3A_1206 = arith.select %lt3A_1202, %add3A_1205, %xor3A_1199 : vector<16xi1>, vector<16xi32>
      %broadcast_in_dim3A_1207 = vector.shape_cast %select_n3A_1206 : vector<16xi32> to vector<16x1xi32>
      %gather3A_1208 = vector.shape_cast %broadcast_in_dim3A_1207 : vector<16x1xi32> to vector<16xi32>
      %gather3A_1209 = tpu.dynamic_gather %add3A_1196[%gather3A_1208] in [0] : vector<16xf32>, vector<16xi32> -> vector<16xf32>
      %add3A_1210 = arith.addf %add3A_1196, %gather3A_1209 : vector<16xf32>
      %mul3A_1211 = arith.mulf %add3A_1148, %get3A_18 : vector<16xf32>
      %mul3A_1212 = arith.mulf %add3A_1151, %get3A_23 : vector<16xf32>
      %add3A_1213 = arith.addf %mul3A_1211, %mul3A_1212 : vector<16xf32>
      %xor3A_1214 = arith.constant 8 : i32
      %xor3A_1215 = vector.broadcast %xor3A_1214 : i32 to vector<16xi32>
      %xor3A_1216 = arith.xori %iota3A, %xor3A_1215 : vector<16xi32>
      %lt3A_1217 = arith.constant 0 : i32
      %lt3A_1218 = vector.broadcast %lt3A_1217 : i32 to vector<16xi32>
      %lt3A_1219 = arith.cmpi slt, %xor3A_1216, %lt3A_1218 : vector<16xi32>
      %add3A_1220 = arith.constant 16 : i32
      %add3A_1221 = vector.broadcast %add3A_1220 : i32 to vector<16xi32>
      %add3A_1222 = arith.addi %xor3A_1216, %add3A_1221 : vector<16xi32>
      %select_n3A_1223 = arith.select %lt3A_1219, %add3A_1222, %xor3A_1216 : vector<16xi1>, vector<16xi32>
      %broadcast_in_dim3A_1224 = vector.shape_cast %select_n3A_1223 : vector<16xi32> to vector<16x1xi32>
      %gather3A_1225 = vector.shape_cast %broadcast_in_dim3A_1224 : vector<16x1xi32> to vector<16xi32>
      %gather3A_1226 = tpu.dynamic_gather %add3A_1213[%gather3A_1225] in [0] : vector<16xf32>, vector<16xi32> -> vector<16xf32>
      %add3A_1227 = arith.addf %add3A_1213, %gather3A_1226 : vector<16xf32>
      %xor3A_1228 = arith.constant 4 : i32
      %xor3A_1229 = vector.broadcast %xor3A_1228 : i32 to vector<16xi32>
      %xor3A_1230 = arith.xori %iota3A, %xor3A_1229 : vector<16xi32>
      %lt3A_1231 = arith.constant 0 : i32
      %lt3A_1232 = vector.broadcast %lt3A_1231 : i32 to vector<16xi32>
      %lt3A_1233 = arith.cmpi slt, %xor3A_1230, %lt3A_1232 : vector<16xi32>
      %add3A_1234 = arith.constant 16 : i32
      %add3A_1235 = vector.broadcast %add3A_1234 : i32 to vector<16xi32>
      %add3A_1236 = arith.addi %xor3A_1230, %add3A_1235 : vector<16xi32>
      %select_n3A_1237 = arith.select %lt3A_1233, %add3A_1236, %xor3A_1230 : vector<16xi1>, vector<16xi32>
      %broadcast_in_dim3A_1238 = vector.shape_cast %select_n3A_1237 : vector<16xi32> to vector<16x1xi32>
      %gather3A_1239 = vector.shape_cast %broadcast_in_dim3A_1238 : vector<16x1xi32> to vector<16xi32>
      %gather3A_1240 = tpu.dynamic_gather %add3A_1227[%gather3A_1239] in [0] : vector<16xf32>, vector<16xi32> -> vector<16xf32>
      %add3A_1241 = arith.addf %add3A_1227, %gather3A_1240 : vector<16xf32>
      %xor3A_1242 = arith.constant 2 : i32
      %xor3A_1243 = vector.broadcast %xor3A_1242 : i32 to vector<16xi32>
      %xor3A_1244 = arith.xori %iota3A, %xor3A_1243 : vector<16xi32>
      %lt3A_1245 = arith.constant 0 : i32
      %lt3A_1246 = vector.broadcast %lt3A_1245 : i32 to vector<16xi32>
      %lt3A_1247 = arith.cmpi slt, %xor3A_1244, %lt3A_1246 : vector<16xi32>
      %add3A_1248 = arith.constant 16 : i32
      %add3A_1249 = vector.broadcast %add3A_1248 : i32 to vector<16xi32>
      %add3A_1250 = arith.addi %xor3A_1244, %add3A_1249 : vector<16xi32>
      %select_n3A_1251 = arith.select %lt3A_1247, %add3A_1250, %xor3A_1244 : vector<16xi1>, vector<16xi32>
      %broadcast_in_dim3A_1252 = vector.shape_cast %select_n3A_1251 : vector<16xi32> to vector<16x1xi32>
      %gather3A_1253 = vector.shape_cast %broadcast_in_dim3A_1252 : vector<16x1xi32> to vector<16xi32>
      %gather3A_1254 = tpu.dynamic_gather %add3A_1241[%gather3A_1253] in [0] : vector<16xf32>, vector<16xi32> -> vector<16xf32>
      %add3A_1255 = arith.addf %add3A_1241, %gather3A_1254 : vector<16xf32>
      %xor3A_1256 = arith.constant 1 : i32
      %xor3A_1257 = vector.broadcast %xor3A_1256 : i32 to vector<16xi32>
      %xor3A_1258 = arith.xori %iota3A, %xor3A_1257 : vector<16xi32>
      %lt3A_1259 = arith.constant 0 : i32
      %lt3A_1260 = vector.broadcast %lt3A_1259 : i32 to vector<16xi32>
      %lt3A_1261 = arith.cmpi slt, %xor3A_1258, %lt3A_1260 : vector<16xi32>
      %add3A_1262 = arith.constant 16 : i32
      %add3A_1263 = vector.broadcast %add3A_1262 : i32 to vector<16xi32>
      %add3A_1264 = arith.addi %xor3A_1258, %add3A_1263 : vector<16xi32>
      %select_n3A_1265 = arith.select %lt3A_1261, %add3A_1264, %xor3A_1258 : vector<16xi1>, vector<16xi32>
      %broadcast_in_dim3A_1266 = vector.shape_cast %select_n3A_1265 : vector<16xi32> to vector<16x1xi32>
      %gather3A_1267 = vector.shape_cast %broadcast_in_dim3A_1266 : vector<16x1xi32> to vector<16xi32>
      %gather3A_1268 = tpu.dynamic_gather %add3A_1255[%gather3A_1267] in [0] : vector<16xf32>, vector<16xi32> -> vector<16xf32>
      %add3A_1269 = arith.addf %add3A_1255, %gather3A_1268 : vector<16xf32>
      %eq3A_1270 = arith.constant 0 : i32
      %eq3A_1271 = vector.broadcast %eq3A_1270 : i32 to vector<16xi32>
      %eq3A_1272 = arith.cmpi eq, %iota3A, %eq3A_1271 : vector<16xi32>
      %eq3A_1273 = arith.constant 1 : i32
      %eq3A_1274 = vector.broadcast %eq3A_1273 : i32 to vector<16xi32>
      %eq3A_1275 = arith.cmpi eq, %iota3A, %eq3A_1274 : vector<16xi32>
      %jit3A_1276 = arith.constant 0.000000e+00 : f32
      %broadcast_in_dim3A_1277 = vector.broadcast %jit3A_1276 : f32 to vector<16xf32>
      %select_n3A_1278 = arith.select %eq3A_1275, %add3A_1269, %broadcast_in_dim3A_1277 : vector<16xi1>, vector<16xf32>
      %select_n3A_1279 = arith.select %eq3A_1272, %add3A_1210, %select_n3A_1278 : vector<16xi1>, vector<16xf32>
      %slice3A_1280 = vector.extract_strided_slice %get3A_56 {offsets = [7], sizes = [1], strides = [1]} : vector<16xf32> to vector<1xf32>
      %squeeze3A_1281 = vector.extract %slice3A_1280[0] : f32 from vector<1xf32>
      %div3A_1282 = vector.broadcast %squeeze3A_1281 : f32 to vector<16xf32>
      %div3A_1283 = arith.divf %select_n3A_1279, %div3A_1282 : vector<16xf32>
      %add3A_1284 = arith.addf %div3A_1283, %get3A_26 : vector<16xf32>
      %mul3A_1285 = arith.constant 8 : i32
      %mul3A_1286 = arith.muli %mul3A_38, %mul3A_1285 : i32
      %add3A_1287 = arith.constant 7 : i32
      %add3A_1288 = arith.addi %mul3A_1286, %add3A_1287 : i32
      %swap3A_1289 = arith.index_cast %add3A_1288 : i32 to index
      %swap3A_1290 = arith.constant 0 : index
      %swap3A_1291 = tpu.vector_load %arg13[%swap3A_1289, %swap3A_1290] {strides = array<i32>} : memref<512x16xf32, #tpu.memory_space<vmem>>, vector<1x16xf32>,
      %swap3A_1292 = vector.shape_cast %swap3A_1291 : vector<1x16xf32> to vector<16xf32>
      %swap3A_1293 = vector.shape_cast %add3A_1284 : vector<16xf32> to vector<1x16xf32>
      tpu.vector_store %arg13[%swap3A_1289, %swap3A_1290], %swap3A_1293 {strides = array<i32>} : memref<512x16xf32, #tpu.memory_space<vmem>>, vector<1x16xf32>,
      %add3A_1294 = arith.constant 2 : i32
      %add3A_1295 = arith.addi %mul3A_38, %add3A_1294 : i32
      %lt3A_1296 = arith.constant 64 : i32
      %lt3A_1297 = arith.cmpi slt, %add3A_1295, %lt3A_1296 : i32
      %convert_element_type3A = arith.extui %lt3A_1297 : i1 to i32
      %cond3A = arith.constant 0 : i32
      %cond3A_1298 = arith.cmpi ne, %convert_element_type3A, %cond3A : i32
      scf.if %cond3A_1298 {
        %add3A_2560 = arith.constant 2 : i32
        %add3A_2561 = arith.addi %mul3A_38, %add3A_2560 : i32
        %mul3A_2562 = arith.constant 1600 : i32
        %mul3A_2563 = arith.muli %add3A_2561, %mul3A_2562 : i32
        %add3A_2564 = arith.addi %mul3A_4, %mul3A_2563 : i32
        "tpu.region"() ({
          %run_scoped3A = tpu.sem_alloc : memref<!tpu.dma_semaphore, #tpu.memory_space<semaphore_mem>>
          %dma_start3A_2568 = tpu.memref_slice %arg2[%add3A_2564] : memref<3276800xi32, #tpu.memory_space<hbm>> -> memref<1600xi32, #tpu.memory_space<hbm>>
          %dma_start3A_2569 = tpu.memref_slice %arg2[%add3A_2564] : memref<3276800xi32, #tpu.memory_space<hbm>> -> memref<1600xi32, #tpu.memory_space<hbm>>
          tpu.enqueue_dma source(%dma_start3A_2569 : memref<1600xi32, #tpu.memory_space<hbm>>) target(%arg8 : memref<1600xi32, #tpu.memory_space<vmem>>) target_semaphore(%run_scoped3A : memref<!tpu.dma_semaphore, #tpu.memory_space<semaphore_mem>>)
          %dma_wait3A_2570 = tpu.memref_slice %arg2[%add3A_2564] : memref<3276800xi32, #tpu.memory_space<hbm>> -> memref<1600xi32, #tpu.memory_space<hbm>>
          %dma_wait3A_2571 = tpu.memref_slice %arg2[%add3A_2564] : memref<3276800xi32, #tpu.memory_space<hbm>> -> memref<1600xi32, #tpu.memory_space<hbm>>
          tpu.wait_dma2 semaphore(%run_scoped3A : memref<!tpu.dma_semaphore, #tpu.memory_space<semaphore_mem>>) src(%dma_wait3A_2571 : memref<1600xi32, #tpu.memory_space<hbm>>) dst(%arg8 : memref<1600xi32, #tpu.memory_space<vmem>>)
          tpu.yield
        }) : () -> ()
        %dma_start3A_2565 = arith.constant 0 : i32
        %dma_start3A_2566 = arith.constant 0 : i32
        %dma_start3A_2567 = tpu.memref_slice %arg4[%dma_start3A_2565, %dma_start3A_2566] : memref<1000000x32xf32, #tpu.memory_space<hbm>> -> memref<1000000x32xf32, #tpu.memory_space<hbm>>
        tpu.enqueue_indirect_dma source(%dma_start3A_2567 : memref<1000000x32xf32, #tpu.memory_space<hbm>>) target(%arg10 : memref<1600x32xf32, #tpu.memory_space<vmem>>) offsets(%arg8 : memref<1600xi32, #tpu.memory_space<vmem>>) semaphore(%arg16 : memref<!tpu.dma_semaphore, #tpu.memory_space<semaphore_mem>>)
      } else {
      }
      %dma_wait3A_1299 = arith.constant 0 : i32
      %dma_wait3A_1300 = arith.constant 0 : i32
      %dma_wait3A_1301 = tpu.memref_slice %arg4[%dma_wait3A_1299, %dma_wait3A_1300] : memref<1000000x32xf32, #tpu.memory_space<hbm>> -> memref<1600x32xf32, #tpu.memory_space<hbm>>
      %dma_wait3A_1302 = arith.constant 0 : i32
      %dma_wait3A_1303 = arith.constant 0 : i32
      %dma_wait3A_1304 = tpu.memref_slice %arg4[%dma_wait3A_1302, %dma_wait3A_1303] : memref<1000000x32xf32, #tpu.memory_space<hbm>> -> memref<1600x32xf32, #tpu.memory_space<hbm>>
      tpu.wait_dma2 semaphore(%arg17 : memref<!tpu.dma_semaphore, #tpu.memory_space<semaphore_mem>>) src(%dma_wait3A_1304 : memref<1600x32xf32, #tpu.memory_space<hbm>>) dst(%arg11 : memref<1600x32xf32, #tpu.memory_space<vmem>>)
      %add3A_1305 = arith.constant 1 : i32
      %add3A_1306 = arith.addi %mul3A_38, %add3A_1305 : i32
      %mul3A_1307 = arith.constant 8 : i32
      %mul3A_1308 = arith.muli %add3A_1306, %mul3A_1307 : i32
      %get3A_1309 = arith.index_cast %mul3A_1308 : i32 to index
      %get3A_1310 = tpu.vector_load %arg12[%get3A_1309] {strides = array<i32>} : memref<512xf32, #tpu.memory_space<vmem>>, vector<16xf32>,
      %get3A_1311 = vector.shape_cast %get3A_1310 : vector<16xf32> to vector<16xf32>
      %broadcast_in_dim3A_1312 = arith.constant 0.000000e+00 : f32
      %broadcast_in_dim3A_1313 = vector.broadcast %broadcast_in_dim3A_1312 : f32 to vector<16xf32>
      %scan3A_1314 = arith.constant 0 : i32
      %scan3A_1315 = arith.constant 50 : i32
      %scan3A_1316 = arith.addi %scan3A_1314, %scan3A_1315 : i32
      %scan3A_1317 = arith.constant 1 : i32
      %scan3A_1318:8 = scf.for %scan3A_2560 = %scan3A_1314 to %scan3A_1316 step %scan3A_1317 iter_args(%scan3A_2561 = %broadcast_in_dim3A_1313, %scan3A_2562 = %broadcast_in_dim3A_1313, %scan3A_2563 = %broadcast_in_dim3A_1313, %scan3A_2564 = %broadcast_in_dim3A_1313, %scan3A_2565 = %broadcast_in_dim3A_1313, %scan3A_2566 = %broadcast_in_dim3A_1313, %scan3A_2567 = %broadcast_in_dim3A_1313, %scan3A_2568 = %broadcast_in_dim3A_1313) -> (vector<16xf32>, vector<16xf32>, vector<16xf32>, vector<16xf32>, vector<16xf32>, vector<16xf32>, vector<16xf32>, vector<16xf32>)  : i32 {
        %mul3A_2569 = arith.constant 4 : i32
        %mul3A_2570 = arith.muli %scan3A_2560, %mul3A_2569 : i32
        %add3A_2571 = arith.constant 0 : i32
        %add3A_2572 = arith.addi %add3A_2571, %mul3A_2570 : i32
        %add3A_2573 = arith.constant 0 : i32
        %add3A_2574 = arith.addi %add3A_2572, %add3A_2573 : i32
        %get3A_2575 = arith.index_cast %add3A_2574 : i32 to index
        %get3A_2576 = arith.constant 0 : index
        %get3A_2577 = tpu.vector_load %arg11[%get3A_2575, %get3A_2576] {strides = array<i32>} : memref<1600x32xf32, #tpu.memory_space<vmem>>, vector<1x16xf32>,
        %get3A_2578 = vector.shape_cast %get3A_2577 : vector<1x16xf32> to vector<16xf32>
        %add3A_2579 = arith.addf %scan3A_2561, %get3A_2578 : vector<16xf32>
        %add3A_2580 = arith.constant 1 : i32
        %add3A_2581 = arith.addi %add3A_2572, %add3A_2580 : i32
        %get3A_2582 = arith.index_cast %add3A_2581 : i32 to index
        %get3A_2583 = arith.constant 0 : index
        %get3A_2584 = tpu.vector_load %arg11[%get3A_2582, %get3A_2583] {strides = array<i32>} : memref<1600x32xf32, #tpu.memory_space<vmem>>, vector<1x16xf32>,
        %get3A_2585 = vector.shape_cast %get3A_2584 : vector<1x16xf32> to vector<16xf32>
        %add3A_2586 = arith.addf %scan3A_2562, %get3A_2585 : vector<16xf32>
        %add3A_2587 = arith.constant 2 : i32
        %add3A_2588 = arith.addi %add3A_2572, %add3A_2587 : i32
        %get3A_2589 = arith.index_cast %add3A_2588 : i32 to index
        %get3A_2590 = arith.constant 0 : index
        %get3A_2591 = tpu.vector_load %arg11[%get3A_2589, %get3A_2590] {strides = array<i32>} : memref<1600x32xf32, #tpu.memory_space<vmem>>, vector<1x16xf32>,
        %get3A_2592 = vector.shape_cast %get3A_2591 : vector<1x16xf32> to vector<16xf32>
        %add3A_2593 = arith.addf %scan3A_2563, %get3A_2592 : vector<16xf32>
        %add3A_2594 = arith.constant 3 : i32
        %add3A_2595 = arith.addi %add3A_2572, %add3A_2594 : i32
        %get3A_2596 = arith.index_cast %add3A_2595 : i32 to index
        %get3A_2597 = arith.constant 0 : index
        %get3A_2598 = tpu.vector_load %arg11[%get3A_2596, %get3A_2597] {strides = array<i32>} : memref<1600x32xf32, #tpu.memory_space<vmem>>, vector<1x16xf32>,
        %get3A_2599 = vector.shape_cast %get3A_2598 : vector<1x16xf32> to vector<16xf32>
        %add3A_2600 = arith.addf %scan3A_2564, %get3A_2599 : vector<16xf32>
        %add3A_2601 = arith.constant 0 : i32
        %add3A_2602 = arith.addi %add3A_2572, %add3A_2601 : i32
        %get3A_2603 = arith.index_cast %add3A_2602 : i32 to index
        %get3A_2604 = arith.constant 16 : index
        %get3A_2605 = tpu.vector_load %arg11[%get3A_2603, %get3A_2604] {strides = array<i32>} : memref<1600x32xf32, #tpu.memory_space<vmem>>, vector<1x16xf32>,
        %get3A_2606 = vector.shape_cast %get3A_2605 : vector<1x16xf32> to vector<16xf32>
        %add3A_2607 = arith.addf %scan3A_2565, %get3A_2606 : vector<16xf32>
        %add3A_2608 = arith.constant 1 : i32
        %add3A_2609 = arith.addi %add3A_2572, %add3A_2608 : i32
        %get3A_2610 = arith.index_cast %add3A_2609 : i32 to index
        %get3A_2611 = arith.constant 16 : index
        %get3A_2612 = tpu.vector_load %arg11[%get3A_2610, %get3A_2611] {strides = array<i32>} : memref<1600x32xf32, #tpu.memory_space<vmem>>, vector<1x16xf32>,
        %get3A_2613 = vector.shape_cast %get3A_2612 : vector<1x16xf32> to vector<16xf32>
        %add3A_2614 = arith.addf %scan3A_2566, %get3A_2613 : vector<16xf32>
        %add3A_2615 = arith.constant 2 : i32
        %add3A_2616 = arith.addi %add3A_2572, %add3A_2615 : i32
        %get3A_2617 = arith.index_cast %add3A_2616 : i32 to index
        %get3A_2618 = arith.constant 16 : index
        %get3A_2619 = tpu.vector_load %arg11[%get3A_2617, %get3A_2618] {strides = array<i32>} : memref<1600x32xf32, #tpu.memory_space<vmem>>, vector<1x16xf32>,
        %get3A_2620 = vector.shape_cast %get3A_2619 : vector<1x16xf32> to vector<16xf32>
        %add3A_2621 = arith.addf %scan3A_2567, %get3A_2620 : vector<16xf32>
        %add3A_2622 = arith.constant 3 : i32
        %add3A_2623 = arith.addi %add3A_2572, %add3A_2622 : i32
        %get3A_2624 = arith.index_cast %add3A_2623 : i32 to index
        %get3A_2625 = arith.constant 16 : index
        %get3A_2626 = tpu.vector_load %arg11[%get3A_2624, %get3A_2625] {strides = array<i32>} : memref<1600x32xf32, #tpu.memory_space<vmem>>, vector<1x16xf32>,
        %get3A_2627 = vector.shape_cast %get3A_2626 : vector<1x16xf32> to vector<16xf32>
        %add3A_2628 = arith.addf %scan3A_2568, %get3A_2627 : vector<16xf32>
        scf.yield %add3A_2579, %add3A_2586, %add3A_2593, %add3A_2600, %add3A_2607, %add3A_2614, %add3A_2621, %add3A_2628 : vector<16xf32>, vector<16xf32>, vector<16xf32>, vector<16xf32>, vector<16xf32>, vector<16xf32>, vector<16xf32>, vector<16xf32>
      }
      %scan3A_1319 = arith.constant 50 : i32
      %add3A_1320 = arith.addf %scan3A_1318#0, %scan3A_1318#1 : vector<16xf32>
      %add3A_1321 = arith.addf %scan3A_1318#2, %scan3A_1318#3 : vector<16xf32>
      %add3A_1322 = arith.addf %add3A_1320, %add3A_1321 : vector<16xf32>
      %add3A_1323 = arith.addf %scan3A_1318#4, %scan3A_1318#5 : vector<16xf32>
      %add3A_1324 = arith.addf %scan3A_1318#6, %scan3A_1318#7 : vector<16xf32>
      %add3A_1325 = arith.addf %add3A_1323, %add3A_1324 : vector<16xf32>
      %mul3A_1326 = arith.mulf %add3A_1322, %get3A_8 : vector<16xf32>
      %mul3A_1327 = arith.mulf %add3A_1325, %get3A_13 : vector<16xf32>
      %add3A_1328 = arith.addf %mul3A_1326, %mul3A_1327 : vector<16xf32>
      %xor3A_1329 = arith.constant 8 : i32
      %xor3A_1330 = vector.broadcast %xor3A_1329 : i32 to vector<16xi32>
      %xor3A_1331 = arith.xori %iota3A, %xor3A_1330 : vector<16xi32>
      %lt3A_1332 = arith.constant 0 : i32
      %lt3A_1333 = vector.broadcast %lt3A_1332 : i32 to vector<16xi32>
      %lt3A_1334 = arith.cmpi slt, %xor3A_1331, %lt3A_1333 : vector<16xi32>
      %add3A_1335 = arith.constant 16 : i32
      %add3A_1336 = vector.broadcast %add3A_1335 : i32 to vector<16xi32>
      %add3A_1337 = arith.addi %xor3A_1331, %add3A_1336 : vector<16xi32>
      %select_n3A_1338 = arith.select %lt3A_1334, %add3A_1337, %xor3A_1331 : vector<16xi1>, vector<16xi32>
      %broadcast_in_dim3A_1339 = vector.shape_cast %select_n3A_1338 : vector<16xi32> to vector<16x1xi32>
      %gather3A_1340 = vector.shape_cast %broadcast_in_dim3A_1339 : vector<16x1xi32> to vector<16xi32>
      %gather3A_1341 = tpu.dynamic_gather %add3A_1328[%gather3A_1340] in [0] : vector<16xf32>, vector<16xi32> -> vector<16xf32>
      %add3A_1342 = arith.addf %add3A_1328, %gather3A_1341 : vector<16xf32>
      %xor3A_1343 = arith.constant 4 : i32
      %xor3A_1344 = vector.broadcast %xor3A_1343 : i32 to vector<16xi32>
      %xor3A_1345 = arith.xori %iota3A, %xor3A_1344 : vector<16xi32>
      %lt3A_1346 = arith.constant 0 : i32
      %lt3A_1347 = vector.broadcast %lt3A_1346 : i32 to vector<16xi32>
      %lt3A_1348 = arith.cmpi slt, %xor3A_1345, %lt3A_1347 : vector<16xi32>
      %add3A_1349 = arith.constant 16 : i32
      %add3A_1350 = vector.broadcast %add3A_1349 : i32 to vector<16xi32>
      %add3A_1351 = arith.addi %xor3A_1345, %add3A_1350 : vector<16xi32>
      %select_n3A_1352 = arith.select %lt3A_1348, %add3A_1351, %xor3A_1345 : vector<16xi1>, vector<16xi32>
      %broadcast_in_dim3A_1353 = vector.shape_cast %select_n3A_1352 : vector<16xi32> to vector<16x1xi32>
      %gather3A_1354 = vector.shape_cast %broadcast_in_dim3A_1353 : vector<16x1xi32> to vector<16xi32>
      %gather3A_1355 = tpu.dynamic_gather %add3A_1342[%gather3A_1354] in [0] : vector<16xf32>, vector<16xi32> -> vector<16xf32>
      %add3A_1356 = arith.addf %add3A_1342, %gather3A_1355 : vector<16xf32>
      %xor3A_1357 = arith.constant 2 : i32
      %xor3A_1358 = vector.broadcast %xor3A_1357 : i32 to vector<16xi32>
      %xor3A_1359 = arith.xori %iota3A, %xor3A_1358 : vector<16xi32>
      %lt3A_1360 = arith.constant 0 : i32
      %lt3A_1361 = vector.broadcast %lt3A_1360 : i32 to vector<16xi32>
      %lt3A_1362 = arith.cmpi slt, %xor3A_1359, %lt3A_1361 : vector<16xi32>
      %add3A_1363 = arith.constant 16 : i32
      %add3A_1364 = vector.broadcast %add3A_1363 : i32 to vector<16xi32>
      %add3A_1365 = arith.addi %xor3A_1359, %add3A_1364 : vector<16xi32>
      %select_n3A_1366 = arith.select %lt3A_1362, %add3A_1365, %xor3A_1359 : vector<16xi1>, vector<16xi32>
      %broadcast_in_dim3A_1367 = vector.shape_cast %select_n3A_1366 : vector<16xi32> to vector<16x1xi32>
      %gather3A_1368 = vector.shape_cast %broadcast_in_dim3A_1367 : vector<16x1xi32> to vector<16xi32>
      %gather3A_1369 = tpu.dynamic_gather %add3A_1356[%gather3A_1368] in [0] : vector<16xf32>, vector<16xi32> -> vector<16xf32>
      %add3A_1370 = arith.addf %add3A_1356, %gather3A_1369 : vector<16xf32>
      %xor3A_1371 = arith.constant 1 : i32
      %xor3A_1372 = vector.broadcast %xor3A_1371 : i32 to vector<16xi32>
      %xor3A_1373 = arith.xori %iota3A, %xor3A_1372 : vector<16xi32>
      %lt3A_1374 = arith.constant 0 : i32
      %lt3A_1375 = vector.broadcast %lt3A_1374 : i32 to vector<16xi32>
      %lt3A_1376 = arith.cmpi slt, %xor3A_1373, %lt3A_1375 : vector<16xi32>
      %add3A_1377 = arith.constant 16 : i32
      %add3A_1378 = vector.broadcast %add3A_1377 : i32 to vector<16xi32>
      %add3A_1379 = arith.addi %xor3A_1373, %add3A_1378 : vector<16xi32>
      %select_n3A_1380 = arith.select %lt3A_1376, %add3A_1379, %xor3A_1373 : vector<16xi1>, vector<16xi32>
      %broadcast_in_dim3A_1381 = vector.shape_cast %select_n3A_1380 : vector<16xi32> to vector<16x1xi32>
      %gather3A_1382 = vector.shape_cast %broadcast_in_dim3A_1381 : vector<16x1xi32> to vector<16xi32>
      %gather3A_1383 = tpu.dynamic_gather %add3A_1370[%gather3A_1382] in [0] : vector<16xf32>, vector<16xi32> -> vector<16xf32>
      %add3A_1384 = arith.addf %add3A_1370, %gather3A_1383 : vector<16xf32>
      %mul3A_1385 = arith.mulf %add3A_1322, %get3A_18 : vector<16xf32>
      %mul3A_1386 = arith.mulf %add3A_1325, %get3A_23 : vector<16xf32>
      %add3A_1387 = arith.addf %mul3A_1385, %mul3A_1386 : vector<16xf32>
      %xor3A_1388 = arith.constant 8 : i32
      %xor3A_1389 = vector.broadcast %xor3A_1388 : i32 to vector<16xi32>
      %xor3A_1390 = arith.xori %iota3A, %xor3A_1389 : vector<16xi32>
      %lt3A_1391 = arith.constant 0 : i32
      %lt3A_1392 = vector.broadcast %lt3A_1391 : i32 to vector<16xi32>
      %lt3A_1393 = arith.cmpi slt, %xor3A_1390, %lt3A_1392 : vector<16xi32>
      %add3A_1394 = arith.constant 16 : i32
      %add3A_1395 = vector.broadcast %add3A_1394 : i32 to vector<16xi32>
      %add3A_1396 = arith.addi %xor3A_1390, %add3A_1395 : vector<16xi32>
      %select_n3A_1397 = arith.select %lt3A_1393, %add3A_1396, %xor3A_1390 : vector<16xi1>, vector<16xi32>
      %broadcast_in_dim3A_1398 = vector.shape_cast %select_n3A_1397 : vector<16xi32> to vector<16x1xi32>
      %gather3A_1399 = vector.shape_cast %broadcast_in_dim3A_1398 : vector<16x1xi32> to vector<16xi32>
      %gather3A_1400 = tpu.dynamic_gather %add3A_1387[%gather3A_1399] in [0] : vector<16xf32>, vector<16xi32> -> vector<16xf32>
      %add3A_1401 = arith.addf %add3A_1387, %gather3A_1400 : vector<16xf32>
      %xor3A_1402 = arith.constant 4 : i32
      %xor3A_1403 = vector.broadcast %xor3A_1402 : i32 to vector<16xi32>
      %xor3A_1404 = arith.xori %iota3A, %xor3A_1403 : vector<16xi32>
      %lt3A_1405 = arith.constant 0 : i32
      %lt3A_1406 = vector.broadcast %lt3A_1405 : i32 to vector<16xi32>
      %lt3A_1407 = arith.cmpi slt, %xor3A_1404, %lt3A_1406 : vector<16xi32>
      %add3A_1408 = arith.constant 16 : i32
      %add3A_1409 = vector.broadcast %add3A_1408 : i32 to vector<16xi32>
      %add3A_1410 = arith.addi %xor3A_1404, %add3A_1409 : vector<16xi32>
      %select_n3A_1411 = arith.select %lt3A_1407, %add3A_1410, %xor3A_1404 : vector<16xi1>, vector<16xi32>
      %broadcast_in_dim3A_1412 = vector.shape_cast %select_n3A_1411 : vector<16xi32> to vector<16x1xi32>
      %gather3A_1413 = vector.shape_cast %broadcast_in_dim3A_1412 : vector<16x1xi32> to vector<16xi32>
      %gather3A_1414 = tpu.dynamic_gather %add3A_1401[%gather3A_1413] in [0] : vector<16xf32>, vector<16xi32> -> vector<16xf32>
      %add3A_1415 = arith.addf %add3A_1401, %gather3A_1414 : vector<16xf32>
      %xor3A_1416 = arith.constant 2 : i32
      %xor3A_1417 = vector.broadcast %xor3A_1416 : i32 to vector<16xi32>
      %xor3A_1418 = arith.xori %iota3A, %xor3A_1417 : vector<16xi32>
      %lt3A_1419 = arith.constant 0 : i32
      %lt3A_1420 = vector.broadcast %lt3A_1419 : i32 to vector<16xi32>
      %lt3A_1421 = arith.cmpi slt, %xor3A_1418, %lt3A_1420 : vector<16xi32>
      %add3A_1422 = arith.constant 16 : i32
      %add3A_1423 = vector.broadcast %add3A_1422 : i32 to vector<16xi32>
      %add3A_1424 = arith.addi %xor3A_1418, %add3A_1423 : vector<16xi32>
      %select_n3A_1425 = arith.select %lt3A_1421, %add3A_1424, %xor3A_1418 : vector<16xi1>, vector<16xi32>
      %broadcast_in_dim3A_1426 = vector.shape_cast %select_n3A_1425 : vector<16xi32> to vector<16x1xi32>
      %gather3A_1427 = vector.shape_cast %broadcast_in_dim3A_1426 : vector<16x1xi32> to vector<16xi32>
      %gather3A_1428 = tpu.dynamic_gather %add3A_1415[%gather3A_1427] in [0] : vector<16xf32>, vector<16xi32> -> vector<16xf32>
      %add3A_1429 = arith.addf %add3A_1415, %gather3A_1428 : vector<16xf32>
      %xor3A_1430 = arith.constant 1 : i32
      %xor3A_1431 = vector.broadcast %xor3A_1430 : i32 to vector<16xi32>
      %xor3A_1432 = arith.xori %iota3A, %xor3A_1431 : vector<16xi32>
      %lt3A_1433 = arith.constant 0 : i32
      %lt3A_1434 = vector.broadcast %lt3A_1433 : i32 to vector<16xi32>
      %lt3A_1435 = arith.cmpi slt, %xor3A_1432, %lt3A_1434 : vector<16xi32>
      %add3A_1436 = arith.constant 16 : i32
      %add3A_1437 = vector.broadcast %add3A_1436 : i32 to vector<16xi32>
      %add3A_1438 = arith.addi %xor3A_1432, %add3A_1437 : vector<16xi32>
      %select_n3A_1439 = arith.select %lt3A_1435, %add3A_1438, %xor3A_1432 : vector<16xi1>, vector<16xi32>
      %broadcast_in_dim3A_1440 = vector.shape_cast %select_n3A_1439 : vector<16xi32> to vector<16x1xi32>
      %gather3A_1441 = vector.shape_cast %broadcast_in_dim3A_1440 : vector<16x1xi32> to vector<16xi32>
      %gather3A_1442 = tpu.dynamic_gather %add3A_1429[%gather3A_1441] in [0] : vector<16xf32>, vector<16xi32> -> vector<16xf32>
      %add3A_1443 = arith.addf %add3A_1429, %gather3A_1442 : vector<16xf32>
      %eq3A_1444 = arith.constant 0 : i32
      %eq3A_1445 = vector.broadcast %eq3A_1444 : i32 to vector<16xi32>
      %eq3A_1446 = arith.cmpi eq, %iota3A, %eq3A_1445 : vector<16xi32>
      %eq3A_1447 = arith.constant 1 : i32
      %eq3A_1448 = vector.broadcast %eq3A_1447 : i32 to vector<16xi32>
      %eq3A_1449 = arith.cmpi eq, %iota3A, %eq3A_1448 : vector<16xi32>
      %jit3A_1450 = arith.constant 0.000000e+00 : f32
      %broadcast_in_dim3A_1451 = vector.broadcast %jit3A_1450 : f32 to vector<16xf32>
      %select_n3A_1452 = arith.select %eq3A_1449, %add3A_1443, %broadcast_in_dim3A_1451 : vector<16xi1>, vector<16xf32>
      %select_n3A_1453 = arith.select %eq3A_1446, %add3A_1384, %select_n3A_1452 : vector<16xi1>, vector<16xf32>
      %slice3A_1454 = vector.extract_strided_slice %get3A_1311 {offsets = [0], sizes = [1], strides = [1]} : vector<16xf32> to vector<1xf32>
      %squeeze3A_1455 = vector.extract %slice3A_1454[0] : f32 from vector<1xf32>
      %div3A_1456 = vector.broadcast %squeeze3A_1455 : f32 to vector<16xf32>
      %div3A_1457 = arith.divf %select_n3A_1453, %div3A_1456 : vector<16xf32>
      %add3A_1458 = arith.addf %div3A_1457, %get3A_26 : vector<16xf32>
      %mul3A_1459 = arith.constant 8 : i32
      %mul3A_1460 = arith.muli %add3A_1306, %mul3A_1459 : i32
      %add3A_1461 = arith.constant 0 : i32
      %add3A_1462 = arith.addi %mul3A_1460, %add3A_1461 : i32
      %swap3A_1463 = arith.index_cast %add3A_1462 : i32 to index
      %swap3A_1464 = arith.constant 0 : index
      %swap3A_1465 = tpu.vector_load %arg13[%swap3A_1463, %swap3A_1464] {strides = array<i32>} : memref<512x16xf32, #tpu.memory_space<vmem>>, vector<1x16xf32>,
      %swap3A_1466 = vector.shape_cast %swap3A_1465 : vector<1x16xf32> to vector<16xf32>
      %swap3A_1467 = vector.shape_cast %add3A_1458 : vector<16xf32> to vector<1x16xf32>
      tpu.vector_store %arg13[%swap3A_1463, %swap3A_1464], %swap3A_1467 {strides = array<i32>} : memref<512x16xf32, #tpu.memory_space<vmem>>, vector<1x16xf32>,
      %broadcast_in_dim3A_1468 = arith.constant 0.000000e+00 : f32
      %broadcast_in_dim3A_1469 = vector.broadcast %broadcast_in_dim3A_1468 : f32 to vector<16xf32>
      %scan3A_1470 = arith.constant 0 : i32
      %scan3A_1471 = arith.constant 50 : i32
      %scan3A_1472 = arith.addi %scan3A_1470, %scan3A_1471 : i32
      %scan3A_1473 = arith.constant 1 : i32
      %scan3A_1474:8 = scf.for %scan3A_2560 = %scan3A_1470 to %scan3A_1472 step %scan3A_1473 iter_args(%scan3A_2561 = %broadcast_in_dim3A_1469, %scan3A_2562 = %broadcast_in_dim3A_1469, %scan3A_2563 = %broadcast_in_dim3A_1469, %scan3A_2564 = %broadcast_in_dim3A_1469, %scan3A_2565 = %broadcast_in_dim3A_1469, %scan3A_2566 = %broadcast_in_dim3A_1469, %scan3A_2567 = %broadcast_in_dim3A_1469, %scan3A_2568 = %broadcast_in_dim3A_1469) -> (vector<16xf32>, vector<16xf32>, vector<16xf32>, vector<16xf32>, vector<16xf32>, vector<16xf32>, vector<16xf32>, vector<16xf32>)  : i32 {
        %mul3A_2569 = arith.constant 4 : i32
        %mul3A_2570 = arith.muli %scan3A_2560, %mul3A_2569 : i32
        %add3A_2571 = arith.constant 200 : i32
        %add3A_2572 = arith.addi %add3A_2571, %mul3A_2570 : i32
        %add3A_2573 = arith.constant 0 : i32
        %add3A_2574 = arith.addi %add3A_2572, %add3A_2573 : i32
        %get3A_2575 = arith.index_cast %add3A_2574 : i32 to index
        %get3A_2576 = arith.constant 0 : index
        %get3A_2577 = tpu.vector_load %arg11[%get3A_2575, %get3A_2576] {strides = array<i32>} : memref<1600x32xf32, #tpu.memory_space<vmem>>, vector<1x16xf32>,
        %get3A_2578 = vector.shape_cast %get3A_2577 : vector<1x16xf32> to vector<16xf32>
        %add3A_2579 = arith.addf %scan3A_2561, %get3A_2578 : vector<16xf32>
        %add3A_2580 = arith.constant 1 : i32
        %add3A_2581 = arith.addi %add3A_2572, %add3A_2580 : i32
        %get3A_2582 = arith.index_cast %add3A_2581 : i32 to index
        %get3A_2583 = arith.constant 0 : index
        %get3A_2584 = tpu.vector_load %arg11[%get3A_2582, %get3A_2583] {strides = array<i32>} : memref<1600x32xf32, #tpu.memory_space<vmem>>, vector<1x16xf32>,
        %get3A_2585 = vector.shape_cast %get3A_2584 : vector<1x16xf32> to vector<16xf32>
        %add3A_2586 = arith.addf %scan3A_2562, %get3A_2585 : vector<16xf32>
        %add3A_2587 = arith.constant 2 : i32
        %add3A_2588 = arith.addi %add3A_2572, %add3A_2587 : i32
        %get3A_2589 = arith.index_cast %add3A_2588 : i32 to index
        %get3A_2590 = arith.constant 0 : index
        %get3A_2591 = tpu.vector_load %arg11[%get3A_2589, %get3A_2590] {strides = array<i32>} : memref<1600x32xf32, #tpu.memory_space<vmem>>, vector<1x16xf32>,
        %get3A_2592 = vector.shape_cast %get3A_2591 : vector<1x16xf32> to vector<16xf32>
        %add3A_2593 = arith.addf %scan3A_2563, %get3A_2592 : vector<16xf32>
        %add3A_2594 = arith.constant 3 : i32
        %add3A_2595 = arith.addi %add3A_2572, %add3A_2594 : i32
        %get3A_2596 = arith.index_cast %add3A_2595 : i32 to index
        %get3A_2597 = arith.constant 0 : index
        %get3A_2598 = tpu.vector_load %arg11[%get3A_2596, %get3A_2597] {strides = array<i32>} : memref<1600x32xf32, #tpu.memory_space<vmem>>, vector<1x16xf32>,
        %get3A_2599 = vector.shape_cast %get3A_2598 : vector<1x16xf32> to vector<16xf32>
        %add3A_2600 = arith.addf %scan3A_2564, %get3A_2599 : vector<16xf32>
        %add3A_2601 = arith.constant 0 : i32
        %add3A_2602 = arith.addi %add3A_2572, %add3A_2601 : i32
        %get3A_2603 = arith.index_cast %add3A_2602 : i32 to index
        %get3A_2604 = arith.constant 16 : index
        %get3A_2605 = tpu.vector_load %arg11[%get3A_2603, %get3A_2604] {strides = array<i32>} : memref<1600x32xf32, #tpu.memory_space<vmem>>, vector<1x16xf32>,
        %get3A_2606 = vector.shape_cast %get3A_2605 : vector<1x16xf32> to vector<16xf32>
        %add3A_2607 = arith.addf %scan3A_2565, %get3A_2606 : vector<16xf32>
        %add3A_2608 = arith.constant 1 : i32
        %add3A_2609 = arith.addi %add3A_2572, %add3A_2608 : i32
        %get3A_2610 = arith.index_cast %add3A_2609 : i32 to index
        %get3A_2611 = arith.constant 16 : index
        %get3A_2612 = tpu.vector_load %arg11[%get3A_2610, %get3A_2611] {strides = array<i32>} : memref<1600x32xf32, #tpu.memory_space<vmem>>, vector<1x16xf32>,
        %get3A_2613 = vector.shape_cast %get3A_2612 : vector<1x16xf32> to vector<16xf32>
        %add3A_2614 = arith.addf %scan3A_2566, %get3A_2613 : vector<16xf32>
        %add3A_2615 = arith.constant 2 : i32
        %add3A_2616 = arith.addi %add3A_2572, %add3A_2615 : i32
        %get3A_2617 = arith.index_cast %add3A_2616 : i32 to index
        %get3A_2618 = arith.constant 16 : index
        %get3A_2619 = tpu.vector_load %arg11[%get3A_2617, %get3A_2618] {strides = array<i32>} : memref<1600x32xf32, #tpu.memory_space<vmem>>, vector<1x16xf32>,
        %get3A_2620 = vector.shape_cast %get3A_2619 : vector<1x16xf32> to vector<16xf32>
        %add3A_2621 = arith.addf %scan3A_2567, %get3A_2620 : vector<16xf32>
        %add3A_2622 = arith.constant 3 : i32
        %add3A_2623 = arith.addi %add3A_2572, %add3A_2622 : i32
        %get3A_2624 = arith.index_cast %add3A_2623 : i32 to index
        %get3A_2625 = arith.constant 16 : index
        %get3A_2626 = tpu.vector_load %arg11[%get3A_2624, %get3A_2625] {strides = array<i32>} : memref<1600x32xf32, #tpu.memory_space<vmem>>, vector<1x16xf32>,
        %get3A_2627 = vector.shape_cast %get3A_2626 : vector<1x16xf32> to vector<16xf32>
        %add3A_2628 = arith.addf %scan3A_2568, %get3A_2627 : vector<16xf32>
        scf.yield %add3A_2579, %add3A_2586, %add3A_2593, %add3A_2600, %add3A_2607, %add3A_2614, %add3A_2621, %add3A_2628 : vector<16xf32>, vector<16xf32>, vector<16xf32>, vector<16xf32>, vector<16xf32>, vector<16xf32>, vector<16xf32>, vector<16xf32>
      }
      %scan3A_1475 = arith.constant 50 : i32
      %add3A_1476 = arith.addf %scan3A_1474#0, %scan3A_1474#1 : vector<16xf32>
      %add3A_1477 = arith.addf %scan3A_1474#2, %scan3A_1474#3 : vector<16xf32>
      %add3A_1478 = arith.addf %add3A_1476, %add3A_1477 : vector<16xf32>
      %add3A_1479 = arith.addf %scan3A_1474#4, %scan3A_1474#5 : vector<16xf32>
      %add3A_1480 = arith.addf %scan3A_1474#6, %scan3A_1474#7 : vector<16xf32>
      %add3A_1481 = arith.addf %add3A_1479, %add3A_1480 : vector<16xf32>
      %mul3A_1482 = arith.mulf %add3A_1478, %get3A_8 : vector<16xf32>
      %mul3A_1483 = arith.mulf %add3A_1481, %get3A_13 : vector<16xf32>
      %add3A_1484 = arith.addf %mul3A_1482, %mul3A_1483 : vector<16xf32>
      %xor3A_1485 = arith.constant 8 : i32
      %xor3A_1486 = vector.broadcast %xor3A_1485 : i32 to vector<16xi32>
      %xor3A_1487 = arith.xori %iota3A, %xor3A_1486 : vector<16xi32>
      %lt3A_1488 = arith.constant 0 : i32
      %lt3A_1489 = vector.broadcast %lt3A_1488 : i32 to vector<16xi32>
      %lt3A_1490 = arith.cmpi slt, %xor3A_1487, %lt3A_1489 : vector<16xi32>
      %add3A_1491 = arith.constant 16 : i32
      %add3A_1492 = vector.broadcast %add3A_1491 : i32 to vector<16xi32>
      %add3A_1493 = arith.addi %xor3A_1487, %add3A_1492 : vector<16xi32>
      %select_n3A_1494 = arith.select %lt3A_1490, %add3A_1493, %xor3A_1487 : vector<16xi1>, vector<16xi32>
      %broadcast_in_dim3A_1495 = vector.shape_cast %select_n3A_1494 : vector<16xi32> to vector<16x1xi32>
      %gather3A_1496 = vector.shape_cast %broadcast_in_dim3A_1495 : vector<16x1xi32> to vector<16xi32>
      %gather3A_1497 = tpu.dynamic_gather %add3A_1484[%gather3A_1496] in [0] : vector<16xf32>, vector<16xi32> -> vector<16xf32>
      %add3A_1498 = arith.addf %add3A_1484, %gather3A_1497 : vector<16xf32>
      %xor3A_1499 = arith.constant 4 : i32
      %xor3A_1500 = vector.broadcast %xor3A_1499 : i32 to vector<16xi32>
      %xor3A_1501 = arith.xori %iota3A, %xor3A_1500 : vector<16xi32>
      %lt3A_1502 = arith.constant 0 : i32
      %lt3A_1503 = vector.broadcast %lt3A_1502 : i32 to vector<16xi32>
      %lt3A_1504 = arith.cmpi slt, %xor3A_1501, %lt3A_1503 : vector<16xi32>
      %add3A_1505 = arith.constant 16 : i32
      %add3A_1506 = vector.broadcast %add3A_1505 : i32 to vector<16xi32>
      %add3A_1507 = arith.addi %xor3A_1501, %add3A_1506 : vector<16xi32>
      %select_n3A_1508 = arith.select %lt3A_1504, %add3A_1507, %xor3A_1501 : vector<16xi1>, vector<16xi32>
      %broadcast_in_dim3A_1509 = vector.shape_cast %select_n3A_1508 : vector<16xi32> to vector<16x1xi32>
      %gather3A_1510 = vector.shape_cast %broadcast_in_dim3A_1509 : vector<16x1xi32> to vector<16xi32>
      %gather3A_1511 = tpu.dynamic_gather %add3A_1498[%gather3A_1510] in [0] : vector<16xf32>, vector<16xi32> -> vector<16xf32>
      %add3A_1512 = arith.addf %add3A_1498, %gather3A_1511 : vector<16xf32>
      %xor3A_1513 = arith.constant 2 : i32
      %xor3A_1514 = vector.broadcast %xor3A_1513 : i32 to vector<16xi32>
      %xor3A_1515 = arith.xori %iota3A, %xor3A_1514 : vector<16xi32>
      %lt3A_1516 = arith.constant 0 : i32
      %lt3A_1517 = vector.broadcast %lt3A_1516 : i32 to vector<16xi32>
      %lt3A_1518 = arith.cmpi slt, %xor3A_1515, %lt3A_1517 : vector<16xi32>
      %add3A_1519 = arith.constant 16 : i32
      %add3A_1520 = vector.broadcast %add3A_1519 : i32 to vector<16xi32>
      %add3A_1521 = arith.addi %xor3A_1515, %add3A_1520 : vector<16xi32>
      %select_n3A_1522 = arith.select %lt3A_1518, %add3A_1521, %xor3A_1515 : vector<16xi1>, vector<16xi32>
      %broadcast_in_dim3A_1523 = vector.shape_cast %select_n3A_1522 : vector<16xi32> to vector<16x1xi32>
      %gather3A_1524 = vector.shape_cast %broadcast_in_dim3A_1523 : vector<16x1xi32> to vector<16xi32>
      %gather3A_1525 = tpu.dynamic_gather %add3A_1512[%gather3A_1524] in [0] : vector<16xf32>, vector<16xi32> -> vector<16xf32>
      %add3A_1526 = arith.addf %add3A_1512, %gather3A_1525 : vector<16xf32>
      %xor3A_1527 = arith.constant 1 : i32
      %xor3A_1528 = vector.broadcast %xor3A_1527 : i32 to vector<16xi32>
      %xor3A_1529 = arith.xori %iota3A, %xor3A_1528 : vector<16xi32>
      %lt3A_1530 = arith.constant 0 : i32
      %lt3A_1531 = vector.broadcast %lt3A_1530 : i32 to vector<16xi32>
      %lt3A_1532 = arith.cmpi slt, %xor3A_1529, %lt3A_1531 : vector<16xi32>
      %add3A_1533 = arith.constant 16 : i32
      %add3A_1534 = vector.broadcast %add3A_1533 : i32 to vector<16xi32>
      %add3A_1535 = arith.addi %xor3A_1529, %add3A_1534 : vector<16xi32>
      %select_n3A_1536 = arith.select %lt3A_1532, %add3A_1535, %xor3A_1529 : vector<16xi1>, vector<16xi32>
      %broadcast_in_dim3A_1537 = vector.shape_cast %select_n3A_1536 : vector<16xi32> to vector<16x1xi32>
      %gather3A_1538 = vector.shape_cast %broadcast_in_dim3A_1537 : vector<16x1xi32> to vector<16xi32>
      %gather3A_1539 = tpu.dynamic_gather %add3A_1526[%gather3A_1538] in [0] : vector<16xf32>, vector<16xi32> -> vector<16xf32>
      %add3A_1540 = arith.addf %add3A_1526, %gather3A_1539 : vector<16xf32>
      %mul3A_1541 = arith.mulf %add3A_1478, %get3A_18 : vector<16xf32>
      %mul3A_1542 = arith.mulf %add3A_1481, %get3A_23 : vector<16xf32>
      %add3A_1543 = arith.addf %mul3A_1541, %mul3A_1542 : vector<16xf32>
      %xor3A_1544 = arith.constant 8 : i32
      %xor3A_1545 = vector.broadcast %xor3A_1544 : i32 to vector<16xi32>
      %xor3A_1546 = arith.xori %iota3A, %xor3A_1545 : vector<16xi32>
      %lt3A_1547 = arith.constant 0 : i32
      %lt3A_1548 = vector.broadcast %lt3A_1547 : i32 to vector<16xi32>
      %lt3A_1549 = arith.cmpi slt, %xor3A_1546, %lt3A_1548 : vector<16xi32>
      %add3A_1550 = arith.constant 16 : i32
      %add3A_1551 = vector.broadcast %add3A_1550 : i32 to vector<16xi32>
      %add3A_1552 = arith.addi %xor3A_1546, %add3A_1551 : vector<16xi32>
      %select_n3A_1553 = arith.select %lt3A_1549, %add3A_1552, %xor3A_1546 : vector<16xi1>, vector<16xi32>
      %broadcast_in_dim3A_1554 = vector.shape_cast %select_n3A_1553 : vector<16xi32> to vector<16x1xi32>
      %gather3A_1555 = vector.shape_cast %broadcast_in_dim3A_1554 : vector<16x1xi32> to vector<16xi32>
      %gather3A_1556 = tpu.dynamic_gather %add3A_1543[%gather3A_1555] in [0] : vector<16xf32>, vector<16xi32> -> vector<16xf32>
      %add3A_1557 = arith.addf %add3A_1543, %gather3A_1556 : vector<16xf32>
      %xor3A_1558 = arith.constant 4 : i32
      %xor3A_1559 = vector.broadcast %xor3A_1558 : i32 to vector<16xi32>
      %xor3A_1560 = arith.xori %iota3A, %xor3A_1559 : vector<16xi32>
      %lt3A_1561 = arith.constant 0 : i32
      %lt3A_1562 = vector.broadcast %lt3A_1561 : i32 to vector<16xi32>
      %lt3A_1563 = arith.cmpi slt, %xor3A_1560, %lt3A_1562 : vector<16xi32>
      %add3A_1564 = arith.constant 16 : i32
      %add3A_1565 = vector.broadcast %add3A_1564 : i32 to vector<16xi32>
      %add3A_1566 = arith.addi %xor3A_1560, %add3A_1565 : vector<16xi32>
      %select_n3A_1567 = arith.select %lt3A_1563, %add3A_1566, %xor3A_1560 : vector<16xi1>, vector<16xi32>
      %broadcast_in_dim3A_1568 = vector.shape_cast %select_n3A_1567 : vector<16xi32> to vector<16x1xi32>
      %gather3A_1569 = vector.shape_cast %broadcast_in_dim3A_1568 : vector<16x1xi32> to vector<16xi32>
      %gather3A_1570 = tpu.dynamic_gather %add3A_1557[%gather3A_1569] in [0] : vector<16xf32>, vector<16xi32> -> vector<16xf32>
      %add3A_1571 = arith.addf %add3A_1557, %gather3A_1570 : vector<16xf32>
      %xor3A_1572 = arith.constant 2 : i32
      %xor3A_1573 = vector.broadcast %xor3A_1572 : i32 to vector<16xi32>
      %xor3A_1574 = arith.xori %iota3A, %xor3A_1573 : vector<16xi32>
      %lt3A_1575 = arith.constant 0 : i32
      %lt3A_1576 = vector.broadcast %lt3A_1575 : i32 to vector<16xi32>
      %lt3A_1577 = arith.cmpi slt, %xor3A_1574, %lt3A_1576 : vector<16xi32>
      %add3A_1578 = arith.constant 16 : i32
      %add3A_1579 = vector.broadcast %add3A_1578 : i32 to vector<16xi32>
      %add3A_1580 = arith.addi %xor3A_1574, %add3A_1579 : vector<16xi32>
      %select_n3A_1581 = arith.select %lt3A_1577, %add3A_1580, %xor3A_1574 : vector<16xi1>, vector<16xi32>
      %broadcast_in_dim3A_1582 = vector.shape_cast %select_n3A_1581 : vector<16xi32> to vector<16x1xi32>
      %gather3A_1583 = vector.shape_cast %broadcast_in_dim3A_1582 : vector<16x1xi32> to vector<16xi32>
      %gather3A_1584 = tpu.dynamic_gather %add3A_1571[%gather3A_1583] in [0] : vector<16xf32>, vector<16xi32> -> vector<16xf32>
      %add3A_1585 = arith.addf %add3A_1571, %gather3A_1584 : vector<16xf32>
      %xor3A_1586 = arith.constant 1 : i32
      %xor3A_1587 = vector.broadcast %xor3A_1586 : i32 to vector<16xi32>
      %xor3A_1588 = arith.xori %iota3A, %xor3A_1587 : vector<16xi32>
      %lt3A_1589 = arith.constant 0 : i32
      %lt3A_1590 = vector.broadcast %lt3A_1589 : i32 to vector<16xi32>
      %lt3A_1591 = arith.cmpi slt, %xor3A_1588, %lt3A_1590 : vector<16xi32>
      %add3A_1592 = arith.constant 16 : i32
      %add3A_1593 = vector.broadcast %add3A_1592 : i32 to vector<16xi32>
      %add3A_1594 = arith.addi %xor3A_1588, %add3A_1593 : vector<16xi32>
      %select_n3A_1595 = arith.select %lt3A_1591, %add3A_1594, %xor3A_1588 : vector<16xi1>, vector<16xi32>
      %broadcast_in_dim3A_1596 = vector.shape_cast %select_n3A_1595 : vector<16xi32> to vector<16x1xi32>
      %gather3A_1597 = vector.shape_cast %broadcast_in_dim3A_1596 : vector<16x1xi32> to vector<16xi32>
      %gather3A_1598 = tpu.dynamic_gather %add3A_1585[%gather3A_1597] in [0] : vector<16xf32>, vector<16xi32> -> vector<16xf32>
      %add3A_1599 = arith.addf %add3A_1585, %gather3A_1598 : vector<16xf32>
      %eq3A_1600 = arith.constant 0 : i32
      %eq3A_1601 = vector.broadcast %eq3A_1600 : i32 to vector<16xi32>
      %eq3A_1602 = arith.cmpi eq, %iota3A, %eq3A_1601 : vector<16xi32>
      %eq3A_1603 = arith.constant 1 : i32
      %eq3A_1604 = vector.broadcast %eq3A_1603 : i32 to vector<16xi32>
      %eq3A_1605 = arith.cmpi eq, %iota3A, %eq3A_1604 : vector<16xi32>
      %jit3A_1606 = arith.constant 0.000000e+00 : f32
      %broadcast_in_dim3A_1607 = vector.broadcast %jit3A_1606 : f32 to vector<16xf32>
      %select_n3A_1608 = arith.select %eq3A_1605, %add3A_1599, %broadcast_in_dim3A_1607 : vector<16xi1>, vector<16xf32>
      %select_n3A_1609 = arith.select %eq3A_1602, %add3A_1540, %select_n3A_1608 : vector<16xi1>, vector<16xf32>
      %slice3A_1610 = vector.extract_strided_slice %get3A_1311 {offsets = [1], sizes = [1], strides = [1]} : vector<16xf32> to vector<1xf32>
      %squeeze3A_1611 = vector.extract %slice3A_1610[0] : f32 from vector<1xf32>
      %div3A_1612 = vector.broadcast %squeeze3A_1611 : f32 to vector<16xf32>
      %div3A_1613 = arith.divf %select_n3A_1609, %div3A_1612 : vector<16xf32>
      %add3A_1614 = arith.addf %div3A_1613, %get3A_26 : vector<16xf32>
      %mul3A_1615 = arith.constant 8 : i32
      %mul3A_1616 = arith.muli %add3A_1306, %mul3A_1615 : i32
      %add3A_1617 = arith.constant 1 : i32
      %add3A_1618 = arith.addi %mul3A_1616, %add3A_1617 : i32
      %swap3A_1619 = arith.index_cast %add3A_1618 : i32 to index
      %swap3A_1620 = arith.constant 0 : index
      %swap3A_1621 = tpu.vector_load %arg13[%swap3A_1619, %swap3A_1620] {strides = array<i32>} : memref<512x16xf32, #tpu.memory_space<vmem>>, vector<1x16xf32>,
      %swap3A_1622 = vector.shape_cast %swap3A_1621 : vector<1x16xf32> to vector<16xf32>
      %swap3A_1623 = vector.shape_cast %add3A_1614 : vector<16xf32> to vector<1x16xf32>
      tpu.vector_store %arg13[%swap3A_1619, %swap3A_1620], %swap3A_1623 {strides = array<i32>} : memref<512x16xf32, #tpu.memory_space<vmem>>, vector<1x16xf32>,
      %broadcast_in_dim3A_1624 = arith.constant 0.000000e+00 : f32
      %broadcast_in_dim3A_1625 = vector.broadcast %broadcast_in_dim3A_1624 : f32 to vector<16xf32>
      %scan3A_1626 = arith.constant 0 : i32
      %scan3A_1627 = arith.constant 50 : i32
      %scan3A_1628 = arith.addi %scan3A_1626, %scan3A_1627 : i32
      %scan3A_1629 = arith.constant 1 : i32
      %scan3A_1630:8 = scf.for %scan3A_2560 = %scan3A_1626 to %scan3A_1628 step %scan3A_1629 iter_args(%scan3A_2561 = %broadcast_in_dim3A_1625, %scan3A_2562 = %broadcast_in_dim3A_1625, %scan3A_2563 = %broadcast_in_dim3A_1625, %scan3A_2564 = %broadcast_in_dim3A_1625, %scan3A_2565 = %broadcast_in_dim3A_1625, %scan3A_2566 = %broadcast_in_dim3A_1625, %scan3A_2567 = %broadcast_in_dim3A_1625, %scan3A_2568 = %broadcast_in_dim3A_1625) -> (vector<16xf32>, vector<16xf32>, vector<16xf32>, vector<16xf32>, vector<16xf32>, vector<16xf32>, vector<16xf32>, vector<16xf32>)  : i32 {
        %mul3A_2569 = arith.constant 4 : i32
        %mul3A_2570 = arith.muli %scan3A_2560, %mul3A_2569 : i32
        %add3A_2571 = arith.constant 400 : i32
        %add3A_2572 = arith.addi %add3A_2571, %mul3A_2570 : i32
        %add3A_2573 = arith.constant 0 : i32
        %add3A_2574 = arith.addi %add3A_2572, %add3A_2573 : i32
        %get3A_2575 = arith.index_cast %add3A_2574 : i32 to index
        %get3A_2576 = arith.constant 0 : index
        %get3A_2577 = tpu.vector_load %arg11[%get3A_2575, %get3A_2576] {strides = array<i32>} : memref<1600x32xf32, #tpu.memory_space<vmem>>, vector<1x16xf32>,
        %get3A_2578 = vector.shape_cast %get3A_2577 : vector<1x16xf32> to vector<16xf32>
        %add3A_2579 = arith.addf %scan3A_2561, %get3A_2578 : vector<16xf32>
        %add3A_2580 = arith.constant 1 : i32
        %add3A_2581 = arith.addi %add3A_2572, %add3A_2580 : i32
        %get3A_2582 = arith.index_cast %add3A_2581 : i32 to index
        %get3A_2583 = arith.constant 0 : index
        %get3A_2584 = tpu.vector_load %arg11[%get3A_2582, %get3A_2583] {strides = array<i32>} : memref<1600x32xf32, #tpu.memory_space<vmem>>, vector<1x16xf32>,
        %get3A_2585 = vector.shape_cast %get3A_2584 : vector<1x16xf32> to vector<16xf32>
        %add3A_2586 = arith.addf %scan3A_2562, %get3A_2585 : vector<16xf32>
        %add3A_2587 = arith.constant 2 : i32
        %add3A_2588 = arith.addi %add3A_2572, %add3A_2587 : i32
        %get3A_2589 = arith.index_cast %add3A_2588 : i32 to index
        %get3A_2590 = arith.constant 0 : index
        %get3A_2591 = tpu.vector_load %arg11[%get3A_2589, %get3A_2590] {strides = array<i32>} : memref<1600x32xf32, #tpu.memory_space<vmem>>, vector<1x16xf32>,
        %get3A_2592 = vector.shape_cast %get3A_2591 : vector<1x16xf32> to vector<16xf32>
        %add3A_2593 = arith.addf %scan3A_2563, %get3A_2592 : vector<16xf32>
        %add3A_2594 = arith.constant 3 : i32
        %add3A_2595 = arith.addi %add3A_2572, %add3A_2594 : i32
        %get3A_2596 = arith.index_cast %add3A_2595 : i32 to index
        %get3A_2597 = arith.constant 0 : index
        %get3A_2598 = tpu.vector_load %arg11[%get3A_2596, %get3A_2597] {strides = array<i32>} : memref<1600x32xf32, #tpu.memory_space<vmem>>, vector<1x16xf32>,
        %get3A_2599 = vector.shape_cast %get3A_2598 : vector<1x16xf32> to vector<16xf32>
        %add3A_2600 = arith.addf %scan3A_2564, %get3A_2599 : vector<16xf32>
        %add3A_2601 = arith.constant 0 : i32
        %add3A_2602 = arith.addi %add3A_2572, %add3A_2601 : i32
        %get3A_2603 = arith.index_cast %add3A_2602 : i32 to index
        %get3A_2604 = arith.constant 16 : index
        %get3A_2605 = tpu.vector_load %arg11[%get3A_2603, %get3A_2604] {strides = array<i32>} : memref<1600x32xf32, #tpu.memory_space<vmem>>, vector<1x16xf32>,
        %get3A_2606 = vector.shape_cast %get3A_2605 : vector<1x16xf32> to vector<16xf32>
        %add3A_2607 = arith.addf %scan3A_2565, %get3A_2606 : vector<16xf32>
        %add3A_2608 = arith.constant 1 : i32
        %add3A_2609 = arith.addi %add3A_2572, %add3A_2608 : i32
        %get3A_2610 = arith.index_cast %add3A_2609 : i32 to index
        %get3A_2611 = arith.constant 16 : index
        %get3A_2612 = tpu.vector_load %arg11[%get3A_2610, %get3A_2611] {strides = array<i32>} : memref<1600x32xf32, #tpu.memory_space<vmem>>, vector<1x16xf32>,
        %get3A_2613 = vector.shape_cast %get3A_2612 : vector<1x16xf32> to vector<16xf32>
        %add3A_2614 = arith.addf %scan3A_2566, %get3A_2613 : vector<16xf32>
        %add3A_2615 = arith.constant 2 : i32
        %add3A_2616 = arith.addi %add3A_2572, %add3A_2615 : i32
        %get3A_2617 = arith.index_cast %add3A_2616 : i32 to index
        %get3A_2618 = arith.constant 16 : index
        %get3A_2619 = tpu.vector_load %arg11[%get3A_2617, %get3A_2618] {strides = array<i32>} : memref<1600x32xf32, #tpu.memory_space<vmem>>, vector<1x16xf32>,
        %get3A_2620 = vector.shape_cast %get3A_2619 : vector<1x16xf32> to vector<16xf32>
        %add3A_2621 = arith.addf %scan3A_2567, %get3A_2620 : vector<16xf32>
        %add3A_2622 = arith.constant 3 : i32
        %add3A_2623 = arith.addi %add3A_2572, %add3A_2622 : i32
        %get3A_2624 = arith.index_cast %add3A_2623 : i32 to index
        %get3A_2625 = arith.constant 16 : index
        %get3A_2626 = tpu.vector_load %arg11[%get3A_2624, %get3A_2625] {strides = array<i32>} : memref<1600x32xf32, #tpu.memory_space<vmem>>, vector<1x16xf32>,
        %get3A_2627 = vector.shape_cast %get3A_2626 : vector<1x16xf32> to vector<16xf32>
        %add3A_2628 = arith.addf %scan3A_2568, %get3A_2627 : vector<16xf32>
        scf.yield %add3A_2579, %add3A_2586, %add3A_2593, %add3A_2600, %add3A_2607, %add3A_2614, %add3A_2621, %add3A_2628 : vector<16xf32>, vector<16xf32>, vector<16xf32>, vector<16xf32>, vector<16xf32>, vector<16xf32>, vector<16xf32>, vector<16xf32>
      }
      %scan3A_1631 = arith.constant 50 : i32
      %add3A_1632 = arith.addf %scan3A_1630#0, %scan3A_1630#1 : vector<16xf32>
      %add3A_1633 = arith.addf %scan3A_1630#2, %scan3A_1630#3 : vector<16xf32>
      %add3A_1634 = arith.addf %add3A_1632, %add3A_1633 : vector<16xf32>
      %add3A_1635 = arith.addf %scan3A_1630#4, %scan3A_1630#5 : vector<16xf32>
      %add3A_1636 = arith.addf %scan3A_1630#6, %scan3A_1630#7 : vector<16xf32>
      %add3A_1637 = arith.addf %add3A_1635, %add3A_1636 : vector<16xf32>
      %mul3A_1638 = arith.mulf %add3A_1634, %get3A_8 : vector<16xf32>
      %mul3A_1639 = arith.mulf %add3A_1637, %get3A_13 : vector<16xf32>
      %add3A_1640 = arith.addf %mul3A_1638, %mul3A_1639 : vector<16xf32>
      %xor3A_1641 = arith.constant 8 : i32
      %xor3A_1642 = vector.broadcast %xor3A_1641 : i32 to vector<16xi32>
      %xor3A_1643 = arith.xori %iota3A, %xor3A_1642 : vector<16xi32>
      %lt3A_1644 = arith.constant 0 : i32
      %lt3A_1645 = vector.broadcast %lt3A_1644 : i32 to vector<16xi32>
      %lt3A_1646 = arith.cmpi slt, %xor3A_1643, %lt3A_1645 : vector<16xi32>
      %add3A_1647 = arith.constant 16 : i32
      %add3A_1648 = vector.broadcast %add3A_1647 : i32 to vector<16xi32>
      %add3A_1649 = arith.addi %xor3A_1643, %add3A_1648 : vector<16xi32>
      %select_n3A_1650 = arith.select %lt3A_1646, %add3A_1649, %xor3A_1643 : vector<16xi1>, vector<16xi32>
      %broadcast_in_dim3A_1651 = vector.shape_cast %select_n3A_1650 : vector<16xi32> to vector<16x1xi32>
      %gather3A_1652 = vector.shape_cast %broadcast_in_dim3A_1651 : vector<16x1xi32> to vector<16xi32>
      %gather3A_1653 = tpu.dynamic_gather %add3A_1640[%gather3A_1652] in [0] : vector<16xf32>, vector<16xi32> -> vector<16xf32>
      %add3A_1654 = arith.addf %add3A_1640, %gather3A_1653 : vector<16xf32>
      %xor3A_1655 = arith.constant 4 : i32
      %xor3A_1656 = vector.broadcast %xor3A_1655 : i32 to vector<16xi32>
      %xor3A_1657 = arith.xori %iota3A, %xor3A_1656 : vector<16xi32>
      %lt3A_1658 = arith.constant 0 : i32
      %lt3A_1659 = vector.broadcast %lt3A_1658 : i32 to vector<16xi32>
      %lt3A_1660 = arith.cmpi slt, %xor3A_1657, %lt3A_1659 : vector<16xi32>
      %add3A_1661 = arith.constant 16 : i32
      %add3A_1662 = vector.broadcast %add3A_1661 : i32 to vector<16xi32>
      %add3A_1663 = arith.addi %xor3A_1657, %add3A_1662 : vector<16xi32>
      %select_n3A_1664 = arith.select %lt3A_1660, %add3A_1663, %xor3A_1657 : vector<16xi1>, vector<16xi32>
      %broadcast_in_dim3A_1665 = vector.shape_cast %select_n3A_1664 : vector<16xi32> to vector<16x1xi32>
      %gather3A_1666 = vector.shape_cast %broadcast_in_dim3A_1665 : vector<16x1xi32> to vector<16xi32>
      %gather3A_1667 = tpu.dynamic_gather %add3A_1654[%gather3A_1666] in [0] : vector<16xf32>, vector<16xi32> -> vector<16xf32>
      %add3A_1668 = arith.addf %add3A_1654, %gather3A_1667 : vector<16xf32>
      %xor3A_1669 = arith.constant 2 : i32
      %xor3A_1670 = vector.broadcast %xor3A_1669 : i32 to vector<16xi32>
      %xor3A_1671 = arith.xori %iota3A, %xor3A_1670 : vector<16xi32>
      %lt3A_1672 = arith.constant 0 : i32
      %lt3A_1673 = vector.broadcast %lt3A_1672 : i32 to vector<16xi32>
      %lt3A_1674 = arith.cmpi slt, %xor3A_1671, %lt3A_1673 : vector<16xi32>
      %add3A_1675 = arith.constant 16 : i32
      %add3A_1676 = vector.broadcast %add3A_1675 : i32 to vector<16xi32>
      %add3A_1677 = arith.addi %xor3A_1671, %add3A_1676 : vector<16xi32>
      %select_n3A_1678 = arith.select %lt3A_1674, %add3A_1677, %xor3A_1671 : vector<16xi1>, vector<16xi32>
      %broadcast_in_dim3A_1679 = vector.shape_cast %select_n3A_1678 : vector<16xi32> to vector<16x1xi32>
      %gather3A_1680 = vector.shape_cast %broadcast_in_dim3A_1679 : vector<16x1xi32> to vector<16xi32>
      %gather3A_1681 = tpu.dynamic_gather %add3A_1668[%gather3A_1680] in [0] : vector<16xf32>, vector<16xi32> -> vector<16xf32>
      %add3A_1682 = arith.addf %add3A_1668, %gather3A_1681 : vector<16xf32>
      %xor3A_1683 = arith.constant 1 : i32
      %xor3A_1684 = vector.broadcast %xor3A_1683 : i32 to vector<16xi32>
      %xor3A_1685 = arith.xori %iota3A, %xor3A_1684 : vector<16xi32>
      %lt3A_1686 = arith.constant 0 : i32
      %lt3A_1687 = vector.broadcast %lt3A_1686 : i32 to vector<16xi32>
      %lt3A_1688 = arith.cmpi slt, %xor3A_1685, %lt3A_1687 : vector<16xi32>
      %add3A_1689 = arith.constant 16 : i32
      %add3A_1690 = vector.broadcast %add3A_1689 : i32 to vector<16xi32>
      %add3A_1691 = arith.addi %xor3A_1685, %add3A_1690 : vector<16xi32>
      %select_n3A_1692 = arith.select %lt3A_1688, %add3A_1691, %xor3A_1685 : vector<16xi1>, vector<16xi32>
      %broadcast_in_dim3A_1693 = vector.shape_cast %select_n3A_1692 : vector<16xi32> to vector<16x1xi32>
      %gather3A_1694 = vector.shape_cast %broadcast_in_dim3A_1693 : vector<16x1xi32> to vector<16xi32>
      %gather3A_1695 = tpu.dynamic_gather %add3A_1682[%gather3A_1694] in [0] : vector<16xf32>, vector<16xi32> -> vector<16xf32>
      %add3A_1696 = arith.addf %add3A_1682, %gather3A_1695 : vector<16xf32>
      %mul3A_1697 = arith.mulf %add3A_1634, %get3A_18 : vector<16xf32>
      %mul3A_1698 = arith.mulf %add3A_1637, %get3A_23 : vector<16xf32>
      %add3A_1699 = arith.addf %mul3A_1697, %mul3A_1698 : vector<16xf32>
      %xor3A_1700 = arith.constant 8 : i32
      %xor3A_1701 = vector.broadcast %xor3A_1700 : i32 to vector<16xi32>
      %xor3A_1702 = arith.xori %iota3A, %xor3A_1701 : vector<16xi32>
      %lt3A_1703 = arith.constant 0 : i32
      %lt3A_1704 = vector.broadcast %lt3A_1703 : i32 to vector<16xi32>
      %lt3A_1705 = arith.cmpi slt, %xor3A_1702, %lt3A_1704 : vector<16xi32>
      %add3A_1706 = arith.constant 16 : i32
      %add3A_1707 = vector.broadcast %add3A_1706 : i32 to vector<16xi32>
      %add3A_1708 = arith.addi %xor3A_1702, %add3A_1707 : vector<16xi32>
      %select_n3A_1709 = arith.select %lt3A_1705, %add3A_1708, %xor3A_1702 : vector<16xi1>, vector<16xi32>
      %broadcast_in_dim3A_1710 = vector.shape_cast %select_n3A_1709 : vector<16xi32> to vector<16x1xi32>
      %gather3A_1711 = vector.shape_cast %broadcast_in_dim3A_1710 : vector<16x1xi32> to vector<16xi32>
      %gather3A_1712 = tpu.dynamic_gather %add3A_1699[%gather3A_1711] in [0] : vector<16xf32>, vector<16xi32> -> vector<16xf32>
      %add3A_1713 = arith.addf %add3A_1699, %gather3A_1712 : vector<16xf32>
      %xor3A_1714 = arith.constant 4 : i32
      %xor3A_1715 = vector.broadcast %xor3A_1714 : i32 to vector<16xi32>
      %xor3A_1716 = arith.xori %iota3A, %xor3A_1715 : vector<16xi32>
      %lt3A_1717 = arith.constant 0 : i32
      %lt3A_1718 = vector.broadcast %lt3A_1717 : i32 to vector<16xi32>
      %lt3A_1719 = arith.cmpi slt, %xor3A_1716, %lt3A_1718 : vector<16xi32>
      %add3A_1720 = arith.constant 16 : i32
      %add3A_1721 = vector.broadcast %add3A_1720 : i32 to vector<16xi32>
      %add3A_1722 = arith.addi %xor3A_1716, %add3A_1721 : vector<16xi32>
      %select_n3A_1723 = arith.select %lt3A_1719, %add3A_1722, %xor3A_1716 : vector<16xi1>, vector<16xi32>
      %broadcast_in_dim3A_1724 = vector.shape_cast %select_n3A_1723 : vector<16xi32> to vector<16x1xi32>
      %gather3A_1725 = vector.shape_cast %broadcast_in_dim3A_1724 : vector<16x1xi32> to vector<16xi32>
      %gather3A_1726 = tpu.dynamic_gather %add3A_1713[%gather3A_1725] in [0] : vector<16xf32>, vector<16xi32> -> vector<16xf32>
      %add3A_1727 = arith.addf %add3A_1713, %gather3A_1726 : vector<16xf32>
      %xor3A_1728 = arith.constant 2 : i32
      %xor3A_1729 = vector.broadcast %xor3A_1728 : i32 to vector<16xi32>
      %xor3A_1730 = arith.xori %iota3A, %xor3A_1729 : vector<16xi32>
      %lt3A_1731 = arith.constant 0 : i32
      %lt3A_1732 = vector.broadcast %lt3A_1731 : i32 to vector<16xi32>
      %lt3A_1733 = arith.cmpi slt, %xor3A_1730, %lt3A_1732 : vector<16xi32>
      %add3A_1734 = arith.constant 16 : i32
      %add3A_1735 = vector.broadcast %add3A_1734 : i32 to vector<16xi32>
      %add3A_1736 = arith.addi %xor3A_1730, %add3A_1735 : vector<16xi32>
      %select_n3A_1737 = arith.select %lt3A_1733, %add3A_1736, %xor3A_1730 : vector<16xi1>, vector<16xi32>
      %broadcast_in_dim3A_1738 = vector.shape_cast %select_n3A_1737 : vector<16xi32> to vector<16x1xi32>
      %gather3A_1739 = vector.shape_cast %broadcast_in_dim3A_1738 : vector<16x1xi32> to vector<16xi32>
      %gather3A_1740 = tpu.dynamic_gather %add3A_1727[%gather3A_1739] in [0] : vector<16xf32>, vector<16xi32> -> vector<16xf32>
      %add3A_1741 = arith.addf %add3A_1727, %gather3A_1740 : vector<16xf32>
      %xor3A_1742 = arith.constant 1 : i32
      %xor3A_1743 = vector.broadcast %xor3A_1742 : i32 to vector<16xi32>
      %xor3A_1744 = arith.xori %iota3A, %xor3A_1743 : vector<16xi32>
      %lt3A_1745 = arith.constant 0 : i32
      %lt3A_1746 = vector.broadcast %lt3A_1745 : i32 to vector<16xi32>
      %lt3A_1747 = arith.cmpi slt, %xor3A_1744, %lt3A_1746 : vector<16xi32>
      %add3A_1748 = arith.constant 16 : i32
      %add3A_1749 = vector.broadcast %add3A_1748 : i32 to vector<16xi32>
      %add3A_1750 = arith.addi %xor3A_1744, %add3A_1749 : vector<16xi32>
      %select_n3A_1751 = arith.select %lt3A_1747, %add3A_1750, %xor3A_1744 : vector<16xi1>, vector<16xi32>
      %broadcast_in_dim3A_1752 = vector.shape_cast %select_n3A_1751 : vector<16xi32> to vector<16x1xi32>
      %gather3A_1753 = vector.shape_cast %broadcast_in_dim3A_1752 : vector<16x1xi32> to vector<16xi32>
      %gather3A_1754 = tpu.dynamic_gather %add3A_1741[%gather3A_1753] in [0] : vector<16xf32>, vector<16xi32> -> vector<16xf32>
      %add3A_1755 = arith.addf %add3A_1741, %gather3A_1754 : vector<16xf32>
      %eq3A_1756 = arith.constant 0 : i32
      %eq3A_1757 = vector.broadcast %eq3A_1756 : i32 to vector<16xi32>
      %eq3A_1758 = arith.cmpi eq, %iota3A, %eq3A_1757 : vector<16xi32>
      %eq3A_1759 = arith.constant 1 : i32
      %eq3A_1760 = vector.broadcast %eq3A_1759 : i32 to vector<16xi32>
      %eq3A_1761 = arith.cmpi eq, %iota3A, %eq3A_1760 : vector<16xi32>
      %jit3A_1762 = arith.constant 0.000000e+00 : f32
      %broadcast_in_dim3A_1763 = vector.broadcast %jit3A_1762 : f32 to vector<16xf32>
      %select_n3A_1764 = arith.select %eq3A_1761, %add3A_1755, %broadcast_in_dim3A_1763 : vector<16xi1>, vector<16xf32>
      %select_n3A_1765 = arith.select %eq3A_1758, %add3A_1696, %select_n3A_1764 : vector<16xi1>, vector<16xf32>
      %slice3A_1766 = vector.extract_strided_slice %get3A_1311 {offsets = [2], sizes = [1], strides = [1]} : vector<16xf32> to vector<1xf32>
      %squeeze3A_1767 = vector.extract %slice3A_1766[0] : f32 from vector<1xf32>
      %div3A_1768 = vector.broadcast %squeeze3A_1767 : f32 to vector<16xf32>
      %div3A_1769 = arith.divf %select_n3A_1765, %div3A_1768 : vector<16xf32>
      %add3A_1770 = arith.addf %div3A_1769, %get3A_26 : vector<16xf32>
      %mul3A_1771 = arith.constant 8 : i32
      %mul3A_1772 = arith.muli %add3A_1306, %mul3A_1771 : i32
      %add3A_1773 = arith.constant 2 : i32
      %add3A_1774 = arith.addi %mul3A_1772, %add3A_1773 : i32
      %swap3A_1775 = arith.index_cast %add3A_1774 : i32 to index
      %swap3A_1776 = arith.constant 0 : index
      %swap3A_1777 = tpu.vector_load %arg13[%swap3A_1775, %swap3A_1776] {strides = array<i32>} : memref<512x16xf32, #tpu.memory_space<vmem>>, vector<1x16xf32>,
      %swap3A_1778 = vector.shape_cast %swap3A_1777 : vector<1x16xf32> to vector<16xf32>
      %swap3A_1779 = vector.shape_cast %add3A_1770 : vector<16xf32> to vector<1x16xf32>
      tpu.vector_store %arg13[%swap3A_1775, %swap3A_1776], %swap3A_1779 {strides = array<i32>} : memref<512x16xf32, #tpu.memory_space<vmem>>, vector<1x16xf32>,
      %broadcast_in_dim3A_1780 = arith.constant 0.000000e+00 : f32
      %broadcast_in_dim3A_1781 = vector.broadcast %broadcast_in_dim3A_1780 : f32 to vector<16xf32>
      %scan3A_1782 = arith.constant 0 : i32
      %scan3A_1783 = arith.constant 50 : i32
      %scan3A_1784 = arith.addi %scan3A_1782, %scan3A_1783 : i32
      %scan3A_1785 = arith.constant 1 : i32
      %scan3A_1786:8 = scf.for %scan3A_2560 = %scan3A_1782 to %scan3A_1784 step %scan3A_1785 iter_args(%scan3A_2561 = %broadcast_in_dim3A_1781, %scan3A_2562 = %broadcast_in_dim3A_1781, %scan3A_2563 = %broadcast_in_dim3A_1781, %scan3A_2564 = %broadcast_in_dim3A_1781, %scan3A_2565 = %broadcast_in_dim3A_1781, %scan3A_2566 = %broadcast_in_dim3A_1781, %scan3A_2567 = %broadcast_in_dim3A_1781, %scan3A_2568 = %broadcast_in_dim3A_1781) -> (vector<16xf32>, vector<16xf32>, vector<16xf32>, vector<16xf32>, vector<16xf32>, vector<16xf32>, vector<16xf32>, vector<16xf32>)  : i32 {
        %mul3A_2569 = arith.constant 4 : i32
        %mul3A_2570 = arith.muli %scan3A_2560, %mul3A_2569 : i32
        %add3A_2571 = arith.constant 600 : i32
        %add3A_2572 = arith.addi %add3A_2571, %mul3A_2570 : i32
        %add3A_2573 = arith.constant 0 : i32
        %add3A_2574 = arith.addi %add3A_2572, %add3A_2573 : i32
        %get3A_2575 = arith.index_cast %add3A_2574 : i32 to index
        %get3A_2576 = arith.constant 0 : index
        %get3A_2577 = tpu.vector_load %arg11[%get3A_2575, %get3A_2576] {strides = array<i32>} : memref<1600x32xf32, #tpu.memory_space<vmem>>, vector<1x16xf32>,
        %get3A_2578 = vector.shape_cast %get3A_2577 : vector<1x16xf32> to vector<16xf32>
        %add3A_2579 = arith.addf %scan3A_2561, %get3A_2578 : vector<16xf32>
        %add3A_2580 = arith.constant 1 : i32
        %add3A_2581 = arith.addi %add3A_2572, %add3A_2580 : i32
        %get3A_2582 = arith.index_cast %add3A_2581 : i32 to index
        %get3A_2583 = arith.constant 0 : index
        %get3A_2584 = tpu.vector_load %arg11[%get3A_2582, %get3A_2583] {strides = array<i32>} : memref<1600x32xf32, #tpu.memory_space<vmem>>, vector<1x16xf32>,
        %get3A_2585 = vector.shape_cast %get3A_2584 : vector<1x16xf32> to vector<16xf32>
        %add3A_2586 = arith.addf %scan3A_2562, %get3A_2585 : vector<16xf32>
        %add3A_2587 = arith.constant 2 : i32
        %add3A_2588 = arith.addi %add3A_2572, %add3A_2587 : i32
        %get3A_2589 = arith.index_cast %add3A_2588 : i32 to index
        %get3A_2590 = arith.constant 0 : index
        %get3A_2591 = tpu.vector_load %arg11[%get3A_2589, %get3A_2590] {strides = array<i32>} : memref<1600x32xf32, #tpu.memory_space<vmem>>, vector<1x16xf32>,
        %get3A_2592 = vector.shape_cast %get3A_2591 : vector<1x16xf32> to vector<16xf32>
        %add3A_2593 = arith.addf %scan3A_2563, %get3A_2592 : vector<16xf32>
        %add3A_2594 = arith.constant 3 : i32
        %add3A_2595 = arith.addi %add3A_2572, %add3A_2594 : i32
        %get3A_2596 = arith.index_cast %add3A_2595 : i32 to index
        %get3A_2597 = arith.constant 0 : index
        %get3A_2598 = tpu.vector_load %arg11[%get3A_2596, %get3A_2597] {strides = array<i32>} : memref<1600x32xf32, #tpu.memory_space<vmem>>, vector<1x16xf32>,
        %get3A_2599 = vector.shape_cast %get3A_2598 : vector<1x16xf32> to vector<16xf32>
        %add3A_2600 = arith.addf %scan3A_2564, %get3A_2599 : vector<16xf32>
        %add3A_2601 = arith.constant 0 : i32
        %add3A_2602 = arith.addi %add3A_2572, %add3A_2601 : i32
        %get3A_2603 = arith.index_cast %add3A_2602 : i32 to index
        %get3A_2604 = arith.constant 16 : index
        %get3A_2605 = tpu.vector_load %arg11[%get3A_2603, %get3A_2604] {strides = array<i32>} : memref<1600x32xf32, #tpu.memory_space<vmem>>, vector<1x16xf32>,
        %get3A_2606 = vector.shape_cast %get3A_2605 : vector<1x16xf32> to vector<16xf32>
        %add3A_2607 = arith.addf %scan3A_2565, %get3A_2606 : vector<16xf32>
        %add3A_2608 = arith.constant 1 : i32
        %add3A_2609 = arith.addi %add3A_2572, %add3A_2608 : i32
        %get3A_2610 = arith.index_cast %add3A_2609 : i32 to index
        %get3A_2611 = arith.constant 16 : index
        %get3A_2612 = tpu.vector_load %arg11[%get3A_2610, %get3A_2611] {strides = array<i32>} : memref<1600x32xf32, #tpu.memory_space<vmem>>, vector<1x16xf32>,
        %get3A_2613 = vector.shape_cast %get3A_2612 : vector<1x16xf32> to vector<16xf32>
        %add3A_2614 = arith.addf %scan3A_2566, %get3A_2613 : vector<16xf32>
        %add3A_2615 = arith.constant 2 : i32
        %add3A_2616 = arith.addi %add3A_2572, %add3A_2615 : i32
        %get3A_2617 = arith.index_cast %add3A_2616 : i32 to index
        %get3A_2618 = arith.constant 16 : index
        %get3A_2619 = tpu.vector_load %arg11[%get3A_2617, %get3A_2618] {strides = array<i32>} : memref<1600x32xf32, #tpu.memory_space<vmem>>, vector<1x16xf32>,
        %get3A_2620 = vector.shape_cast %get3A_2619 : vector<1x16xf32> to vector<16xf32>
        %add3A_2621 = arith.addf %scan3A_2567, %get3A_2620 : vector<16xf32>
        %add3A_2622 = arith.constant 3 : i32
        %add3A_2623 = arith.addi %add3A_2572, %add3A_2622 : i32
        %get3A_2624 = arith.index_cast %add3A_2623 : i32 to index
        %get3A_2625 = arith.constant 16 : index
        %get3A_2626 = tpu.vector_load %arg11[%get3A_2624, %get3A_2625] {strides = array<i32>} : memref<1600x32xf32, #tpu.memory_space<vmem>>, vector<1x16xf32>,
        %get3A_2627 = vector.shape_cast %get3A_2626 : vector<1x16xf32> to vector<16xf32>
        %add3A_2628 = arith.addf %scan3A_2568, %get3A_2627 : vector<16xf32>
        scf.yield %add3A_2579, %add3A_2586, %add3A_2593, %add3A_2600, %add3A_2607, %add3A_2614, %add3A_2621, %add3A_2628 : vector<16xf32>, vector<16xf32>, vector<16xf32>, vector<16xf32>, vector<16xf32>, vector<16xf32>, vector<16xf32>, vector<16xf32>
      }
      %scan3A_1787 = arith.constant 50 : i32
      %add3A_1788 = arith.addf %scan3A_1786#0, %scan3A_1786#1 : vector<16xf32>
      %add3A_1789 = arith.addf %scan3A_1786#2, %scan3A_1786#3 : vector<16xf32>
      %add3A_1790 = arith.addf %add3A_1788, %add3A_1789 : vector<16xf32>
      %add3A_1791 = arith.addf %scan3A_1786#4, %scan3A_1786#5 : vector<16xf32>
      %add3A_1792 = arith.addf %scan3A_1786#6, %scan3A_1786#7 : vector<16xf32>
      %add3A_1793 = arith.addf %add3A_1791, %add3A_1792 : vector<16xf32>
      %mul3A_1794 = arith.mulf %add3A_1790, %get3A_8 : vector<16xf32>
      %mul3A_1795 = arith.mulf %add3A_1793, %get3A_13 : vector<16xf32>
      %add3A_1796 = arith.addf %mul3A_1794, %mul3A_1795 : vector<16xf32>
      %xor3A_1797 = arith.constant 8 : i32
      %xor3A_1798 = vector.broadcast %xor3A_1797 : i32 to vector<16xi32>
      %xor3A_1799 = arith.xori %iota3A, %xor3A_1798 : vector<16xi32>
      %lt3A_1800 = arith.constant 0 : i32
      %lt3A_1801 = vector.broadcast %lt3A_1800 : i32 to vector<16xi32>
      %lt3A_1802 = arith.cmpi slt, %xor3A_1799, %lt3A_1801 : vector<16xi32>
      %add3A_1803 = arith.constant 16 : i32
      %add3A_1804 = vector.broadcast %add3A_1803 : i32 to vector<16xi32>
      %add3A_1805 = arith.addi %xor3A_1799, %add3A_1804 : vector<16xi32>
      %select_n3A_1806 = arith.select %lt3A_1802, %add3A_1805, %xor3A_1799 : vector<16xi1>, vector<16xi32>
      %broadcast_in_dim3A_1807 = vector.shape_cast %select_n3A_1806 : vector<16xi32> to vector<16x1xi32>
      %gather3A_1808 = vector.shape_cast %broadcast_in_dim3A_1807 : vector<16x1xi32> to vector<16xi32>
      %gather3A_1809 = tpu.dynamic_gather %add3A_1796[%gather3A_1808] in [0] : vector<16xf32>, vector<16xi32> -> vector<16xf32>
      %add3A_1810 = arith.addf %add3A_1796, %gather3A_1809 : vector<16xf32>
      %xor3A_1811 = arith.constant 4 : i32
      %xor3A_1812 = vector.broadcast %xor3A_1811 : i32 to vector<16xi32>
      %xor3A_1813 = arith.xori %iota3A, %xor3A_1812 : vector<16xi32>
      %lt3A_1814 = arith.constant 0 : i32
      %lt3A_1815 = vector.broadcast %lt3A_1814 : i32 to vector<16xi32>
      %lt3A_1816 = arith.cmpi slt, %xor3A_1813, %lt3A_1815 : vector<16xi32>
      %add3A_1817 = arith.constant 16 : i32
      %add3A_1818 = vector.broadcast %add3A_1817 : i32 to vector<16xi32>
      %add3A_1819 = arith.addi %xor3A_1813, %add3A_1818 : vector<16xi32>
      %select_n3A_1820 = arith.select %lt3A_1816, %add3A_1819, %xor3A_1813 : vector<16xi1>, vector<16xi32>
      %broadcast_in_dim3A_1821 = vector.shape_cast %select_n3A_1820 : vector<16xi32> to vector<16x1xi32>
      %gather3A_1822 = vector.shape_cast %broadcast_in_dim3A_1821 : vector<16x1xi32> to vector<16xi32>
      %gather3A_1823 = tpu.dynamic_gather %add3A_1810[%gather3A_1822] in [0] : vector<16xf32>, vector<16xi32> -> vector<16xf32>
      %add3A_1824 = arith.addf %add3A_1810, %gather3A_1823 : vector<16xf32>
      %xor3A_1825 = arith.constant 2 : i32
      %xor3A_1826 = vector.broadcast %xor3A_1825 : i32 to vector<16xi32>
      %xor3A_1827 = arith.xori %iota3A, %xor3A_1826 : vector<16xi32>
      %lt3A_1828 = arith.constant 0 : i32
      %lt3A_1829 = vector.broadcast %lt3A_1828 : i32 to vector<16xi32>
      %lt3A_1830 = arith.cmpi slt, %xor3A_1827, %lt3A_1829 : vector<16xi32>
      %add3A_1831 = arith.constant 16 : i32
      %add3A_1832 = vector.broadcast %add3A_1831 : i32 to vector<16xi32>
      %add3A_1833 = arith.addi %xor3A_1827, %add3A_1832 : vector<16xi32>
      %select_n3A_1834 = arith.select %lt3A_1830, %add3A_1833, %xor3A_1827 : vector<16xi1>, vector<16xi32>
      %broadcast_in_dim3A_1835 = vector.shape_cast %select_n3A_1834 : vector<16xi32> to vector<16x1xi32>
      %gather3A_1836 = vector.shape_cast %broadcast_in_dim3A_1835 : vector<16x1xi32> to vector<16xi32>
      %gather3A_1837 = tpu.dynamic_gather %add3A_1824[%gather3A_1836] in [0] : vector<16xf32>, vector<16xi32> -> vector<16xf32>
      %add3A_1838 = arith.addf %add3A_1824, %gather3A_1837 : vector<16xf32>
      %xor3A_1839 = arith.constant 1 : i32
      %xor3A_1840 = vector.broadcast %xor3A_1839 : i32 to vector<16xi32>
      %xor3A_1841 = arith.xori %iota3A, %xor3A_1840 : vector<16xi32>
      %lt3A_1842 = arith.constant 0 : i32
      %lt3A_1843 = vector.broadcast %lt3A_1842 : i32 to vector<16xi32>
      %lt3A_1844 = arith.cmpi slt, %xor3A_1841, %lt3A_1843 : vector<16xi32>
      %add3A_1845 = arith.constant 16 : i32
      %add3A_1846 = vector.broadcast %add3A_1845 : i32 to vector<16xi32>
      %add3A_1847 = arith.addi %xor3A_1841, %add3A_1846 : vector<16xi32>
      %select_n3A_1848 = arith.select %lt3A_1844, %add3A_1847, %xor3A_1841 : vector<16xi1>, vector<16xi32>
      %broadcast_in_dim3A_1849 = vector.shape_cast %select_n3A_1848 : vector<16xi32> to vector<16x1xi32>
      %gather3A_1850 = vector.shape_cast %broadcast_in_dim3A_1849 : vector<16x1xi32> to vector<16xi32>
      %gather3A_1851 = tpu.dynamic_gather %add3A_1838[%gather3A_1850] in [0] : vector<16xf32>, vector<16xi32> -> vector<16xf32>
      %add3A_1852 = arith.addf %add3A_1838, %gather3A_1851 : vector<16xf32>
      %mul3A_1853 = arith.mulf %add3A_1790, %get3A_18 : vector<16xf32>
      %mul3A_1854 = arith.mulf %add3A_1793, %get3A_23 : vector<16xf32>
      %add3A_1855 = arith.addf %mul3A_1853, %mul3A_1854 : vector<16xf32>
      %xor3A_1856 = arith.constant 8 : i32
      %xor3A_1857 = vector.broadcast %xor3A_1856 : i32 to vector<16xi32>
      %xor3A_1858 = arith.xori %iota3A, %xor3A_1857 : vector<16xi32>
      %lt3A_1859 = arith.constant 0 : i32
      %lt3A_1860 = vector.broadcast %lt3A_1859 : i32 to vector<16xi32>
      %lt3A_1861 = arith.cmpi slt, %xor3A_1858, %lt3A_1860 : vector<16xi32>
      %add3A_1862 = arith.constant 16 : i32
      %add3A_1863 = vector.broadcast %add3A_1862 : i32 to vector<16xi32>
      %add3A_1864 = arith.addi %xor3A_1858, %add3A_1863 : vector<16xi32>
      %select_n3A_1865 = arith.select %lt3A_1861, %add3A_1864, %xor3A_1858 : vector<16xi1>, vector<16xi32>
      %broadcast_in_dim3A_1866 = vector.shape_cast %select_n3A_1865 : vector<16xi32> to vector<16x1xi32>
      %gather3A_1867 = vector.shape_cast %broadcast_in_dim3A_1866 : vector<16x1xi32> to vector<16xi32>
      %gather3A_1868 = tpu.dynamic_gather %add3A_1855[%gather3A_1867] in [0] : vector<16xf32>, vector<16xi32> -> vector<16xf32>
      %add3A_1869 = arith.addf %add3A_1855, %gather3A_1868 : vector<16xf32>
      %xor3A_1870 = arith.constant 4 : i32
      %xor3A_1871 = vector.broadcast %xor3A_1870 : i32 to vector<16xi32>
      %xor3A_1872 = arith.xori %iota3A, %xor3A_1871 : vector<16xi32>
      %lt3A_1873 = arith.constant 0 : i32
      %lt3A_1874 = vector.broadcast %lt3A_1873 : i32 to vector<16xi32>
      %lt3A_1875 = arith.cmpi slt, %xor3A_1872, %lt3A_1874 : vector<16xi32>
      %add3A_1876 = arith.constant 16 : i32
      %add3A_1877 = vector.broadcast %add3A_1876 : i32 to vector<16xi32>
      %add3A_1878 = arith.addi %xor3A_1872, %add3A_1877 : vector<16xi32>
      %select_n3A_1879 = arith.select %lt3A_1875, %add3A_1878, %xor3A_1872 : vector<16xi1>, vector<16xi32>
      %broadcast_in_dim3A_1880 = vector.shape_cast %select_n3A_1879 : vector<16xi32> to vector<16x1xi32>
      %gather3A_1881 = vector.shape_cast %broadcast_in_dim3A_1880 : vector<16x1xi32> to vector<16xi32>
      %gather3A_1882 = tpu.dynamic_gather %add3A_1869[%gather3A_1881] in [0] : vector<16xf32>, vector<16xi32> -> vector<16xf32>
      %add3A_1883 = arith.addf %add3A_1869, %gather3A_1882 : vector<16xf32>
      %xor3A_1884 = arith.constant 2 : i32
      %xor3A_1885 = vector.broadcast %xor3A_1884 : i32 to vector<16xi32>
      %xor3A_1886 = arith.xori %iota3A, %xor3A_1885 : vector<16xi32>
      %lt3A_1887 = arith.constant 0 : i32
      %lt3A_1888 = vector.broadcast %lt3A_1887 : i32 to vector<16xi32>
      %lt3A_1889 = arith.cmpi slt, %xor3A_1886, %lt3A_1888 : vector<16xi32>
      %add3A_1890 = arith.constant 16 : i32
      %add3A_1891 = vector.broadcast %add3A_1890 : i32 to vector<16xi32>
      %add3A_1892 = arith.addi %xor3A_1886, %add3A_1891 : vector<16xi32>
      %select_n3A_1893 = arith.select %lt3A_1889, %add3A_1892, %xor3A_1886 : vector<16xi1>, vector<16xi32>
      %broadcast_in_dim3A_1894 = vector.shape_cast %select_n3A_1893 : vector<16xi32> to vector<16x1xi32>
      %gather3A_1895 = vector.shape_cast %broadcast_in_dim3A_1894 : vector<16x1xi32> to vector<16xi32>
      %gather3A_1896 = tpu.dynamic_gather %add3A_1883[%gather3A_1895] in [0] : vector<16xf32>, vector<16xi32> -> vector<16xf32>
      %add3A_1897 = arith.addf %add3A_1883, %gather3A_1896 : vector<16xf32>
      %xor3A_1898 = arith.constant 1 : i32
      %xor3A_1899 = vector.broadcast %xor3A_1898 : i32 to vector<16xi32>
      %xor3A_1900 = arith.xori %iota3A, %xor3A_1899 : vector<16xi32>
      %lt3A_1901 = arith.constant 0 : i32
      %lt3A_1902 = vector.broadcast %lt3A_1901 : i32 to vector<16xi32>
      %lt3A_1903 = arith.cmpi slt, %xor3A_1900, %lt3A_1902 : vector<16xi32>
      %add3A_1904 = arith.constant 16 : i32
      %add3A_1905 = vector.broadcast %add3A_1904 : i32 to vector<16xi32>
      %add3A_1906 = arith.addi %xor3A_1900, %add3A_1905 : vector<16xi32>
      %select_n3A_1907 = arith.select %lt3A_1903, %add3A_1906, %xor3A_1900 : vector<16xi1>, vector<16xi32>
      %broadcast_in_dim3A_1908 = vector.shape_cast %select_n3A_1907 : vector<16xi32> to vector<16x1xi32>
      %gather3A_1909 = vector.shape_cast %broadcast_in_dim3A_1908 : vector<16x1xi32> to vector<16xi32>
      %gather3A_1910 = tpu.dynamic_gather %add3A_1897[%gather3A_1909] in [0] : vector<16xf32>, vector<16xi32> -> vector<16xf32>
      %add3A_1911 = arith.addf %add3A_1897, %gather3A_1910 : vector<16xf32>
      %eq3A_1912 = arith.constant 0 : i32
      %eq3A_1913 = vector.broadcast %eq3A_1912 : i32 to vector<16xi32>
      %eq3A_1914 = arith.cmpi eq, %iota3A, %eq3A_1913 : vector<16xi32>
      %eq3A_1915 = arith.constant 1 : i32
      %eq3A_1916 = vector.broadcast %eq3A_1915 : i32 to vector<16xi32>
      %eq3A_1917 = arith.cmpi eq, %iota3A, %eq3A_1916 : vector<16xi32>
      %jit3A_1918 = arith.constant 0.000000e+00 : f32
      %broadcast_in_dim3A_1919 = vector.broadcast %jit3A_1918 : f32 to vector<16xf32>
      %select_n3A_1920 = arith.select %eq3A_1917, %add3A_1911, %broadcast_in_dim3A_1919 : vector<16xi1>, vector<16xf32>
      %select_n3A_1921 = arith.select %eq3A_1914, %add3A_1852, %select_n3A_1920 : vector<16xi1>, vector<16xf32>
      %slice3A_1922 = vector.extract_strided_slice %get3A_1311 {offsets = [3], sizes = [1], strides = [1]} : vector<16xf32> to vector<1xf32>
      %squeeze3A_1923 = vector.extract %slice3A_1922[0] : f32 from vector<1xf32>
      %div3A_1924 = vector.broadcast %squeeze3A_1923 : f32 to vector<16xf32>
      %div3A_1925 = arith.divf %select_n3A_1921, %div3A_1924 : vector<16xf32>
      %add3A_1926 = arith.addf %div3A_1925, %get3A_26 : vector<16xf32>
      %mul3A_1927 = arith.constant 8 : i32
      %mul3A_1928 = arith.muli %add3A_1306, %mul3A_1927 : i32
      %add3A_1929 = arith.constant 3 : i32
      %add3A_1930 = arith.addi %mul3A_1928, %add3A_1929 : i32
      %swap3A_1931 = arith.index_cast %add3A_1930 : i32 to index
      %swap3A_1932 = arith.constant 0 : index
      %swap3A_1933 = tpu.vector_load %arg13[%swap3A_1931, %swap3A_1932] {strides = array<i32>} : memref<512x16xf32, #tpu.memory_space<vmem>>, vector<1x16xf32>,
      %swap3A_1934 = vector.shape_cast %swap3A_1933 : vector<1x16xf32> to vector<16xf32>
      %swap3A_1935 = vector.shape_cast %add3A_1926 : vector<16xf32> to vector<1x16xf32>
      tpu.vector_store %arg13[%swap3A_1931, %swap3A_1932], %swap3A_1935 {strides = array<i32>} : memref<512x16xf32, #tpu.memory_space<vmem>>, vector<1x16xf32>,
      %broadcast_in_dim3A_1936 = arith.constant 0.000000e+00 : f32
      %broadcast_in_dim3A_1937 = vector.broadcast %broadcast_in_dim3A_1936 : f32 to vector<16xf32>
      %scan3A_1938 = arith.constant 0 : i32
      %scan3A_1939 = arith.constant 50 : i32
      %scan3A_1940 = arith.addi %scan3A_1938, %scan3A_1939 : i32
      %scan3A_1941 = arith.constant 1 : i32
      %scan3A_1942:8 = scf.for %scan3A_2560 = %scan3A_1938 to %scan3A_1940 step %scan3A_1941 iter_args(%scan3A_2561 = %broadcast_in_dim3A_1937, %scan3A_2562 = %broadcast_in_dim3A_1937, %scan3A_2563 = %broadcast_in_dim3A_1937, %scan3A_2564 = %broadcast_in_dim3A_1937, %scan3A_2565 = %broadcast_in_dim3A_1937, %scan3A_2566 = %broadcast_in_dim3A_1937, %scan3A_2567 = %broadcast_in_dim3A_1937, %scan3A_2568 = %broadcast_in_dim3A_1937) -> (vector<16xf32>, vector<16xf32>, vector<16xf32>, vector<16xf32>, vector<16xf32>, vector<16xf32>, vector<16xf32>, vector<16xf32>)  : i32 {
        %mul3A_2569 = arith.constant 4 : i32
        %mul3A_2570 = arith.muli %scan3A_2560, %mul3A_2569 : i32
        %add3A_2571 = arith.constant 800 : i32
        %add3A_2572 = arith.addi %add3A_2571, %mul3A_2570 : i32
        %add3A_2573 = arith.constant 0 : i32
        %add3A_2574 = arith.addi %add3A_2572, %add3A_2573 : i32
        %get3A_2575 = arith.index_cast %add3A_2574 : i32 to index
        %get3A_2576 = arith.constant 0 : index
        %get3A_2577 = tpu.vector_load %arg11[%get3A_2575, %get3A_2576] {strides = array<i32>} : memref<1600x32xf32, #tpu.memory_space<vmem>>, vector<1x16xf32>,
        %get3A_2578 = vector.shape_cast %get3A_2577 : vector<1x16xf32> to vector<16xf32>
        %add3A_2579 = arith.addf %scan3A_2561, %get3A_2578 : vector<16xf32>
        %add3A_2580 = arith.constant 1 : i32
        %add3A_2581 = arith.addi %add3A_2572, %add3A_2580 : i32
        %get3A_2582 = arith.index_cast %add3A_2581 : i32 to index
        %get3A_2583 = arith.constant 0 : index
        %get3A_2584 = tpu.vector_load %arg11[%get3A_2582, %get3A_2583] {strides = array<i32>} : memref<1600x32xf32, #tpu.memory_space<vmem>>, vector<1x16xf32>,
        %get3A_2585 = vector.shape_cast %get3A_2584 : vector<1x16xf32> to vector<16xf32>
        %add3A_2586 = arith.addf %scan3A_2562, %get3A_2585 : vector<16xf32>
        %add3A_2587 = arith.constant 2 : i32
        %add3A_2588 = arith.addi %add3A_2572, %add3A_2587 : i32
        %get3A_2589 = arith.index_cast %add3A_2588 : i32 to index
        %get3A_2590 = arith.constant 0 : index
        %get3A_2591 = tpu.vector_load %arg11[%get3A_2589, %get3A_2590] {strides = array<i32>} : memref<1600x32xf32, #tpu.memory_space<vmem>>, vector<1x16xf32>,
        %get3A_2592 = vector.shape_cast %get3A_2591 : vector<1x16xf32> to vector<16xf32>
        %add3A_2593 = arith.addf %scan3A_2563, %get3A_2592 : vector<16xf32>
        %add3A_2594 = arith.constant 3 : i32
        %add3A_2595 = arith.addi %add3A_2572, %add3A_2594 : i32
        %get3A_2596 = arith.index_cast %add3A_2595 : i32 to index
        %get3A_2597 = arith.constant 0 : index
        %get3A_2598 = tpu.vector_load %arg11[%get3A_2596, %get3A_2597] {strides = array<i32>} : memref<1600x32xf32, #tpu.memory_space<vmem>>, vector<1x16xf32>,
        %get3A_2599 = vector.shape_cast %get3A_2598 : vector<1x16xf32> to vector<16xf32>
        %add3A_2600 = arith.addf %scan3A_2564, %get3A_2599 : vector<16xf32>
        %add3A_2601 = arith.constant 0 : i32
        %add3A_2602 = arith.addi %add3A_2572, %add3A_2601 : i32
        %get3A_2603 = arith.index_cast %add3A_2602 : i32 to index
        %get3A_2604 = arith.constant 16 : index
        %get3A_2605 = tpu.vector_load %arg11[%get3A_2603, %get3A_2604] {strides = array<i32>} : memref<1600x32xf32, #tpu.memory_space<vmem>>, vector<1x16xf32>,
        %get3A_2606 = vector.shape_cast %get3A_2605 : vector<1x16xf32> to vector<16xf32>
        %add3A_2607 = arith.addf %scan3A_2565, %get3A_2606 : vector<16xf32>
        %add3A_2608 = arith.constant 1 : i32
        %add3A_2609 = arith.addi %add3A_2572, %add3A_2608 : i32
        %get3A_2610 = arith.index_cast %add3A_2609 : i32 to index
        %get3A_2611 = arith.constant 16 : index
        %get3A_2612 = tpu.vector_load %arg11[%get3A_2610, %get3A_2611] {strides = array<i32>} : memref<1600x32xf32, #tpu.memory_space<vmem>>, vector<1x16xf32>,
        %get3A_2613 = vector.shape_cast %get3A_2612 : vector<1x16xf32> to vector<16xf32>
        %add3A_2614 = arith.addf %scan3A_2566, %get3A_2613 : vector<16xf32>
        %add3A_2615 = arith.constant 2 : i32
        %add3A_2616 = arith.addi %add3A_2572, %add3A_2615 : i32
        %get3A_2617 = arith.index_cast %add3A_2616 : i32 to index
        %get3A_2618 = arith.constant 16 : index
        %get3A_2619 = tpu.vector_load %arg11[%get3A_2617, %get3A_2618] {strides = array<i32>} : memref<1600x32xf32, #tpu.memory_space<vmem>>, vector<1x16xf32>,
        %get3A_2620 = vector.shape_cast %get3A_2619 : vector<1x16xf32> to vector<16xf32>
        %add3A_2621 = arith.addf %scan3A_2567, %get3A_2620 : vector<16xf32>
        %add3A_2622 = arith.constant 3 : i32
        %add3A_2623 = arith.addi %add3A_2572, %add3A_2622 : i32
        %get3A_2624 = arith.index_cast %add3A_2623 : i32 to index
        %get3A_2625 = arith.constant 16 : index
        %get3A_2626 = tpu.vector_load %arg11[%get3A_2624, %get3A_2625] {strides = array<i32>} : memref<1600x32xf32, #tpu.memory_space<vmem>>, vector<1x16xf32>,
        %get3A_2627 = vector.shape_cast %get3A_2626 : vector<1x16xf32> to vector<16xf32>
        %add3A_2628 = arith.addf %scan3A_2568, %get3A_2627 : vector<16xf32>
        scf.yield %add3A_2579, %add3A_2586, %add3A_2593, %add3A_2600, %add3A_2607, %add3A_2614, %add3A_2621, %add3A_2628 : vector<16xf32>, vector<16xf32>, vector<16xf32>, vector<16xf32>, vector<16xf32>, vector<16xf32>, vector<16xf32>, vector<16xf32>
      }
      %scan3A_1943 = arith.constant 50 : i32
      %add3A_1944 = arith.addf %scan3A_1942#0, %scan3A_1942#1 : vector<16xf32>
      %add3A_1945 = arith.addf %scan3A_1942#2, %scan3A_1942#3 : vector<16xf32>
      %add3A_1946 = arith.addf %add3A_1944, %add3A_1945 : vector<16xf32>
      %add3A_1947 = arith.addf %scan3A_1942#4, %scan3A_1942#5 : vector<16xf32>
      %add3A_1948 = arith.addf %scan3A_1942#6, %scan3A_1942#7 : vector<16xf32>
      %add3A_1949 = arith.addf %add3A_1947, %add3A_1948 : vector<16xf32>
      %mul3A_1950 = arith.mulf %add3A_1946, %get3A_8 : vector<16xf32>
      %mul3A_1951 = arith.mulf %add3A_1949, %get3A_13 : vector<16xf32>
      %add3A_1952 = arith.addf %mul3A_1950, %mul3A_1951 : vector<16xf32>
      %xor3A_1953 = arith.constant 8 : i32
      %xor3A_1954 = vector.broadcast %xor3A_1953 : i32 to vector<16xi32>
      %xor3A_1955 = arith.xori %iota3A, %xor3A_1954 : vector<16xi32>
      %lt3A_1956 = arith.constant 0 : i32
      %lt3A_1957 = vector.broadcast %lt3A_1956 : i32 to vector<16xi32>
      %lt3A_1958 = arith.cmpi slt, %xor3A_1955, %lt3A_1957 : vector<16xi32>
      %add3A_1959 = arith.constant 16 : i32
      %add3A_1960 = vector.broadcast %add3A_1959 : i32 to vector<16xi32>
      %add3A_1961 = arith.addi %xor3A_1955, %add3A_1960 : vector<16xi32>
      %select_n3A_1962 = arith.select %lt3A_1958, %add3A_1961, %xor3A_1955 : vector<16xi1>, vector<16xi32>
      %broadcast_in_dim3A_1963 = vector.shape_cast %select_n3A_1962 : vector<16xi32> to vector<16x1xi32>
      %gather3A_1964 = vector.shape_cast %broadcast_in_dim3A_1963 : vector<16x1xi32> to vector<16xi32>
      %gather3A_1965 = tpu.dynamic_gather %add3A_1952[%gather3A_1964] in [0] : vector<16xf32>, vector<16xi32> -> vector<16xf32>
      %add3A_1966 = arith.addf %add3A_1952, %gather3A_1965 : vector<16xf32>
      %xor3A_1967 = arith.constant 4 : i32
      %xor3A_1968 = vector.broadcast %xor3A_1967 : i32 to vector<16xi32>
      %xor3A_1969 = arith.xori %iota3A, %xor3A_1968 : vector<16xi32>
      %lt3A_1970 = arith.constant 0 : i32
      %lt3A_1971 = vector.broadcast %lt3A_1970 : i32 to vector<16xi32>
      %lt3A_1972 = arith.cmpi slt, %xor3A_1969, %lt3A_1971 : vector<16xi32>
      %add3A_1973 = arith.constant 16 : i32
      %add3A_1974 = vector.broadcast %add3A_1973 : i32 to vector<16xi32>
      %add3A_1975 = arith.addi %xor3A_1969, %add3A_1974 : vector<16xi32>
      %select_n3A_1976 = arith.select %lt3A_1972, %add3A_1975, %xor3A_1969 : vector<16xi1>, vector<16xi32>
      %broadcast_in_dim3A_1977 = vector.shape_cast %select_n3A_1976 : vector<16xi32> to vector<16x1xi32>
      %gather3A_1978 = vector.shape_cast %broadcast_in_dim3A_1977 : vector<16x1xi32> to vector<16xi32>
      %gather3A_1979 = tpu.dynamic_gather %add3A_1966[%gather3A_1978] in [0] : vector<16xf32>, vector<16xi32> -> vector<16xf32>
      %add3A_1980 = arith.addf %add3A_1966, %gather3A_1979 : vector<16xf32>
      %xor3A_1981 = arith.constant 2 : i32
      %xor3A_1982 = vector.broadcast %xor3A_1981 : i32 to vector<16xi32>
      %xor3A_1983 = arith.xori %iota3A, %xor3A_1982 : vector<16xi32>
      %lt3A_1984 = arith.constant 0 : i32
      %lt3A_1985 = vector.broadcast %lt3A_1984 : i32 to vector<16xi32>
      %lt3A_1986 = arith.cmpi slt, %xor3A_1983, %lt3A_1985 : vector<16xi32>
      %add3A_1987 = arith.constant 16 : i32
      %add3A_1988 = vector.broadcast %add3A_1987 : i32 to vector<16xi32>
      %add3A_1989 = arith.addi %xor3A_1983, %add3A_1988 : vector<16xi32>
      %select_n3A_1990 = arith.select %lt3A_1986, %add3A_1989, %xor3A_1983 : vector<16xi1>, vector<16xi32>
      %broadcast_in_dim3A_1991 = vector.shape_cast %select_n3A_1990 : vector<16xi32> to vector<16x1xi32>
      %gather3A_1992 = vector.shape_cast %broadcast_in_dim3A_1991 : vector<16x1xi32> to vector<16xi32>
      %gather3A_1993 = tpu.dynamic_gather %add3A_1980[%gather3A_1992] in [0] : vector<16xf32>, vector<16xi32> -> vector<16xf32>
      %add3A_1994 = arith.addf %add3A_1980, %gather3A_1993 : vector<16xf32>
      %xor3A_1995 = arith.constant 1 : i32
      %xor3A_1996 = vector.broadcast %xor3A_1995 : i32 to vector<16xi32>
      %xor3A_1997 = arith.xori %iota3A, %xor3A_1996 : vector<16xi32>
      %lt3A_1998 = arith.constant 0 : i32
      %lt3A_1999 = vector.broadcast %lt3A_1998 : i32 to vector<16xi32>
      %lt3A_2000 = arith.cmpi slt, %xor3A_1997, %lt3A_1999 : vector<16xi32>
      %add3A_2001 = arith.constant 16 : i32
      %add3A_2002 = vector.broadcast %add3A_2001 : i32 to vector<16xi32>
      %add3A_2003 = arith.addi %xor3A_1997, %add3A_2002 : vector<16xi32>
      %select_n3A_2004 = arith.select %lt3A_2000, %add3A_2003, %xor3A_1997 : vector<16xi1>, vector<16xi32>
      %broadcast_in_dim3A_2005 = vector.shape_cast %select_n3A_2004 : vector<16xi32> to vector<16x1xi32>
      %gather3A_2006 = vector.shape_cast %broadcast_in_dim3A_2005 : vector<16x1xi32> to vector<16xi32>
      %gather3A_2007 = tpu.dynamic_gather %add3A_1994[%gather3A_2006] in [0] : vector<16xf32>, vector<16xi32> -> vector<16xf32>
      %add3A_2008 = arith.addf %add3A_1994, %gather3A_2007 : vector<16xf32>
      %mul3A_2009 = arith.mulf %add3A_1946, %get3A_18 : vector<16xf32>
      %mul3A_2010 = arith.mulf %add3A_1949, %get3A_23 : vector<16xf32>
      %add3A_2011 = arith.addf %mul3A_2009, %mul3A_2010 : vector<16xf32>
      %xor3A_2012 = arith.constant 8 : i32
      %xor3A_2013 = vector.broadcast %xor3A_2012 : i32 to vector<16xi32>
      %xor3A_2014 = arith.xori %iota3A, %xor3A_2013 : vector<16xi32>
      %lt3A_2015 = arith.constant 0 : i32
      %lt3A_2016 = vector.broadcast %lt3A_2015 : i32 to vector<16xi32>
      %lt3A_2017 = arith.cmpi slt, %xor3A_2014, %lt3A_2016 : vector<16xi32>
      %add3A_2018 = arith.constant 16 : i32
      %add3A_2019 = vector.broadcast %add3A_2018 : i32 to vector<16xi32>
      %add3A_2020 = arith.addi %xor3A_2014, %add3A_2019 : vector<16xi32>
      %select_n3A_2021 = arith.select %lt3A_2017, %add3A_2020, %xor3A_2014 : vector<16xi1>, vector<16xi32>
      %broadcast_in_dim3A_2022 = vector.shape_cast %select_n3A_2021 : vector<16xi32> to vector<16x1xi32>
      %gather3A_2023 = vector.shape_cast %broadcast_in_dim3A_2022 : vector<16x1xi32> to vector<16xi32>
      %gather3A_2024 = tpu.dynamic_gather %add3A_2011[%gather3A_2023] in [0] : vector<16xf32>, vector<16xi32> -> vector<16xf32>
      %add3A_2025 = arith.addf %add3A_2011, %gather3A_2024 : vector<16xf32>
      %xor3A_2026 = arith.constant 4 : i32
      %xor3A_2027 = vector.broadcast %xor3A_2026 : i32 to vector<16xi32>
      %xor3A_2028 = arith.xori %iota3A, %xor3A_2027 : vector<16xi32>
      %lt3A_2029 = arith.constant 0 : i32
      %lt3A_2030 = vector.broadcast %lt3A_2029 : i32 to vector<16xi32>
      %lt3A_2031 = arith.cmpi slt, %xor3A_2028, %lt3A_2030 : vector<16xi32>
      %add3A_2032 = arith.constant 16 : i32
      %add3A_2033 = vector.broadcast %add3A_2032 : i32 to vector<16xi32>
      %add3A_2034 = arith.addi %xor3A_2028, %add3A_2033 : vector<16xi32>
      %select_n3A_2035 = arith.select %lt3A_2031, %add3A_2034, %xor3A_2028 : vector<16xi1>, vector<16xi32>
      %broadcast_in_dim3A_2036 = vector.shape_cast %select_n3A_2035 : vector<16xi32> to vector<16x1xi32>
      %gather3A_2037 = vector.shape_cast %broadcast_in_dim3A_2036 : vector<16x1xi32> to vector<16xi32>
      %gather3A_2038 = tpu.dynamic_gather %add3A_2025[%gather3A_2037] in [0] : vector<16xf32>, vector<16xi32> -> vector<16xf32>
      %add3A_2039 = arith.addf %add3A_2025, %gather3A_2038 : vector<16xf32>
      %xor3A_2040 = arith.constant 2 : i32
      %xor3A_2041 = vector.broadcast %xor3A_2040 : i32 to vector<16xi32>
      %xor3A_2042 = arith.xori %iota3A, %xor3A_2041 : vector<16xi32>
      %lt3A_2043 = arith.constant 0 : i32
      %lt3A_2044 = vector.broadcast %lt3A_2043 : i32 to vector<16xi32>
      %lt3A_2045 = arith.cmpi slt, %xor3A_2042, %lt3A_2044 : vector<16xi32>
      %add3A_2046 = arith.constant 16 : i32
      %add3A_2047 = vector.broadcast %add3A_2046 : i32 to vector<16xi32>
      %add3A_2048 = arith.addi %xor3A_2042, %add3A_2047 : vector<16xi32>
      %select_n3A_2049 = arith.select %lt3A_2045, %add3A_2048, %xor3A_2042 : vector<16xi1>, vector<16xi32>
      %broadcast_in_dim3A_2050 = vector.shape_cast %select_n3A_2049 : vector<16xi32> to vector<16x1xi32>
      %gather3A_2051 = vector.shape_cast %broadcast_in_dim3A_2050 : vector<16x1xi32> to vector<16xi32>
      %gather3A_2052 = tpu.dynamic_gather %add3A_2039[%gather3A_2051] in [0] : vector<16xf32>, vector<16xi32> -> vector<16xf32>
      %add3A_2053 = arith.addf %add3A_2039, %gather3A_2052 : vector<16xf32>
      %xor3A_2054 = arith.constant 1 : i32
      %xor3A_2055 = vector.broadcast %xor3A_2054 : i32 to vector<16xi32>
      %xor3A_2056 = arith.xori %iota3A, %xor3A_2055 : vector<16xi32>
      %lt3A_2057 = arith.constant 0 : i32
      %lt3A_2058 = vector.broadcast %lt3A_2057 : i32 to vector<16xi32>
      %lt3A_2059 = arith.cmpi slt, %xor3A_2056, %lt3A_2058 : vector<16xi32>
      %add3A_2060 = arith.constant 16 : i32
      %add3A_2061 = vector.broadcast %add3A_2060 : i32 to vector<16xi32>
      %add3A_2062 = arith.addi %xor3A_2056, %add3A_2061 : vector<16xi32>
      %select_n3A_2063 = arith.select %lt3A_2059, %add3A_2062, %xor3A_2056 : vector<16xi1>, vector<16xi32>
      %broadcast_in_dim3A_2064 = vector.shape_cast %select_n3A_2063 : vector<16xi32> to vector<16x1xi32>
      %gather3A_2065 = vector.shape_cast %broadcast_in_dim3A_2064 : vector<16x1xi32> to vector<16xi32>
      %gather3A_2066 = tpu.dynamic_gather %add3A_2053[%gather3A_2065] in [0] : vector<16xf32>, vector<16xi32> -> vector<16xf32>
      %add3A_2067 = arith.addf %add3A_2053, %gather3A_2066 : vector<16xf32>
      %eq3A_2068 = arith.constant 0 : i32
      %eq3A_2069 = vector.broadcast %eq3A_2068 : i32 to vector<16xi32>
      %eq3A_2070 = arith.cmpi eq, %iota3A, %eq3A_2069 : vector<16xi32>
      %eq3A_2071 = arith.constant 1 : i32
      %eq3A_2072 = vector.broadcast %eq3A_2071 : i32 to vector<16xi32>
      %eq3A_2073 = arith.cmpi eq, %iota3A, %eq3A_2072 : vector<16xi32>
      %jit3A_2074 = arith.constant 0.000000e+00 : f32
      %broadcast_in_dim3A_2075 = vector.broadcast %jit3A_2074 : f32 to vector<16xf32>
      %select_n3A_2076 = arith.select %eq3A_2073, %add3A_2067, %broadcast_in_dim3A_2075 : vector<16xi1>, vector<16xf32>
      %select_n3A_2077 = arith.select %eq3A_2070, %add3A_2008, %select_n3A_2076 : vector<16xi1>, vector<16xf32>
      %slice3A_2078 = vector.extract_strided_slice %get3A_1311 {offsets = [4], sizes = [1], strides = [1]} : vector<16xf32> to vector<1xf32>
      %squeeze3A_2079 = vector.extract %slice3A_2078[0] : f32 from vector<1xf32>
      %div3A_2080 = vector.broadcast %squeeze3A_2079 : f32 to vector<16xf32>
      %div3A_2081 = arith.divf %select_n3A_2077, %div3A_2080 : vector<16xf32>
      %add3A_2082 = arith.addf %div3A_2081, %get3A_26 : vector<16xf32>
      %mul3A_2083 = arith.constant 8 : i32
      %mul3A_2084 = arith.muli %add3A_1306, %mul3A_2083 : i32
      %add3A_2085 = arith.constant 4 : i32
      %add3A_2086 = arith.addi %mul3A_2084, %add3A_2085 : i32
      %swap3A_2087 = arith.index_cast %add3A_2086 : i32 to index
      %swap3A_2088 = arith.constant 0 : index
      %swap3A_2089 = tpu.vector_load %arg13[%swap3A_2087, %swap3A_2088] {strides = array<i32>} : memref<512x16xf32, #tpu.memory_space<vmem>>, vector<1x16xf32>,
      %swap3A_2090 = vector.shape_cast %swap3A_2089 : vector<1x16xf32> to vector<16xf32>
      %swap3A_2091 = vector.shape_cast %add3A_2082 : vector<16xf32> to vector<1x16xf32>
      tpu.vector_store %arg13[%swap3A_2087, %swap3A_2088], %swap3A_2091 {strides = array<i32>} : memref<512x16xf32, #tpu.memory_space<vmem>>, vector<1x16xf32>,
      %broadcast_in_dim3A_2092 = arith.constant 0.000000e+00 : f32
      %broadcast_in_dim3A_2093 = vector.broadcast %broadcast_in_dim3A_2092 : f32 to vector<16xf32>
      %scan3A_2094 = arith.constant 0 : i32
      %scan3A_2095 = arith.constant 50 : i32
      %scan3A_2096 = arith.addi %scan3A_2094, %scan3A_2095 : i32
      %scan3A_2097 = arith.constant 1 : i32
      %scan3A_2098:8 = scf.for %scan3A_2560 = %scan3A_2094 to %scan3A_2096 step %scan3A_2097 iter_args(%scan3A_2561 = %broadcast_in_dim3A_2093, %scan3A_2562 = %broadcast_in_dim3A_2093, %scan3A_2563 = %broadcast_in_dim3A_2093, %scan3A_2564 = %broadcast_in_dim3A_2093, %scan3A_2565 = %broadcast_in_dim3A_2093, %scan3A_2566 = %broadcast_in_dim3A_2093, %scan3A_2567 = %broadcast_in_dim3A_2093, %scan3A_2568 = %broadcast_in_dim3A_2093) -> (vector<16xf32>, vector<16xf32>, vector<16xf32>, vector<16xf32>, vector<16xf32>, vector<16xf32>, vector<16xf32>, vector<16xf32>)  : i32 {
        %mul3A_2569 = arith.constant 4 : i32
        %mul3A_2570 = arith.muli %scan3A_2560, %mul3A_2569 : i32
        %add3A_2571 = arith.constant 1000 : i32
        %add3A_2572 = arith.addi %add3A_2571, %mul3A_2570 : i32
        %add3A_2573 = arith.constant 0 : i32
        %add3A_2574 = arith.addi %add3A_2572, %add3A_2573 : i32
        %get3A_2575 = arith.index_cast %add3A_2574 : i32 to index
        %get3A_2576 = arith.constant 0 : index
        %get3A_2577 = tpu.vector_load %arg11[%get3A_2575, %get3A_2576] {strides = array<i32>} : memref<1600x32xf32, #tpu.memory_space<vmem>>, vector<1x16xf32>,
        %get3A_2578 = vector.shape_cast %get3A_2577 : vector<1x16xf32> to vector<16xf32>
        %add3A_2579 = arith.addf %scan3A_2561, %get3A_2578 : vector<16xf32>
        %add3A_2580 = arith.constant 1 : i32
        %add3A_2581 = arith.addi %add3A_2572, %add3A_2580 : i32
        %get3A_2582 = arith.index_cast %add3A_2581 : i32 to index
        %get3A_2583 = arith.constant 0 : index
        %get3A_2584 = tpu.vector_load %arg11[%get3A_2582, %get3A_2583] {strides = array<i32>} : memref<1600x32xf32, #tpu.memory_space<vmem>>, vector<1x16xf32>,
        %get3A_2585 = vector.shape_cast %get3A_2584 : vector<1x16xf32> to vector<16xf32>
        %add3A_2586 = arith.addf %scan3A_2562, %get3A_2585 : vector<16xf32>
        %add3A_2587 = arith.constant 2 : i32
        %add3A_2588 = arith.addi %add3A_2572, %add3A_2587 : i32
        %get3A_2589 = arith.index_cast %add3A_2588 : i32 to index
        %get3A_2590 = arith.constant 0 : index
        %get3A_2591 = tpu.vector_load %arg11[%get3A_2589, %get3A_2590] {strides = array<i32>} : memref<1600x32xf32, #tpu.memory_space<vmem>>, vector<1x16xf32>,
        %get3A_2592 = vector.shape_cast %get3A_2591 : vector<1x16xf32> to vector<16xf32>
        %add3A_2593 = arith.addf %scan3A_2563, %get3A_2592 : vector<16xf32>
        %add3A_2594 = arith.constant 3 : i32
        %add3A_2595 = arith.addi %add3A_2572, %add3A_2594 : i32
        %get3A_2596 = arith.index_cast %add3A_2595 : i32 to index
        %get3A_2597 = arith.constant 0 : index
        %get3A_2598 = tpu.vector_load %arg11[%get3A_2596, %get3A_2597] {strides = array<i32>} : memref<1600x32xf32, #tpu.memory_space<vmem>>, vector<1x16xf32>,
        %get3A_2599 = vector.shape_cast %get3A_2598 : vector<1x16xf32> to vector<16xf32>
        %add3A_2600 = arith.addf %scan3A_2564, %get3A_2599 : vector<16xf32>
        %add3A_2601 = arith.constant 0 : i32
        %add3A_2602 = arith.addi %add3A_2572, %add3A_2601 : i32
        %get3A_2603 = arith.index_cast %add3A_2602 : i32 to index
        %get3A_2604 = arith.constant 16 : index
        %get3A_2605 = tpu.vector_load %arg11[%get3A_2603, %get3A_2604] {strides = array<i32>} : memref<1600x32xf32, #tpu.memory_space<vmem>>, vector<1x16xf32>,
        %get3A_2606 = vector.shape_cast %get3A_2605 : vector<1x16xf32> to vector<16xf32>
        %add3A_2607 = arith.addf %scan3A_2565, %get3A_2606 : vector<16xf32>
        %add3A_2608 = arith.constant 1 : i32
        %add3A_2609 = arith.addi %add3A_2572, %add3A_2608 : i32
        %get3A_2610 = arith.index_cast %add3A_2609 : i32 to index
        %get3A_2611 = arith.constant 16 : index
        %get3A_2612 = tpu.vector_load %arg11[%get3A_2610, %get3A_2611] {strides = array<i32>} : memref<1600x32xf32, #tpu.memory_space<vmem>>, vector<1x16xf32>,
        %get3A_2613 = vector.shape_cast %get3A_2612 : vector<1x16xf32> to vector<16xf32>
        %add3A_2614 = arith.addf %scan3A_2566, %get3A_2613 : vector<16xf32>
        %add3A_2615 = arith.constant 2 : i32
        %add3A_2616 = arith.addi %add3A_2572, %add3A_2615 : i32
        %get3A_2617 = arith.index_cast %add3A_2616 : i32 to index
        %get3A_2618 = arith.constant 16 : index
        %get3A_2619 = tpu.vector_load %arg11[%get3A_2617, %get3A_2618] {strides = array<i32>} : memref<1600x32xf32, #tpu.memory_space<vmem>>, vector<1x16xf32>,
        %get3A_2620 = vector.shape_cast %get3A_2619 : vector<1x16xf32> to vector<16xf32>
        %add3A_2621 = arith.addf %scan3A_2567, %get3A_2620 : vector<16xf32>
        %add3A_2622 = arith.constant 3 : i32
        %add3A_2623 = arith.addi %add3A_2572, %add3A_2622 : i32
        %get3A_2624 = arith.index_cast %add3A_2623 : i32 to index
        %get3A_2625 = arith.constant 16 : index
        %get3A_2626 = tpu.vector_load %arg11[%get3A_2624, %get3A_2625] {strides = array<i32>} : memref<1600x32xf32, #tpu.memory_space<vmem>>, vector<1x16xf32>,
        %get3A_2627 = vector.shape_cast %get3A_2626 : vector<1x16xf32> to vector<16xf32>
        %add3A_2628 = arith.addf %scan3A_2568, %get3A_2627 : vector<16xf32>
        scf.yield %add3A_2579, %add3A_2586, %add3A_2593, %add3A_2600, %add3A_2607, %add3A_2614, %add3A_2621, %add3A_2628 : vector<16xf32>, vector<16xf32>, vector<16xf32>, vector<16xf32>, vector<16xf32>, vector<16xf32>, vector<16xf32>, vector<16xf32>
      }
      %scan3A_2099 = arith.constant 50 : i32
      %add3A_2100 = arith.addf %scan3A_2098#0, %scan3A_2098#1 : vector<16xf32>
      %add3A_2101 = arith.addf %scan3A_2098#2, %scan3A_2098#3 : vector<16xf32>
      %add3A_2102 = arith.addf %add3A_2100, %add3A_2101 : vector<16xf32>
      %add3A_2103 = arith.addf %scan3A_2098#4, %scan3A_2098#5 : vector<16xf32>
      %add3A_2104 = arith.addf %scan3A_2098#6, %scan3A_2098#7 : vector<16xf32>
      %add3A_2105 = arith.addf %add3A_2103, %add3A_2104 : vector<16xf32>
      %mul3A_2106 = arith.mulf %add3A_2102, %get3A_8 : vector<16xf32>
      %mul3A_2107 = arith.mulf %add3A_2105, %get3A_13 : vector<16xf32>
      %add3A_2108 = arith.addf %mul3A_2106, %mul3A_2107 : vector<16xf32>
      %xor3A_2109 = arith.constant 8 : i32
      %xor3A_2110 = vector.broadcast %xor3A_2109 : i32 to vector<16xi32>
      %xor3A_2111 = arith.xori %iota3A, %xor3A_2110 : vector<16xi32>
      %lt3A_2112 = arith.constant 0 : i32
      %lt3A_2113 = vector.broadcast %lt3A_2112 : i32 to vector<16xi32>
      %lt3A_2114 = arith.cmpi slt, %xor3A_2111, %lt3A_2113 : vector<16xi32>
      %add3A_2115 = arith.constant 16 : i32
      %add3A_2116 = vector.broadcast %add3A_2115 : i32 to vector<16xi32>
      %add3A_2117 = arith.addi %xor3A_2111, %add3A_2116 : vector<16xi32>
      %select_n3A_2118 = arith.select %lt3A_2114, %add3A_2117, %xor3A_2111 : vector<16xi1>, vector<16xi32>
      %broadcast_in_dim3A_2119 = vector.shape_cast %select_n3A_2118 : vector<16xi32> to vector<16x1xi32>
      %gather3A_2120 = vector.shape_cast %broadcast_in_dim3A_2119 : vector<16x1xi32> to vector<16xi32>
      %gather3A_2121 = tpu.dynamic_gather %add3A_2108[%gather3A_2120] in [0] : vector<16xf32>, vector<16xi32> -> vector<16xf32>
      %add3A_2122 = arith.addf %add3A_2108, %gather3A_2121 : vector<16xf32>
      %xor3A_2123 = arith.constant 4 : i32
      %xor3A_2124 = vector.broadcast %xor3A_2123 : i32 to vector<16xi32>
      %xor3A_2125 = arith.xori %iota3A, %xor3A_2124 : vector<16xi32>
      %lt3A_2126 = arith.constant 0 : i32
      %lt3A_2127 = vector.broadcast %lt3A_2126 : i32 to vector<16xi32>
      %lt3A_2128 = arith.cmpi slt, %xor3A_2125, %lt3A_2127 : vector<16xi32>
      %add3A_2129 = arith.constant 16 : i32
      %add3A_2130 = vector.broadcast %add3A_2129 : i32 to vector<16xi32>
      %add3A_2131 = arith.addi %xor3A_2125, %add3A_2130 : vector<16xi32>
      %select_n3A_2132 = arith.select %lt3A_2128, %add3A_2131, %xor3A_2125 : vector<16xi1>, vector<16xi32>
      %broadcast_in_dim3A_2133 = vector.shape_cast %select_n3A_2132 : vector<16xi32> to vector<16x1xi32>
      %gather3A_2134 = vector.shape_cast %broadcast_in_dim3A_2133 : vector<16x1xi32> to vector<16xi32>
      %gather3A_2135 = tpu.dynamic_gather %add3A_2122[%gather3A_2134] in [0] : vector<16xf32>, vector<16xi32> -> vector<16xf32>
      %add3A_2136 = arith.addf %add3A_2122, %gather3A_2135 : vector<16xf32>
      %xor3A_2137 = arith.constant 2 : i32
      %xor3A_2138 = vector.broadcast %xor3A_2137 : i32 to vector<16xi32>
      %xor3A_2139 = arith.xori %iota3A, %xor3A_2138 : vector<16xi32>
      %lt3A_2140 = arith.constant 0 : i32
      %lt3A_2141 = vector.broadcast %lt3A_2140 : i32 to vector<16xi32>
      %lt3A_2142 = arith.cmpi slt, %xor3A_2139, %lt3A_2141 : vector<16xi32>
      %add3A_2143 = arith.constant 16 : i32
      %add3A_2144 = vector.broadcast %add3A_2143 : i32 to vector<16xi32>
      %add3A_2145 = arith.addi %xor3A_2139, %add3A_2144 : vector<16xi32>
      %select_n3A_2146 = arith.select %lt3A_2142, %add3A_2145, %xor3A_2139 : vector<16xi1>, vector<16xi32>
      %broadcast_in_dim3A_2147 = vector.shape_cast %select_n3A_2146 : vector<16xi32> to vector<16x1xi32>
      %gather3A_2148 = vector.shape_cast %broadcast_in_dim3A_2147 : vector<16x1xi32> to vector<16xi32>
      %gather3A_2149 = tpu.dynamic_gather %add3A_2136[%gather3A_2148] in [0] : vector<16xf32>, vector<16xi32> -> vector<16xf32>
      %add3A_2150 = arith.addf %add3A_2136, %gather3A_2149 : vector<16xf32>
      %xor3A_2151 = arith.constant 1 : i32
      %xor3A_2152 = vector.broadcast %xor3A_2151 : i32 to vector<16xi32>
      %xor3A_2153 = arith.xori %iota3A, %xor3A_2152 : vector<16xi32>
      %lt3A_2154 = arith.constant 0 : i32
      %lt3A_2155 = vector.broadcast %lt3A_2154 : i32 to vector<16xi32>
      %lt3A_2156 = arith.cmpi slt, %xor3A_2153, %lt3A_2155 : vector<16xi32>
      %add3A_2157 = arith.constant 16 : i32
      %add3A_2158 = vector.broadcast %add3A_2157 : i32 to vector<16xi32>
      %add3A_2159 = arith.addi %xor3A_2153, %add3A_2158 : vector<16xi32>
      %select_n3A_2160 = arith.select %lt3A_2156, %add3A_2159, %xor3A_2153 : vector<16xi1>, vector<16xi32>
      %broadcast_in_dim3A_2161 = vector.shape_cast %select_n3A_2160 : vector<16xi32> to vector<16x1xi32>
      %gather3A_2162 = vector.shape_cast %broadcast_in_dim3A_2161 : vector<16x1xi32> to vector<16xi32>
      %gather3A_2163 = tpu.dynamic_gather %add3A_2150[%gather3A_2162] in [0] : vector<16xf32>, vector<16xi32> -> vector<16xf32>
      %add3A_2164 = arith.addf %add3A_2150, %gather3A_2163 : vector<16xf32>
      %mul3A_2165 = arith.mulf %add3A_2102, %get3A_18 : vector<16xf32>
      %mul3A_2166 = arith.mulf %add3A_2105, %get3A_23 : vector<16xf32>
      %add3A_2167 = arith.addf %mul3A_2165, %mul3A_2166 : vector<16xf32>
      %xor3A_2168 = arith.constant 8 : i32
      %xor3A_2169 = vector.broadcast %xor3A_2168 : i32 to vector<16xi32>
      %xor3A_2170 = arith.xori %iota3A, %xor3A_2169 : vector<16xi32>
      %lt3A_2171 = arith.constant 0 : i32
      %lt3A_2172 = vector.broadcast %lt3A_2171 : i32 to vector<16xi32>
      %lt3A_2173 = arith.cmpi slt, %xor3A_2170, %lt3A_2172 : vector<16xi32>
      %add3A_2174 = arith.constant 16 : i32
      %add3A_2175 = vector.broadcast %add3A_2174 : i32 to vector<16xi32>
      %add3A_2176 = arith.addi %xor3A_2170, %add3A_2175 : vector<16xi32>
      %select_n3A_2177 = arith.select %lt3A_2173, %add3A_2176, %xor3A_2170 : vector<16xi1>, vector<16xi32>
      %broadcast_in_dim3A_2178 = vector.shape_cast %select_n3A_2177 : vector<16xi32> to vector<16x1xi32>
      %gather3A_2179 = vector.shape_cast %broadcast_in_dim3A_2178 : vector<16x1xi32> to vector<16xi32>
      %gather3A_2180 = tpu.dynamic_gather %add3A_2167[%gather3A_2179] in [0] : vector<16xf32>, vector<16xi32> -> vector<16xf32>
      %add3A_2181 = arith.addf %add3A_2167, %gather3A_2180 : vector<16xf32>
      %xor3A_2182 = arith.constant 4 : i32
      %xor3A_2183 = vector.broadcast %xor3A_2182 : i32 to vector<16xi32>
      %xor3A_2184 = arith.xori %iota3A, %xor3A_2183 : vector<16xi32>
      %lt3A_2185 = arith.constant 0 : i32
      %lt3A_2186 = vector.broadcast %lt3A_2185 : i32 to vector<16xi32>
      %lt3A_2187 = arith.cmpi slt, %xor3A_2184, %lt3A_2186 : vector<16xi32>
      %add3A_2188 = arith.constant 16 : i32
      %add3A_2189 = vector.broadcast %add3A_2188 : i32 to vector<16xi32>
      %add3A_2190 = arith.addi %xor3A_2184, %add3A_2189 : vector<16xi32>
      %select_n3A_2191 = arith.select %lt3A_2187, %add3A_2190, %xor3A_2184 : vector<16xi1>, vector<16xi32>
      %broadcast_in_dim3A_2192 = vector.shape_cast %select_n3A_2191 : vector<16xi32> to vector<16x1xi32>
      %gather3A_2193 = vector.shape_cast %broadcast_in_dim3A_2192 : vector<16x1xi32> to vector<16xi32>
      %gather3A_2194 = tpu.dynamic_gather %add3A_2181[%gather3A_2193] in [0] : vector<16xf32>, vector<16xi32> -> vector<16xf32>
      %add3A_2195 = arith.addf %add3A_2181, %gather3A_2194 : vector<16xf32>
      %xor3A_2196 = arith.constant 2 : i32
      %xor3A_2197 = vector.broadcast %xor3A_2196 : i32 to vector<16xi32>
      %xor3A_2198 = arith.xori %iota3A, %xor3A_2197 : vector<16xi32>
      %lt3A_2199 = arith.constant 0 : i32
      %lt3A_2200 = vector.broadcast %lt3A_2199 : i32 to vector<16xi32>
      %lt3A_2201 = arith.cmpi slt, %xor3A_2198, %lt3A_2200 : vector<16xi32>
      %add3A_2202 = arith.constant 16 : i32
      %add3A_2203 = vector.broadcast %add3A_2202 : i32 to vector<16xi32>
      %add3A_2204 = arith.addi %xor3A_2198, %add3A_2203 : vector<16xi32>
      %select_n3A_2205 = arith.select %lt3A_2201, %add3A_2204, %xor3A_2198 : vector<16xi1>, vector<16xi32>
      %broadcast_in_dim3A_2206 = vector.shape_cast %select_n3A_2205 : vector<16xi32> to vector<16x1xi32>
      %gather3A_2207 = vector.shape_cast %broadcast_in_dim3A_2206 : vector<16x1xi32> to vector<16xi32>
      %gather3A_2208 = tpu.dynamic_gather %add3A_2195[%gather3A_2207] in [0] : vector<16xf32>, vector<16xi32> -> vector<16xf32>
      %add3A_2209 = arith.addf %add3A_2195, %gather3A_2208 : vector<16xf32>
      %xor3A_2210 = arith.constant 1 : i32
      %xor3A_2211 = vector.broadcast %xor3A_2210 : i32 to vector<16xi32>
      %xor3A_2212 = arith.xori %iota3A, %xor3A_2211 : vector<16xi32>
      %lt3A_2213 = arith.constant 0 : i32
      %lt3A_2214 = vector.broadcast %lt3A_2213 : i32 to vector<16xi32>
      %lt3A_2215 = arith.cmpi slt, %xor3A_2212, %lt3A_2214 : vector<16xi32>
      %add3A_2216 = arith.constant 16 : i32
      %add3A_2217 = vector.broadcast %add3A_2216 : i32 to vector<16xi32>
      %add3A_2218 = arith.addi %xor3A_2212, %add3A_2217 : vector<16xi32>
      %select_n3A_2219 = arith.select %lt3A_2215, %add3A_2218, %xor3A_2212 : vector<16xi1>, vector<16xi32>
      %broadcast_in_dim3A_2220 = vector.shape_cast %select_n3A_2219 : vector<16xi32> to vector<16x1xi32>
      %gather3A_2221 = vector.shape_cast %broadcast_in_dim3A_2220 : vector<16x1xi32> to vector<16xi32>
      %gather3A_2222 = tpu.dynamic_gather %add3A_2209[%gather3A_2221] in [0] : vector<16xf32>, vector<16xi32> -> vector<16xf32>
      %add3A_2223 = arith.addf %add3A_2209, %gather3A_2222 : vector<16xf32>
      %eq3A_2224 = arith.constant 0 : i32
      %eq3A_2225 = vector.broadcast %eq3A_2224 : i32 to vector<16xi32>
      %eq3A_2226 = arith.cmpi eq, %iota3A, %eq3A_2225 : vector<16xi32>
      %eq3A_2227 = arith.constant 1 : i32
      %eq3A_2228 = vector.broadcast %eq3A_2227 : i32 to vector<16xi32>
      %eq3A_2229 = arith.cmpi eq, %iota3A, %eq3A_2228 : vector<16xi32>
      %jit3A_2230 = arith.constant 0.000000e+00 : f32
      %broadcast_in_dim3A_2231 = vector.broadcast %jit3A_2230 : f32 to vector<16xf32>
      %select_n3A_2232 = arith.select %eq3A_2229, %add3A_2223, %broadcast_in_dim3A_2231 : vector<16xi1>, vector<16xf32>
      %select_n3A_2233 = arith.select %eq3A_2226, %add3A_2164, %select_n3A_2232 : vector<16xi1>, vector<16xf32>
      %slice3A_2234 = vector.extract_strided_slice %get3A_1311 {offsets = [5], sizes = [1], strides = [1]} : vector<16xf32> to vector<1xf32>
      %squeeze3A_2235 = vector.extract %slice3A_2234[0] : f32 from vector<1xf32>
      %div3A_2236 = vector.broadcast %squeeze3A_2235 : f32 to vector<16xf32>
      %div3A_2237 = arith.divf %select_n3A_2233, %div3A_2236 : vector<16xf32>
      %add3A_2238 = arith.addf %div3A_2237, %get3A_26 : vector<16xf32>
      %mul3A_2239 = arith.constant 8 : i32
      %mul3A_2240 = arith.muli %add3A_1306, %mul3A_2239 : i32
      %add3A_2241 = arith.constant 5 : i32
      %add3A_2242 = arith.addi %mul3A_2240, %add3A_2241 : i32
      %swap3A_2243 = arith.index_cast %add3A_2242 : i32 to index
      %swap3A_2244 = arith.constant 0 : index
      %swap3A_2245 = tpu.vector_load %arg13[%swap3A_2243, %swap3A_2244] {strides = array<i32>} : memref<512x16xf32, #tpu.memory_space<vmem>>, vector<1x16xf32>,
      %swap3A_2246 = vector.shape_cast %swap3A_2245 : vector<1x16xf32> to vector<16xf32>
      %swap3A_2247 = vector.shape_cast %add3A_2238 : vector<16xf32> to vector<1x16xf32>
      tpu.vector_store %arg13[%swap3A_2243, %swap3A_2244], %swap3A_2247 {strides = array<i32>} : memref<512x16xf32, #tpu.memory_space<vmem>>, vector<1x16xf32>,
      %broadcast_in_dim3A_2248 = arith.constant 0.000000e+00 : f32
      %broadcast_in_dim3A_2249 = vector.broadcast %broadcast_in_dim3A_2248 : f32 to vector<16xf32>
      %scan3A_2250 = arith.constant 0 : i32
      %scan3A_2251 = arith.constant 50 : i32
      %scan3A_2252 = arith.addi %scan3A_2250, %scan3A_2251 : i32
      %scan3A_2253 = arith.constant 1 : i32
      %scan3A_2254:8 = scf.for %scan3A_2560 = %scan3A_2250 to %scan3A_2252 step %scan3A_2253 iter_args(%scan3A_2561 = %broadcast_in_dim3A_2249, %scan3A_2562 = %broadcast_in_dim3A_2249, %scan3A_2563 = %broadcast_in_dim3A_2249, %scan3A_2564 = %broadcast_in_dim3A_2249, %scan3A_2565 = %broadcast_in_dim3A_2249, %scan3A_2566 = %broadcast_in_dim3A_2249, %scan3A_2567 = %broadcast_in_dim3A_2249, %scan3A_2568 = %broadcast_in_dim3A_2249) -> (vector<16xf32>, vector<16xf32>, vector<16xf32>, vector<16xf32>, vector<16xf32>, vector<16xf32>, vector<16xf32>, vector<16xf32>)  : i32 {
        %mul3A_2569 = arith.constant 4 : i32
        %mul3A_2570 = arith.muli %scan3A_2560, %mul3A_2569 : i32
        %add3A_2571 = arith.constant 1200 : i32
        %add3A_2572 = arith.addi %add3A_2571, %mul3A_2570 : i32
        %add3A_2573 = arith.constant 0 : i32
        %add3A_2574 = arith.addi %add3A_2572, %add3A_2573 : i32
        %get3A_2575 = arith.index_cast %add3A_2574 : i32 to index
        %get3A_2576 = arith.constant 0 : index
        %get3A_2577 = tpu.vector_load %arg11[%get3A_2575, %get3A_2576] {strides = array<i32>} : memref<1600x32xf32, #tpu.memory_space<vmem>>, vector<1x16xf32>,
        %get3A_2578 = vector.shape_cast %get3A_2577 : vector<1x16xf32> to vector<16xf32>
        %add3A_2579 = arith.addf %scan3A_2561, %get3A_2578 : vector<16xf32>
        %add3A_2580 = arith.constant 1 : i32
        %add3A_2581 = arith.addi %add3A_2572, %add3A_2580 : i32
        %get3A_2582 = arith.index_cast %add3A_2581 : i32 to index
        %get3A_2583 = arith.constant 0 : index
        %get3A_2584 = tpu.vector_load %arg11[%get3A_2582, %get3A_2583] {strides = array<i32>} : memref<1600x32xf32, #tpu.memory_space<vmem>>, vector<1x16xf32>,
        %get3A_2585 = vector.shape_cast %get3A_2584 : vector<1x16xf32> to vector<16xf32>
        %add3A_2586 = arith.addf %scan3A_2562, %get3A_2585 : vector<16xf32>
        %add3A_2587 = arith.constant 2 : i32
        %add3A_2588 = arith.addi %add3A_2572, %add3A_2587 : i32
        %get3A_2589 = arith.index_cast %add3A_2588 : i32 to index
        %get3A_2590 = arith.constant 0 : index
        %get3A_2591 = tpu.vector_load %arg11[%get3A_2589, %get3A_2590] {strides = array<i32>} : memref<1600x32xf32, #tpu.memory_space<vmem>>, vector<1x16xf32>,
        %get3A_2592 = vector.shape_cast %get3A_2591 : vector<1x16xf32> to vector<16xf32>
        %add3A_2593 = arith.addf %scan3A_2563, %get3A_2592 : vector<16xf32>
        %add3A_2594 = arith.constant 3 : i32
        %add3A_2595 = arith.addi %add3A_2572, %add3A_2594 : i32
        %get3A_2596 = arith.index_cast %add3A_2595 : i32 to index
        %get3A_2597 = arith.constant 0 : index
        %get3A_2598 = tpu.vector_load %arg11[%get3A_2596, %get3A_2597] {strides = array<i32>} : memref<1600x32xf32, #tpu.memory_space<vmem>>, vector<1x16xf32>,
        %get3A_2599 = vector.shape_cast %get3A_2598 : vector<1x16xf32> to vector<16xf32>
        %add3A_2600 = arith.addf %scan3A_2564, %get3A_2599 : vector<16xf32>
        %add3A_2601 = arith.constant 0 : i32
        %add3A_2602 = arith.addi %add3A_2572, %add3A_2601 : i32
        %get3A_2603 = arith.index_cast %add3A_2602 : i32 to index
        %get3A_2604 = arith.constant 16 : index
        %get3A_2605 = tpu.vector_load %arg11[%get3A_2603, %get3A_2604] {strides = array<i32>} : memref<1600x32xf32, #tpu.memory_space<vmem>>, vector<1x16xf32>,
        %get3A_2606 = vector.shape_cast %get3A_2605 : vector<1x16xf32> to vector<16xf32>
        %add3A_2607 = arith.addf %scan3A_2565, %get3A_2606 : vector<16xf32>
        %add3A_2608 = arith.constant 1 : i32
        %add3A_2609 = arith.addi %add3A_2572, %add3A_2608 : i32
        %get3A_2610 = arith.index_cast %add3A_2609 : i32 to index
        %get3A_2611 = arith.constant 16 : index
        %get3A_2612 = tpu.vector_load %arg11[%get3A_2610, %get3A_2611] {strides = array<i32>} : memref<1600x32xf32, #tpu.memory_space<vmem>>, vector<1x16xf32>,
        %get3A_2613 = vector.shape_cast %get3A_2612 : vector<1x16xf32> to vector<16xf32>
        %add3A_2614 = arith.addf %scan3A_2566, %get3A_2613 : vector<16xf32>
        %add3A_2615 = arith.constant 2 : i32
        %add3A_2616 = arith.addi %add3A_2572, %add3A_2615 : i32
        %get3A_2617 = arith.index_cast %add3A_2616 : i32 to index
        %get3A_2618 = arith.constant 16 : index
        %get3A_2619 = tpu.vector_load %arg11[%get3A_2617, %get3A_2618] {strides = array<i32>} : memref<1600x32xf32, #tpu.memory_space<vmem>>, vector<1x16xf32>,
        %get3A_2620 = vector.shape_cast %get3A_2619 : vector<1x16xf32> to vector<16xf32>
        %add3A_2621 = arith.addf %scan3A_2567, %get3A_2620 : vector<16xf32>
        %add3A_2622 = arith.constant 3 : i32
        %add3A_2623 = arith.addi %add3A_2572, %add3A_2622 : i32
        %get3A_2624 = arith.index_cast %add3A_2623 : i32 to index
        %get3A_2625 = arith.constant 16 : index
        %get3A_2626 = tpu.vector_load %arg11[%get3A_2624, %get3A_2625] {strides = array<i32>} : memref<1600x32xf32, #tpu.memory_space<vmem>>, vector<1x16xf32>,
        %get3A_2627 = vector.shape_cast %get3A_2626 : vector<1x16xf32> to vector<16xf32>
        %add3A_2628 = arith.addf %scan3A_2568, %get3A_2627 : vector<16xf32>
        scf.yield %add3A_2579, %add3A_2586, %add3A_2593, %add3A_2600, %add3A_2607, %add3A_2614, %add3A_2621, %add3A_2628 : vector<16xf32>, vector<16xf32>, vector<16xf32>, vector<16xf32>, vector<16xf32>, vector<16xf32>, vector<16xf32>, vector<16xf32>
      }
      %scan3A_2255 = arith.constant 50 : i32
      %add3A_2256 = arith.addf %scan3A_2254#0, %scan3A_2254#1 : vector<16xf32>
      %add3A_2257 = arith.addf %scan3A_2254#2, %scan3A_2254#3 : vector<16xf32>
      %add3A_2258 = arith.addf %add3A_2256, %add3A_2257 : vector<16xf32>
      %add3A_2259 = arith.addf %scan3A_2254#4, %scan3A_2254#5 : vector<16xf32>
      %add3A_2260 = arith.addf %scan3A_2254#6, %scan3A_2254#7 : vector<16xf32>
      %add3A_2261 = arith.addf %add3A_2259, %add3A_2260 : vector<16xf32>
      %mul3A_2262 = arith.mulf %add3A_2258, %get3A_8 : vector<16xf32>
      %mul3A_2263 = arith.mulf %add3A_2261, %get3A_13 : vector<16xf32>
      %add3A_2264 = arith.addf %mul3A_2262, %mul3A_2263 : vector<16xf32>
      %xor3A_2265 = arith.constant 8 : i32
      %xor3A_2266 = vector.broadcast %xor3A_2265 : i32 to vector<16xi32>
      %xor3A_2267 = arith.xori %iota3A, %xor3A_2266 : vector<16xi32>
      %lt3A_2268 = arith.constant 0 : i32
      %lt3A_2269 = vector.broadcast %lt3A_2268 : i32 to vector<16xi32>
      %lt3A_2270 = arith.cmpi slt, %xor3A_2267, %lt3A_2269 : vector<16xi32>
      %add3A_2271 = arith.constant 16 : i32
      %add3A_2272 = vector.broadcast %add3A_2271 : i32 to vector<16xi32>
      %add3A_2273 = arith.addi %xor3A_2267, %add3A_2272 : vector<16xi32>
      %select_n3A_2274 = arith.select %lt3A_2270, %add3A_2273, %xor3A_2267 : vector<16xi1>, vector<16xi32>
      %broadcast_in_dim3A_2275 = vector.shape_cast %select_n3A_2274 : vector<16xi32> to vector<16x1xi32>
      %gather3A_2276 = vector.shape_cast %broadcast_in_dim3A_2275 : vector<16x1xi32> to vector<16xi32>
      %gather3A_2277 = tpu.dynamic_gather %add3A_2264[%gather3A_2276] in [0] : vector<16xf32>, vector<16xi32> -> vector<16xf32>
      %add3A_2278 = arith.addf %add3A_2264, %gather3A_2277 : vector<16xf32>
      %xor3A_2279 = arith.constant 4 : i32
      %xor3A_2280 = vector.broadcast %xor3A_2279 : i32 to vector<16xi32>
      %xor3A_2281 = arith.xori %iota3A, %xor3A_2280 : vector<16xi32>
      %lt3A_2282 = arith.constant 0 : i32
      %lt3A_2283 = vector.broadcast %lt3A_2282 : i32 to vector<16xi32>
      %lt3A_2284 = arith.cmpi slt, %xor3A_2281, %lt3A_2283 : vector<16xi32>
      %add3A_2285 = arith.constant 16 : i32
      %add3A_2286 = vector.broadcast %add3A_2285 : i32 to vector<16xi32>
      %add3A_2287 = arith.addi %xor3A_2281, %add3A_2286 : vector<16xi32>
      %select_n3A_2288 = arith.select %lt3A_2284, %add3A_2287, %xor3A_2281 : vector<16xi1>, vector<16xi32>
      %broadcast_in_dim3A_2289 = vector.shape_cast %select_n3A_2288 : vector<16xi32> to vector<16x1xi32>
      %gather3A_2290 = vector.shape_cast %broadcast_in_dim3A_2289 : vector<16x1xi32> to vector<16xi32>
      %gather3A_2291 = tpu.dynamic_gather %add3A_2278[%gather3A_2290] in [0] : vector<16xf32>, vector<16xi32> -> vector<16xf32>
      %add3A_2292 = arith.addf %add3A_2278, %gather3A_2291 : vector<16xf32>
      %xor3A_2293 = arith.constant 2 : i32
      %xor3A_2294 = vector.broadcast %xor3A_2293 : i32 to vector<16xi32>
      %xor3A_2295 = arith.xori %iota3A, %xor3A_2294 : vector<16xi32>
      %lt3A_2296 = arith.constant 0 : i32
      %lt3A_2297 = vector.broadcast %lt3A_2296 : i32 to vector<16xi32>
      %lt3A_2298 = arith.cmpi slt, %xor3A_2295, %lt3A_2297 : vector<16xi32>
      %add3A_2299 = arith.constant 16 : i32
      %add3A_2300 = vector.broadcast %add3A_2299 : i32 to vector<16xi32>
      %add3A_2301 = arith.addi %xor3A_2295, %add3A_2300 : vector<16xi32>
      %select_n3A_2302 = arith.select %lt3A_2298, %add3A_2301, %xor3A_2295 : vector<16xi1>, vector<16xi32>
      %broadcast_in_dim3A_2303 = vector.shape_cast %select_n3A_2302 : vector<16xi32> to vector<16x1xi32>
      %gather3A_2304 = vector.shape_cast %broadcast_in_dim3A_2303 : vector<16x1xi32> to vector<16xi32>
      %gather3A_2305 = tpu.dynamic_gather %add3A_2292[%gather3A_2304] in [0] : vector<16xf32>, vector<16xi32> -> vector<16xf32>
      %add3A_2306 = arith.addf %add3A_2292, %gather3A_2305 : vector<16xf32>
      %xor3A_2307 = arith.constant 1 : i32
      %xor3A_2308 = vector.broadcast %xor3A_2307 : i32 to vector<16xi32>
      %xor3A_2309 = arith.xori %iota3A, %xor3A_2308 : vector<16xi32>
      %lt3A_2310 = arith.constant 0 : i32
      %lt3A_2311 = vector.broadcast %lt3A_2310 : i32 to vector<16xi32>
      %lt3A_2312 = arith.cmpi slt, %xor3A_2309, %lt3A_2311 : vector<16xi32>
      %add3A_2313 = arith.constant 16 : i32
      %add3A_2314 = vector.broadcast %add3A_2313 : i32 to vector<16xi32>
      %add3A_2315 = arith.addi %xor3A_2309, %add3A_2314 : vector<16xi32>
      %select_n3A_2316 = arith.select %lt3A_2312, %add3A_2315, %xor3A_2309 : vector<16xi1>, vector<16xi32>
      %broadcast_in_dim3A_2317 = vector.shape_cast %select_n3A_2316 : vector<16xi32> to vector<16x1xi32>
      %gather3A_2318 = vector.shape_cast %broadcast_in_dim3A_2317 : vector<16x1xi32> to vector<16xi32>
      %gather3A_2319 = tpu.dynamic_gather %add3A_2306[%gather3A_2318] in [0] : vector<16xf32>, vector<16xi32> -> vector<16xf32>
      %add3A_2320 = arith.addf %add3A_2306, %gather3A_2319 : vector<16xf32>
      %mul3A_2321 = arith.mulf %add3A_2258, %get3A_18 : vector<16xf32>
      %mul3A_2322 = arith.mulf %add3A_2261, %get3A_23 : vector<16xf32>
      %add3A_2323 = arith.addf %mul3A_2321, %mul3A_2322 : vector<16xf32>
      %xor3A_2324 = arith.constant 8 : i32
      %xor3A_2325 = vector.broadcast %xor3A_2324 : i32 to vector<16xi32>
      %xor3A_2326 = arith.xori %iota3A, %xor3A_2325 : vector<16xi32>
      %lt3A_2327 = arith.constant 0 : i32
      %lt3A_2328 = vector.broadcast %lt3A_2327 : i32 to vector<16xi32>
      %lt3A_2329 = arith.cmpi slt, %xor3A_2326, %lt3A_2328 : vector<16xi32>
      %add3A_2330 = arith.constant 16 : i32
      %add3A_2331 = vector.broadcast %add3A_2330 : i32 to vector<16xi32>
      %add3A_2332 = arith.addi %xor3A_2326, %add3A_2331 : vector<16xi32>
      %select_n3A_2333 = arith.select %lt3A_2329, %add3A_2332, %xor3A_2326 : vector<16xi1>, vector<16xi32>
      %broadcast_in_dim3A_2334 = vector.shape_cast %select_n3A_2333 : vector<16xi32> to vector<16x1xi32>
      %gather3A_2335 = vector.shape_cast %broadcast_in_dim3A_2334 : vector<16x1xi32> to vector<16xi32>
      %gather3A_2336 = tpu.dynamic_gather %add3A_2323[%gather3A_2335] in [0] : vector<16xf32>, vector<16xi32> -> vector<16xf32>
      %add3A_2337 = arith.addf %add3A_2323, %gather3A_2336 : vector<16xf32>
      %xor3A_2338 = arith.constant 4 : i32
      %xor3A_2339 = vector.broadcast %xor3A_2338 : i32 to vector<16xi32>
      %xor3A_2340 = arith.xori %iota3A, %xor3A_2339 : vector<16xi32>
      %lt3A_2341 = arith.constant 0 : i32
      %lt3A_2342 = vector.broadcast %lt3A_2341 : i32 to vector<16xi32>
      %lt3A_2343 = arith.cmpi slt, %xor3A_2340, %lt3A_2342 : vector<16xi32>
      %add3A_2344 = arith.constant 16 : i32
      %add3A_2345 = vector.broadcast %add3A_2344 : i32 to vector<16xi32>
      %add3A_2346 = arith.addi %xor3A_2340, %add3A_2345 : vector<16xi32>
      %select_n3A_2347 = arith.select %lt3A_2343, %add3A_2346, %xor3A_2340 : vector<16xi1>, vector<16xi32>
      %broadcast_in_dim3A_2348 = vector.shape_cast %select_n3A_2347 : vector<16xi32> to vector<16x1xi32>
      %gather3A_2349 = vector.shape_cast %broadcast_in_dim3A_2348 : vector<16x1xi32> to vector<16xi32>
      %gather3A_2350 = tpu.dynamic_gather %add3A_2337[%gather3A_2349] in [0] : vector<16xf32>, vector<16xi32> -> vector<16xf32>
      %add3A_2351 = arith.addf %add3A_2337, %gather3A_2350 : vector<16xf32>
      %xor3A_2352 = arith.constant 2 : i32
      %xor3A_2353 = vector.broadcast %xor3A_2352 : i32 to vector<16xi32>
      %xor3A_2354 = arith.xori %iota3A, %xor3A_2353 : vector<16xi32>
      %lt3A_2355 = arith.constant 0 : i32
      %lt3A_2356 = vector.broadcast %lt3A_2355 : i32 to vector<16xi32>
      %lt3A_2357 = arith.cmpi slt, %xor3A_2354, %lt3A_2356 : vector<16xi32>
      %add3A_2358 = arith.constant 16 : i32
      %add3A_2359 = vector.broadcast %add3A_2358 : i32 to vector<16xi32>
      %add3A_2360 = arith.addi %xor3A_2354, %add3A_2359 : vector<16xi32>
      %select_n3A_2361 = arith.select %lt3A_2357, %add3A_2360, %xor3A_2354 : vector<16xi1>, vector<16xi32>
      %broadcast_in_dim3A_2362 = vector.shape_cast %select_n3A_2361 : vector<16xi32> to vector<16x1xi32>
      %gather3A_2363 = vector.shape_cast %broadcast_in_dim3A_2362 : vector<16x1xi32> to vector<16xi32>
      %gather3A_2364 = tpu.dynamic_gather %add3A_2351[%gather3A_2363] in [0] : vector<16xf32>, vector<16xi32> -> vector<16xf32>
      %add3A_2365 = arith.addf %add3A_2351, %gather3A_2364 : vector<16xf32>
      %xor3A_2366 = arith.constant 1 : i32
      %xor3A_2367 = vector.broadcast %xor3A_2366 : i32 to vector<16xi32>
      %xor3A_2368 = arith.xori %iota3A, %xor3A_2367 : vector<16xi32>
      %lt3A_2369 = arith.constant 0 : i32
      %lt3A_2370 = vector.broadcast %lt3A_2369 : i32 to vector<16xi32>
      %lt3A_2371 = arith.cmpi slt, %xor3A_2368, %lt3A_2370 : vector<16xi32>
      %add3A_2372 = arith.constant 16 : i32
      %add3A_2373 = vector.broadcast %add3A_2372 : i32 to vector<16xi32>
      %add3A_2374 = arith.addi %xor3A_2368, %add3A_2373 : vector<16xi32>
      %select_n3A_2375 = arith.select %lt3A_2371, %add3A_2374, %xor3A_2368 : vector<16xi1>, vector<16xi32>
      %broadcast_in_dim3A_2376 = vector.shape_cast %select_n3A_2375 : vector<16xi32> to vector<16x1xi32>
      %gather3A_2377 = vector.shape_cast %broadcast_in_dim3A_2376 : vector<16x1xi32> to vector<16xi32>
      %gather3A_2378 = tpu.dynamic_gather %add3A_2365[%gather3A_2377] in [0] : vector<16xf32>, vector<16xi32> -> vector<16xf32>
      %add3A_2379 = arith.addf %add3A_2365, %gather3A_2378 : vector<16xf32>
      %eq3A_2380 = arith.constant 0 : i32
      %eq3A_2381 = vector.broadcast %eq3A_2380 : i32 to vector<16xi32>
      %eq3A_2382 = arith.cmpi eq, %iota3A, %eq3A_2381 : vector<16xi32>
      %eq3A_2383 = arith.constant 1 : i32
      %eq3A_2384 = vector.broadcast %eq3A_2383 : i32 to vector<16xi32>
      %eq3A_2385 = arith.cmpi eq, %iota3A, %eq3A_2384 : vector<16xi32>
      %jit3A_2386 = arith.constant 0.000000e+00 : f32
      %broadcast_in_dim3A_2387 = vector.broadcast %jit3A_2386 : f32 to vector<16xf32>
      %select_n3A_2388 = arith.select %eq3A_2385, %add3A_2379, %broadcast_in_dim3A_2387 : vector<16xi1>, vector<16xf32>
      %select_n3A_2389 = arith.select %eq3A_2382, %add3A_2320, %select_n3A_2388 : vector<16xi1>, vector<16xf32>
      %slice3A_2390 = vector.extract_strided_slice %get3A_1311 {offsets = [6], sizes = [1], strides = [1]} : vector<16xf32> to vector<1xf32>
      %squeeze3A_2391 = vector.extract %slice3A_2390[0] : f32 from vector<1xf32>
      %div3A_2392 = vector.broadcast %squeeze3A_2391 : f32 to vector<16xf32>
      %div3A_2393 = arith.divf %select_n3A_2389, %div3A_2392 : vector<16xf32>
      %add3A_2394 = arith.addf %div3A_2393, %get3A_26 : vector<16xf32>
      %mul3A_2395 = arith.constant 8 : i32
      %mul3A_2396 = arith.muli %add3A_1306, %mul3A_2395 : i32
      %add3A_2397 = arith.constant 6 : i32
      %add3A_2398 = arith.addi %mul3A_2396, %add3A_2397 : i32
      %swap3A_2399 = arith.index_cast %add3A_2398 : i32 to index
      %swap3A_2400 = arith.constant 0 : index
      %swap3A_2401 = tpu.vector_load %arg13[%swap3A_2399, %swap3A_2400] {strides = array<i32>} : memref<512x16xf32, #tpu.memory_space<vmem>>, vector<1x16xf32>,
      %swap3A_2402 = vector.shape_cast %swap3A_2401 : vector<1x16xf32> to vector<16xf32>
      %swap3A_2403 = vector.shape_cast %add3A_2394 : vector<16xf32> to vector<1x16xf32>
      tpu.vector_store %arg13[%swap3A_2399, %swap3A_2400], %swap3A_2403 {strides = array<i32>} : memref<512x16xf32, #tpu.memory_space<vmem>>, vector<1x16xf32>,
      %broadcast_in_dim3A_2404 = arith.constant 0.000000e+00 : f32
      %broadcast_in_dim3A_2405 = vector.broadcast %broadcast_in_dim3A_2404 : f32 to vector<16xf32>
      %scan3A_2406 = arith.constant 0 : i32
      %scan3A_2407 = arith.constant 50 : i32
      %scan3A_2408 = arith.addi %scan3A_2406, %scan3A_2407 : i32
      %scan3A_2409 = arith.constant 1 : i32
      %scan3A_2410:8 = scf.for %scan3A_2560 = %scan3A_2406 to %scan3A_2408 step %scan3A_2409 iter_args(%scan3A_2561 = %broadcast_in_dim3A_2405, %scan3A_2562 = %broadcast_in_dim3A_2405, %scan3A_2563 = %broadcast_in_dim3A_2405, %scan3A_2564 = %broadcast_in_dim3A_2405, %scan3A_2565 = %broadcast_in_dim3A_2405, %scan3A_2566 = %broadcast_in_dim3A_2405, %scan3A_2567 = %broadcast_in_dim3A_2405, %scan3A_2568 = %broadcast_in_dim3A_2405) -> (vector<16xf32>, vector<16xf32>, vector<16xf32>, vector<16xf32>, vector<16xf32>, vector<16xf32>, vector<16xf32>, vector<16xf32>)  : i32 {
        %mul3A_2569 = arith.constant 4 : i32
        %mul3A_2570 = arith.muli %scan3A_2560, %mul3A_2569 : i32
        %add3A_2571 = arith.constant 1400 : i32
        %add3A_2572 = arith.addi %add3A_2571, %mul3A_2570 : i32
        %add3A_2573 = arith.constant 0 : i32
        %add3A_2574 = arith.addi %add3A_2572, %add3A_2573 : i32
        %get3A_2575 = arith.index_cast %add3A_2574 : i32 to index
        %get3A_2576 = arith.constant 0 : index
        %get3A_2577 = tpu.vector_load %arg11[%get3A_2575, %get3A_2576] {strides = array<i32>} : memref<1600x32xf32, #tpu.memory_space<vmem>>, vector<1x16xf32>,
        %get3A_2578 = vector.shape_cast %get3A_2577 : vector<1x16xf32> to vector<16xf32>
        %add3A_2579 = arith.addf %scan3A_2561, %get3A_2578 : vector<16xf32>
        %add3A_2580 = arith.constant 1 : i32
        %add3A_2581 = arith.addi %add3A_2572, %add3A_2580 : i32
        %get3A_2582 = arith.index_cast %add3A_2581 : i32 to index
        %get3A_2583 = arith.constant 0 : index
        %get3A_2584 = tpu.vector_load %arg11[%get3A_2582, %get3A_2583] {strides = array<i32>} : memref<1600x32xf32, #tpu.memory_space<vmem>>, vector<1x16xf32>,
        %get3A_2585 = vector.shape_cast %get3A_2584 : vector<1x16xf32> to vector<16xf32>
        %add3A_2586 = arith.addf %scan3A_2562, %get3A_2585 : vector<16xf32>
        %add3A_2587 = arith.constant 2 : i32
        %add3A_2588 = arith.addi %add3A_2572, %add3A_2587 : i32
        %get3A_2589 = arith.index_cast %add3A_2588 : i32 to index
        %get3A_2590 = arith.constant 0 : index
        %get3A_2591 = tpu.vector_load %arg11[%get3A_2589, %get3A_2590] {strides = array<i32>} : memref<1600x32xf32, #tpu.memory_space<vmem>>, vector<1x16xf32>,
        %get3A_2592 = vector.shape_cast %get3A_2591 : vector<1x16xf32> to vector<16xf32>
        %add3A_2593 = arith.addf %scan3A_2563, %get3A_2592 : vector<16xf32>
        %add3A_2594 = arith.constant 3 : i32
        %add3A_2595 = arith.addi %add3A_2572, %add3A_2594 : i32
        %get3A_2596 = arith.index_cast %add3A_2595 : i32 to index
        %get3A_2597 = arith.constant 0 : index
        %get3A_2598 = tpu.vector_load %arg11[%get3A_2596, %get3A_2597] {strides = array<i32>} : memref<1600x32xf32, #tpu.memory_space<vmem>>, vector<1x16xf32>,
        %get3A_2599 = vector.shape_cast %get3A_2598 : vector<1x16xf32> to vector<16xf32>
        %add3A_2600 = arith.addf %scan3A_2564, %get3A_2599 : vector<16xf32>
        %add3A_2601 = arith.constant 0 : i32
        %add3A_2602 = arith.addi %add3A_2572, %add3A_2601 : i32
        %get3A_2603 = arith.index_cast %add3A_2602 : i32 to index
        %get3A_2604 = arith.constant 16 : index
        %get3A_2605 = tpu.vector_load %arg11[%get3A_2603, %get3A_2604] {strides = array<i32>} : memref<1600x32xf32, #tpu.memory_space<vmem>>, vector<1x16xf32>,
        %get3A_2606 = vector.shape_cast %get3A_2605 : vector<1x16xf32> to vector<16xf32>
        %add3A_2607 = arith.addf %scan3A_2565, %get3A_2606 : vector<16xf32>
        %add3A_2608 = arith.constant 1 : i32
        %add3A_2609 = arith.addi %add3A_2572, %add3A_2608 : i32
        %get3A_2610 = arith.index_cast %add3A_2609 : i32 to index
        %get3A_2611 = arith.constant 16 : index
        %get3A_2612 = tpu.vector_load %arg11[%get3A_2610, %get3A_2611] {strides = array<i32>} : memref<1600x32xf32, #tpu.memory_space<vmem>>, vector<1x16xf32>,
        %get3A_2613 = vector.shape_cast %get3A_2612 : vector<1x16xf32> to vector<16xf32>
        %add3A_2614 = arith.addf %scan3A_2566, %get3A_2613 : vector<16xf32>
        %add3A_2615 = arith.constant 2 : i32
        %add3A_2616 = arith.addi %add3A_2572, %add3A_2615 : i32
        %get3A_2617 = arith.index_cast %add3A_2616 : i32 to index
        %get3A_2618 = arith.constant 16 : index
        %get3A_2619 = tpu.vector_load %arg11[%get3A_2617, %get3A_2618] {strides = array<i32>} : memref<1600x32xf32, #tpu.memory_space<vmem>>, vector<1x16xf32>,
        %get3A_2620 = vector.shape_cast %get3A_2619 : vector<1x16xf32> to vector<16xf32>
        %add3A_2621 = arith.addf %scan3A_2567, %get3A_2620 : vector<16xf32>
        %add3A_2622 = arith.constant 3 : i32
        %add3A_2623 = arith.addi %add3A_2572, %add3A_2622 : i32
        %get3A_2624 = arith.index_cast %add3A_2623 : i32 to index
        %get3A_2625 = arith.constant 16 : index
        %get3A_2626 = tpu.vector_load %arg11[%get3A_2624, %get3A_2625] {strides = array<i32>} : memref<1600x32xf32, #tpu.memory_space<vmem>>, vector<1x16xf32>,
        %get3A_2627 = vector.shape_cast %get3A_2626 : vector<1x16xf32> to vector<16xf32>
        %add3A_2628 = arith.addf %scan3A_2568, %get3A_2627 : vector<16xf32>
        scf.yield %add3A_2579, %add3A_2586, %add3A_2593, %add3A_2600, %add3A_2607, %add3A_2614, %add3A_2621, %add3A_2628 : vector<16xf32>, vector<16xf32>, vector<16xf32>, vector<16xf32>, vector<16xf32>, vector<16xf32>, vector<16xf32>, vector<16xf32>
      }
      %scan3A_2411 = arith.constant 50 : i32
      %add3A_2412 = arith.addf %scan3A_2410#0, %scan3A_2410#1 : vector<16xf32>
      %add3A_2413 = arith.addf %scan3A_2410#2, %scan3A_2410#3 : vector<16xf32>
      %add3A_2414 = arith.addf %add3A_2412, %add3A_2413 : vector<16xf32>
      %add3A_2415 = arith.addf %scan3A_2410#4, %scan3A_2410#5 : vector<16xf32>
      %add3A_2416 = arith.addf %scan3A_2410#6, %scan3A_2410#7 : vector<16xf32>
      %add3A_2417 = arith.addf %add3A_2415, %add3A_2416 : vector<16xf32>
      %mul3A_2418 = arith.mulf %add3A_2414, %get3A_8 : vector<16xf32>
      %mul3A_2419 = arith.mulf %add3A_2417, %get3A_13 : vector<16xf32>
      %add3A_2420 = arith.addf %mul3A_2418, %mul3A_2419 : vector<16xf32>
      %xor3A_2421 = arith.constant 8 : i32
      %xor3A_2422 = vector.broadcast %xor3A_2421 : i32 to vector<16xi32>
      %xor3A_2423 = arith.xori %iota3A, %xor3A_2422 : vector<16xi32>
      %lt3A_2424 = arith.constant 0 : i32
      %lt3A_2425 = vector.broadcast %lt3A_2424 : i32 to vector<16xi32>
      %lt3A_2426 = arith.cmpi slt, %xor3A_2423, %lt3A_2425 : vector<16xi32>
      %add3A_2427 = arith.constant 16 : i32
      %add3A_2428 = vector.broadcast %add3A_2427 : i32 to vector<16xi32>
      %add3A_2429 = arith.addi %xor3A_2423, %add3A_2428 : vector<16xi32>
      %select_n3A_2430 = arith.select %lt3A_2426, %add3A_2429, %xor3A_2423 : vector<16xi1>, vector<16xi32>
      %broadcast_in_dim3A_2431 = vector.shape_cast %select_n3A_2430 : vector<16xi32> to vector<16x1xi32>
      %gather3A_2432 = vector.shape_cast %broadcast_in_dim3A_2431 : vector<16x1xi32> to vector<16xi32>
      %gather3A_2433 = tpu.dynamic_gather %add3A_2420[%gather3A_2432] in [0] : vector<16xf32>, vector<16xi32> -> vector<16xf32>
      %add3A_2434 = arith.addf %add3A_2420, %gather3A_2433 : vector<16xf32>
      %xor3A_2435 = arith.constant 4 : i32
      %xor3A_2436 = vector.broadcast %xor3A_2435 : i32 to vector<16xi32>
      %xor3A_2437 = arith.xori %iota3A, %xor3A_2436 : vector<16xi32>
      %lt3A_2438 = arith.constant 0 : i32
      %lt3A_2439 = vector.broadcast %lt3A_2438 : i32 to vector<16xi32>
      %lt3A_2440 = arith.cmpi slt, %xor3A_2437, %lt3A_2439 : vector<16xi32>
      %add3A_2441 = arith.constant 16 : i32
      %add3A_2442 = vector.broadcast %add3A_2441 : i32 to vector<16xi32>
      %add3A_2443 = arith.addi %xor3A_2437, %add3A_2442 : vector<16xi32>
      %select_n3A_2444 = arith.select %lt3A_2440, %add3A_2443, %xor3A_2437 : vector<16xi1>, vector<16xi32>
      %broadcast_in_dim3A_2445 = vector.shape_cast %select_n3A_2444 : vector<16xi32> to vector<16x1xi32>
      %gather3A_2446 = vector.shape_cast %broadcast_in_dim3A_2445 : vector<16x1xi32> to vector<16xi32>
      %gather3A_2447 = tpu.dynamic_gather %add3A_2434[%gather3A_2446] in [0] : vector<16xf32>, vector<16xi32> -> vector<16xf32>
      %add3A_2448 = arith.addf %add3A_2434, %gather3A_2447 : vector<16xf32>
      %xor3A_2449 = arith.constant 2 : i32
      %xor3A_2450 = vector.broadcast %xor3A_2449 : i32 to vector<16xi32>
      %xor3A_2451 = arith.xori %iota3A, %xor3A_2450 : vector<16xi32>
      %lt3A_2452 = arith.constant 0 : i32
      %lt3A_2453 = vector.broadcast %lt3A_2452 : i32 to vector<16xi32>
      %lt3A_2454 = arith.cmpi slt, %xor3A_2451, %lt3A_2453 : vector<16xi32>
      %add3A_2455 = arith.constant 16 : i32
      %add3A_2456 = vector.broadcast %add3A_2455 : i32 to vector<16xi32>
      %add3A_2457 = arith.addi %xor3A_2451, %add3A_2456 : vector<16xi32>
      %select_n3A_2458 = arith.select %lt3A_2454, %add3A_2457, %xor3A_2451 : vector<16xi1>, vector<16xi32>
      %broadcast_in_dim3A_2459 = vector.shape_cast %select_n3A_2458 : vector<16xi32> to vector<16x1xi32>
      %gather3A_2460 = vector.shape_cast %broadcast_in_dim3A_2459 : vector<16x1xi32> to vector<16xi32>
      %gather3A_2461 = tpu.dynamic_gather %add3A_2448[%gather3A_2460] in [0] : vector<16xf32>, vector<16xi32> -> vector<16xf32>
      %add3A_2462 = arith.addf %add3A_2448, %gather3A_2461 : vector<16xf32>
      %xor3A_2463 = arith.constant 1 : i32
      %xor3A_2464 = vector.broadcast %xor3A_2463 : i32 to vector<16xi32>
      %xor3A_2465 = arith.xori %iota3A, %xor3A_2464 : vector<16xi32>
      %lt3A_2466 = arith.constant 0 : i32
      %lt3A_2467 = vector.broadcast %lt3A_2466 : i32 to vector<16xi32>
      %lt3A_2468 = arith.cmpi slt, %xor3A_2465, %lt3A_2467 : vector<16xi32>
      %add3A_2469 = arith.constant 16 : i32
      %add3A_2470 = vector.broadcast %add3A_2469 : i32 to vector<16xi32>
      %add3A_2471 = arith.addi %xor3A_2465, %add3A_2470 : vector<16xi32>
      %select_n3A_2472 = arith.select %lt3A_2468, %add3A_2471, %xor3A_2465 : vector<16xi1>, vector<16xi32>
      %broadcast_in_dim3A_2473 = vector.shape_cast %select_n3A_2472 : vector<16xi32> to vector<16x1xi32>
      %gather3A_2474 = vector.shape_cast %broadcast_in_dim3A_2473 : vector<16x1xi32> to vector<16xi32>
      %gather3A_2475 = tpu.dynamic_gather %add3A_2462[%gather3A_2474] in [0] : vector<16xf32>, vector<16xi32> -> vector<16xf32>
      %add3A_2476 = arith.addf %add3A_2462, %gather3A_2475 : vector<16xf32>
      %mul3A_2477 = arith.mulf %add3A_2414, %get3A_18 : vector<16xf32>
      %mul3A_2478 = arith.mulf %add3A_2417, %get3A_23 : vector<16xf32>
      %add3A_2479 = arith.addf %mul3A_2477, %mul3A_2478 : vector<16xf32>
      %xor3A_2480 = arith.constant 8 : i32
      %xor3A_2481 = vector.broadcast %xor3A_2480 : i32 to vector<16xi32>
      %xor3A_2482 = arith.xori %iota3A, %xor3A_2481 : vector<16xi32>
      %lt3A_2483 = arith.constant 0 : i32
      %lt3A_2484 = vector.broadcast %lt3A_2483 : i32 to vector<16xi32>
      %lt3A_2485 = arith.cmpi slt, %xor3A_2482, %lt3A_2484 : vector<16xi32>
      %add3A_2486 = arith.constant 16 : i32
      %add3A_2487 = vector.broadcast %add3A_2486 : i32 to vector<16xi32>
      %add3A_2488 = arith.addi %xor3A_2482, %add3A_2487 : vector<16xi32>
      %select_n3A_2489 = arith.select %lt3A_2485, %add3A_2488, %xor3A_2482 : vector<16xi1>, vector<16xi32>
      %broadcast_in_dim3A_2490 = vector.shape_cast %select_n3A_2489 : vector<16xi32> to vector<16x1xi32>
      %gather3A_2491 = vector.shape_cast %broadcast_in_dim3A_2490 : vector<16x1xi32> to vector<16xi32>
      %gather3A_2492 = tpu.dynamic_gather %add3A_2479[%gather3A_2491] in [0] : vector<16xf32>, vector<16xi32> -> vector<16xf32>
      %add3A_2493 = arith.addf %add3A_2479, %gather3A_2492 : vector<16xf32>
      %xor3A_2494 = arith.constant 4 : i32
      %xor3A_2495 = vector.broadcast %xor3A_2494 : i32 to vector<16xi32>
      %xor3A_2496 = arith.xori %iota3A, %xor3A_2495 : vector<16xi32>
      %lt3A_2497 = arith.constant 0 : i32
      %lt3A_2498 = vector.broadcast %lt3A_2497 : i32 to vector<16xi32>
      %lt3A_2499 = arith.cmpi slt, %xor3A_2496, %lt3A_2498 : vector<16xi32>
      %add3A_2500 = arith.constant 16 : i32
      %add3A_2501 = vector.broadcast %add3A_2500 : i32 to vector<16xi32>
      %add3A_2502 = arith.addi %xor3A_2496, %add3A_2501 : vector<16xi32>
      %select_n3A_2503 = arith.select %lt3A_2499, %add3A_2502, %xor3A_2496 : vector<16xi1>, vector<16xi32>
      %broadcast_in_dim3A_2504 = vector.shape_cast %select_n3A_2503 : vector<16xi32> to vector<16x1xi32>
      %gather3A_2505 = vector.shape_cast %broadcast_in_dim3A_2504 : vector<16x1xi32> to vector<16xi32>
      %gather3A_2506 = tpu.dynamic_gather %add3A_2493[%gather3A_2505] in [0] : vector<16xf32>, vector<16xi32> -> vector<16xf32>
      %add3A_2507 = arith.addf %add3A_2493, %gather3A_2506 : vector<16xf32>
      %xor3A_2508 = arith.constant 2 : i32
      %xor3A_2509 = vector.broadcast %xor3A_2508 : i32 to vector<16xi32>
      %xor3A_2510 = arith.xori %iota3A, %xor3A_2509 : vector<16xi32>
      %lt3A_2511 = arith.constant 0 : i32
      %lt3A_2512 = vector.broadcast %lt3A_2511 : i32 to vector<16xi32>
      %lt3A_2513 = arith.cmpi slt, %xor3A_2510, %lt3A_2512 : vector<16xi32>
      %add3A_2514 = arith.constant 16 : i32
      %add3A_2515 = vector.broadcast %add3A_2514 : i32 to vector<16xi32>
      %add3A_2516 = arith.addi %xor3A_2510, %add3A_2515 : vector<16xi32>
      %select_n3A_2517 = arith.select %lt3A_2513, %add3A_2516, %xor3A_2510 : vector<16xi1>, vector<16xi32>
      %broadcast_in_dim3A_2518 = vector.shape_cast %select_n3A_2517 : vector<16xi32> to vector<16x1xi32>
      %gather3A_2519 = vector.shape_cast %broadcast_in_dim3A_2518 : vector<16x1xi32> to vector<16xi32>
      %gather3A_2520 = tpu.dynamic_gather %add3A_2507[%gather3A_2519] in [0] : vector<16xf32>, vector<16xi32> -> vector<16xf32>
      %add3A_2521 = arith.addf %add3A_2507, %gather3A_2520 : vector<16xf32>
      %xor3A_2522 = arith.constant 1 : i32
      %xor3A_2523 = vector.broadcast %xor3A_2522 : i32 to vector<16xi32>
      %xor3A_2524 = arith.xori %iota3A, %xor3A_2523 : vector<16xi32>
      %lt3A_2525 = arith.constant 0 : i32
      %lt3A_2526 = vector.broadcast %lt3A_2525 : i32 to vector<16xi32>
      %lt3A_2527 = arith.cmpi slt, %xor3A_2524, %lt3A_2526 : vector<16xi32>
      %add3A_2528 = arith.constant 16 : i32
      %add3A_2529 = vector.broadcast %add3A_2528 : i32 to vector<16xi32>
      %add3A_2530 = arith.addi %xor3A_2524, %add3A_2529 : vector<16xi32>
      %select_n3A_2531 = arith.select %lt3A_2527, %add3A_2530, %xor3A_2524 : vector<16xi1>, vector<16xi32>
      %broadcast_in_dim3A_2532 = vector.shape_cast %select_n3A_2531 : vector<16xi32> to vector<16x1xi32>
      %gather3A_2533 = vector.shape_cast %broadcast_in_dim3A_2532 : vector<16x1xi32> to vector<16xi32>
      %gather3A_2534 = tpu.dynamic_gather %add3A_2521[%gather3A_2533] in [0] : vector<16xf32>, vector<16xi32> -> vector<16xf32>
      %add3A_2535 = arith.addf %add3A_2521, %gather3A_2534 : vector<16xf32>
      %eq3A_2536 = arith.constant 0 : i32
      %eq3A_2537 = vector.broadcast %eq3A_2536 : i32 to vector<16xi32>
      %eq3A_2538 = arith.cmpi eq, %iota3A, %eq3A_2537 : vector<16xi32>
      %eq3A_2539 = arith.constant 1 : i32
      %eq3A_2540 = vector.broadcast %eq3A_2539 : i32 to vector<16xi32>
      %eq3A_2541 = arith.cmpi eq, %iota3A, %eq3A_2540 : vector<16xi32>
      %jit3A_2542 = arith.constant 0.000000e+00 : f32
      %broadcast_in_dim3A_2543 = vector.broadcast %jit3A_2542 : f32 to vector<16xf32>
      %select_n3A_2544 = arith.select %eq3A_2541, %add3A_2535, %broadcast_in_dim3A_2543 : vector<16xi1>, vector<16xf32>
      %select_n3A_2545 = arith.select %eq3A_2538, %add3A_2476, %select_n3A_2544 : vector<16xi1>, vector<16xf32>
      %slice3A_2546 = vector.extract_strided_slice %get3A_1311 {offsets = [7], sizes = [1], strides = [1]} : vector<16xf32> to vector<1xf32>
      %squeeze3A_2547 = vector.extract %slice3A_2546[0] : f32 from vector<1xf32>
      %div3A_2548 = vector.broadcast %squeeze3A_2547 : f32 to vector<16xf32>
      %div3A_2549 = arith.divf %select_n3A_2545, %div3A_2548 : vector<16xf32>
      %add3A_2550 = arith.addf %div3A_2549, %get3A_26 : vector<16xf32>
      %mul3A_2551 = arith.constant 8 : i32
      %mul3A_2552 = arith.muli %add3A_1306, %mul3A_2551 : i32
      %add3A_2553 = arith.constant 7 : i32
      %add3A_2554 = arith.addi %mul3A_2552, %add3A_2553 : i32
      %swap3A_2555 = arith.index_cast %add3A_2554 : i32 to index
      %swap3A_2556 = arith.constant 0 : index
      %swap3A_2557 = tpu.vector_load %arg13[%swap3A_2555, %swap3A_2556] {strides = array<i32>} : memref<512x16xf32, #tpu.memory_space<vmem>>, vector<1x16xf32>,
      %swap3A_2558 = vector.shape_cast %swap3A_2557 : vector<1x16xf32> to vector<16xf32>
      %swap3A_2559 = vector.shape_cast %add3A_2550 : vector<16xf32> to vector<1x16xf32>
      tpu.vector_store %arg13[%swap3A_2555, %swap3A_2556], %swap3A_2559 {strides = array<i32>} : memref<512x16xf32, #tpu.memory_space<vmem>>, vector<1x16xf32>,
    }
    %scan3A_35 = arith.constant 32 : i32
    "tpu.region"() ({
      %run_scoped3A = tpu.sem_alloc : memref<!tpu.dma_semaphore, #tpu.memory_space<semaphore_mem>>
      %dma_start3A_36 = arith.constant 0 : i32
      %dma_start3A_37 = tpu.memref_slice %arg7[%mul3A_2, %dma_start3A_36] : memref<16384x16xf32, #tpu.memory_space<hbm>> -> memref<512x16xf32, #tpu.memory_space<hbm>>
      %dma_start3A_38 = arith.constant 0 : i32
      %dma_start3A_39 = tpu.memref_slice %arg7[%mul3A_2, %dma_start3A_38] : memref<16384x16xf32, #tpu.memory_space<hbm>> -> memref<512x16xf32, #tpu.memory_space<hbm>>
      tpu.enqueue_dma source(%arg13 : memref<512x16xf32, #tpu.memory_space<vmem>>) target(%dma_start3A_39 : memref<512x16xf32, #tpu.memory_space<hbm>>) target_semaphore(%run_scoped3A : memref<!tpu.dma_semaphore, #tpu.memory_space<semaphore_mem>>)
      %dma_wait3A = arith.constant 0 : i32
      %dma_wait3A_40 = tpu.memref_slice %arg7[%mul3A_2, %dma_wait3A] : memref<16384x16xf32, #tpu.memory_space<hbm>> -> memref<512x16xf32, #tpu.memory_space<hbm>>
      %dma_wait3A_41 = arith.constant 0 : i32
      %dma_wait3A_42 = tpu.memref_slice %arg7[%mul3A_2, %dma_wait3A_41] : memref<16384x16xf32, #tpu.memory_space<hbm>> -> memref<512x16xf32, #tpu.memory_space<hbm>>
      tpu.wait_dma2 semaphore(%run_scoped3A : memref<!tpu.dma_semaphore, #tpu.memory_space<semaphore_mem>>) src(%arg13 : memref<512x16xf32, #tpu.memory_space<vmem>>) dst(%dma_wait3A_42 : memref<512x16xf32, #tpu.memory_space<hbm>>)
      tpu.yield
    }) : () -> ()
    return
  }
}

</mosaic_0001>

<sc_bundles>
// kernel: kernel.3.cloned.1.call-start
scs
__scs_entry_jumppad:
0x0: {  	(pc) =	sbr.rel $0x88, $3  }
0x1: {  	(tag) =	ssettag $0x0;
	lr =	simm.s32 $0x1  }
0x2: {  	[smem:$0x3F9C] =	sst lr;
	_ =	strace $0xD0000000  }
0x3: {  	_ = 	snop  }
0x4: {  	_ = 	snop  }
0x5: {  	_ = 	snop  }
0x6: {  	_ = 	snop  }
0x7: {  	_ = 	snop  }
__scs_overlays_trampoline_lowered:
0x8: {  	[smem:$0x3FAB] =	sst s0  }
0x9: {  	[smem:$0x3FAC] =	sst s1  }
0xa: {  	[smem:$0x3FAD] =	sst s2  }
0xb: {  	[smem:$0x3FAE] =	sst s3  }
0xc: {  	[smem:$0x3FAF] =	sst s4  }
0xd: {  	[smem:$0x3FB0] =	sst s5  }
0xe: {  	[smem:$0x3FB1] =	sst s6  }
0xf: {  	[smem:$0x3FB2] =	sst s7  }
0x10: {  	[smem:$0x3FB3] =	sst s8  }
0x11: {  	[smem:$0x3FB4] =	sst s9;
	s0 =	simm.s32 @!p0 $0x0  }
0x12: {  	s1 =	sld [smem:$0x3F9A];
	s0 =	simm.s32 @p0 $0x1  }
0x13: {  	[smem:$0x3FB5] =	sst s0;
	s0 =	simm.s32 @!p1 $0x0  }
0x14: {  	s2 =	sld [smem:$0x3F99];
	s0 =	simm.s32 @p1 $0x1  }
0x15: {  	[smem:$0x3FB6] =	sst s0;
	s0 =	simm.s32 @!p2 $0x0  }
0x16: {  	s3 =	sld [smem:$0x3FDB];
	s0 =	simm.s32 @p2 $0x1  }
0x17: {  	s4 =	simm.s32 $0x1BF5;
	[smem:$0x3FB8] =	sst s0  }
0x18: {  	s0 =	sld [smem:$0x3F9B];
	_ =	swait.ge [sflag:s4], $0x0  }
0x19: {  	s7 =	sld [smem:$0x3F9C]  }
0x1a: {  	s8 =	sadd.s32 $0xFFFFE003, lr  }
0x1b: {  	s9 =	sadd.s32 $0xFFFFFEF7, lr;
	s5 =	simm.s32 $0xFFFFFFFF;
	p2 =	slt.u32 s8, $0xFFFFF086  }
0x1c: {  	p1 =	slt.u32 s9, $0xF7A;
	s5 =	simm.s32 @!p2 $0x0  }
0x1d: {  	s5 =	simm.s32 @p1 $0x1;
	p0 =	seq.s32 s7, s2  }
0x1e: {  	s7 =	smul.u32 @!p0 $0xF7A, s2;
	p2 =	seq.s32 @!p0 s5, $0x0  }
0x1f: {  	s9 =	smul.u32 $0xF7A, s1;
	s8 =	simm.s32 @!p0 $0x1BF5;
	p2 =	por !p2, p0  }
0x20: {  	[sflag:s8] =	ssyncset.s32 @!p0 $0xFFFFF086;
	s6 =	sadd.s32 @!p0 s3, s7;
	s7 =	simm.s32 @!p0 $0x108  }
0x21: {  	s3 =	sadd.s32 s3, s9;
	s6 =	sadd.s32 @!p0 $0x88, s6;
	s7 =	simm.s32 @p2 $0x1082  }
0x22: {  	[simem:s7], [sflag:s8] =	dma.local @!p0 [hbm:s6], $0xF7A  }
0x23: {  	s9 =	sor.u32 $0xD0000000, s2;
	s6 =	simm.s32 $0x108;
	_ =	swait.ge @!p0 [sflag:s8], $0x0  }
0x24: {  	s3 =	sadd.s32 $0x88, s3;
	s6 =	simm.s32 @!p1 $0x1082;
	[sflag:s4] =	ssyncset.s32 $0xFFFFF086  }
0x25: {  	[simem:s6], [sflag:s4] =	dma.local [hbm:s3], $0xF7A  }
0x26: {  	[smem:$0x3F9C] =	sst s1;
	(tag) =	ssettag s2;
	_ =	strace s9  }
0x27: {  	s1 =	sld [smem:$0x3FAC]  }
0x28: {  	s2 =	sld [smem:$0x3FAD]  }
0x29: {  	s4 =	sld [smem:$0x3FAF]  }
0x2a: {  	p0 =	seq.s32 s5, $0x0;
	s5 =	sld [smem:$0x3FB0]  }
0x2b: {  	s6 =	sld [smem:$0x3FB1]  }
0x2c: {  	s7 =	sld [smem:$0x3FB2]  }
0x2d: {  	s3 =	simm.s32 $0x108;
	s8 =	sld [smem:$0x3FB3]  }
0x2e: {  	s3 =	simm.s32 @!p0 $0x1082;
	s9 =	sld [smem:$0x3FB4]  }
0x2f: {  	lr =	sadd.s32 s0, s3;
	s0 =	sld [smem:$0x3FAB]  }
0x30: {  	s3 =	sld [smem:$0x3FAE]  }
0x31: {  	[smem:$0x3FB7] =	sst s10  }
0x32: {  	s10 =	sld [smem:$0x3FB5];
	_ =	sdelay $0x3  }
0x33: {  	p0 =	seq.s32 s10, $0x1;
	s10 =	sld [smem:$0x3FB7];
	_ =	sdelay $0x3  }
0x34: {  	[smem:$0x3FB7] =	sst s10  }
0x35: {  	s10 =	sld [smem:$0x3FB6];
	_ =	sdelay $0x3  }
0x36: {  	p1 =	seq.s32 s10, $0x1;
	s10 =	sld [smem:$0x3FB7];
	_ =	sdelay $0x3  }
0x37: {  	[smem:$0x3FB7] =	sst s10  }
0x38: {  	s10 =	sld [smem:$0x3FB8]  }
0x39: {  	_ = 	snop;
	(pc) =	sbr.ind lr, $3  }
0x3a: {  	_ = 	snop  }
0x3b: {  	_ = 	snop  }
0x3c: {  	p2 =	seq.s32 s10, $0x1;
	s10 =	sld [smem:$0x3FB7]  }
0x3d: {  	_ =	shalt  }
0x3e: {  	_ =	shalt  }
0x3f: {  	_ =	shalt  }
0x40: {  	_ =	shalt  }
0x41: {  	_ =	shalt  }
0x42: {  	_ =	shalt  }
0x43: {  	_ =	shalt  }
0x44: {  	_ =	shalt  }
0x45: {  	_ =	shalt  }
0x46: {  	_ =	shalt  }
0x47: {  	_ =	shalt  }
0x48: {  	_ =	shalt  }
0x49: {  	_ =	shalt  }
0x4a: {  	_ =	shalt  }
0x4b: {  	_ =	shalt  }
0x4c: {  	_ =	shalt  }
0x4d: {  	_ =	shalt  }
0x4e: {  	_ =	shalt  }
0x4f: {  	_ =	shalt  }
0x50: {  	_ =	shalt  }
0x51: {  	_ =	shalt  }
0x52: {  	_ =	shalt  }
0x53: {  	_ =	shalt  }
0x54: {  	_ =	shalt  }
0x55: {  	_ =	shalt  }
0x56: {  	_ =	shalt  }
0x57: {  	_ =	shalt  }
0x58: {  	_ =	shalt  }
0x59: {  	_ =	shalt  }
0x5a: {  	_ =	shalt  }
0x5b: {  	_ =	shalt  }
0x5c: {  	_ =	shalt  }
0x5d: {  	_ =	shalt  }
0x5e: {  	_ =	shalt  }
0x5f: {  	_ =	shalt  }
0x60: {  	_ =	shalt  }
0x61: {  	_ =	shalt  }
0x62: {  	_ =	shalt  }
0x63: {  	_ =	shalt  }
0x64: {  	_ =	shalt  }
0x65: {  	_ =	shalt  }
0x66: {  	_ =	shalt  }
0x67: {  	_ =	shalt  }
0x68: {  	_ =	shalt  }
0x69: {  	_ =	shalt  }
0x6a: {  	_ =	shalt  }
0x6b: {  	_ =	shalt  }
0x6c: {  	_ =	shalt  }
0x6d: {  	_ =	shalt  }
0x6e: {  	_ =	shalt  }
0x6f: {  	_ =	shalt  }
0x70: {  	_ =	shalt  }
0x71: {  	_ =	shalt  }
0x72: {  	_ =	shalt  }
0x73: {  	_ =	shalt  }
0x74: {  	_ =	shalt  }
0x75: {  	_ =	shalt  }
0x76: {  	_ =	shalt  }
0x77: {  	_ =	shalt  }
0x78: {  	_ =	shalt  }
0x79: {  	_ =	shalt  }
0x7a: {  	_ =	shalt  }
0x7b: {  	_ =	shalt  }
0x7c: {  	_ =	shalt  }
0x7d: {  	_ =	shalt  }
0x7e: {  	_ =	shalt  }
0x7f: {  	_ =	shalt  }
0x80: {  	_ =	shalt  }
0x81: {  	_ =	shalt  }
0x82: {  	_ =	shalt  }
0x83: {  	_ =	shalt  }
0x84: {  	_ =	shalt  }
0x85: {  	_ =	shalt  }
0x86: {  	_ =	shalt  }
0x87: {  	_ =	shalt  }
.Lfunc_end0:
.L_simem_size_0:
called_computation_lowered:
.L_overlay_start_0:
0x88: {  	s2 =	sld [smem:$0x3FD9]  }
0x89: {  	s3 =	sld [smem:$0x3FFE];
	_ =	sdelay $0x1  }
0x8a: {  	s1 =	srdreg.scid  }
0x8b: {  	s0 =	sand.u32 $0x1, s1  }
0x8c: {  	s17 =	sshll.u32 s0, $0xA;
	s2 =	sadd.s32 s3, s2  }
0x8d: {  	s2 =	sadd.s32 s2, s17  }
0x8e: {  	[smem:$0x3FC3] =	sst s2  }
0x8f: {  	_ = 	snop  }
0x90: {  	s2 =	sld [smem:$0x3FD0];
	(tm) =	ssettm $0x1  }
0x91: {  	s18 =	sld [smem:$0x3FFB];
	_ =	sdelay $0x3  }
0x92: {  	_ =	strace s18  }
0x93: {  	s3 =	sld [smem:$0x3FFC];
	_ =	sdelay $0x3  }
0x94: {  	_ =	strace s3  }
0x95: {  	s3 =	sld [smem:$0x3FFD];
	_ =	sdelay $0x3  }
0x96: {  	_ =	strace s3  }
0x97: {  	_ =	strace $0x8FFFFFFF  }
0x98: {  	s19 =	sld [smem:$0x3FDB];
	_ =	sdelay $0x1  }
0x99: {  	s4 =	simm.s32 $_scs_section_size  }
0x9a: {  	s5 =	simm.s32 $_size__tile_overlayer_lowered;
	s6 =	simm.s32 $_tile_overlayer_lowered  }
0x9b: {  	s22 =	simm.s32 $0x1BFF;
	s21 =	sshll.u32 s6, $0x1;
	s3 =	sadd.s32 s4, s19  }
0x9c: {  	s7 =	simm.s32 $0x0;
	s20 =	sshll.u32 s5, $0x1;
	s5 =	sadd.s32 s21, s3  }
0x9d: {  	[timem:s7], [sflag:s22] =	dma.local [hbm:s5], s20  }
0x9e: {  	_ =	swait.ge [sflag:s22], s20  }
0x9f: {  	s4 =	ssub.s32 $0x0, s20;
	[sflag:s22] =	ssyncset.done $0x0  }
0xa0: {  	[sflag:s22] =	ssyncadd.s32 s4;
	_ =	sdelay $0x1  }
0xa1: {  	s23 =	simm.s32 $0x1B8B  }
0xa2: {  	_ =	swait.ge [sflag:s23], $0x1  }
0xa3: {  	[sflag:s23] =	ssyncset.done $0x0  }
0xa4: {  	s25 =	simm.s32 $0x1B8E;
	s24 =	sld [smem:$0x3FFE];
	[sflag:s23] =	ssyncadd.s32 $0xFFFFFFFF  }
0xa5: {  	s26 =	simm.s32 $execute0_lowered;
	[smem:$0x3FD2] =	sst s25  }
0xa6: {  	s5 =	sshll.u32 s26, $0x1;
	_ =	strace $0x80000046;
	[dreg:$0x1] =	wrdreg $0xFFFFFFFF  }
0xa7: {  	s28 =	simm.s32 $_size_execute0_lowered;
	s3 =	sadd.s32 s3, s5;
	[dreg:$0x0] =	wrdreg $0x0  }
0xa8: {  	s5 =	sshll.u32 s28, $0x1;
	[dreg:$0x2] =	wrdreg s3  }
0xa9: {  	[dreg:$0x3] =	wrdreg s5  }
0xaa: {  	[dreg:$0x4] =	wrdreg $0xC0  }
0xab: {  	_ =	task [dreg:s7], $0x5FFFF  }
0xac: {  	[dreg:$0x1] =	wrdreg $0xFFFFFFFF  }
0xad: {  	[dreg:$0x0] =	wrdreg $0x60  }
0xae: {  	[dreg:$0x2] =	wrdreg s24  }
0xaf: {  	[dreg:$0x3] =	wrdreg s2  }
0xb0: {  	[dreg:$0x4] =	wrdreg $0x9  }
0xb1: {  	_ =	task.clear_ibuf [dreg:s7], $0x5FFFF;
	_ =	strace $0x90000046  }
0xb2: {  	s29 =	simm.s32 $0x9;
	_ =	strace $0x80000048  }
0xb3: {  	_ =	swait.ge [sflag:s29], $0x1  }
0xb4: {  	[sflag:s29] =	ssyncadd.s32 $0xFFFFFFFF  }
0xb5: {  	_ =	strace $0x90000048  }
0xb6: {  	_ =	sfence  }
0xb7: {  	s30 =	sld [smem:$0x0];
	_ =	sdelay $0x2  }
0xb8: {  	s31 =	sshll.u32 s1, $0xD;
	s1 =	sshrl.u32 s1, $0x2  }
0xb9: {  	s3 =	sand.u32 $0x4000, s31;
	s1 =	sadd.s32 s1, s30  }
0xba: {  	s0 =	sor.u32 s3, s0;
	s1 =	sshll.u32 s1, $0x11  }
0xbb: {  	s0 =	sor.u32 s1, s0  }
0xbc: {  	s0 =	sadd.s32 $0x8F2B, s0  }
0xbd: {  	[sflag:s0] =	ssyncadd.remote.s32 $0x1  }
0xbe: {  	_ =	sfence.sel $0xFFFF  }
0xbf: {  	[dreg:$0x0] =	wrdreg $0xFFFFFFFF;
	(pc) =	sbr.abs _section_cstart, $3  }
0xc0: {  	[dreg:$0x1] =	wrdreg $0xFFFFFFFF  }
0xc1: {  	_ =	task.clear_ibuf [dreg:s7], $0x2FFFF;
	_ =	strace $0x9FFFFFFF  }
0xc2: {  	(tm) =	ssettm $0x7FFFFFFF  }
0xc3: {  	_ =	shalt  }
tec
execute0_lowered:
.L_overlay_start_1:
0x0: {  	(tag) =	ssettag $0x1  }
0x1: {  	s8 =	rddreg [dreg:$0x0]  }
0x2: {  	s9 =	rddreg [dreg:$0x1]  }
0x3: {  	s0 =	rddreg [dreg:$0x2];
	v0 =	vimm.s32 $0x76543210;
	v1 =	vimm.s32 $0xFEDCBA98  }
0x4: {  	s1 =	simm.s32 $0x0;
	s5 =	srdreg.scid;
	s2 =	stileid.u32;
	v2 =	vimm.s32 $0xBA98FEDC;
	v3 =	vimm.s32 $0x32107654;
	v4 =	vimm.s32 $0xDCFE98BA  }
0x5: {  	v5 =	vimm.s32 $0x54761032;
	v6 =	vimm.s32 $0xEFCDAB89;
	s13 =	simm.s32 $0x19C80;
	s14 =	simm.s32 $0x3;
	s15 =	simm.s32 $0x1BE80  }
0x6: {  	v7 =	vimm.s32 $0x67452301;
	s16 =	simm.s32 $0x1BEC0;
	s17 =	simm.s32 $0x640;
	s18 =	simm.s32 $0xC80  }
0x7: {  	s19 =	simm.s32 $0xD480;
	s20 =	simm.s32 $0x1;
	s21 =	simm.s32 $0x2;
	v0 =	vunpack.c.l.s4.s8 v0;
	v1 =	vunpack.c.l.s4.s8 v1;
	v2 =	vunpack.c.l.s4.s8 v2  }
0x8: {  	s22 =	simm.s32 $0x19E80;
	s23 =	simm.s32 $0x0;
	[smem:$0x7FF] =	sst s1;
	v3 =	vunpack.c.l.s4.s8 v3;
	v4 =	vunpack.c.l.s4.s8 v4;
	v5 =	vunpack.c.l.s4.s8 v5  }
0x9: {  	s3 =	sadd.s32 $0xC00, s8;
	s4 =	sadd.s32 $0xF43000, s8;
	s7 =	sand.u32 $0x1, s5;
	v6 =	vunpack.c.l.s4.s8 v6;
	v7 =	vunpack.c.l.s4.s8 v7;
	v2 =	vunpack.c.0.s8.s32 v2  }
0xa: {  	s10 =	sshll.u32 s2, $0x1;
	s5 =	sadd.s32 $0x64C00, s8;
	s6 =	sadd.s32 $0x64E00, s8;
	v3 =	vunpack.c.0.s8.s32 v3;
	v4 =	vunpack.c.0.s8.s32 v4;
	v5 =	vunpack.c.0.s8.s32 v5  }
0xb: {  	_ =	strace $0x80000047;
	s10 =	sor.u32 s7, s10;
	s12 =	ssub.s32 $0x2, s7;
	v1 =	vunpack.c.0.s8.s32 v1;
	v6 =	vunpack.c.0.s8.s32 v6;
	v7 =	vunpack.c.0.s8.s32 v7  }
0xc: {  	s11 =	sshll.u32 s10, $0xA;
	s7 =	smul.u32 $0x19000, s10;
	s30 =	sshrl.u32 s12, $0x1;
	v0 =	vunpack.c.0.s8.s32 v0;
	v2 =	vcombine.low v3, v2  }
0xd: {  	s10 =	sshll.u32 s10, $0x6;
	s11 =	sadd.s32 s11, s8;
	s12 =	ssub.s32 s12, s30;
	v3 =	vcombine.low v5, v4;
	v4 =	vcombine.low v7, v6;
	v1 =	vand.u32 $0xF, v1  }
0xe: {  	vm0 =	vcmask $0x3F08;
	vm1 =	vmmov $0x1;
	s8 =	sadd.s32 s9, s10;
	s31 =	sshrl.u32 s7, $0x3;
	s10 =	sor.u32 $0xC80, s7;
	v0 =	vcombine.low v1, v0  }
0xf: {  	s11 =	sadd.s32 $0x65000, s11;
	s12 =	smax.u32 s12, $0x1;
	s9 =	sadd.s32 s3, s31;
	v1 =	vand.u32 $0xF, v2;
	v2 =	vand.u32 $0xF, v3;
	v3 =	vand.u32 $0xF, v4  }
.LBB2_1:
0x10: {  	[tilespmem:s13], [sflag:$0x3] =	stream.linear.gather [hbm4b:s8+s1], $0x200, $0x38;
	[tilespmem:$0x1BED0] =	vst v63  }
0x11: {  	_ =	swait.ge [sflag:s14], $0x200  }
0x12: {  	[sflag:s14] =	ssyncset.done $0x0  }
0x13: {  	[sflag:s14] =	ssyncadd.s32 $0xFFFFFE00  }
0x14: {  	[tilespmem:s15], [sflag:$0x3] =	stream.linear.gather [hbm4b:s5+s1], $0x40, $0x38;
	[tilespmem:$0x1BED0] =	vst v63  }
0x15: {  	_ =	swait.ge [sflag:s14], $0x40  }
0x16: {  	[sflag:s14] =	ssyncset.done $0x0  }
0x17: {  	[sflag:s14] =	ssyncadd.s32 $0xFFFFFFC0  }
0x18: {  	[tilespmem:s16], [sflag:$0x3] =	stream.linear.gather [hbm4b:s6+s1], $0x10, $0x38;
	[tilespmem:$0x1BED0] =	vst v63  }
0x19: {  	_ =	swait.ge [sflag:s14], $0x10  }
0x1a: {  	[sflag:s14] =	ssyncset.done $0x0  }
0x1b: {  	[sflag:s14] =	ssyncadd.s32 $0xFFFFFFF0  }
0x1c: {  	v4 =	vld [tilespmem:$0x1BE80]  }
0x1d: {  	v5 =	vld [tilespmem:$0x1BE90]  }
0x1e: {  	v6 =	vld [tilespmem:$0x1BEA0]  }
0x1f: {  	v7 =	vld [tilespmem:$0x1BEB0]  }
0x20: {  	v8 =	vld [tilespmem:$0x1BEC0];
	[tilespmem:s1], [sflag:$0x3] =	stream.linear.gather [hbm4b:s9+s1], $0x640, $0x38  }
0x21: {  	_ =	swait.ge [sflag:s14], $0x640  }
0x22: {  	[sflag:s14] =	ssyncset.done $0x0  }
0x23: {  	s24 =	simm.s32 $0x0;
	[sflag:s14] =	ssyncadd.s32 $0xFFFFF9C0  }
0x24: {  	[tilespmem:s18], [sflag:$0x1] =	stream.indirect.gather [hbm4b:s4+s17], $0x20, s1, s17, $0xb8;
	[tilespmem:$0x1BED0] =	vst v63  }
.LBB2_2:
0x25: {  	s25 =	sshllo.u32 s24, $0x1  }
0x26: {  	s26 =	smul.u32 $0x640, s25;
	_ =	sdelay $0x1  }
0x27: {  	s26 =	sadd.s32 s7, s26  }
0x28: {  	s26 =	sshrl.u32 s26, $0x3  }
0x29: {  	s28 =	simm.s32 $0x0;
	s26 =	sadd.s32 s3, s26  }
0x2a: {  	[tilespmem:s17], [sflag:$0x3] =	stream.linear.gather [hbm4b:s26+s28], $0x640, $0x38;
	[tilespmem:$0x1BED0] =	vst v63  }
0x2b: {  	_ =	swait.ge [sflag:s14], $0x640  }
0x2c: {  	[sflag:s14] =	ssyncset.done $0x0  }
0x2d: {  	[sflag:s14] =	ssyncadd.s32 $0xFFFFF9C0  }
0x2e: {  	[tilespmem:s19], [sflag:$0x2] =	stream.indirect.gather [hbm4b:s4+s17], $0x20, s17, s17, $0xb8;
	[tilespmem:$0x1BED0] =	vst v63  }
0x2f: {  	_ =	swait.ge [sflag:s20], $0xC800  }
0x30: {  	[sflag:s20] =	ssyncset.done $0x0  }
0x31: {  	s29 =	simm.s32 $0x0;
	[sflag:s20] =	ssyncadd.s32 $0xFFFF3800  }
0x32: {  	v10 =	vld [tilespmem:s29+$0xCF0]  }
0x33: {  	s31 =	sshll.u32 s24, $0x4;
	v11 =	vld [tilespmem:s29+$0xC80]  }
0x34: {  	s26 =	sand.u32 $0x3FFFFFF0, s31;
	v12 =	vld [tilespmem:s29+$0xCA0]  }
0x35: {  	v9 =	vld [tilespmem:s26+$0x19C80]  }
0x36: {  	v15 =	vld [tilespmem:s29+$0xCC0]  }
0x37: {  	v16 =	vld [tilespmem:s29+$0xCE0]  }
0x38: {  	v13 =	vimm.f32 $0.0e+00;
	v14 =	vimm.f32 $0.0e+00;
	v17 =	vld [tilespmem:s29+$0xC90]  }
0x39: {  	v20 =	vimm.f32 $0.0e+00;
	v18 =	vimm.f32 $0.0e+00;
	v21 =	vld [tilespmem:s29+$0xCB0];
	v10 =	vadd.f32 v10, v13  }
0x3a: {  	v19 =	vimm.f32 $0.0e+00;
	s28 =	simm.s32 $0x400;
	s26 =	simm.s32 $0x80;
	v22 =	vld [tilespmem:s29+$0xCD0];
	v11 =	vadd.f32 v11, v13;
	v12 =	vadd.f32 v12, v13  }
.LBB2_3:
0x3b: {  	p0 =	sne.s32 s28, $0x6200;
	v23 =	vld [tilespmem:s26+$0xCF0];
	v13 =	vadd.f32 v15, v13  }
0x3c: {  	v24 =	vld [tilespmem:s26+$0xC80];
	v14 =	vadd.f32 v16, v14  }
0x3d: {  	v25 =	vld [tilespmem:s26+$0xCA0];
	v20 =	vadd.f32 v17, v20  }
.Ltmp0:
0x3e: {  	v15 =	vld [tilespmem:s26+$0xCC0];
	v18 =	vadd.f32 v21, v18;
	(pc) =	sbr.rel @p0 .LBB2_3-.Ltmp0, $4  }
0x3f: {  	v16 =	vld [tilespmem:s26+$0xCE0];
	v19 =	vadd.f32 v22, v19  }
0x40: {  	v17 =	vld [tilespmem:s26+$0xC90];
	v10 =	vadd.f32 v23, v10  }
0x41: {  	v11 =	vadd.f32 v24, v11;
	v21 =	vld [tilespmem:s26+$0xCB0]  }
0x42: {  	v12 =	vadd.f32 v25, v12;
	v22 =	vld [tilespmem:s26+$0xCD0];
	s26 =	sshra.s32 s28, $0x2;
	s28 =	sadd.s32 $0x200, s28  }
0x43: {  	v23 =	vld [tilespmem:s26+$0xCF0]  }
0x44: {  	v24 =	vld [tilespmem:s26+$0xC80]  }
0x45: {  	v25 =	vld [tilespmem:s26+$0xCA0]  }
0x46: {  	v26 =	vld [tilespmem:s26+$0xCC0]  }
0x47: {  	v27 =	vld [tilespmem:s26+$0xCE0]  }
0x48: {  	v28 =	vld [tilespmem:s26+$0xC90]  }
0x49: {  	v13 =	vadd.f32 v15, v13;
	v15 =	vld [tilespmem:s26+$0xCB0]  }
0x4a: {  	v14 =	vadd.f32 v16, v14;
	v16 =	vadd.f32 v17, v20;
	v17 =	vld [tilespmem:s26+$0xCD0]  }
0x4b: {  	v18 =	vadd.f32 v21, v18;
	v19 =	vadd.f32 v22, v19  }
0x4c: {  	v10 =	vadd.f32 v23, v10;
	v11 =	vadd.f32 v24, v11  }
0x4d: {  	v12 =	vadd.f32 v25, v12;
	v13 =	vadd.f32 v26, v13  }
0x4e: {  	v14 =	vadd.f32 v27, v14;
	v16 =	vadd.f32 v28, v16  }
0x4f: {  	v15 =	vadd.f32 v15, v18;
	v17 =	vadd.f32 v17, v19  }
0x50: {  	v11 =	vadd.f32 v12, v11;
	v12 =	vadd.f32 v14, v13  }
0x51: {  	v13 =	vadd.f32 v15, v16;
	v10 =	vadd.f32 v10, v17;
	_ =	sdelay $0x1  }
0x52: {  	v11 =	vadd.f32 v12, v11;
	v10 =	vadd.f32 v10, v13;
	_ =	sdelay $0x1  }
0x53: {  	v12 =	vmul.f32 v11, v6;
	v13 =	vmul.f32 v10, v7;
	_ =	sdelay $0x1  }
0x54: {  	v11 =	vmul.f32 v11, v4;
	v10 =	vmul.f32 v10, v5;
	v12 =	vadd.f32 v13, v12;
	_ =	sdelay $0x1  }
0x55: {  	v10 =	vadd.f32 v10, v11;
	v11 =	vperm.xlane v12, v0;
	_ =	sdelay $0x1  }
0x56: {  	v13 =	vperm.xlane v10, v0;
	v11 =	vadd.f32 v11, v12;
	_ =	sdelay $0x1  }
0x57: {  	v10 =	vadd.f32 v13, v10;
	v12 =	vperm.xlane v11, v1;
	_ =	sdelay $0x1  }
0x58: {  	v13 =	vperm.xlane v10, v1;
	v11 =	vadd.f32 v12, v11;
	_ =	sdelay $0x1  }
0x59: {  	v12 =	vbroadcast v9, $0x0;
	v10 =	vadd.f32 v13, v10;
	v13 =	vperm.xlane v11, v2;
	_ =	sdelay $0x1  }
0x5a: {  	(erf) = vrcp.f32 v12;
	v12 =	vperm.xlane v10, v2;
	v11 =	vadd.f32 v13, v11;
	_ =	sdelay $0x1  }
0x5b: {  	v10 =	vadd.f32 v12, v10;
	v12 =	vperm.xlane v11, v3;
	_ =	sdelay $0x1  }
0x5c: {  	v11 =	vadd.f32 v12, v11  }
0x5d: {  	v13 =	vperm.xlane v10, v3  }
0x5e: {  	v11 =	vsel vm0, $0x0, v11  }
0x5f: {  	v10 =	vadd.f32 v13, v10;
	_ =	sdelay $0x1  }
0x60: {  	v10 =	vsel vm1, v10, v11;
	v11 =	vpop (erf)  }
0x61: {  	v10 =	vmul.f32 v10, v11;
	_ =	sdelay $0x1  }
0x62: {  	s31 =	sshll.u32 s24, $0x8;
	v10 =	vadd.f32 v10, v8  }
0x63: {  	s26 =	sand.u32 $0x3FFFFF00, s31  }
0x64: {  	s30 =	simm.s32 $0x0;
	[tilespmem:s26+$0x19E80] =	vst v10  }
0x65: {  	v10 =	vld [tilespmem:s30+$0x25F0]  }
0x66: {  	v11 =	vld [tilespmem:s30+$0x2580]  }
0x67: {  	v12 =	vld [tilespmem:s30+$0x25A0]  }
0x68: {  	v15 =	vld [tilespmem:s30+$0x25C0]  }
0x69: {  	v16 =	vld [tilespmem:s30+$0x25E0]  }
0x6a: {  	v20 =	vimm.f32 $0.0e+00;
	v13 =	vimm.f32 $0.0e+00;
	v17 =	vld [tilespmem:s30+$0x2590]  }
0x6b: {  	v18 =	vimm.f32 $0.0e+00;
	v14 =	vimm.f32 $0.0e+00;
	v21 =	vld [tilespmem:s30+$0x25B0];
	v10 =	vadd.f32 v10, v13  }
0x6c: {  	s28 =	simm.s32 $0x80;
	s29 =	simm.s32 $0x400;
	v19 =	vimm.f32 $0.0e+00;
	v22 =	vld [tilespmem:s30+$0x25D0];
	v11 =	vadd.f32 v11, v13;
	v12 =	vadd.f32 v12, v13  }
.LBB2_5:
0x6d: {  	p0 =	sne.s32 s29, $0x6200;
	v23 =	vld [tilespmem:s28+$0x25F0];
	v13 =	vadd.f32 v15, v13  }
0x6e: {  	v24 =	vld [tilespmem:s28+$0x2580];
	v14 =	vadd.f32 v16, v14  }
0x6f: {  	v25 =	vld [tilespmem:s28+$0x25A0];
	v20 =	vadd.f32 v17, v20  }
.Ltmp1:
0x70: {  	v15 =	vld [tilespmem:s28+$0x25C0];
	v18 =	vadd.f32 v21, v18;
	(pc) =	sbr.rel @p0 .LBB2_5-.Ltmp1, $4  }
0x71: {  	v16 =	vld [tilespmem:s28+$0x25E0];
	v19 =	vadd.f32 v22, v19  }
0x72: {  	v17 =	vld [tilespmem:s28+$0x2590];
	v10 =	vadd.f32 v23, v10  }
0x73: {  	v11 =	vadd.f32 v24, v11;
	v21 =	vld [tilespmem:s28+$0x25B0]  }
0x74: {  	v12 =	vadd.f32 v25, v12;
	v22 =	vld [tilespmem:s28+$0x25D0];
	s28 =	sshra.s32 s29, $0x2;
	s29 =	sadd.s32 $0x200, s29  }
0x75: {  	v23 =	vld [tilespmem:s28+$0x25F0]  }
0x76: {  	v24 =	vld [tilespmem:s28+$0x2580]  }
0x77: {  	v25 =	vld [tilespmem:s28+$0x25A0]  }
0x78: {  	v26 =	vld [tilespmem:s28+$0x25C0]  }
0x79: {  	v27 =	vld [tilespmem:s28+$0x25E0]  }
0x7a: {  	v28 =	vld [tilespmem:s28+$0x2590]  }
0x7b: {  	v13 =	vadd.f32 v15, v13;
	v15 =	vld [tilespmem:s28+$0x25B0]  }
0x7c: {  	v14 =	vadd.f32 v16, v14;
	v16 =	vadd.f32 v17, v20;
	v17 =	vld [tilespmem:s28+$0x25D0]  }
0x7d: {  	v18 =	vadd.f32 v21, v18;
	v19 =	vadd.f32 v22, v19  }
0x7e: {  	v10 =	vadd.f32 v23, v10;
	v11 =	vadd.f32 v24, v11  }
0x7f: {  	v12 =	vadd.f32 v25, v12;
	v13 =	vadd.f32 v26, v13  }
0x80: {  	v14 =	vadd.f32 v27, v14;
	v16 =	vadd.f32 v28, v16  }
0x81: {  	v15 =	vadd.f32 v15, v18;
	v17 =	vadd.f32 v17, v19  }
0x82: {  	v11 =	vadd.f32 v12, v11;
	v12 =	vadd.f32 v14, v13  }
0x83: {  	v13 =	vadd.f32 v15, v16;
	v10 =	vadd.f32 v10, v17;
	_ =	sdelay $0x1  }
0x84: {  	v11 =	vadd.f32 v12, v11;
	v10 =	vadd.f32 v10, v13;
	_ =	sdelay $0x1  }
0x85: {  	v12 =	vmul.f32 v11, v6;
	v13 =	vmul.f32 v10, v7;
	_ =	sdelay $0x1  }
0x86: {  	v11 =	vmul.f32 v11, v4;
	v10 =	vmul.f32 v10, v5;
	v12 =	vadd.f32 v13, v12;
	_ =	sdelay $0x1  }
0x87: {  	v10 =	vadd.f32 v10, v11;
	v11 =	vperm.xlane v12, v0;
	_ =	sdelay $0x1  }
0x88: {  	v13 =	vperm.xlane v10, v0;
	v11 =	vadd.f32 v11, v12;
	_ =	sdelay $0x1  }
0x89: {  	v10 =	vadd.f32 v13, v10;
	v12 =	vperm.xlane v11, v1;
	_ =	sdelay $0x1  }
0x8a: {  	v13 =	vperm.xlane v10, v1;
	v11 =	vadd.f32 v12, v11;
	_ =	sdelay $0x1  }
0x8b: {  	v12 =	vbroadcast v9, $0x1;
	v10 =	vadd.f32 v13, v10;
	v13 =	vperm.xlane v11, v2;
	_ =	sdelay $0x1  }
0x8c: {  	(erf) = vrcp.f32 v12;
	v12 =	vperm.xlane v10, v2;
	v11 =	vadd.f32 v13, v11;
	_ =	sdelay $0x1  }
0x8d: {  	v10 =	vadd.f32 v12, v10;
	v12 =	vperm.xlane v11, v3;
	_ =	sdelay $0x1  }
0x8e: {  	v11 =	vadd.f32 v12, v11  }
0x8f: {  	v13 =	vperm.xlane v10, v3  }
0x90: {  	v11 =	vsel vm0, $0x0, v11  }
0x91: {  	v10 =	vadd.f32 v13, v10;
	_ =	sdelay $0x1  }
0x92: {  	v10 =	vsel vm1, v10, v11;
	v11 =	vpop (erf)  }
0x93: {  	v10 =	vmul.f32 v10, v11;
	_ =	sdelay $0x1  }
0x94: {  	v10 =	vadd.f32 v10, v8;
	_ =	sdelay $0x1  }
0x95: {  	s30 =	simm.s32 $0x0;
	[tilespmem:s26+$0x19E90] =	vst v10  }
0x96: {  	v10 =	vld [tilespmem:s30+$0x3EF0]  }
0x97: {  	v11 =	vld [tilespmem:s30+$0x3E80]  }
0x98: {  	v12 =	vld [tilespmem:s30+$0x3EA0]  }
0x99: {  	v15 =	vld [tilespmem:s30+$0x3EC0]  }
0x9a: {  	v16 =	vld [tilespmem:s30+$0x3EE0]  }
0x9b: {  	v20 =	vimm.f32 $0.0e+00;
	v13 =	vimm.f32 $0.0e+00;
	v17 =	vld [tilespmem:s30+$0x3E90]  }
0x9c: {  	v18 =	vimm.f32 $0.0e+00;
	v14 =	vimm.f32 $0.0e+00;
	v21 =	vld [tilespmem:s30+$0x3EB0];
	v10 =	vadd.f32 v10, v13  }
0x9d: {  	s29 =	simm.s32 $0x400;
	s28 =	simm.s32 $0x80;
	v19 =	vimm.f32 $0.0e+00;
	v22 =	vld [tilespmem:s30+$0x3ED0];
	v11 =	vadd.f32 v11, v13;
	v12 =	vadd.f32 v12, v13  }
.LBB2_7:
0x9e: {  	p0 =	sne.s32 s29, $0x6200;
	v23 =	vld [tilespmem:s28+$0x3EF0];
	v13 =	vadd.f32 v15, v13  }
0x9f: {  	v24 =	vld [tilespmem:s28+$0x3E80];
	v14 =	vadd.f32 v16, v14  }
0xa0: {  	v25 =	vld [tilespmem:s28+$0x3EA0];
	v20 =	vadd.f32 v17, v20  }
.Ltmp2:
0xa1: {  	v15 =	vld [tilespmem:s28+$0x3EC0];
	v18 =	vadd.f32 v21, v18;
	(pc) =	sbr.rel @p0 .LBB2_7-.Ltmp2, $4  }
0xa2: {  	v16 =	vld [tilespmem:s28+$0x3EE0];
	v19 =	vadd.f32 v22, v19  }
0xa3: {  	v17 =	vld [tilespmem:s28+$0x3E90];
	v10 =	vadd.f32 v23, v10  }
0xa4: {  	v11 =	vadd.f32 v24, v11;
	v21 =	vld [tilespmem:s28+$0x3EB0]  }
0xa5: {  	v12 =	vadd.f32 v25, v12;
	v22 =	vld [tilespmem:s28+$0x3ED0];
	s28 =	sshra.s32 s29, $0x2;
	s29 =	sadd.s32 $0x200, s29  }
0xa6: {  	v23 =	vld [tilespmem:s28+$0x3EF0]  }
0xa7: {  	v24 =	vld [tilespmem:s28+$0x3E80]  }
0xa8: {  	v25 =	vld [tilespmem:s28+$0x3EA0]  }
0xa9: {  	v26 =	vld [tilespmem:s28+$0x3EC0]  }
0xaa: {  	v27 =	vld [tilespmem:s28+$0x3EE0]  }
0xab: {  	v28 =	vld [tilespmem:s28+$0x3E90]  }
0xac: {  	v13 =	vadd.f32 v15, v13;
	v15 =	vld [tilespmem:s28+$0x3EB0]  }
0xad: {  	v14 =	vadd.f32 v16, v14;
	v16 =	vadd.f32 v17, v20;
	v17 =	vld [tilespmem:s28+$0x3ED0]  }
0xae: {  	v18 =	vadd.f32 v21, v18;
	v19 =	vadd.f32 v22, v19  }
0xaf: {  	v10 =	vadd.f32 v23, v10;
	v11 =	vadd.f32 v24, v11  }
0xb0: {  	v12 =	vadd.f32 v25, v12;
	v13 =	vadd.f32 v26, v13  }
0xb1: {  	v14 =	vadd.f32 v27, v14;
	v16 =	vadd.f32 v28, v16  }
0xb2: {  	v15 =	vadd.f32 v15, v18;
	v17 =	vadd.f32 v17, v19  }
0xb3: {  	v11 =	vadd.f32 v12, v11;
	v12 =	vadd.f32 v14, v13  }
0xb4: {  	v13 =	vadd.f32 v15, v16;
	v10 =	vadd.f32 v10, v17;
	_ =	sdelay $0x1  }
0xb5: {  	v11 =	vadd.f32 v12, v11;
	v10 =	vadd.f32 v10, v13;
	_ =	sdelay $0x1  }
0xb6: {  	v12 =	vmul.f32 v11, v6;
	v13 =	vmul.f32 v10, v7;
	_ =	sdelay $0x1  }
0xb7: {  	v11 =	vmul.f32 v11, v4;
	v10 =	vmul.f32 v10, v5;
	v12 =	vadd.f32 v13, v12;
	_ =	sdelay $0x1  }
0xb8: {  	v10 =	vadd.f32 v10, v11;
	v11 =	vperm.xlane v12, v0;
	_ =	sdelay $0x1  }
0xb9: {  	v13 =	vperm.xlane v10, v0;
	v11 =	vadd.f32 v11, v12;
	_ =	sdelay $0x1  }
0xba: {  	v10 =	vadd.f32 v13, v10;
	v12 =	vperm.xlane v11, v1;
	_ =	sdelay $0x1  }
0xbb: {  	v13 =	vperm.xlane v10, v1;
	v11 =	vadd.f32 v12, v11;
	_ =	sdelay $0x1  }
0xbc: {  	v12 =	vbroadcast v9, $0x2;
	v10 =	vadd.f32 v13, v10;
	v13 =	vperm.xlane v11, v2;
	_ =	sdelay $0x1  }
0xbd: {  	(erf) = vrcp.f32 v12;
	v12 =	vperm.xlane v10, v2;
	v11 =	vadd.f32 v13, v11;
	_ =	sdelay $0x1  }
0xbe: {  	v10 =	vadd.f32 v12, v10;
	v12 =	vperm.xlane v11, v3;
	_ =	sdelay $0x1  }
0xbf: {  	v11 =	vadd.f32 v12, v11  }
0xc0: {  	v13 =	vperm.xlane v10, v3  }
0xc1: {  	v11 =	vsel vm0, $0x0, v11  }
0xc2: {  	v10 =	vadd.f32 v13, v10;
	_ =	sdelay $0x1  }
0xc3: {  	v10 =	vsel vm1, v10, v11;
	v11 =	vpop (erf)  }
0xc4: {  	v10 =	vmul.f32 v10, v11;
	_ =	sdelay $0x1  }
0xc5: {  	v10 =	vadd.f32 v10, v8;
	_ =	sdelay $0x1  }
0xc6: {  	s30 =	simm.s32 $0x0;
	[tilespmem:s26+$0x19EA0] =	vst v10  }
0xc7: {  	v10 =	vld [tilespmem:s30+$0x57F0]  }
0xc8: {  	v11 =	vld [tilespmem:s30+$0x5780]  }
0xc9: {  	v12 =	vld [tilespmem:s30+$0x57A0]  }
0xca: {  	v15 =	vld [tilespmem:s30+$0x57C0]  }
0xcb: {  	v16 =	vld [tilespmem:s30+$0x57E0]  }
0xcc: {  	v20 =	vimm.f32 $0.0e+00;
	v13 =	vimm.f32 $0.0e+00;
	v17 =	vld [tilespmem:s30+$0x5790]  }
0xcd: {  	v18 =	vimm.f32 $0.0e+00;
	v14 =	vimm.f32 $0.0e+00;
	v21 =	vld [tilespmem:s30+$0x57B0];
	v10 =	vadd.f32 v10, v13  }
0xce: {  	s29 =	simm.s32 $0x400;
	s28 =	simm.s32 $0x80;
	v19 =	vimm.f32 $0.0e+00;
	v22 =	vld [tilespmem:s30+$0x57D0];
	v11 =	vadd.f32 v11, v13;
	v12 =	vadd.f32 v12, v13  }
.LBB2_9:
0xcf: {  	p0 =	sne.s32 s29, $0x6200;
	v23 =	vld [tilespmem:s28+$0x57F0];
	v13 =	vadd.f32 v15, v13  }
0xd0: {  	v24 =	vld [tilespmem:s28+$0x5780];
	v14 =	vadd.f32 v16, v14  }
0xd1: {  	v25 =	vld [tilespmem:s28+$0x57A0];
	v20 =	vadd.f32 v17, v20  }
.Ltmp3:
0xd2: {  	v15 =	vld [tilespmem:s28+$0x57C0];
	v18 =	vadd.f32 v21, v18;
	(pc) =	sbr.rel @p0 .LBB2_9-.Ltmp3, $4  }
0xd3: {  	v16 =	vld [tilespmem:s28+$0x57E0];
	v19 =	vadd.f32 v22, v19  }
0xd4: {  	v17 =	vld [tilespmem:s28+$0x5790];
	v10 =	vadd.f32 v23, v10  }
0xd5: {  	v11 =	vadd.f32 v24, v11;
	v21 =	vld [tilespmem:s28+$0x57B0]  }
0xd6: {  	v12 =	vadd.f32 v25, v12;
	v22 =	vld [tilespmem:s28+$0x57D0];
	s28 =	sshra.s32 s29, $0x2;
	s29 =	sadd.s32 $0x200, s29  }
0xd7: {  	v23 =	vld [tilespmem:s28+$0x57F0]  }
0xd8: {  	v24 =	vld [tilespmem:s28+$0x5780]  }
0xd9: {  	v25 =	vld [tilespmem:s28+$0x57A0]  }
0xda: {  	v26 =	vld [tilespmem:s28+$0x57C0]  }
0xdb: {  	v27 =	vld [tilespmem:s28+$0x57E0]  }
0xdc: {  	v28 =	vld [tilespmem:s28+$0x5790]  }
0xdd: {  	v13 =	vadd.f32 v15, v13;
	v15 =	vld [tilespmem:s28+$0x57B0]  }
0xde: {  	v14 =	vadd.f32 v16, v14;
	v16 =	vadd.f32 v17, v20;
	v17 =	vld [tilespmem:s28+$0x57D0]  }
0xdf: {  	v18 =	vadd.f32 v21, v18;
	v19 =	vadd.f32 v22, v19  }
0xe0: {  	v10 =	vadd.f32 v23, v10;
	v11 =	vadd.f32 v24, v11  }
0xe1: {  	v12 =	vadd.f32 v25, v12;
	v13 =	vadd.f32 v26, v13  }
0xe2: {  	v14 =	vadd.f32 v27, v14;
	v16 =	vadd.f32 v28, v16  }
0xe3: {  	v15 =	vadd.f32 v15, v18;
	v17 =	vadd.f32 v17, v19  }
0xe4: {  	v11 =	vadd.f32 v12, v11;
	v12 =	vadd.f32 v14, v13  }
0xe5: {  	v13 =	vadd.f32 v15, v16;
	v10 =	vadd.f32 v10, v17;
	_ =	sdelay $0x1  }
0xe6: {  	v11 =	vadd.f32 v12, v11;
	v10 =	vadd.f32 v10, v13;
	_ =	sdelay $0x1  }
0xe7: {  	v12 =	vmul.f32 v11, v6;
	v13 =	vmul.f32 v10, v7;
	_ =	sdelay $0x1  }
0xe8: {  	v11 =	vmul.f32 v11, v4;
	v10 =	vmul.f32 v10, v5;
	v12 =	vadd.f32 v13, v12;
	_ =	sdelay $0x1  }
0xe9: {  	v10 =	vadd.f32 v10, v11;
	v11 =	vperm.xlane v12, v0;
	_ =	sdelay $0x1  }
0xea: {  	v13 =	vperm.xlane v10, v0;
	v11 =	vadd.f32 v11, v12;
	_ =	sdelay $0x1  }
0xeb: {  	v10 =	vadd.f32 v13, v10;
	v12 =	vperm.xlane v11, v1;
	_ =	sdelay $0x1  }
0xec: {  	v13 =	vperm.xlane v10, v1;
	v11 =	vadd.f32 v12, v11;
	_ =	sdelay $0x1  }
0xed: {  	v12 =	vbroadcast v9, $0x3;
	v10 =	vadd.f32 v13, v10;
	v13 =	vperm.xlane v11, v2;
	_ =	sdelay $0x1  }
0xee: {  	(erf) = vrcp.f32 v12;
	v12 =	vperm.xlane v10, v2;
	v11 =	vadd.f32 v13, v11;
	_ =	sdelay $0x1  }
0xef: {  	v10 =	vadd.f32 v12, v10;
	v12 =	vperm.xlane v11, v3;
	_ =	sdelay $0x1  }
0xf0: {  	v11 =	vadd.f32 v12, v11  }
0xf1: {  	v13 =	vperm.xlane v10, v3  }
0xf2: {  	v11 =	vsel vm0, $0x0, v11  }
0xf3: {  	v10 =	vadd.f32 v13, v10;
	_ =	sdelay $0x1  }
0xf4: {  	v10 =	vsel vm1, v10, v11;
	v11 =	vpop (erf)  }
0xf5: {  	v10 =	vmul.f32 v10, v11;
	_ =	sdelay $0x1  }
0xf6: {  	v10 =	vadd.f32 v10, v8;
	_ =	sdelay $0x1  }
0xf7: {  	s30 =	simm.s32 $0x0;
	[tilespmem:s26+$0x19EB0] =	vst v10  }
0xf8: {  	v10 =	vld [tilespmem:s30+$0x70F0]  }
0xf9: {  	v11 =	vld [tilespmem:s30+$0x7080]  }
0xfa: {  	v12 =	vld [tilespmem:s30+$0x70A0]  }
0xfb: {  	v15 =	vld [tilespmem:s30+$0x70C0]  }
0xfc: {  	v16 =	vld [tilespmem:s30+$0x70E0]  }
0xfd: {  	v20 =	vimm.f32 $0.0e+00;
	v13 =	vimm.f32 $0.0e+00;
	v17 =	vld [tilespmem:s30+$0x7090]  }
0xfe: {  	v18 =	vimm.f32 $0.0e+00;
	v14 =	vimm.f32 $0.0e+00;
	v21 =	vld [tilespmem:s30+$0x70B0];
	v10 =	vadd.f32 v10, v13  }
0xff: {  	s29 =	simm.s32 $0x400;
	s28 =	simm.s32 $0x80;
	v19 =	vimm.f32 $0.0e+00;
	v22 =	vld [tilespmem:s30+$0x70D0];
	v11 =	vadd.f32 v11, v13;
	v12 =	vadd.f32 v12, v13  }
.LBB2_11:
0x100: {  	p0 =	sne.s32 s29, $0x6200;
	v23 =	vld [tilespmem:s28+$0x70F0];
	v13 =	vadd.f32 v15, v13  }
0x101: {  	v24 =	vld [tilespmem:s28+$0x7080];
	v14 =	vadd.f32 v16, v14  }
0x102: {  	v25 =	vld [tilespmem:s28+$0x70A0];
	v20 =	vadd.f32 v17, v20  }
.Ltmp4:
0x103: {  	v15 =	vld [tilespmem:s28+$0x70C0];
	v18 =	vadd.f32 v21, v18;
	(pc) =	sbr.rel @p0 .LBB2_11-.Ltmp4, $4  }
0x104: {  	v16 =	vld [tilespmem:s28+$0x70E0];
	v19 =	vadd.f32 v22, v19  }
0x105: {  	v17 =	vld [tilespmem:s28+$0x7090];
	v10 =	vadd.f32 v23, v10  }
0x106: {  	v11 =	vadd.f32 v24, v11;
	v21 =	vld [tilespmem:s28+$0x70B0]  }
0x107: {  	v12 =	vadd.f32 v25, v12;
	v22 =	vld [tilespmem:s28+$0x70D0];
	s28 =	sshra.s32 s29, $0x2;
	s29 =	sadd.s32 $0x200, s29  }
0x108: {  	v23 =	vld [tilespmem:s28+$0x70F0]  }
0x109: {  	v24 =	vld [tilespmem:s28+$0x7080]  }
0x10a: {  	v25 =	vld [tilespmem:s28+$0x70A0]  }
0x10b: {  	v26 =	vld [tilespmem:s28+$0x70C0]  }
0x10c: {  	v27 =	vld [tilespmem:s28+$0x70E0]  }
0x10d: {  	v28 =	vld [tilespmem:s28+$0x7090]  }
0x10e: {  	v13 =	vadd.f32 v15, v13;
	v15 =	vld [tilespmem:s28+$0x70B0]  }
0x10f: {  	v14 =	vadd.f32 v16, v14;
	v16 =	vadd.f32 v17, v20;
	v17 =	vld [tilespmem:s28+$0x70D0]  }
0x110: {  	v18 =	vadd.f32 v21, v18;
	v19 =	vadd.f32 v22, v19  }
0x111: {  	v10 =	vadd.f32 v23, v10;
	v11 =	vadd.f32 v24, v11  }
0x112: {  	v12 =	vadd.f32 v25, v12;
	v13 =	vadd.f32 v26, v13  }
0x113: {  	v14 =	vadd.f32 v27, v14;
	v16 =	vadd.f32 v28, v16  }
0x114: {  	v15 =	vadd.f32 v15, v18;
	v17 =	vadd.f32 v17, v19  }
0x115: {  	v11 =	vadd.f32 v12, v11;
	v12 =	vadd.f32 v14, v13  }
0x116: {  	v13 =	vadd.f32 v15, v16;
	v10 =	vadd.f32 v10, v17;
	_ =	sdelay $0x1  }
0x117: {  	v11 =	vadd.f32 v12, v11;
	v10 =	vadd.f32 v10, v13;
	_ =	sdelay $0x1  }
0x118: {  	v12 =	vmul.f32 v11, v6;
	v13 =	vmul.f32 v10, v7;
	_ =	sdelay $0x1  }
0x119: {  	v11 =	vmul.f32 v11, v4;
	v10 =	vmul.f32 v10, v5;
	v12 =	vadd.f32 v13, v12;
	_ =	sdelay $0x1  }
0x11a: {  	v10 =	vadd.f32 v10, v11;
	v11 =	vperm.xlane v12, v0;
	_ =	sdelay $0x1  }
0x11b: {  	v13 =	vperm.xlane v10, v0;
	v11 =	vadd.f32 v11, v12;
	_ =	sdelay $0x1  }
0x11c: {  	v10 =	vadd.f32 v13, v10;
	v12 =	vperm.xlane v11, v1;
	_ =	sdelay $0x1  }
0x11d: {  	v13 =	vperm.xlane v10, v1;
	v11 =	vadd.f32 v12, v11;
	_ =	sdelay $0x1  }
0x11e: {  	v12 =	vbroadcast v9, $0x4;
	v10 =	vadd.f32 v13, v10;
	v13 =	vperm.xlane v11, v2;
	_ =	sdelay $0x1  }
0x11f: {  	(erf) = vrcp.f32 v12;
	v12 =	vperm.xlane v10, v2;
	v11 =	vadd.f32 v13, v11;
	_ =	sdelay $0x1  }
0x120: {  	v10 =	vadd.f32 v12, v10;
	v12 =	vperm.xlane v11, v3;
	_ =	sdelay $0x1  }
0x121: {  	v11 =	vadd.f32 v12, v11  }
0x122: {  	v13 =	vperm.xlane v10, v3  }
0x123: {  	v11 =	vsel vm0, $0x0, v11  }
0x124: {  	v10 =	vadd.f32 v13, v10;
	_ =	sdelay $0x1  }
0x125: {  	v10 =	vsel vm1, v10, v11;
	v11 =	vpop (erf)  }
0x126: {  	v10 =	vmul.f32 v10, v11;
	_ =	sdelay $0x1  }
0x127: {  	v10 =	vadd.f32 v10, v8;
	_ =	sdelay $0x1  }
0x128: {  	s30 =	simm.s32 $0x0;
	[tilespmem:s26+$0x19EC0] =	vst v10  }
0x129: {  	v10 =	vld [tilespmem:s30+$0x89F0]  }
0x12a: {  	v11 =	vld [tilespmem:s30+$0x8980]  }
0x12b: {  	v12 =	vld [tilespmem:s30+$0x89A0]  }
0x12c: {  	v15 =	vld [tilespmem:s30+$0x89C0]  }
0x12d: {  	v16 =	vld [tilespmem:s30+$0x89E0]  }
0x12e: {  	v20 =	vimm.f32 $0.0e+00;
	v13 =	vimm.f32 $0.0e+00;
	v17 =	vld [tilespmem:s30+$0x8990]  }
0x12f: {  	v18 =	vimm.f32 $0.0e+00;
	v14 =	vimm.f32 $0.0e+00;
	v21 =	vld [tilespmem:s30+$0x89B0];
	v10 =	vadd.f32 v10, v13  }
0x130: {  	s29 =	simm.s32 $0x400;
	s28 =	simm.s32 $0x80;
	v19 =	vimm.f32 $0.0e+00;
	v22 =	vld [tilespmem:s30+$0x89D0];
	v11 =	vadd.f32 v11, v13;
	v12 =	vadd.f32 v12, v13  }
.LBB2_13:
0x131: {  	p0 =	sne.s32 s29, $0x6200;
	v23 =	vld [tilespmem:s28+$0x89F0];
	v13 =	vadd.f32 v15, v13  }
0x132: {  	v24 =	vld [tilespmem:s28+$0x8980];
	v14 =	vadd.f32 v16, v14  }
0x133: {  	v25 =	vld [tilespmem:s28+$0x89A0];
	v20 =	vadd.f32 v17, v20  }
.Ltmp5:
0x134: {  	v15 =	vld [tilespmem:s28+$0x89C0];
	v18 =	vadd.f32 v21, v18;
	(pc) =	sbr.rel @p0 .LBB2_13-.Ltmp5, $4  }
0x135: {  	v16 =	vld [tilespmem:s28+$0x89E0];
	v19 =	vadd.f32 v22, v19  }
0x136: {  	v17 =	vld [tilespmem:s28+$0x8990];
	v10 =	vadd.f32 v23, v10  }
0x137: {  	v11 =	vadd.f32 v24, v11;
	v21 =	vld [tilespmem:s28+$0x89B0]  }
0x138: {  	v12 =	vadd.f32 v25, v12;
	v22 =	vld [tilespmem:s28+$0x89D0];
	s28 =	sshra.s32 s29, $0x2;
	s29 =	sadd.s32 $0x200, s29  }
0x139: {  	v23 =	vld [tilespmem:s28+$0x89F0]  }
0x13a: {  	v24 =	vld [tilespmem:s28+$0x8980]  }
0x13b: {  	v25 =	vld [tilespmem:s28+$0x89A0]  }
0x13c: {  	v26 =	vld [tilespmem:s28+$0x89C0]  }
0x13d: {  	v27 =	vld [tilespmem:s28+$0x89E0]  }
0x13e: {  	v28 =	vld [tilespmem:s28+$0x8990]  }
0x13f: {  	v13 =	vadd.f32 v15, v13;
	v15 =	vld [tilespmem:s28+$0x89B0]  }
0x140: {  	v14 =	vadd.f32 v16, v14;
	v16 =	vadd.f32 v17, v20;
	v17 =	vld [tilespmem:s28+$0x89D0]  }
0x141: {  	v18 =	vadd.f32 v21, v18;
	v19 =	vadd.f32 v22, v19  }
0x142: {  	v10 =	vadd.f32 v23, v10;
	v11 =	vadd.f32 v24, v11  }
0x143: {  	v12 =	vadd.f32 v25, v12;
	v13 =	vadd.f32 v26, v13  }
0x144: {  	v14 =	vadd.f32 v27, v14;
	v16 =	vadd.f32 v28, v16  }
0x145: {  	v15 =	vadd.f32 v15, v18;
	v17 =	vadd.f32 v17, v19  }
0x146: {  	v11 =	vadd.f32 v12, v11;
	v12 =	vadd.f32 v14, v13  }
0x147: {  	v13 =	vadd.f32 v15, v16;
	v10 =	vadd.f32 v10, v17;
	_ =	sdelay $0x1  }
0x148: {  	v11 =	vadd.f32 v12, v11;
	v10 =	vadd.f32 v10, v13;
	_ =	sdelay $0x1  }
0x149: {  	v12 =	vmul.f32 v11, v6;
	v13 =	vmul.f32 v10, v7;
	_ =	sdelay $0x1  }
0x14a: {  	v11 =	vmul.f32 v11, v4;
	v10 =	vmul.f32 v10, v5;
	v12 =	vadd.f32 v13, v12;
	_ =	sdelay $0x1  }
0x14b: {  	v10 =	vadd.f32 v10, v11;
	v11 =	vperm.xlane v12, v0;
	_ =	sdelay $0x1  }
0x14c: {  	v13 =	vperm.xlane v10, v0;
	v11 =	vadd.f32 v11, v12;
	_ =	sdelay $0x1  }
0x14d: {  	v10 =	vadd.f32 v13, v10;
	v12 =	vperm.xlane v11, v1;
	_ =	sdelay $0x1  }
0x14e: {  	v13 =	vperm.xlane v10, v1;
	v11 =	vadd.f32 v12, v11;
	_ =	sdelay $0x1  }
0x14f: {  	v12 =	vbroadcast v9, $0x5;
	v10 =	vadd.f32 v13, v10;
	v13 =	vperm.xlane v11, v2;
	_ =	sdelay $0x1  }
0x150: {  	(erf) = vrcp.f32 v12;
	v12 =	vperm.xlane v10, v2;
	v11 =	vadd.f32 v13, v11;
	_ =	sdelay $0x1  }
0x151: {  	v10 =	vadd.f32 v12, v10;
	v12 =	vperm.xlane v11, v3;
	_ =	sdelay $0x1  }
0x152: {  	v11 =	vadd.f32 v12, v11  }
0x153: {  	v13 =	vperm.xlane v10, v3  }
0x154: {  	v11 =	vsel vm0, $0x0, v11  }
0x155: {  	v10 =	vadd.f32 v13, v10;
	_ =	sdelay $0x1  }
0x156: {  	v10 =	vsel vm1, v10, v11;
	v11 =	vpop (erf)  }
0x157: {  	v10 =	vmul.f32 v10, v11;
	_ =	sdelay $0x1  }
0x158: {  	v10 =	vadd.f32 v10, v8;
	_ =	sdelay $0x1  }
0x159: {  	s30 =	simm.s32 $0x0;
	[tilespmem:s26+$0x19ED0] =	vst v10  }
0x15a: {  	v10 =	vld [tilespmem:s30+$0xA2F0]  }
0x15b: {  	v11 =	vld [tilespmem:s30+$0xA280]  }
0x15c: {  	v12 =	vld [tilespmem:s30+$0xA2A0]  }
0x15d: {  	v15 =	vld [tilespmem:s30+$0xA2C0]  }
0x15e: {  	v16 =	vld [tilespmem:s30+$0xA2E0]  }
0x15f: {  	v20 =	vimm.f32 $0.0e+00;
	v13 =	vimm.f32 $0.0e+00;
	v17 =	vld [tilespmem:s30+$0xA290]  }
0x160: {  	v18 =	vimm.f32 $0.0e+00;
	v14 =	vimm.f32 $0.0e+00;
	v21 =	vld [tilespmem:s30+$0xA2B0];
	v10 =	vadd.f32 v10, v13  }
0x161: {  	s29 =	simm.s32 $0x400;
	s28 =	simm.s32 $0x80;
	v19 =	vimm.f32 $0.0e+00;
	v22 =	vld [tilespmem:s30+$0xA2D0];
	v11 =	vadd.f32 v11, v13;
	v12 =	vadd.f32 v12, v13  }
.LBB2_15:
0x162: {  	p0 =	sne.s32 s29, $0x6200;
	v23 =	vld [tilespmem:s28+$0xA2F0];
	v13 =	vadd.f32 v15, v13  }
0x163: {  	v24 =	vld [tilespmem:s28+$0xA280];
	v14 =	vadd.f32 v16, v14  }
0x164: {  	v25 =	vld [tilespmem:s28+$0xA2A0];
	v20 =	vadd.f32 v17, v20  }
.Ltmp6:
0x165: {  	v15 =	vld [tilespmem:s28+$0xA2C0];
	v18 =	vadd.f32 v21, v18;
	(pc) =	sbr.rel @p0 .LBB2_15-.Ltmp6, $4  }
0x166: {  	v16 =	vld [tilespmem:s28+$0xA2E0];
	v19 =	vadd.f32 v22, v19  }
0x167: {  	v17 =	vld [tilespmem:s28+$0xA290];
	v10 =	vadd.f32 v23, v10  }
0x168: {  	v11 =	vadd.f32 v24, v11;
	v21 =	vld [tilespmem:s28+$0xA2B0]  }
0x169: {  	v12 =	vadd.f32 v25, v12;
	v22 =	vld [tilespmem:s28+$0xA2D0];
	s28 =	sshra.s32 s29, $0x2;
	s29 =	sadd.s32 $0x200, s29  }
0x16a: {  	v23 =	vld [tilespmem:s28+$0xA2F0]  }
0x16b: {  	v24 =	vld [tilespmem:s28+$0xA280]  }
0x16c: {  	v25 =	vld [tilespmem:s28+$0xA2A0]  }
0x16d: {  	v26 =	vld [tilespmem:s28+$0xA2C0]  }
0x16e: {  	v27 =	vld [tilespmem:s28+$0xA2E0]  }
0x16f: {  	v28 =	vld [tilespmem:s28+$0xA290]  }
0x170: {  	v13 =	vadd.f32 v15, v13;
	v15 =	vld [tilespmem:s28+$0xA2B0]  }
0x171: {  	v14 =	vadd.f32 v16, v14;
	v16 =	vadd.f32 v17, v20;
	v17 =	vld [tilespmem:s28+$0xA2D0]  }
0x172: {  	v18 =	vadd.f32 v21, v18;
	v19 =	vadd.f32 v22, v19  }
0x173: {  	v10 =	vadd.f32 v23, v10;
	v11 =	vadd.f32 v24, v11  }
0x174: {  	v12 =	vadd.f32 v25, v12;
	v13 =	vadd.f32 v26, v13  }
0x175: {  	v14 =	vadd.f32 v27, v14;
	v16 =	vadd.f32 v28, v16  }
0x176: {  	v15 =	vadd.f32 v15, v18;
	v17 =	vadd.f32 v17, v19  }
0x177: {  	v11 =	vadd.f32 v12, v11;
	v12 =	vadd.f32 v14, v13  }
0x178: {  	v13 =	vadd.f32 v15, v16;
	v10 =	vadd.f32 v10, v17;
	_ =	sdelay $0x1  }
0x179: {  	v11 =	vadd.f32 v12, v11;
	v10 =	vadd.f32 v10, v13;
	_ =	sdelay $0x1  }
0x17a: {  	v12 =	vmul.f32 v11, v6;
	v13 =	vmul.f32 v10, v7;
	_ =	sdelay $0x1  }
0x17b: {  	v11 =	vmul.f32 v11, v4;
	v10 =	vmul.f32 v10, v5;
	v12 =	vadd.f32 v13, v12;
	_ =	sdelay $0x1  }
0x17c: {  	v10 =	vadd.f32 v10, v11;
	v11 =	vperm.xlane v12, v0;
	_ =	sdelay $0x1  }
0x17d: {  	v13 =	vperm.xlane v10, v0;
	v11 =	vadd.f32 v11, v12;
	_ =	sdelay $0x1  }
0x17e: {  	v10 =	vadd.f32 v13, v10;
	v12 =	vperm.xlane v11, v1;
	_ =	sdelay $0x1  }
0x17f: {  	v13 =	vperm.xlane v10, v1;
	v11 =	vadd.f32 v12, v11;
	_ =	sdelay $0x1  }
0x180: {  	v12 =	vbroadcast v9, $0x6;
	v10 =	vadd.f32 v13, v10;
	v13 =	vperm.xlane v11, v2;
	_ =	sdelay $0x1  }
0x181: {  	(erf) = vrcp.f32 v12;
	v12 =	vperm.xlane v10, v2;
	v11 =	vadd.f32 v13, v11;
	_ =	sdelay $0x1  }
0x182: {  	v10 =	vadd.f32 v12, v10;
	v12 =	vperm.xlane v11, v3;
	_ =	sdelay $0x1  }
0x183: {  	v11 =	vadd.f32 v12, v11  }
0x184: {  	v13 =	vperm.xlane v10, v3  }
0x185: {  	v11 =	vsel vm0, $0x0, v11  }
0x186: {  	v10 =	vadd.f32 v13, v10;
	_ =	sdelay $0x1  }
0x187: {  	v10 =	vsel vm1, v10, v11;
	v11 =	vpop (erf)  }
0x188: {  	v10 =	vmul.f32 v10, v11;
	_ =	sdelay $0x1  }
0x189: {  	v10 =	vadd.f32 v10, v8;
	_ =	sdelay $0x1  }
0x18a: {  	s30 =	simm.s32 $0x0;
	[tilespmem:s26+$0x19EE0] =	vst v10  }
0x18b: {  	v10 =	vld [tilespmem:s30+$0xBBF0]  }
0x18c: {  	v11 =	vld [tilespmem:s30+$0xBB80]  }
0x18d: {  	v12 =	vld [tilespmem:s30+$0xBBA0]  }
0x18e: {  	v15 =	vld [tilespmem:s30+$0xBBC0]  }
0x18f: {  	v16 =	vld [tilespmem:s30+$0xBBE0]  }
0x190: {  	v20 =	vimm.f32 $0.0e+00;
	v13 =	vimm.f32 $0.0e+00;
	v17 =	vld [tilespmem:s30+$0xBB90]  }
0x191: {  	v18 =	vimm.f32 $0.0e+00;
	v14 =	vimm.f32 $0.0e+00;
	v21 =	vld [tilespmem:s30+$0xBBB0];
	v10 =	vadd.f32 v10, v13  }
0x192: {  	s29 =	simm.s32 $0x400;
	s28 =	simm.s32 $0x80;
	v19 =	vimm.f32 $0.0e+00;
	v22 =	vld [tilespmem:s30+$0xBBD0];
	v11 =	vadd.f32 v11, v13;
	v12 =	vadd.f32 v12, v13  }
.LBB2_17:
0x193: {  	p0 =	sne.s32 s29, $0x6200;
	v23 =	vld [tilespmem:s28+$0xBBF0];
	v13 =	vadd.f32 v15, v13  }
0x194: {  	v24 =	vld [tilespmem:s28+$0xBB80];
	v14 =	vadd.f32 v16, v14  }
0x195: {  	v25 =	vld [tilespmem:s28+$0xBBA0];
	v20 =	vadd.f32 v17, v20  }
.Ltmp7:
0x196: {  	v15 =	vld [tilespmem:s28+$0xBBC0];
	v18 =	vadd.f32 v21, v18;
	(pc) =	sbr.rel @p0 .LBB2_17-.Ltmp7, $4  }
0x197: {  	v16 =	vld [tilespmem:s28+$0xBBE0];
	v19 =	vadd.f32 v22, v19  }
0x198: {  	v17 =	vld [tilespmem:s28+$0xBB90];
	v10 =	vadd.f32 v23, v10  }
0x199: {  	v11 =	vadd.f32 v24, v11;
	v21 =	vld [tilespmem:s28+$0xBBB0]  }
0x19a: {  	v12 =	vadd.f32 v25, v12;
	v22 =	vld [tilespmem:s28+$0xBBD0];
	s28 =	sshra.s32 s29, $0x2;
	s29 =	sadd.s32 $0x200, s29  }
0x19b: {  	v23 =	vld [tilespmem:s28+$0xBBF0]  }
0x19c: {  	v24 =	vld [tilespmem:s28+$0xBB80]  }
0x19d: {  	v25 =	vld [tilespmem:s28+$0xBBA0]  }
0x19e: {  	v26 =	vld [tilespmem:s28+$0xBBC0]  }
0x19f: {  	v27 =	vld [tilespmem:s28+$0xBBE0]  }
0x1a0: {  	v28 =	vld [tilespmem:s28+$0xBB90]  }
0x1a1: {  	v13 =	vadd.f32 v15, v13;
	v15 =	vld [tilespmem:s28+$0xBBB0]  }
0x1a2: {  	v14 =	vadd.f32 v16, v14;
	v16 =	vadd.f32 v17, v20;
	v17 =	vld [tilespmem:s28+$0xBBD0]  }
0x1a3: {  	v18 =	vadd.f32 v21, v18;
	v19 =	vadd.f32 v22, v19  }
0x1a4: {  	v10 =	vadd.f32 v23, v10;
	v11 =	vadd.f32 v24, v11  }
0x1a5: {  	v12 =	vadd.f32 v25, v12;
	v13 =	vadd.f32 v26, v13  }
0x1a6: {  	v14 =	vadd.f32 v27, v14;
	v16 =	vadd.f32 v28, v16  }
0x1a7: {  	v15 =	vadd.f32 v15, v18;
	v17 =	vadd.f32 v17, v19  }
0x1a8: {  	v11 =	vadd.f32 v12, v11;
	v12 =	vadd.f32 v14, v13  }
0x1a9: {  	v13 =	vadd.f32 v15, v16;
	v10 =	vadd.f32 v10, v17;
	_ =	sdelay $0x1  }
0x1aa: {  	v11 =	vadd.f32 v12, v11;
	v10 =	vadd.f32 v10, v13;
	_ =	sdelay $0x1  }
0x1ab: {  	v12 =	vmul.f32 v11, v6;
	v13 =	vmul.f32 v10, v7;
	_ =	sdelay $0x1  }
0x1ac: {  	v11 =	vmul.f32 v11, v4;
	v10 =	vmul.f32 v10, v5;
	v12 =	vadd.f32 v13, v12;
	_ =	sdelay $0x1  }
0x1ad: {  	v10 =	vadd.f32 v10, v11;
	v11 =	vperm.xlane v12, v0;
	_ =	sdelay $0x1  }
0x1ae: {  	v13 =	vperm.xlane v10, v0;
	v11 =	vadd.f32 v11, v12;
	_ =	sdelay $0x1  }
0x1af: {  	v10 =	vadd.f32 v13, v10;
	v12 =	vperm.xlane v11, v1;
	_ =	sdelay $0x1  }
0x1b0: {  	v13 =	vperm.xlane v10, v1;
	v11 =	vadd.f32 v12, v11;
	_ =	sdelay $0x1  }
0x1b1: {  	v9 =	vbroadcast v9, $0x7;
	v10 =	vadd.f32 v13, v10;
	v12 =	vperm.xlane v11, v2;
	_ =	sdelay $0x1  }
0x1b2: {  	(erf) = vrcp.f32 v9;
	v9 =	vperm.xlane v10, v2;
	v11 =	vadd.f32 v12, v11;
	_ =	sdelay $0x1  }
0x1b3: {  	v9 =	vadd.f32 v9, v10;
	v10 =	vperm.xlane v11, v3;
	_ =	sdelay $0x1  }
0x1b4: {  	v10 =	vadd.f32 v10, v11  }
0x1b5: {  	v12 =	vperm.xlane v9, v3  }
0x1b6: {  	v10 =	vsel vm0, $0x0, v10  }
0x1b7: {  	v9 =	vadd.f32 v12, v9;
	_ =	sdelay $0x1  }
0x1b8: {  	p0 =	seq.s32 s24, $0x1F;
	v9 =	vsel vm1, v9, v10;
	v10 =	vpop (erf)  }
0x1b9: {  	s28 =	smul.u32 @!p0 $0xC80, s24;
	v9 =	vmul.f32 v9, v10;
	_ =	sdelay $0x1  }
0x1ba: {  	s28 =	sadd.s32 @!p0 s28, s10;
	v9 =	vadd.f32 v9, v8  }
0x1bb: {  	s28 =	sshrl.u32 @!p0 s28, $0x3  }
0x1bc: {  	[tilespmem:s26+$0x19EF0] =	vst v9;
	s26 =	sadd.s32 @!p0 s3, s28;
	s28 =	simm.s32 @!p0 $0x0  }
0x1bd: {  	[tilespmem:s28], [sflag:$0x3] =	stream.linear.gather @!p0 [hbm4b:s26+s28], $0x640, $0x38;
	[tilespmem:$0x1BED0] =	vst v63  }
0x1be: {  	s26 =	simm.s32 @!p0 $0x3  }
0x1bf: {  	_ =	swait.ge @!p0 [sflag:s26], $0x640  }
0x1c0: {  	[sflag:s26] =	ssyncset.done @!p0 $0x0  }
0x1c1: {  	s29 =	simm.s32 @!p0 $0xC80;
	[sflag:s26] =	ssyncadd.s32 @!p0 $0xFFFFF9C0;
	s26 =	simm.s32 @!p0 $0x640  }
0x1c2: {  	[tilespmem:s29], [sflag:$0x1] =	stream.indirect.gather @!p0 [hbm4b:s4+s26], $0x20, s28, s26, $0xb8;
	[tilespmem:$0x1BED0] =	vst v63  }
0x1c3: {  	_ =	swait.ge [sflag:s21], $0xC800  }
0x1c4: {  	[sflag:s21] =	ssyncset.done $0x0  }
0x1c5: {  	s30 =	simm.s32 $0x0;
	[sflag:s21] =	ssyncadd.s32 $0xFFFF3800  }
0x1c6: {  	v10 =	vld [tilespmem:s30+$0xD4F0]  }
0x1c7: {  	s31 =	sshll.u32 s25, $0x3;
	v11 =	vld [tilespmem:s30+$0xD480]  }
0x1c8: {  	s26 =	sand.u32 $0x3FFFFFF8, s31;
	v12 =	vld [tilespmem:s30+$0xD4A0]  }
0x1c9: {  	v9 =	vld [tilespmem:s26+$0x19C80]  }
0x1ca: {  	v15 =	vld [tilespmem:s30+$0xD4C0]  }
0x1cb: {  	v16 =	vld [tilespmem:s30+$0xD4E0]  }
0x1cc: {  	v20 =	vimm.f32 $0.0e+00;
	v13 =	vimm.f32 $0.0e+00;
	v17 =	vld [tilespmem:s30+$0xD490]  }
0x1cd: {  	v18 =	vimm.f32 $0.0e+00;
	v14 =	vimm.f32 $0.0e+00;
	v21 =	vld [tilespmem:s30+$0xD4B0];
	v10 =	vadd.f32 v10, v13  }
0x1ce: {  	v19 =	vimm.f32 $0.0e+00;
	s28 =	simm.s32 $0x400;
	s26 =	simm.s32 $0x80;
	v22 =	vld [tilespmem:s30+$0xD4D0];
	v11 =	vadd.f32 v11, v13;
	v12 =	vadd.f32 v12, v13  }
.LBB2_19:
0x1cf: {  	p0 =	sne.s32 s28, $0x6200;
	v23 =	vld [tilespmem:s26+$0xD4F0];
	v13 =	vadd.f32 v15, v13  }
0x1d0: {  	v24 =	vld [tilespmem:s26+$0xD480];
	v14 =	vadd.f32 v16, v14  }
0x1d1: {  	v25 =	vld [tilespmem:s26+$0xD4A0];
	v20 =	vadd.f32 v17, v20  }
.Ltmp8:
0x1d2: {  	v15 =	vld [tilespmem:s26+$0xD4C0];
	v18 =	vadd.f32 v21, v18;
	(pc) =	sbr.rel @p0 .LBB2_19-.Ltmp8, $4  }
0x1d3: {  	v16 =	vld [tilespmem:s26+$0xD4E0];
	v19 =	vadd.f32 v22, v19  }
0x1d4: {  	v17 =	vld [tilespmem:s26+$0xD490];
	v10 =	vadd.f32 v23, v10  }
0x1d5: {  	v11 =	vadd.f32 v24, v11;
	v21 =	vld [tilespmem:s26+$0xD4B0]  }
0x1d6: {  	v12 =	vadd.f32 v25, v12;
	v22 =	vld [tilespmem:s26+$0xD4D0];
	s26 =	sshra.s32 s28, $0x2;
	s28 =	sadd.s32 $0x200, s28  }
0x1d7: {  	v23 =	vld [tilespmem:s26+$0xD4F0]  }
0x1d8: {  	v24 =	vld [tilespmem:s26+$0xD480]  }
0x1d9: {  	v25 =	vld [tilespmem:s26+$0xD4A0]  }
0x1da: {  	v26 =	vld [tilespmem:s26+$0xD4C0]  }
0x1db: {  	v27 =	vld [tilespmem:s26+$0xD4E0]  }
0x1dc: {  	v28 =	vld [tilespmem:s26+$0xD490]  }
0x1dd: {  	v13 =	vadd.f32 v15, v13;
	v15 =	vld [tilespmem:s26+$0xD4B0]  }
0x1de: {  	v14 =	vadd.f32 v16, v14;
	v16 =	vadd.f32 v17, v20;
	v17 =	vld [tilespmem:s26+$0xD4D0]  }
0x1df: {  	v18 =	vadd.f32 v21, v18;
	v19 =	vadd.f32 v22, v19  }
0x1e0: {  	v10 =	vadd.f32 v23, v10;
	v11 =	vadd.f32 v24, v11  }
0x1e1: {  	v12 =	vadd.f32 v25, v12;
	v13 =	vadd.f32 v26, v13  }
0x1e2: {  	v14 =	vadd.f32 v27, v14;
	v16 =	vadd.f32 v28, v16  }
0x1e3: {  	v15 =	vadd.f32 v15, v18;
	v17 =	vadd.f32 v17, v19  }
0x1e4: {  	v11 =	vadd.f32 v12, v11;
	v12 =	vadd.f32 v14, v13  }
0x1e5: {  	v13 =	vadd.f32 v15, v16;
	v10 =	vadd.f32 v10, v17;
	_ =	sdelay $0x1  }
0x1e6: {  	v11 =	vadd.f32 v12, v11;
	v10 =	vadd.f32 v10, v13;
	_ =	sdelay $0x1  }
0x1e7: {  	v12 =	vmul.f32 v11, v6;
	v13 =	vmul.f32 v10, v7;
	_ =	sdelay $0x1  }
0x1e8: {  	v11 =	vmul.f32 v11, v4;
	v10 =	vmul.f32 v10, v5;
	v12 =	vadd.f32 v13, v12;
	_ =	sdelay $0x1  }
0x1e9: {  	v10 =	vadd.f32 v10, v11;
	v11 =	vperm.xlane v12, v0;
	_ =	sdelay $0x1  }
0x1ea: {  	v13 =	vperm.xlane v10, v0;
	v11 =	vadd.f32 v11, v12;
	_ =	sdelay $0x1  }
0x1eb: {  	v10 =	vadd.f32 v13, v10;
	v12 =	vperm.xlane v11, v1;
	_ =	sdelay $0x1  }
0x1ec: {  	v13 =	vperm.xlane v10, v1;
	v11 =	vadd.f32 v12, v11;
	_ =	sdelay $0x1  }
0x1ed: {  	v12 =	vbroadcast v9, $0x0;
	v10 =	vadd.f32 v13, v10;
	v13 =	vperm.xlane v11, v2;
	_ =	sdelay $0x1  }
0x1ee: {  	(erf) = vrcp.f32 v12;
	v12 =	vperm.xlane v10, v2;
	v11 =	vadd.f32 v13, v11;
	_ =	sdelay $0x1  }
0x1ef: {  	v10 =	vadd.f32 v12, v10;
	v12 =	vperm.xlane v11, v3;
	_ =	sdelay $0x1  }
0x1f0: {  	v11 =	vadd.f32 v12, v11  }
0x1f1: {  	v13 =	vperm.xlane v10, v3  }
0x1f2: {  	v11 =	vsel vm0, $0x0, v11  }
0x1f3: {  	v10 =	vadd.f32 v13, v10;
	_ =	sdelay $0x1  }
0x1f4: {  	v10 =	vsel vm1, v10, v11;
	v11 =	vpop (erf)  }
0x1f5: {  	v10 =	vmul.f32 v10, v11;
	_ =	sdelay $0x1  }
0x1f6: {  	s25 =	sshll.u32 s25, $0x7;
	v10 =	vadd.f32 v10, v8  }
0x1f7: {  	s25 =	sand.u32 $0x3FFFFF80, s25  }
0x1f8: {  	s29 =	simm.s32 $0x0;
	[tilespmem:s25+$0x19E80] =	vst v10  }
0x1f9: {  	v10 =	vld [tilespmem:s29+$0xEDF0]  }
0x1fa: {  	v11 =	vld [tilespmem:s29+$0xED80]  }
0x1fb: {  	v12 =	vld [tilespmem:s29+$0xEDA0]  }
0x1fc: {  	v15 =	vld [tilespmem:s29+$0xEDC0]  }
0x1fd: {  	v16 =	vld [tilespmem:s29+$0xEDE0]  }
0x1fe: {  	v20 =	vimm.f32 $0.0e+00;
	v13 =	vimm.f32 $0.0e+00;
	v17 =	vld [tilespmem:s29+$0xED90]  }
0x1ff: {  	v18 =	vimm.f32 $0.0e+00;
	v14 =	vimm.f32 $0.0e+00;
	v21 =	vld [tilespmem:s29+$0xEDB0];
	v10 =	vadd.f32 v10, v13  }
0x200: {  	s28 =	simm.s32 $0x400;
	s26 =	simm.s32 $0x80;
	v19 =	vimm.f32 $0.0e+00;
	v22 =	vld [tilespmem:s29+$0xEDD0];
	v11 =	vadd.f32 v11, v13;
	v12 =	vadd.f32 v12, v13  }
.LBB2_21:
0x201: {  	p0 =	sne.s32 s28, $0x6200;
	v23 =	vld [tilespmem:s26+$0xEDF0];
	v13 =	vadd.f32 v15, v13  }
0x202: {  	v24 =	vld [tilespmem:s26+$0xED80];
	v14 =	vadd.f32 v16, v14  }
0x203: {  	v25 =	vld [tilespmem:s26+$0xEDA0];
	v20 =	vadd.f32 v17, v20  }
.Ltmp9:
0x204: {  	v15 =	vld [tilespmem:s26+$0xEDC0];
	v18 =	vadd.f32 v21, v18;
	(pc) =	sbr.rel @p0 .LBB2_21-.Ltmp9, $4  }
0x205: {  	v16 =	vld [tilespmem:s26+$0xEDE0];
	v19 =	vadd.f32 v22, v19  }
0x206: {  	v17 =	vld [tilespmem:s26+$0xED90];
	v10 =	vadd.f32 v23, v10  }
0x207: {  	v11 =	vadd.f32 v24, v11;
	v21 =	vld [tilespmem:s26+$0xEDB0]  }
0x208: {  	v12 =	vadd.f32 v25, v12;
	v22 =	vld [tilespmem:s26+$0xEDD0];
	s26 =	sshra.s32 s28, $0x2;
	s28 =	sadd.s32 $0x200, s28  }
0x209: {  	v23 =	vld [tilespmem:s26+$0xEDF0]  }
0x20a: {  	v24 =	vld [tilespmem:s26+$0xED80]  }
0x20b: {  	v25 =	vld [tilespmem:s26+$0xEDA0]  }
0x20c: {  	v26 =	vld [tilespmem:s26+$0xEDC0]  }
0x20d: {  	v27 =	vld [tilespmem:s26+$0xEDE0]  }
0x20e: {  	v28 =	vld [tilespmem:s26+$0xED90]  }
0x20f: {  	v13 =	vadd.f32 v15, v13;
	v15 =	vld [tilespmem:s26+$0xEDB0]  }
0x210: {  	v14 =	vadd.f32 v16, v14;
	v16 =	vadd.f32 v17, v20;
	v17 =	vld [tilespmem:s26+$0xEDD0]  }
0x211: {  	v18 =	vadd.f32 v21, v18;
	v19 =	vadd.f32 v22, v19  }
0x212: {  	v10 =	vadd.f32 v23, v10;
	v11 =	vadd.f32 v24, v11  }
0x213: {  	v12 =	vadd.f32 v25, v12;
	v13 =	vadd.f32 v26, v13  }
0x214: {  	v14 =	vadd.f32 v27, v14;
	v16 =	vadd.f32 v28, v16  }
0x215: {  	v15 =	vadd.f32 v15, v18;
	v17 =	vadd.f32 v17, v19  }
0x216: {  	v11 =	vadd.f32 v12, v11;
	v12 =	vadd.f32 v14, v13  }
0x217: {  	v13 =	vadd.f32 v15, v16;
	v10 =	vadd.f32 v10, v17;
	_ =	sdelay $0x1  }
0x218: {  	v11 =	vadd.f32 v12, v11;
	v10 =	vadd.f32 v10, v13;
	_ =	sdelay $0x1  }
0x219: {  	v12 =	vmul.f32 v11, v6;
	v13 =	vmul.f32 v10, v7;
	_ =	sdelay $0x1  }
0x21a: {  	v11 =	vmul.f32 v11, v4;
	v10 =	vmul.f32 v10, v5;
	v12 =	vadd.f32 v13, v12;
	_ =	sdelay $0x1  }
0x21b: {  	v10 =	vadd.f32 v10, v11;
	v11 =	vperm.xlane v12, v0;
	_ =	sdelay $0x1  }
0x21c: {  	v13 =	vperm.xlane v10, v0;
	v11 =	vadd.f32 v11, v12;
	_ =	sdelay $0x1  }
0x21d: {  	v10 =	vadd.f32 v13, v10;
	v12 =	vperm.xlane v11, v1;
	_ =	sdelay $0x1  }
0x21e: {  	v13 =	vperm.xlane v10, v1;
	v11 =	vadd.f32 v12, v11;
	_ =	sdelay $0x1  }
0x21f: {  	v12 =	vbroadcast v9, $0x1;
	v10 =	vadd.f32 v13, v10;
	v13 =	vperm.xlane v11, v2;
	_ =	sdelay $0x1  }
0x220: {  	(erf) = vrcp.f32 v12;
	v12 =	vperm.xlane v10, v2;
	v11 =	vadd.f32 v13, v11;
	_ =	sdelay $0x1  }
0x221: {  	v10 =	vadd.f32 v12, v10;
	v12 =	vperm.xlane v11, v3;
	_ =	sdelay $0x1  }
0x222: {  	v11 =	vadd.f32 v12, v11  }
0x223: {  	v13 =	vperm.xlane v10, v3  }
0x224: {  	v11 =	vsel vm0, $0x0, v11  }
0x225: {  	v10 =	vadd.f32 v13, v10;
	_ =	sdelay $0x1  }
0x226: {  	v10 =	vsel vm1, v10, v11;
	v11 =	vpop (erf)  }
0x227: {  	v10 =	vmul.f32 v10, v11;
	_ =	sdelay $0x1  }
0x228: {  	v10 =	vadd.f32 v10, v8;
	_ =	sdelay $0x1  }
0x229: {  	s29 =	simm.s32 $0x0;
	[tilespmem:s25+$0x19E90] =	vst v10  }
0x22a: {  	v10 =	vld [tilespmem:s29+$0x106F0]  }
0x22b: {  	v11 =	vld [tilespmem:s29+$0x10680]  }
0x22c: {  	v12 =	vld [tilespmem:s29+$0x106A0]  }
0x22d: {  	v15 =	vld [tilespmem:s29+$0x106C0]  }
0x22e: {  	v16 =	vld [tilespmem:s29+$0x106E0]  }
0x22f: {  	v20 =	vimm.f32 $0.0e+00;
	v13 =	vimm.f32 $0.0e+00;
	v17 =	vld [tilespmem:s29+$0x10690]  }
0x230: {  	v18 =	vimm.f32 $0.0e+00;
	v14 =	vimm.f32 $0.0e+00;
	v21 =	vld [tilespmem:s29+$0x106B0];
	v10 =	vadd.f32 v10, v13  }
0x231: {  	s28 =	simm.s32 $0x400;
	s26 =	simm.s32 $0x80;
	v19 =	vimm.f32 $0.0e+00;
	v22 =	vld [tilespmem:s29+$0x106D0];
	v11 =	vadd.f32 v11, v13;
	v12 =	vadd.f32 v12, v13  }
.LBB2_23:
0x232: {  	p0 =	sne.s32 s28, $0x6200;
	v23 =	vld [tilespmem:s26+$0x106F0];
	v13 =	vadd.f32 v15, v13  }
0x233: {  	v24 =	vld [tilespmem:s26+$0x10680];
	v14 =	vadd.f32 v16, v14  }
0x234: {  	v25 =	vld [tilespmem:s26+$0x106A0];
	v20 =	vadd.f32 v17, v20  }
.Ltmp10:
0x235: {  	v15 =	vld [tilespmem:s26+$0x106C0];
	v18 =	vadd.f32 v21, v18;
	(pc) =	sbr.rel @p0 .LBB2_23-.Ltmp10, $4  }
0x236: {  	v16 =	vld [tilespmem:s26+$0x106E0];
	v19 =	vadd.f32 v22, v19  }
0x237: {  	v17 =	vld [tilespmem:s26+$0x10690];
	v10 =	vadd.f32 v23, v10  }
0x238: {  	v11 =	vadd.f32 v24, v11;
	v21 =	vld [tilespmem:s26+$0x106B0]  }
0x239: {  	v12 =	vadd.f32 v25, v12;
	v22 =	vld [tilespmem:s26+$0x106D0];
	s26 =	sshra.s32 s28, $0x2;
	s28 =	sadd.s32 $0x200, s28  }
0x23a: {  	v23 =	vld [tilespmem:s26+$0x106F0]  }
0x23b: {  	v24 =	vld [tilespmem:s26+$0x10680]  }
0x23c: {  	v25 =	vld [tilespmem:s26+$0x106A0]  }
0x23d: {  	v26 =	vld [tilespmem:s26+$0x106C0]  }
0x23e: {  	v27 =	vld [tilespmem:s26+$0x106E0]  }
0x23f: {  	v28 =	vld [tilespmem:s26+$0x10690]  }
0x240: {  	v13 =	vadd.f32 v15, v13;
	v15 =	vld [tilespmem:s26+$0x106B0]  }
0x241: {  	v14 =	vadd.f32 v16, v14;
	v16 =	vadd.f32 v17, v20;
	v17 =	vld [tilespmem:s26+$0x106D0]  }
0x242: {  	v18 =	vadd.f32 v21, v18;
	v19 =	vadd.f32 v22, v19  }
0x243: {  	v10 =	vadd.f32 v23, v10;
	v11 =	vadd.f32 v24, v11  }
0x244: {  	v12 =	vadd.f32 v25, v12;
	v13 =	vadd.f32 v26, v13  }
0x245: {  	v14 =	vadd.f32 v27, v14;
	v16 =	vadd.f32 v28, v16  }
0x246: {  	v15 =	vadd.f32 v15, v18;
	v17 =	vadd.f32 v17, v19  }
0x247: {  	v11 =	vadd.f32 v12, v11;
	v12 =	vadd.f32 v14, v13  }
0x248: {  	v13 =	vadd.f32 v15, v16;
	v10 =	vadd.f32 v10, v17;
	_ =	sdelay $0x1  }
0x249: {  	v11 =	vadd.f32 v12, v11;
	v10 =	vadd.f32 v10, v13;
	_ =	sdelay $0x1  }
0x24a: {  	v12 =	vmul.f32 v11, v6;
	v13 =	vmul.f32 v10, v7;
	_ =	sdelay $0x1  }
0x24b: {  	v11 =	vmul.f32 v11, v4;
	v10 =	vmul.f32 v10, v5;
	v12 =	vadd.f32 v13, v12;
	_ =	sdelay $0x1  }
0x24c: {  	v10 =	vadd.f32 v10, v11;
	v11 =	vperm.xlane v12, v0;
	_ =	sdelay $0x1  }
0x24d: {  	v13 =	vperm.xlane v10, v0;
	v11 =	vadd.f32 v11, v12;
	_ =	sdelay $0x1  }
0x24e: {  	v10 =	vadd.f32 v13, v10;
	v12 =	vperm.xlane v11, v1;
	_ =	sdelay $0x1  }
0x24f: {  	v13 =	vperm.xlane v10, v1;
	v11 =	vadd.f32 v12, v11;
	_ =	sdelay $0x1  }
0x250: {  	v12 =	vbroadcast v9, $0x2;
	v10 =	vadd.f32 v13, v10;
	v13 =	vperm.xlane v11, v2;
	_ =	sdelay $0x1  }
0x251: {  	(erf) = vrcp.f32 v12;
	v12 =	vperm.xlane v10, v2;
	v11 =	vadd.f32 v13, v11;
	_ =	sdelay $0x1  }
0x252: {  	v10 =	vadd.f32 v12, v10;
	v12 =	vperm.xlane v11, v3;
	_ =	sdelay $0x1  }
0x253: {  	v11 =	vadd.f32 v12, v11  }
0x254: {  	v13 =	vperm.xlane v10, v3  }
0x255: {  	v11 =	vsel vm0, $0x0, v11  }
0x256: {  	v10 =	vadd.f32 v13, v10;
	_ =	sdelay $0x1  }
0x257: {  	v10 =	vsel vm1, v10, v11;
	v11 =	vpop (erf)  }
0x258: {  	v10 =	vmul.f32 v10, v11;
	_ =	sdelay $0x1  }
0x259: {  	v10 =	vadd.f32 v10, v8;
	_ =	sdelay $0x1  }
0x25a: {  	s29 =	simm.s32 $0x0;
	[tilespmem:s25+$0x19EA0] =	vst v10  }
0x25b: {  	v10 =	vld [tilespmem:s29+$0x11FF0]  }
0x25c: {  	v11 =	vld [tilespmem:s29+$0x11F80]  }
0x25d: {  	v12 =	vld [tilespmem:s29+$0x11FA0]  }
0x25e: {  	v15 =	vld [tilespmem:s29+$0x11FC0]  }
0x25f: {  	v16 =	vld [tilespmem:s29+$0x11FE0]  }
0x260: {  	v20 =	vimm.f32 $0.0e+00;
	v13 =	vimm.f32 $0.0e+00;
	v17 =	vld [tilespmem:s29+$0x11F90]  }
0x261: {  	v18 =	vimm.f32 $0.0e+00;
	v14 =	vimm.f32 $0.0e+00;
	v21 =	vld [tilespmem:s29+$0x11FB0];
	v10 =	vadd.f32 v10, v13  }
0x262: {  	s28 =	simm.s32 $0x400;
	s26 =	simm.s32 $0x80;
	v19 =	vimm.f32 $0.0e+00;
	v22 =	vld [tilespmem:s29+$0x11FD0];
	v11 =	vadd.f32 v11, v13;
	v12 =	vadd.f32 v12, v13  }
.LBB2_25:
0x263: {  	p0 =	sne.s32 s28, $0x6200;
	v23 =	vld [tilespmem:s26+$0x11FF0];
	v13 =	vadd.f32 v15, v13  }
0x264: {  	v24 =	vld [tilespmem:s26+$0x11F80];
	v14 =	vadd.f32 v16, v14  }
0x265: {  	v25 =	vld [tilespmem:s26+$0x11FA0];
	v20 =	vadd.f32 v17, v20  }
.Ltmp11:
0x266: {  	v15 =	vld [tilespmem:s26+$0x11FC0];
	v18 =	vadd.f32 v21, v18;
	(pc) =	sbr.rel @p0 .LBB2_25-.Ltmp11, $4  }
0x267: {  	v16 =	vld [tilespmem:s26+$0x11FE0];
	v19 =	vadd.f32 v22, v19  }
0x268: {  	v17 =	vld [tilespmem:s26+$0x11F90];
	v10 =	vadd.f32 v23, v10  }
0x269: {  	v11 =	vadd.f32 v24, v11;
	v21 =	vld [tilespmem:s26+$0x11FB0]  }
0x26a: {  	v12 =	vadd.f32 v25, v12;
	v22 =	vld [tilespmem:s26+$0x11FD0];
	s26 =	sshra.s32 s28, $0x2;
	s28 =	sadd.s32 $0x200, s28  }
0x26b: {  	v23 =	vld [tilespmem:s26+$0x11FF0]  }
0x26c: {  	v24 =	vld [tilespmem:s26+$0x11F80]  }
0x26d: {  	v25 =	vld [tilespmem:s26+$0x11FA0]  }
0x26e: {  	v26 =	vld [tilespmem:s26+$0x11FC0]  }
0x26f: {  	v27 =	vld [tilespmem:s26+$0x11FE0]  }
0x270: {  	v28 =	vld [tilespmem:s26+$0x11F90]  }
0x271: {  	v13 =	vadd.f32 v15, v13;
	v15 =	vld [tilespmem:s26+$0x11FB0]  }
0x272: {  	v14 =	vadd.f32 v16, v14;
	v16 =	vadd.f32 v17, v20;
	v17 =	vld [tilespmem:s26+$0x11FD0]  }
0x273: {  	v18 =	vadd.f32 v21, v18;
	v19 =	vadd.f32 v22, v19  }
0x274: {  	v10 =	vadd.f32 v23, v10;
	v11 =	vadd.f32 v24, v11  }
0x275: {  	v12 =	vadd.f32 v25, v12;
	v13 =	vadd.f32 v26, v13  }
0x276: {  	v14 =	vadd.f32 v27, v14;
	v16 =	vadd.f32 v28, v16  }
0x277: {  	v15 =	vadd.f32 v15, v18;
	v17 =	vadd.f32 v17, v19  }
0x278: {  	v11 =	vadd.f32 v12, v11;
	v12 =	vadd.f32 v14, v13  }
0x279: {  	v13 =	vadd.f32 v15, v16;
	v10 =	vadd.f32 v10, v17;
	_ =	sdelay $0x1  }
0x27a: {  	v11 =	vadd.f32 v12, v11;
	v10 =	vadd.f32 v10, v13;
	_ =	sdelay $0x1  }
0x27b: {  	v12 =	vmul.f32 v11, v6;
	v13 =	vmul.f32 v10, v7;
	_ =	sdelay $0x1  }
0x27c: {  	v11 =	vmul.f32 v11, v4;
	v10 =	vmul.f32 v10, v5;
	v12 =	vadd.f32 v13, v12;
	_ =	sdelay $0x1  }
0x27d: {  	v10 =	vadd.f32 v10, v11;
	v11 =	vperm.xlane v12, v0;
	_ =	sdelay $0x1  }
0x27e: {  	v13 =	vperm.xlane v10, v0;
	v11 =	vadd.f32 v11, v12;
	_ =	sdelay $0x1  }
0x27f: {  	v10 =	vadd.f32 v13, v10;
	v12 =	vperm.xlane v11, v1;
	_ =	sdelay $0x1  }
0x280: {  	v13 =	vperm.xlane v10, v1;
	v11 =	vadd.f32 v12, v11;
	_ =	sdelay $0x1  }
0x281: {  	v12 =	vbroadcast v9, $0x3;
	v10 =	vadd.f32 v13, v10;
	v13 =	vperm.xlane v11, v2;
	_ =	sdelay $0x1  }
0x282: {  	(erf) = vrcp.f32 v12;
	v12 =	vperm.xlane v10, v2;
	v11 =	vadd.f32 v13, v11;
	_ =	sdelay $0x1  }
0x283: {  	v10 =	vadd.f32 v12, v10;
	v12 =	vperm.xlane v11, v3;
	_ =	sdelay $0x1  }
0x284: {  	v11 =	vadd.f32 v12, v11  }
0x285: {  	v13 =	vperm.xlane v10, v3  }
0x286: {  	v11 =	vsel vm0, $0x0, v11  }
0x287: {  	v10 =	vadd.f32 v13, v10;
	_ =	sdelay $0x1  }
0x288: {  	v10 =	vsel vm1, v10, v11;
	v11 =	vpop (erf)  }
0x289: {  	v10 =	vmul.f32 v10, v11;
	_ =	sdelay $0x1  }
0x28a: {  	v10 =	vadd.f32 v10, v8;
	_ =	sdelay $0x1  }
0x28b: {  	s29 =	simm.s32 $0x0;
	[tilespmem:s25+$0x19EB0] =	vst v10  }
0x28c: {  	v10 =	vld [tilespmem:s29+$0x138F0]  }
0x28d: {  	v11 =	vld [tilespmem:s29+$0x13880]  }
0x28e: {  	v12 =	vld [tilespmem:s29+$0x138A0]  }
0x28f: {  	v15 =	vld [tilespmem:s29+$0x138C0]  }
0x290: {  	v16 =	vld [tilespmem:s29+$0x138E0]  }
0x291: {  	v20 =	vimm.f32 $0.0e+00;
	v13 =	vimm.f32 $0.0e+00;
	v17 =	vld [tilespmem:s29+$0x13890]  }
0x292: {  	v18 =	vimm.f32 $0.0e+00;
	v14 =	vimm.f32 $0.0e+00;
	v21 =	vld [tilespmem:s29+$0x138B0];
	v10 =	vadd.f32 v10, v13  }
0x293: {  	s28 =	simm.s32 $0x400;
	s26 =	simm.s32 $0x80;
	v19 =	vimm.f32 $0.0e+00;
	v22 =	vld [tilespmem:s29+$0x138D0];
	v11 =	vadd.f32 v11, v13;
	v12 =	vadd.f32 v12, v13  }
.LBB2_27:
0x294: {  	p0 =	sne.s32 s28, $0x6200;
	v23 =	vld [tilespmem:s26+$0x138F0];
	v13 =	vadd.f32 v15, v13  }
0x295: {  	v24 =	vld [tilespmem:s26+$0x13880];
	v14 =	vadd.f32 v16, v14  }
0x296: {  	v25 =	vld [tilespmem:s26+$0x138A0];
	v20 =	vadd.f32 v17, v20  }
.Ltmp12:
0x297: {  	v15 =	vld [tilespmem:s26+$0x138C0];
	v18 =	vadd.f32 v21, v18;
	(pc) =	sbr.rel @p0 .LBB2_27-.Ltmp12, $4  }
0x298: {  	v16 =	vld [tilespmem:s26+$0x138E0];
	v19 =	vadd.f32 v22, v19  }
0x299: {  	v17 =	vld [tilespmem:s26+$0x13890];
	v10 =	vadd.f32 v23, v10  }
0x29a: {  	v11 =	vadd.f32 v24, v11;
	v21 =	vld [tilespmem:s26+$0x138B0]  }
0x29b: {  	v12 =	vadd.f32 v25, v12;
	v22 =	vld [tilespmem:s26+$0x138D0];
	s26 =	sshra.s32 s28, $0x2;
	s28 =	sadd.s32 $0x200, s28  }
0x29c: {  	v23 =	vld [tilespmem:s26+$0x138F0]  }
0x29d: {  	v24 =	vld [tilespmem:s26+$0x13880]  }
0x29e: {  	v25 =	vld [tilespmem:s26+$0x138A0]  }
0x29f: {  	v26 =	vld [tilespmem:s26+$0x138C0]  }
0x2a0: {  	v27 =	vld [tilespmem:s26+$0x138E0]  }
0x2a1: {  	v28 =	vld [tilespmem:s26+$0x13890]  }
0x2a2: {  	v13 =	vadd.f32 v15, v13;
	v15 =	vld [tilespmem:s26+$0x138B0]  }
0x2a3: {  	v14 =	vadd.f32 v16, v14;
	v16 =	vadd.f32 v17, v20;
	v17 =	vld [tilespmem:s26+$0x138D0]  }
0x2a4: {  	v18 =	vadd.f32 v21, v18;
	v19 =	vadd.f32 v22, v19  }
0x2a5: {  	v10 =	vadd.f32 v23, v10;
	v11 =	vadd.f32 v24, v11  }
0x2a6: {  	v12 =	vadd.f32 v25, v12;
	v13 =	vadd.f32 v26, v13  }
0x2a7: {  	v14 =	vadd.f32 v27, v14;
	v16 =	vadd.f32 v28, v16  }
0x2a8: {  	v15 =	vadd.f32 v15, v18;
	v17 =	vadd.f32 v17, v19  }
0x2a9: {  	v11 =	vadd.f32 v12, v11;
	v12 =	vadd.f32 v14, v13  }
0x2aa: {  	v13 =	vadd.f32 v15, v16;
	v10 =	vadd.f32 v10, v17;
	_ =	sdelay $0x1  }
0x2ab: {  	v11 =	vadd.f32 v12, v11;
	v10 =	vadd.f32 v10, v13;
	_ =	sdelay $0x1  }
0x2ac: {  	v12 =	vmul.f32 v11, v6;
	v13 =	vmul.f32 v10, v7;
	_ =	sdelay $0x1  }
0x2ad: {  	v11 =	vmul.f32 v11, v4;
	v10 =	vmul.f32 v10, v5;
	v12 =	vadd.f32 v13, v12;
	_ =	sdelay $0x1  }
0x2ae: {  	v10 =	vadd.f32 v10, v11;
	v11 =	vperm.xlane v12, v0;
	_ =	sdelay $0x1  }
0x2af: {  	v13 =	vperm.xlane v10, v0;
	v11 =	vadd.f32 v11, v12;
	_ =	sdelay $0x1  }
0x2b0: {  	v10 =	vadd.f32 v13, v10;
	v12 =	vperm.xlane v11, v1;
	_ =	sdelay $0x1  }
0x2b1: {  	v13 =	vperm.xlane v10, v1;
	v11 =	vadd.f32 v12, v11;
	_ =	sdelay $0x1  }
0x2b2: {  	v12 =	vbroadcast v9, $0x4;
	v10 =	vadd.f32 v13, v10;
	v13 =	vperm.xlane v11, v2;
	_ =	sdelay $0x1  }
0x2b3: {  	(erf) = vrcp.f32 v12;
	v12 =	vperm.xlane v10, v2;
	v11 =	vadd.f32 v13, v11;
	_ =	sdelay $0x1  }
0x2b4: {  	v10 =	vadd.f32 v12, v10;
	v12 =	vperm.xlane v11, v3;
	_ =	sdelay $0x1  }
0x2b5: {  	v11 =	vadd.f32 v12, v11  }
0x2b6: {  	v13 =	vperm.xlane v10, v3  }
0x2b7: {  	v11 =	vsel vm0, $0x0, v11  }
0x2b8: {  	v10 =	vadd.f32 v13, v10;
	_ =	sdelay $0x1  }
0x2b9: {  	v10 =	vsel vm1, v10, v11;
	v11 =	vpop (erf)  }
0x2ba: {  	v10 =	vmul.f32 v10, v11;
	_ =	sdelay $0x1  }
0x2bb: {  	v10 =	vadd.f32 v10, v8;
	_ =	sdelay $0x1  }
0x2bc: {  	s29 =	simm.s32 $0x0;
	[tilespmem:s25+$0x19EC0] =	vst v10  }
0x2bd: {  	v10 =	vld [tilespmem:s29+$0x151F0]  }
0x2be: {  	v11 =	vld [tilespmem:s29+$0x15180]  }
0x2bf: {  	v12 =	vld [tilespmem:s29+$0x151A0]  }
0x2c0: {  	v15 =	vld [tilespmem:s29+$0x151C0]  }
0x2c1: {  	v16 =	vld [tilespmem:s29+$0x151E0]  }
0x2c2: {  	v20 =	vimm.f32 $0.0e+00;
	v13 =	vimm.f32 $0.0e+00;
	v17 =	vld [tilespmem:s29+$0x15190]  }
0x2c3: {  	v18 =	vimm.f32 $0.0e+00;
	v14 =	vimm.f32 $0.0e+00;
	v21 =	vld [tilespmem:s29+$0x151B0];
	v10 =	vadd.f32 v10, v13  }
0x2c4: {  	s28 =	simm.s32 $0x400;
	s26 =	simm.s32 $0x80;
	v19 =	vimm.f32 $0.0e+00;
	v22 =	vld [tilespmem:s29+$0x151D0];
	v11 =	vadd.f32 v11, v13;
	v12 =	vadd.f32 v12, v13  }
.LBB2_29:
0x2c5: {  	p0 =	sne.s32 s28, $0x6200;
	v23 =	vld [tilespmem:s26+$0x151F0];
	v13 =	vadd.f32 v15, v13  }
0x2c6: {  	v24 =	vld [tilespmem:s26+$0x15180];
	v14 =	vadd.f32 v16, v14  }
0x2c7: {  	v25 =	vld [tilespmem:s26+$0x151A0];
	v20 =	vadd.f32 v17, v20  }
.Ltmp13:
0x2c8: {  	v15 =	vld [tilespmem:s26+$0x151C0];
	v18 =	vadd.f32 v21, v18;
	(pc) =	sbr.rel @p0 .LBB2_29-.Ltmp13, $4  }
0x2c9: {  	v16 =	vld [tilespmem:s26+$0x151E0];
	v19 =	vadd.f32 v22, v19  }
0x2ca: {  	v17 =	vld [tilespmem:s26+$0x15190];
	v10 =	vadd.f32 v23, v10  }
0x2cb: {  	v11 =	vadd.f32 v24, v11;
	v21 =	vld [tilespmem:s26+$0x151B0]  }
0x2cc: {  	v12 =	vadd.f32 v25, v12;
	v22 =	vld [tilespmem:s26+$0x151D0];
	s26 =	sshra.s32 s28, $0x2;
	s28 =	sadd.s32 $0x200, s28  }
0x2cd: {  	v23 =	vld [tilespmem:s26+$0x151F0]  }
0x2ce: {  	v24 =	vld [tilespmem:s26+$0x15180]  }
0x2cf: {  	v25 =	vld [tilespmem:s26+$0x151A0]  }
0x2d0: {  	v26 =	vld [tilespmem:s26+$0x151C0]  }
0x2d1: {  	v27 =	vld [tilespmem:s26+$0x151E0]  }
0x2d2: {  	v28 =	vld [tilespmem:s26+$0x15190]  }
0x2d3: {  	v13 =	vadd.f32 v15, v13;
	v15 =	vld [tilespmem:s26+$0x151B0]  }
0x2d4: {  	v14 =	vadd.f32 v16, v14;
	v16 =	vadd.f32 v17, v20;
	v17 =	vld [tilespmem:s26+$0x151D0]  }
0x2d5: {  	v18 =	vadd.f32 v21, v18;
	v19 =	vadd.f32 v22, v19  }
0x2d6: {  	v10 =	vadd.f32 v23, v10;
	v11 =	vadd.f32 v24, v11  }
0x2d7: {  	v12 =	vadd.f32 v25, v12;
	v13 =	vadd.f32 v26, v13  }
0x2d8: {  	v14 =	vadd.f32 v27, v14;
	v16 =	vadd.f32 v28, v16  }
0x2d9: {  	v15 =	vadd.f32 v15, v18;
	v17 =	vadd.f32 v17, v19  }
0x2da: {  	v11 =	vadd.f32 v12, v11;
	v12 =	vadd.f32 v14, v13  }
0x2db: {  	v13 =	vadd.f32 v15, v16;
	v10 =	vadd.f32 v10, v17;
	_ =	sdelay $0x1  }
0x2dc: {  	v11 =	vadd.f32 v12, v11;
	v10 =	vadd.f32 v10, v13;
	_ =	sdelay $0x1  }
0x2dd: {  	v12 =	vmul.f32 v11, v6;
	v13 =	vmul.f32 v10, v7;
	_ =	sdelay $0x1  }
0x2de: {  	v11 =	vmul.f32 v11, v4;
	v10 =	vmul.f32 v10, v5;
	v12 =	vadd.f32 v13, v12;
	_ =	sdelay $0x1  }
0x2df: {  	v10 =	vadd.f32 v10, v11;
	v11 =	vperm.xlane v12, v0;
	_ =	sdelay $0x1  }
0x2e0: {  	v13 =	vperm.xlane v10, v0;
	v11 =	vadd.f32 v11, v12;
	_ =	sdelay $0x1  }
0x2e1: {  	v10 =	vadd.f32 v13, v10;
	v12 =	vperm.xlane v11, v1;
	_ =	sdelay $0x1  }
0x2e2: {  	v13 =	vperm.xlane v10, v1;
	v11 =	vadd.f32 v12, v11;
	_ =	sdelay $0x1  }
0x2e3: {  	v12 =	vbroadcast v9, $0x5;
	v10 =	vadd.f32 v13, v10;
	v13 =	vperm.xlane v11, v2;
	_ =	sdelay $0x1  }
0x2e4: {  	(erf) = vrcp.f32 v12;
	v12 =	vperm.xlane v10, v2;
	v11 =	vadd.f32 v13, v11;
	_ =	sdelay $0x1  }
0x2e5: {  	v10 =	vadd.f32 v12, v10;
	v12 =	vperm.xlane v11, v3;
	_ =	sdelay $0x1  }
0x2e6: {  	v11 =	vadd.f32 v12, v11  }
0x2e7: {  	v13 =	vperm.xlane v10, v3  }
0x2e8: {  	v11 =	vsel vm0, $0x0, v11  }
0x2e9: {  	v10 =	vadd.f32 v13, v10;
	_ =	sdelay $0x1  }
0x2ea: {  	v10 =	vsel vm1, v10, v11;
	v11 =	vpop (erf)  }
0x2eb: {  	v10 =	vmul.f32 v10, v11;
	_ =	sdelay $0x1  }
0x2ec: {  	v10 =	vadd.f32 v10, v8;
	_ =	sdelay $0x1  }
0x2ed: {  	s29 =	simm.s32 $0x0;
	[tilespmem:s25+$0x19ED0] =	vst v10  }
0x2ee: {  	v10 =	vld [tilespmem:s29+$0x16AF0]  }
0x2ef: {  	v11 =	vld [tilespmem:s29+$0x16A80]  }
0x2f0: {  	v12 =	vld [tilespmem:s29+$0x16AA0]  }
0x2f1: {  	v15 =	vld [tilespmem:s29+$0x16AC0]  }
0x2f2: {  	v16 =	vld [tilespmem:s29+$0x16AE0]  }
0x2f3: {  	v20 =	vimm.f32 $0.0e+00;
	v13 =	vimm.f32 $0.0e+00;
	v17 =	vld [tilespmem:s29+$0x16A90]  }
0x2f4: {  	v18 =	vimm.f32 $0.0e+00;
	v14 =	vimm.f32 $0.0e+00;
	v21 =	vld [tilespmem:s29+$0x16AB0];
	v10 =	vadd.f32 v10, v13  }
0x2f5: {  	s28 =	simm.s32 $0x400;
	s26 =	simm.s32 $0x80;
	v19 =	vimm.f32 $0.0e+00;
	v22 =	vld [tilespmem:s29+$0x16AD0];
	v11 =	vadd.f32 v11, v13;
	v12 =	vadd.f32 v12, v13  }
.LBB2_31:
0x2f6: {  	p0 =	sne.s32 s28, $0x6200;
	v23 =	vld [tilespmem:s26+$0x16AF0];
	v13 =	vadd.f32 v15, v13  }
0x2f7: {  	v24 =	vld [tilespmem:s26+$0x16A80];
	v14 =	vadd.f32 v16, v14  }
0x2f8: {  	v25 =	vld [tilespmem:s26+$0x16AA0];
	v20 =	vadd.f32 v17, v20  }
.Ltmp14:
0x2f9: {  	v15 =	vld [tilespmem:s26+$0x16AC0];
	v18 =	vadd.f32 v21, v18;
	(pc) =	sbr.rel @p0 .LBB2_31-.Ltmp14, $4  }
0x2fa: {  	v16 =	vld [tilespmem:s26+$0x16AE0];
	v19 =	vadd.f32 v22, v19  }
0x2fb: {  	v17 =	vld [tilespmem:s26+$0x16A90];
	v10 =	vadd.f32 v23, v10  }
0x2fc: {  	v11 =	vadd.f32 v24, v11;
	v21 =	vld [tilespmem:s26+$0x16AB0]  }
0x2fd: {  	v12 =	vadd.f32 v25, v12;
	v22 =	vld [tilespmem:s26+$0x16AD0];
	s26 =	sshra.s32 s28, $0x2;
	s28 =	sadd.s32 $0x200, s28  }
0x2fe: {  	v23 =	vld [tilespmem:s26+$0x16AF0]  }
0x2ff: {  	v24 =	vld [tilespmem:s26+$0x16A80]  }
0x300: {  	v25 =	vld [tilespmem:s26+$0x16AA0]  }
0x301: {  	v26 =	vld [tilespmem:s26+$0x16AC0]  }
0x302: {  	v27 =	vld [tilespmem:s26+$0x16AE0]  }
0x303: {  	v28 =	vld [tilespmem:s26+$0x16A90]  }
0x304: {  	v13 =	vadd.f32 v15, v13;
	v15 =	vld [tilespmem:s26+$0x16AB0]  }
0x305: {  	v14 =	vadd.f32 v16, v14;
	v16 =	vadd.f32 v17, v20;
	v17 =	vld [tilespmem:s26+$0x16AD0]  }
0x306: {  	v18 =	vadd.f32 v21, v18;
	v19 =	vadd.f32 v22, v19  }
0x307: {  	v10 =	vadd.f32 v23, v10;
	v11 =	vadd.f32 v24, v11  }
0x308: {  	v12 =	vadd.f32 v25, v12;
	v13 =	vadd.f32 v26, v13  }
0x309: {  	v14 =	vadd.f32 v27, v14;
	v16 =	vadd.f32 v28, v16  }
0x30a: {  	v15 =	vadd.f32 v15, v18;
	v17 =	vadd.f32 v17, v19  }
0x30b: {  	v11 =	vadd.f32 v12, v11;
	v12 =	vadd.f32 v14, v13  }
0x30c: {  	v13 =	vadd.f32 v15, v16;
	v10 =	vadd.f32 v10, v17;
	_ =	sdelay $0x1  }
0x30d: {  	v11 =	vadd.f32 v12, v11;
	v10 =	vadd.f32 v10, v13;
	_ =	sdelay $0x1  }
0x30e: {  	v12 =	vmul.f32 v11, v6;
	v13 =	vmul.f32 v10, v7;
	_ =	sdelay $0x1  }
0x30f: {  	v11 =	vmul.f32 v11, v4;
	v10 =	vmul.f32 v10, v5;
	v12 =	vadd.f32 v13, v12;
	_ =	sdelay $0x1  }
0x310: {  	v10 =	vadd.f32 v10, v11;
	v11 =	vperm.xlane v12, v0;
	_ =	sdelay $0x1  }
0x311: {  	v13 =	vperm.xlane v10, v0;
	v11 =	vadd.f32 v11, v12;
	_ =	sdelay $0x1  }
0x312: {  	v10 =	vadd.f32 v13, v10;
	v12 =	vperm.xlane v11, v1;
	_ =	sdelay $0x1  }
0x313: {  	v13 =	vperm.xlane v10, v1;
	v11 =	vadd.f32 v12, v11;
	_ =	sdelay $0x1  }
0x314: {  	v12 =	vbroadcast v9, $0x6;
	v10 =	vadd.f32 v13, v10;
	v13 =	vperm.xlane v11, v2;
	_ =	sdelay $0x1  }
0x315: {  	(erf) = vrcp.f32 v12;
	v12 =	vperm.xlane v10, v2;
	v11 =	vadd.f32 v13, v11;
	_ =	sdelay $0x1  }
0x316: {  	v10 =	vadd.f32 v12, v10;
	v12 =	vperm.xlane v11, v3;
	_ =	sdelay $0x1  }
0x317: {  	v11 =	vadd.f32 v12, v11  }
0x318: {  	v13 =	vperm.xlane v10, v3  }
0x319: {  	v11 =	vsel vm0, $0x0, v11  }
0x31a: {  	v10 =	vadd.f32 v13, v10;
	_ =	sdelay $0x1  }
0x31b: {  	v10 =	vsel vm1, v10, v11;
	v11 =	vpop (erf)  }
0x31c: {  	v10 =	vmul.f32 v10, v11;
	_ =	sdelay $0x1  }
0x31d: {  	v10 =	vadd.f32 v10, v8;
	_ =	sdelay $0x1  }
0x31e: {  	s29 =	simm.s32 $0x0;
	[tilespmem:s25+$0x19EE0] =	vst v10  }
0x31f: {  	v10 =	vld [tilespmem:s29+$0x183F0]  }
0x320: {  	v11 =	vld [tilespmem:s29+$0x18380]  }
0x321: {  	v12 =	vld [tilespmem:s29+$0x183A0]  }
0x322: {  	v15 =	vld [tilespmem:s29+$0x183C0]  }
0x323: {  	v16 =	vld [tilespmem:s29+$0x183E0]  }
0x324: {  	v20 =	vimm.f32 $0.0e+00;
	v13 =	vimm.f32 $0.0e+00;
	v17 =	vld [tilespmem:s29+$0x18390]  }
0x325: {  	v18 =	vimm.f32 $0.0e+00;
	v14 =	vimm.f32 $0.0e+00;
	v21 =	vld [tilespmem:s29+$0x183B0];
	v10 =	vadd.f32 v10, v13  }
0x326: {  	s28 =	simm.s32 $0x400;
	s26 =	simm.s32 $0x80;
	v19 =	vimm.f32 $0.0e+00;
	v22 =	vld [tilespmem:s29+$0x183D0];
	v11 =	vadd.f32 v11, v13;
	v12 =	vadd.f32 v12, v13  }
.LBB2_33:
0x327: {  	p0 =	sne.s32 s28, $0x6200;
	v23 =	vld [tilespmem:s26+$0x183F0];
	v13 =	vadd.f32 v15, v13  }
0x328: {  	v24 =	vld [tilespmem:s26+$0x18380];
	v14 =	vadd.f32 v16, v14  }
0x329: {  	v25 =	vld [tilespmem:s26+$0x183A0];
	v20 =	vadd.f32 v17, v20  }
.Ltmp15:
0x32a: {  	v15 =	vld [tilespmem:s26+$0x183C0];
	v18 =	vadd.f32 v21, v18;
	(pc) =	sbr.rel @p0 .LBB2_33-.Ltmp15, $4  }
0x32b: {  	v16 =	vld [tilespmem:s26+$0x183E0];
	v19 =	vadd.f32 v22, v19  }
0x32c: {  	v17 =	vld [tilespmem:s26+$0x18390];
	v10 =	vadd.f32 v23, v10  }
0x32d: {  	v11 =	vadd.f32 v24, v11;
	v21 =	vld [tilespmem:s26+$0x183B0]  }
0x32e: {  	v12 =	vadd.f32 v25, v12;
	v22 =	vld [tilespmem:s26+$0x183D0];
	s26 =	sshra.s32 s28, $0x2;
	s28 =	sadd.s32 $0x200, s28  }
0x32f: {  	v23 =	vld [tilespmem:s26+$0x183F0]  }
0x330: {  	v24 =	vld [tilespmem:s26+$0x18380]  }
0x331: {  	v25 =	vld [tilespmem:s26+$0x183A0]  }
0x332: {  	v26 =	vld [tilespmem:s26+$0x183C0]  }
0x333: {  	v27 =	vld [tilespmem:s26+$0x183E0]  }
0x334: {  	v28 =	vld [tilespmem:s26+$0x18390]  }
0x335: {  	v13 =	vadd.f32 v15, v13;
	v57 =	vld [tilespmem:s26+$0x183B0]  }
0x336: {  	v59 =	vld [tilespmem:s26+$0x183D0];
	v14 =	vadd.f32 v16, v14;
	v58 =	vadd.f32 v17, v20  }
0x337: {  	v18 =	vadd.f32 v21, v18;
	v19 =	vadd.f32 v22, v19  }
0x338: {  	v10 =	vadd.f32 v23, v10;
	v11 =	vadd.f32 v24, v11  }
0x339: {  	v12 =	vadd.f32 v25, v12;
	v13 =	vadd.f32 v26, v13  }
0x33a: {  	v14 =	vadd.f32 v27, v14;
	v16 =	vadd.f32 v28, v58  }
0x33b: {  	v15 =	vadd.f32 v57, v18;
	v17 =	vadd.f32 v59, v19  }
0x33c: {  	v11 =	vadd.f32 v12, v11;
	v60 =	vadd.f32 v14, v13  }
0x33d: {  	v61 =	vadd.f32 v15, v16;
	v10 =	vadd.f32 v10, v17;
	_ =	sdelay $0x1  }
0x33e: {  	v11 =	vadd.f32 v60, v11;
	v10 =	vadd.f32 v10, v61;
	_ =	sdelay $0x1  }
0x33f: {  	v12 =	vmul.f32 v11, v6;
	v13 =	vmul.f32 v10, v7;
	_ =	sdelay $0x1  }
0x340: {  	v11 =	vmul.f32 v11, v4;
	v10 =	vmul.f32 v10, v5;
	v12 =	vadd.f32 v13, v12;
	_ =	sdelay $0x1  }
0x341: {  	v10 =	vadd.f32 v10, v11;
	v11 =	vperm.xlane v12, v0;
	_ =	sdelay $0x1  }
0x342: {  	v62 =	vperm.xlane v10, v0;
	v11 =	vadd.f32 v11, v12;
	_ =	sdelay $0x1  }
0x343: {  	v10 =	vadd.f32 v62, v10;
	v12 =	vperm.xlane v11, v1;
	_ =	sdelay $0x1  }
0x344: {  	v13 =	vperm.xlane v10, v1;
	v11 =	vadd.f32 v12, v11;
	_ =	sdelay $0x1  }
0x345: {  	v9 =	vbroadcast v9, $0x7;
	v10 =	vadd.f32 v13, v10;
	v12 =	vperm.xlane v11, v2;
	_ =	sdelay $0x1  }
0x346: {  	(erf) = vrcp.f32 v9;
	v9 =	vperm.xlane v10, v2;
	v11 =	vadd.f32 v12, v11;
	_ =	sdelay $0x1  }
0x347: {  	v9 =	vadd.f32 v9, v10;
	v10 =	vperm.xlane v11, v3;
	_ =	sdelay $0x1  }
0x348: {  	v10 =	vadd.f32 v10, v11  }
0x349: {  	v63 =	vperm.xlane v9, v3  }
0x34a: {  	v10 =	vsel vm0, $0x0, v10  }
0x34b: {  	v9 =	vadd.f32 v63, v9  }
0x34c: {  	s24 =	sadd.s32 $0x1, s24  }
0x34d: {  	p0 =	sne.s32 s24, $0x20;
	v9 =	vsel vm1, v9, v10;
	v10 =	vpop (erf)  }
.Ltmp16:
0x34e: {  	v9 =	vmul.f32 v9, v10;
	(pc) =	sbr.rel @p0 .LBB2_2-.Ltmp16, $3  }
0x34f: {  	_ = 	snop  }
0x350: {  	v9 =	vadd.f32 v9, v8;
	_ =	sdelay $0x1  }
0x351: {  	[tilespmem:s25+$0x19EF0] =	vst v9  }
0x352: {  	s23 =	sadd.s32 $0x1, s23  }
0x353: {  	p0 =	sne.s32 s23, s12  }
.Ltmp17:
0x354: {  	_ = 	snop;
	(pc) =	sbr.rel @p0 .LBB2_1-.Ltmp17, $4  }
0x355: {  	[hbm4b:s11+s1] =	stream.linear.scatter [tilespmem:s22], [sflag:$0x3], $0x2000, $0x38;
	[tilespmem:$0x1BED0] =	vst v63  }
0x356: {  	_ =	swait.ge [sflag:s14], $0x2000  }
0x357: {  	[sflag:s14] =	ssyncset.done $0x0  }
0x358: {  	[sflag:s14] =	ssyncadd.s32 $0xFFFFE000  }
0x359: {  	_ =	sfence.sel $0x180000  }
0x35a: {  	[bflag:$0x0] =	sbarrier.arrive $0xFFFF  }
0x35b: {  	p0 =	sne.s32 s2, $0x0;
	_ =	strace $0x90000047  }
0x35c: {  	s0 =	sadd.s32 @!p0 $0x100000, s0;
	[bflag:$0x2] =	sbarrier.arrive $0xFFFF  }
0x35d: {  	[sflag:s0] =	ssyncadd.tile.s32 @!p0 $0x1;
	_ =	shalt  }
.Lfunc_end2:
_tile_overlayer_lowered:
.L_overlay_start_2:
0x35e: {  	(tag) =	ssettag $0x2  }
0x35f: {  	s0 =	rddreg [dreg:$0x0];
	s2 =	stileid.u32  }
0x360: {  	s1 =	rddreg [dreg:$0x1];
	p0 =	sne.s32 s2, $0x0  }
0x361: {  	s3 =	rddreg [dreg:$0x2];
	[bflag:$0x3] =	sbarrier.arrive $0xFFFF;
	s2 =	simm.s32 @!p0 $0x1C03  }
0x362: {  	[timem:s3], [sflag:s2] =	dma.local @!p0 [hbm:s0], s1  }
0x363: {  	s0 =	simm.s32 @!p0 $0x3  }
0x364: {  	_ =	swait.ge @!p0 [sflag:s0], s1  }
0x365: {  	s1 =	ssub.s32 @!p0 $0x0, s1;
	[sflag:s0] =	ssyncset.done @!p0 $0x0  }
0x366: {  	[sflag:s0] =	ssyncadd.s32 @!p0 s1  }
0x367: {  	[bflag:$0x3] =	sbarrier.arrive $0xFFFF  }
0x368: {  	_ =	shalt  }

</sc_bundles>
